<compile_context>
chip_gen: v7x
topology: tpu7x:2x2x1
jax: 0.10.2.dev20260603
libtpu: 0.0.44.dev20260713+nightly
codegen_flags: <defaults>
</compile_context>

<pallas_src>
import functools

import jax
import jax.numpy as jnp
from jax import lax
from jax.experimental import pallas as pl
from jax.experimental.pallas import tpu as pltpu
from jax.experimental.pallas import tpu_sc as plsc

N = 100000
B = 64
C_IN = 256
C_MID = 256
C_OUT = 512

R = 2000
NB = N // R

NW = 32
CH = 3136
N_PAD = NW * CH
NV = CH // 16
NSET = 4

_NEG_INF = float("-inf")


def _center_sc_body(p4t_hbm, ids_hbm, out_hbm, p4_v, ids_v, acc_v, red_v,
                    sem):
    wid = lax.axis_index("s") * 2 + lax.axis_index("c")
    base = wid * CH
    copies = [pltpu.async_copy(p4t_hbm.at[pl.ds(c * N_PAD + base, CH)],
                               p4_v.at[pl.ds(c * CH, CH)], sem)
              for c in range(4)]
    copies.append(pltpu.async_copy(ids_hbm.at[pl.ds(base, CH)], ids_v, sem))
    for cp in copies:
        cp.wait()

    zeros16 = jnp.zeros((16,), jnp.float32)

    def zero_step(j, carry):
        acc_v[pl.ds(j * 16, 16)] = zeros16
        return carry

    lax.fori_loop(0, 16 * NSET * 16, zero_step, 0)

    lane = lax.iota(jnp.int32, 16) * (NSET * 256)

    def row_step(i, carry):
        for u in range(NSET):
            vi = i * NSET + u
            idv = ids_v[pl.ds(vi * 16, 16)]
            bank = lane + u * 256 + idv
            for c in range(4):
                idx = bank + c * 64
                cur = plsc.load_gather(acc_v, [idx])
                plsc.store_scatter(acc_v, [idx],
                                   cur + p4_v[pl.ds(c * CH + vi * 16, 16)])
        return carry

    lax.fori_loop(0, NV // NSET, row_step, 0)

    for j in range(16):
        tot = zeros16
        for k in range(16):
            for u in range(NSET):
                tot = tot + acc_v[pl.ds(k * (NSET * 256) + u * 256 + j * 16,
                                        16)]
        red_v[pl.ds(j * 16, 16)] = tot

    pltpu.sync_copy(red_v, out_hbm.at[pl.ds(wid * 4 * B, 4 * B)])


_center_sc = functools.partial(
    pl.kernel,
    out_type=jax.ShapeDtypeStruct((NW * 4 * B,), jnp.float32),
    mesh=plsc.VectorSubcoreMesh(core_axis_name="c", subcore_axis_name="s"),
    compiler_params=pltpu.CompilerParams(needs_layout_passes=False),
    scratch_types=[
        pltpu.VMEM((4 * CH,), jnp.float32),
        pltpu.VMEM((CH,), jnp.int32),
        pltpu.VMEM((16 * NSET * 256,), jnp.float32),
        pltpu.VMEM((4 * B,), jnp.float32),
        pltpu.SemaphoreType.DMA,
    ],
)(_center_sc_body)


def _main_body(ids_ref, feat_ref, pos_ref, w1a_ref, w1b_ref, aggr_ref):
    i = pl.program_id(0)

    @pl.when(i == 0)
    def _():
        aggr_ref[...] = jnp.full((B, C_MID), _NEG_INF, jnp.float32)

    ids = ids_ref[0]
    a = jax.lax.dot_general(
        feat_ref[...], w1a_ref[...],
        (((1,), (0,)), ((), ())), preferred_element_type=jnp.float32)
    a += jax.lax.dot_general(
        pos_ref[...], w1b_ref[...],
        (((1,), (0,)), ((), ())), preferred_element_type=jnp.float32)

    s_lo = ids_ref[0, 0, 0]
    s_hi = ids_ref[0, R - 1, 0]

    def seg_step(s, carry):
        red = jnp.max(jnp.where(ids == s, a, _NEG_INF), axis=0, keepdims=True)
        aggr_ref[pl.ds(s, 1), :] = jnp.maximum(aggr_ref[pl.ds(s, 1), :], red)
        return carry

    jax.lax.fori_loop(s_lo, s_hi + 1, seg_step, 0)


def _epi_body(aggr_ref, sums_ref, w1b_ref, b1_ref, w2_ref, b2_ref, eps_ref,
              z_ref, mu_ref, sig_ref):
    sums = jnp.sum(sums_ref[...], axis=0)
    cnt = jnp.maximum(sums[3:4, :], 1.0)
    center_t = sums[0:3, :] / cnt
    cadj = b1_ref[...] - jax.lax.dot_general(
        center_t, w1b_ref[...], (((0,), (0,)), ((), ())),
        preferred_element_type=jnp.float32)
    agg = jnp.maximum(aggr_ref[...] + cadj, 0.0)
    out = jax.lax.dot_general(
        agg, w2_ref[...], (((1,), (0,)), ((), ())),
        preferred_element_type=jnp.float32) + b2_ref[...]
    mu = out[:, :C_MID]
    sr = out[:, C_MID:]
    sigma = jnp.maximum(sr, 0.0) + jnp.log1p(jnp.exp(-jnp.abs(sr)))
    mu_ref[...] = mu
    sig_ref[...] = sigma
    z_ref[...] = mu + sigma * eps_ref[...]


@jax.jit
def _run(pos, feature, ids_col, p4t, idsp, W1a, W1b, b1r, W2, b2r, eps):
    agg_raw = pl.pallas_call(
        _main_body,
        grid=(NB,),
        in_specs=[
            pl.BlockSpec((1, R, 1), lambda i: (i, 0, 0)),
            pl.BlockSpec((R, C_IN), lambda i: (i, 0)),
            pl.BlockSpec((R, 3), lambda i: (i, 0)),
            pl.BlockSpec((C_IN, C_MID), lambda i: (0, 0)),
            pl.BlockSpec((3, C_MID), lambda i: (0, 0)),
        ],
        out_specs=pl.BlockSpec((B, C_MID), lambda i: (0, 0)),
        out_shape=jax.ShapeDtypeStruct((B, C_MID), jnp.float32),
    )(ids_col, feature, pos, W1a, W1b)

    sums32 = _center_sc(p4t, idsp).reshape(NW, 4, B)

    z, mu, sigma = pl.pallas_call(
        _epi_body,
        in_specs=[
            pl.BlockSpec((B, C_MID), lambda: (0, 0)),
            pl.BlockSpec((NW, 4, B), lambda: (0, 0, 0)),
            pl.BlockSpec((3, C_MID), lambda: (0, 0)),
            pl.BlockSpec((1, C_MID), lambda: (0, 0)),
            pl.BlockSpec((C_MID, C_OUT), lambda: (0, 0)),
            pl.BlockSpec((1, C_OUT), lambda: (0, 0)),
            pl.BlockSpec((B, C_MID), lambda: (0, 0)),
        ],
        out_specs=[
            pl.BlockSpec((B, C_MID), lambda: (0, 0)),
            pl.BlockSpec((B, C_MID), lambda: (0, 0)),
            pl.BlockSpec((B, C_MID), lambda: (0, 0)),
        ],
        out_shape=[
            jax.ShapeDtypeStruct((B, C_MID), jnp.float32),
            jax.ShapeDtypeStruct((B, C_MID), jnp.float32),
            jax.ShapeDtypeStruct((B, C_MID), jnp.float32),
        ],
    )(agg_raw, sums32, W1b, b1r, W2, b2r, eps)
    return z, mu, sigma


def kernel(pos, feature, batch, W1, b1, W2, b2):
    ids = batch.astype(jnp.int32)
    ids_col = ids.reshape(NB, R, 1)
    p4t = jnp.concatenate([pos.T, jnp.ones((1, N), jnp.float32)], axis=0)
    p4t = jnp.pad(p4t, ((0, 0), (0, N_PAD - N))).reshape(4 * N_PAD)
    idsp = jnp.pad(ids, (0, N_PAD - N), constant_values=B - 1)
    W1a = W1[:C_IN]
    W1b = W1[C_IN:]
    b1r = b1.reshape(1, C_MID)
    b2r = b2.reshape(1, C_OUT)
    eps = jax.random.normal(jax.random.key(1), (B, C_MID), dtype=jnp.float32)
    z, mu, sigma = _run(pos, feature, ids_col, p4t, idsp, W1a, W1b, b1r, W2,
                        b2r, eps)
    pos_center_batch = jnp.arange(B, dtype=jnp.int64)
    return (z, mu, sigma, pos_center_batch)

# --- scband reference (transcript-rebuilt; emitter-appended) ---
"""Pipeline reference for scband-coarse-encoder-64269890617429 (READ-ONLY COPY).

The authoritative reference and input builder live on the scoring server;
editing this copy changes nothing except your own understanding.
"""

import jax, jax.numpy as jnp
import numpy as np

N = 100000
B = 64
C_IN = 256
C_MID = 256
C_OUT = 512


def setup_inputs(seed: int = 0) -> dict:
    key = jax.random.key(seed)
    k1, k2, k3, k4, k5 = jax.random.split(key, 5)
    pos = jax.random.normal(k1, (N, 3), dtype=jnp.float32)
    feature = jax.random.normal(k2, (N, C_IN), dtype=jnp.float32)
    batch = jnp.sort(jax.random.randint(k3, (N,), 0, B, dtype=jnp.int64))
    # PointConv parameters: local_nn (c_in+3 -> c_mid) and global_nn (c_mid -> c_out)
    W1 = jax.random.normal(k4, (C_IN + 3, C_MID), dtype=jnp.float32) * 0.05
    b1 = jnp.zeros((C_MID,), dtype=jnp.float32)
    W2 = jax.random.normal(k5, (C_MID, C_OUT), dtype=jnp.float32) * 0.05
    b2 = jnp.zeros((C_OUT,), dtype=jnp.float32)
    return {"pos": pos, "feature": feature, "batch": batch,
            "W1": W1, "b1": b1, "W2": W2, "b2": b2}


def reference(pos, feature, batch, W1, b1, W2, b2):
    n = pos.shape[0]
    # pos_center = scatter_mean(pos, batch, dim=0)
    counts = jax.ops.segment_sum(jnp.ones((n,), dtype=pos.dtype), batch, num_segments=B)
    pos_sum = jax.ops.segment_sum(pos, batch, num_segments=B)
    pos_center = pos_sum / jnp.maximum(counts, 1.0)[:, None]
    pos_center_batch = jnp.arange(B, dtype=jnp.int64)
    in_index = jnp.arange(n, dtype=jnp.int64)
    out_index = batch
    # PointConv: message = local_nn([x_j, pos_j - pos_center_i]); aggregate=max; global_nn
    rel_pos = jnp.take(pos, in_index, axis=0) - jnp.take(pos_center, out_index, axis=0)
    x_j = jnp.take(feature, in_index, axis=0)
    msg = jnp.concatenate([x_j, rel_pos], axis=1)
    h = jax.nn.relu(msg @ W1 + b1)
    agg = jax.ops.segment_max(h, out_index, num_segments=B)
    agg = jnp.where(jnp.isfinite(agg), agg, 0.0)
    out = agg @ W2 + b2
    mu, sigma_raw = jnp.split(out, 2, axis=1)
    sigma = jax.nn.softplus(sigma_raw)  # to_sigma
    # rsample from Normal(mu, sigma)
    eps = jax.random.normal(jax.random.key(1), mu.shape, dtype=mu.dtype)
    z_what_coarse = mu + sigma * eps
    return (z_what_coarse, mu, sigma, pos_center_batch)

if __name__ == "__main__":
    import jax
    _d = setup_inputs()
    print(jax.jit(kernel)(*tuple(_d.values())))

</pallas_src>

<mosaic_0001>
#map = affine_map<(d0, d1) -> (0)>
module attributes {stable_mosaic.version = 14 : i64} {
  func.func @_center_sc_body(%arg0: i32, %arg1: i32, %arg2: memref<401408xf32, #tpu.memory_space<hbm>>, %arg3: memref<100352xi32, #tpu.memory_space<hbm>>, %arg4: memref<8192xf32, #tpu.memory_space<hbm>>, %arg5: memref<12544xf32, #tpu.memory_space<vmem>>, %arg6: memref<3136xi32, #tpu.memory_space<vmem>>, %arg7: memref<16384xf32, #tpu.memory_space<vmem>>, %arg8: memref<256xf32, #tpu.memory_space<vmem>>, %arg9: memref<!tpu.dma_semaphore, #tpu.memory_space<semaphore_mem>>) attributes {dimension_semantics = [#tpu.dimension_semantics<core_parallel>, #tpu.dimension_semantics<subcore_parallel>], iteration_bounds = array<i64: 2, 16>, scalar_prefetch = 0 : i64, scratch_operands = 5 : i64, tpu.core_type = #tpu.core_type<sc_vector_subcore>, window_params = [{transform_indices = #map}, {transform_indices = #map}, {transform_indices = #map}]} {
    %mul3A = arith.constant 2 : i32
    %mul3A_0 = arith.muli %arg1, %mul3A : i32
    %add3A = arith.addi %mul3A_0, %arg0 : i32
    %mul3A_1 = arith.constant 3136 : i32
    %mul3A_2 = arith.muli %add3A, %mul3A_1 : i32
    %add3A_3 = arith.constant 0 : i32
    %add3A_4 = arith.addi %add3A_3, %mul3A_2 : i32
    %dma_start3A = arith.constant 0 : i32
    %dma_start3A_5 = tpu.memref_slice %arg5[%dma_start3A] : memref<12544xf32, #tpu.memory_space<vmem>> -> memref<3136xf32, #tpu.memory_space<vmem>>
    %dma_start3A_6 = tpu.memref_slice %arg2[%add3A_4] : memref<401408xf32, #tpu.memory_space<hbm>> -> memref<3136xf32, #tpu.memory_space<hbm>>
    %dma_start3A_7 = arith.constant 0 : i32
    %dma_start3A_8 = tpu.memref_slice %arg5[%dma_start3A_7] : memref<12544xf32, #tpu.memory_space<vmem>> -> memref<3136xf32, #tpu.memory_space<vmem>>
    %dma_start3A_9 = tpu.memref_slice %arg2[%add3A_4] : memref<401408xf32, #tpu.memory_space<hbm>> -> memref<3136xf32, #tpu.memory_space<hbm>>
    tpu.enqueue_dma source(%dma_start3A_9 : memref<3136xf32, #tpu.memory_space<hbm>>) target(%dma_start3A_8 : memref<3136xf32, #tpu.memory_space<vmem>>) target_semaphore(%arg9 : memref<!tpu.dma_semaphore, #tpu.memory_space<semaphore_mem>>)
    %add3A_10 = arith.constant 100352 : i32
    %add3A_11 = arith.addi %add3A_10, %mul3A_2 : i32
    %dma_start3A_12 = arith.constant 3136 : i32
    %dma_start3A_13 = tpu.memref_slice %arg5[%dma_start3A_12] : memref<12544xf32, #tpu.memory_space<vmem>> -> memref<3136xf32, #tpu.memory_space<vmem>>
    %dma_start3A_14 = tpu.memref_slice %arg2[%add3A_11] : memref<401408xf32, #tpu.memory_space<hbm>> -> memref<3136xf32, #tpu.memory_space<hbm>>
    %dma_start3A_15 = arith.constant 3136 : i32
    %dma_start3A_16 = tpu.memref_slice %arg5[%dma_start3A_15] : memref<12544xf32, #tpu.memory_space<vmem>> -> memref<3136xf32, #tpu.memory_space<vmem>>
    %dma_start3A_17 = tpu.memref_slice %arg2[%add3A_11] : memref<401408xf32, #tpu.memory_space<hbm>> -> memref<3136xf32, #tpu.memory_space<hbm>>
    tpu.enqueue_dma source(%dma_start3A_17 : memref<3136xf32, #tpu.memory_space<hbm>>) target(%dma_start3A_16 : memref<3136xf32, #tpu.memory_space<vmem>>) target_semaphore(%arg9 : memref<!tpu.dma_semaphore, #tpu.memory_space<semaphore_mem>>)
    %add3A_18 = arith.constant 200704 : i32
    %add3A_19 = arith.addi %add3A_18, %mul3A_2 : i32
    %dma_start3A_20 = arith.constant 6272 : i32
    %dma_start3A_21 = tpu.memref_slice %arg5[%dma_start3A_20] : memref<12544xf32, #tpu.memory_space<vmem>> -> memref<3136xf32, #tpu.memory_space<vmem>>
    %dma_start3A_22 = tpu.memref_slice %arg2[%add3A_19] : memref<401408xf32, #tpu.memory_space<hbm>> -> memref<3136xf32, #tpu.memory_space<hbm>>
    %dma_start3A_23 = arith.constant 6272 : i32
    %dma_start3A_24 = tpu.memref_slice %arg5[%dma_start3A_23] : memref<12544xf32, #tpu.memory_space<vmem>> -> memref<3136xf32, #tpu.memory_space<vmem>>
    %dma_start3A_25 = tpu.memref_slice %arg2[%add3A_19] : memref<401408xf32, #tpu.memory_space<hbm>> -> memref<3136xf32, #tpu.memory_space<hbm>>
    tpu.enqueue_dma source(%dma_start3A_25 : memref<3136xf32, #tpu.memory_space<hbm>>) target(%dma_start3A_24 : memref<3136xf32, #tpu.memory_space<vmem>>) target_semaphore(%arg9 : memref<!tpu.dma_semaphore, #tpu.memory_space<semaphore_mem>>)
    %add3A_26 = arith.constant 301056 : i32
    %add3A_27 = arith.addi %add3A_26, %mul3A_2 : i32
    %dma_start3A_28 = arith.constant 9408 : i32
    %dma_start3A_29 = tpu.memref_slice %arg5[%dma_start3A_28] : memref<12544xf32, #tpu.memory_space<vmem>> -> memref<3136xf32, #tpu.memory_space<vmem>>
    %dma_start3A_30 = tpu.memref_slice %arg2[%add3A_27] : memref<401408xf32, #tpu.memory_space<hbm>> -> memref<3136xf32, #tpu.memory_space<hbm>>
    %dma_start3A_31 = arith.constant 9408 : i32
    %dma_start3A_32 = tpu.memref_slice %arg5[%dma_start3A_31] : memref<12544xf32, #tpu.memory_space<vmem>> -> memref<3136xf32, #tpu.memory_space<vmem>>
    %dma_start3A_33 = tpu.memref_slice %arg2[%add3A_27] : memref<401408xf32, #tpu.memory_space<hbm>> -> memref<3136xf32, #tpu.memory_space<hbm>>
    tpu.enqueue_dma source(%dma_start3A_33 : memref<3136xf32, #tpu.memory_space<hbm>>) target(%dma_start3A_32 : memref<3136xf32, #tpu.memory_space<vmem>>) target_semaphore(%arg9 : memref<!tpu.dma_semaphore, #tpu.memory_space<semaphore_mem>>)
    %dma_start3A_34 = tpu.memref_slice %arg3[%mul3A_2] : memref<100352xi32, #tpu.memory_space<hbm>> -> memref<3136xi32, #tpu.memory_space<hbm>>
    %dma_start3A_35 = tpu.memref_slice %arg3[%mul3A_2] : memref<100352xi32, #tpu.memory_space<hbm>> -> memref<3136xi32, #tpu.memory_space<hbm>>
    tpu.enqueue_dma source(%dma_start3A_35 : memref<3136xi32, #tpu.memory_space<hbm>>) target(%arg6 : memref<3136xi32, #tpu.memory_space<vmem>>) target_semaphore(%arg9 : memref<!tpu.dma_semaphore, #tpu.memory_space<semaphore_mem>>)
    %dma_wait3A = arith.constant 0 : i32
    %dma_wait3A_36 = tpu.memref_slice %arg5[%dma_wait3A] : memref<12544xf32, #tpu.memory_space<vmem>> -> memref<3136xf32, #tpu.memory_space<vmem>>
    %dma_wait3A_37 = tpu.memref_slice %arg2[%add3A_4] : memref<401408xf32, #tpu.memory_space<hbm>> -> memref<3136xf32, #tpu.memory_space<hbm>>
    %dma_wait3A_38 = arith.constant 0 : i32
    %dma_wait3A_39 = tpu.memref_slice %arg5[%dma_wait3A_38] : memref<12544xf32, #tpu.memory_space<vmem>> -> memref<3136xf32, #tpu.memory_space<vmem>>
    %dma_wait3A_40 = tpu.memref_slice %arg2[%add3A_4] : memref<401408xf32, #tpu.memory_space<hbm>> -> memref<3136xf32, #tpu.memory_space<hbm>>
    tpu.wait_dma2 semaphore(%arg9 : memref<!tpu.dma_semaphore, #tpu.memory_space<semaphore_mem>>) src(%dma_wait3A_40 : memref<3136xf32, #tpu.memory_space<hbm>>) dst(%dma_wait3A_39 : memref<3136xf32, #tpu.memory_space<vmem>>)
    %dma_wait3A_41 = arith.constant 3136 : i32
    %dma_wait3A_42 = tpu.memref_slice %arg5[%dma_wait3A_41] : memref<12544xf32, #tpu.memory_space<vmem>> -> memref<3136xf32, #tpu.memory_space<vmem>>
    %dma_wait3A_43 = tpu.memref_slice %arg2[%add3A_11] : memref<401408xf32, #tpu.memory_space<hbm>> -> memref<3136xf32, #tpu.memory_space<hbm>>
    %dma_wait3A_44 = arith.constant 3136 : i32
    %dma_wait3A_45 = tpu.memref_slice %arg5[%dma_wait3A_44] : memref<12544xf32, #tpu.memory_space<vmem>> -> memref<3136xf32, #tpu.memory_space<vmem>>
    %dma_wait3A_46 = tpu.memref_slice %arg2[%add3A_11] : memref<401408xf32, #tpu.memory_space<hbm>> -> memref<3136xf32, #tpu.memory_space<hbm>>
    tpu.wait_dma2 semaphore(%arg9 : memref<!tpu.dma_semaphore, #tpu.memory_space<semaphore_mem>>) src(%dma_wait3A_46 : memref<3136xf32, #tpu.memory_space<hbm>>) dst(%dma_wait3A_45 : memref<3136xf32, #tpu.memory_space<vmem>>)
    %dma_wait3A_47 = arith.constant 6272 : i32
    %dma_wait3A_48 = tpu.memref_slice %arg5[%dma_wait3A_47] : memref<12544xf32, #tpu.memory_space<vmem>> -> memref<3136xf32, #tpu.memory_space<vmem>>
    %dma_wait3A_49 = tpu.memref_slice %arg2[%add3A_19] : memref<401408xf32, #tpu.memory_space<hbm>> -> memref<3136xf32, #tpu.memory_space<hbm>>
    %dma_wait3A_50 = arith.constant 6272 : i32
    %dma_wait3A_51 = tpu.memref_slice %arg5[%dma_wait3A_50] : memref<12544xf32, #tpu.memory_space<vmem>> -> memref<3136xf32, #tpu.memory_space<vmem>>
    %dma_wait3A_52 = tpu.memref_slice %arg2[%add3A_19] : memref<401408xf32, #tpu.memory_space<hbm>> -> memref<3136xf32, #tpu.memory_space<hbm>>
    tpu.wait_dma2 semaphore(%arg9 : memref<!tpu.dma_semaphore, #tpu.memory_space<semaphore_mem>>) src(%dma_wait3A_52 : memref<3136xf32, #tpu.memory_space<hbm>>) dst(%dma_wait3A_51 : memref<3136xf32, #tpu.memory_space<vmem>>)
    %dma_wait3A_53 = arith.constant 9408 : i32
    %dma_wait3A_54 = tpu.memref_slice %arg5[%dma_wait3A_53] : memref<12544xf32, #tpu.memory_space<vmem>> -> memref<3136xf32, #tpu.memory_space<vmem>>
    %dma_wait3A_55 = tpu.memref_slice %arg2[%add3A_27] : memref<401408xf32, #tpu.memory_space<hbm>> -> memref<3136xf32, #tpu.memory_space<hbm>>
    %dma_wait3A_56 = arith.constant 9408 : i32
    %dma_wait3A_57 = tpu.memref_slice %arg5[%dma_wait3A_56] : memref<12544xf32, #tpu.memory_space<vmem>> -> memref<3136xf32, #tpu.memory_space<vmem>>
    %dma_wait3A_58 = tpu.memref_slice %arg2[%add3A_27] : memref<401408xf32, #tpu.memory_space<hbm>> -> memref<3136xf32, #tpu.memory_space<hbm>>
    tpu.wait_dma2 semaphore(%arg9 : memref<!tpu.dma_semaphore, #tpu.memory_space<semaphore_mem>>) src(%dma_wait3A_58 : memref<3136xf32, #tpu.memory_space<hbm>>) dst(%dma_wait3A_57 : memref<3136xf32, #tpu.memory_space<vmem>>)
    %dma_wait3A_59 = tpu.memref_slice %arg3[%mul3A_2] : memref<100352xi32, #tpu.memory_space<hbm>> -> memref<3136xi32, #tpu.memory_space<hbm>>
    %dma_wait3A_60 = tpu.memref_slice %arg3[%mul3A_2] : memref<100352xi32, #tpu.memory_space<hbm>> -> memref<3136xi32, #tpu.memory_space<hbm>>
    tpu.wait_dma2 semaphore(%arg9 : memref<!tpu.dma_semaphore, #tpu.memory_space<semaphore_mem>>) src(%dma_wait3A_60 : memref<3136xi32, #tpu.memory_space<hbm>>) dst(%arg6 : memref<3136xi32, #tpu.memory_space<vmem>>)
    %broadcast_in_dim3A = arith.constant 0.000000e+00 : f32
    %broadcast_in_dim3A_61 = vector.broadcast %broadcast_in_dim3A : f32 to vector<16xf32>
    %scan3A = arith.constant 0 : i32
    %scan3A_62 = arith.constant 0 : i32
    %scan3A_63 = arith.constant 1024 : i32
    %scan3A_64 = arith.addi %scan3A_62, %scan3A_63 : i32
    %scan3A_65 = arith.constant 1 : i32
    scf.for %scan3A_3182 = %scan3A_62 to %scan3A_64 step %scan3A_65  : i32 {
      %mul3A_3183 = arith.constant 16 : i32
      %mul3A_3184 = arith.muli %scan3A_3182, %mul3A_3183 : i32
      %swap3A_3185 = arith.index_cast %mul3A_3184 : i32 to index
      %swap3A_3186 = tpu.vector_load %arg7[%swap3A_3185] {strides = array<i32>} : memref<16384xf32, #tpu.memory_space<vmem>>, vector<16xf32>,
      tpu.vector_store %arg7[%swap3A_3185], %broadcast_in_dim3A_61 {strides = array<i32>} : memref<16384xf32, #tpu.memory_space<vmem>>, vector<16xf32>,
    }
    %scan3A_66 = arith.constant 1024 : i32
    %iota3A = tpu.iota {dimensions = array<i32: 0>} : vector<16xi32>
    %mul3A_67 = arith.constant 1024 : i32
    %mul3A_68 = vector.broadcast %mul3A_67 : i32 to vector<16xi32>
    %mul3A_69 = arith.muli %iota3A, %mul3A_68 : vector<16xi32>
    %scan3A_70 = arith.constant 0 : i32
    %scan3A_71 = arith.constant 0 : i32
    %scan3A_72 = arith.constant 49 : i32
    %scan3A_73 = arith.addi %scan3A_71, %scan3A_72 : i32
    %scan3A_74 = arith.constant 1 : i32
    scf.for %scan3A_3182 = %scan3A_71 to %scan3A_73 step %scan3A_74  : i32 {
      %mul3A_3183 = arith.constant 4 : i32
      %mul3A_3184 = arith.muli %scan3A_3182, %mul3A_3183 : i32
      %add3A_3185 = arith.constant 0 : i32
      %add3A_3186 = arith.addi %mul3A_3184, %add3A_3185 : i32
      %mul3A_3187 = arith.constant 16 : i32
      %mul3A_3188 = arith.muli %add3A_3186, %mul3A_3187 : i32
      %get3A_3189 = arith.index_cast %mul3A_3188 : i32 to index
      %get3A_3190 = tpu.vector_load %arg6[%get3A_3189] {strides = array<i32>} : memref<3136xi32, #tpu.memory_space<vmem>>, vector<16xi32>,
      %add3A_3191 = arith.constant 0 : i32
      %add3A_3192 = vector.broadcast %add3A_3191 : i32 to vector<16xi32>
      %add3A_3193 = arith.addi %mul3A_69, %add3A_3192 : vector<16xi32>
      %add3A_3194 = arith.addi %add3A_3193, %get3A_3190 : vector<16xi32>
      %add3A_3195 = arith.constant 0 : i32
      %add3A_3196 = vector.broadcast %add3A_3195 : i32 to vector<16xi32>
      %add3A_3197 = arith.addi %add3A_3194, %add3A_3196 : vector<16xi32>
      %gather3A = tpu.vector_load_idx %arg7[%add3A_3197] : memref<16384xf32, #tpu.memory_space<vmem>>[vector<16xi32>], vector<16xf32>,
      %mul3A_3198 = arith.constant 16 : i32
      %mul3A_3199 = arith.muli %add3A_3186, %mul3A_3198 : i32
      %add3A_3200 = arith.constant 0 : i32
      %add3A_3201 = arith.addi %add3A_3200, %mul3A_3199 : i32
      %get3A_3202 = arith.index_cast %add3A_3201 : i32 to index
      %get3A_3203 = tpu.vector_load %arg5[%get3A_3202] {strides = array<i32>} : memref<12544xf32, #tpu.memory_space<vmem>>, vector<16xf32>,
      %add3A_3204 = arith.addf %gather3A, %get3A_3203 : vector<16xf32>
      tpu.vector_store_idx %arg7[%add3A_3197], %add3A_3204 : memref<16384xf32, #tpu.memory_space<vmem>>[vector<16xi32>], vector<16xf32>,
      %add3A_3205 = arith.constant 64 : i32
      %add3A_3206 = vector.broadcast %add3A_3205 : i32 to vector<16xi32>
      %add3A_3207 = arith.addi %add3A_3194, %add3A_3206 : vector<16xi32>
      %gather3A_3208 = tpu.vector_load_idx %arg7[%add3A_3207] : memref<16384xf32, #tpu.memory_space<vmem>>[vector<16xi32>], vector<16xf32>,
      %mul3A_3209 = arith.constant 16 : i32
      %mul3A_3210 = arith.muli %add3A_3186, %mul3A_3209 : i32
      %add3A_3211 = arith.constant 3136 : i32
      %add3A_3212 = arith.addi %add3A_3211, %mul3A_3210 : i32
      %get3A_3213 = arith.index_cast %add3A_3212 : i32 to index
      %get3A_3214 = tpu.vector_load %arg5[%get3A_3213] {strides = array<i32>} : memref<12544xf32, #tpu.memory_space<vmem>>, vector<16xf32>,
      %add3A_3215 = arith.addf %gather3A_3208, %get3A_3214 : vector<16xf32>
      tpu.vector_store_idx %arg7[%add3A_3207], %add3A_3215 : memref<16384xf32, #tpu.memory_space<vmem>>[vector<16xi32>], vector<16xf32>,
      %add3A_3216 = arith.constant 128 : i32
      %add3A_3217 = vector.broadcast %add3A_3216 : i32 to vector<16xi32>
      %add3A_3218 = arith.addi %add3A_3194, %add3A_3217 : vector<16xi32>
      %gather3A_3219 = tpu.vector_load_idx %arg7[%add3A_3218] : memref<16384xf32, #tpu.memory_space<vmem>>[vector<16xi32>], vector<16xf32>,
      %mul3A_3220 = arith.constant 16 : i32
      %mul3A_3221 = arith.muli %add3A_3186, %mul3A_3220 : i32
      %add3A_3222 = arith.constant 6272 : i32
      %add3A_3223 = arith.addi %add3A_3222, %mul3A_3221 : i32
      %get3A_3224 = arith.index_cast %add3A_3223 : i32 to index
      %get3A_3225 = tpu.vector_load %arg5[%get3A_3224] {strides = array<i32>} : memref<12544xf32, #tpu.memory_space<vmem>>, vector<16xf32>,
      %add3A_3226 = arith.addf %gather3A_3219, %get3A_3225 : vector<16xf32>
      tpu.vector_store_idx %arg7[%add3A_3218], %add3A_3226 : memref<16384xf32, #tpu.memory_space<vmem>>[vector<16xi32>], vector<16xf32>,
      %add3A_3227 = arith.constant 192 : i32
      %add3A_3228 = vector.broadcast %add3A_3227 : i32 to vector<16xi32>
      %add3A_3229 = arith.addi %add3A_3194, %add3A_3228 : vector<16xi32>
      %gather3A_3230 = tpu.vector_load_idx %arg7[%add3A_3229] : memref<16384xf32, #tpu.memory_space<vmem>>[vector<16xi32>], vector<16xf32>,
      %mul3A_3231 = arith.constant 16 : i32
      %mul3A_3232 = arith.muli %add3A_3186, %mul3A_3231 : i32
      %add3A_3233 = arith.constant 9408 : i32
      %add3A_3234 = arith.addi %add3A_3233, %mul3A_3232 : i32
      %get3A_3235 = arith.index_cast %add3A_3234 : i32 to index
      %get3A_3236 = tpu.vector_load %arg5[%get3A_3235] {strides = array<i32>} : memref<12544xf32, #tpu.memory_space<vmem>>, vector<16xf32>,
      %add3A_3237 = arith.addf %gather3A_3230, %get3A_3236 : vector<16xf32>
      tpu.vector_store_idx %arg7[%add3A_3229], %add3A_3237 : memref<16384xf32, #tpu.memory_space<vmem>>[vector<16xi32>], vector<16xf32>,
      %mul3A_3238 = arith.constant 4 : i32
      %mul3A_3239 = arith.muli %scan3A_3182, %mul3A_3238 : i32
      %add3A_3240 = arith.constant 1 : i32
      %add3A_3241 = arith.addi %mul3A_3239, %add3A_3240 : i32
      %mul3A_3242 = arith.constant 16 : i32
      %mul3A_3243 = arith.muli %add3A_3241, %mul3A_3242 : i32
      %get3A_3244 = arith.index_cast %mul3A_3243 : i32 to index
      %get3A_3245 = tpu.vector_load %arg6[%get3A_3244] {strides = array<i32>} : memref<3136xi32, #tpu.memory_space<vmem>>, vector<16xi32>,
      %add3A_3246 = arith.constant 256 : i32
      %add3A_3247 = vector.broadcast %add3A_3246 : i32 to vector<16xi32>
      %add3A_3248 = arith.addi %mul3A_69, %add3A_3247 : vector<16xi32>
      %add3A_3249 = arith.addi %add3A_3248, %get3A_3245 : vector<16xi32>
      %add3A_3250 = arith.constant 0 : i32
      %add3A_3251 = vector.broadcast %add3A_3250 : i32 to vector<16xi32>
      %add3A_3252 = arith.addi %add3A_3249, %add3A_3251 : vector<16xi32>
      %gather3A_3253 = tpu.vector_load_idx %arg7[%add3A_3252] : memref<16384xf32, #tpu.memory_space<vmem>>[vector<16xi32>], vector<16xf32>,
      %mul3A_3254 = arith.constant 16 : i32
      %mul3A_3255 = arith.muli %add3A_3241, %mul3A_3254 : i32
      %add3A_3256 = arith.constant 0 : i32
      %add3A_3257 = arith.addi %add3A_3256, %mul3A_3255 : i32
      %get3A_3258 = arith.index_cast %add3A_3257 : i32 to index
      %get3A_3259 = tpu.vector_load %arg5[%get3A_3258] {strides = array<i32>} : memref<12544xf32, #tpu.memory_space<vmem>>, vector<16xf32>,
      %add3A_3260 = arith.addf %gather3A_3253, %get3A_3259 : vector<16xf32>
      tpu.vector_store_idx %arg7[%add3A_3252], %add3A_3260 : memref<16384xf32, #tpu.memory_space<vmem>>[vector<16xi32>], vector<16xf32>,
      %add3A_3261 = arith.constant 64 : i32
      %add3A_3262 = vector.broadcast %add3A_3261 : i32 to vector<16xi32>
      %add3A_3263 = arith.addi %add3A_3249, %add3A_3262 : vector<16xi32>
      %gather3A_3264 = tpu.vector_load_idx %arg7[%add3A_3263] : memref<16384xf32, #tpu.memory_space<vmem>>[vector<16xi32>], vector<16xf32>,
      %mul3A_3265 = arith.constant 16 : i32
      %mul3A_3266 = arith.muli %add3A_3241, %mul3A_3265 : i32
      %add3A_3267 = arith.constant 3136 : i32
      %add3A_3268 = arith.addi %add3A_3267, %mul3A_3266 : i32
      %get3A_3269 = arith.index_cast %add3A_3268 : i32 to index
      %get3A_3270 = tpu.vector_load %arg5[%get3A_3269] {strides = array<i32>} : memref<12544xf32, #tpu.memory_space<vmem>>, vector<16xf32>,
      %add3A_3271 = arith.addf %gather3A_3264, %get3A_3270 : vector<16xf32>
      tpu.vector_store_idx %arg7[%add3A_3263], %add3A_3271 : memref<16384xf32, #tpu.memory_space<vmem>>[vector<16xi32>], vector<16xf32>,
      %add3A_3272 = arith.constant 128 : i32
      %add3A_3273 = vector.broadcast %add3A_3272 : i32 to vector<16xi32>
      %add3A_3274 = arith.addi %add3A_3249, %add3A_3273 : vector<16xi32>
      %gather3A_3275 = tpu.vector_load_idx %arg7[%add3A_3274] : memref<16384xf32, #tpu.memory_space<vmem>>[vector<16xi32>], vector<16xf32>,
      %mul3A_3276 = arith.constant 16 : i32
      %mul3A_3277 = arith.muli %add3A_3241, %mul3A_3276 : i32
      %add3A_3278 = arith.constant 6272 : i32
      %add3A_3279 = arith.addi %add3A_3278, %mul3A_3277 : i32
      %get3A_3280 = arith.index_cast %add3A_3279 : i32 to index
      %get3A_3281 = tpu.vector_load %arg5[%get3A_3280] {strides = array<i32>} : memref<12544xf32, #tpu.memory_space<vmem>>, vector<16xf32>,
      %add3A_3282 = arith.addf %gather3A_3275, %get3A_3281 : vector<16xf32>
      tpu.vector_store_idx %arg7[%add3A_3274], %add3A_3282 : memref<16384xf32, #tpu.memory_space<vmem>>[vector<16xi32>], vector<16xf32>,
      %add3A_3283 = arith.constant 192 : i32
      %add3A_3284 = vector.broadcast %add3A_3283 : i32 to vector<16xi32>
      %add3A_3285 = arith.addi %add3A_3249, %add3A_3284 : vector<16xi32>
      %gather3A_3286 = tpu.vector_load_idx %arg7[%add3A_3285] : memref<16384xf32, #tpu.memory_space<vmem>>[vector<16xi32>], vector<16xf32>,
      %mul3A_3287 = arith.constant 16 : i32
      %mul3A_3288 = arith.muli %add3A_3241, %mul3A_3287 : i32
      %add3A_3289 = arith.constant 9408 : i32
      %add3A_3290 = arith.addi %add3A_3289, %mul3A_3288 : i32
      %get3A_3291 = arith.index_cast %add3A_3290 : i32 to index
      %get3A_3292 = tpu.vector_load %arg5[%get3A_3291] {strides = array<i32>} : memref<12544xf32, #tpu.memory_space<vmem>>, vector<16xf32>,
      %add3A_3293 = arith.addf %gather3A_3286, %get3A_3292 : vector<16xf32>
      tpu.vector_store_idx %arg7[%add3A_3285], %add3A_3293 : memref<16384xf32, #tpu.memory_space<vmem>>[vector<16xi32>], vector<16xf32>,
      %mul3A_3294 = arith.constant 4 : i32
      %mul3A_3295 = arith.muli %scan3A_3182, %mul3A_3294 : i32
      %add3A_3296 = arith.constant 2 : i32
      %add3A_3297 = arith.addi %mul3A_3295, %add3A_3296 : i32
      %mul3A_3298 = arith.constant 16 : i32
      %mul3A_3299 = arith.muli %add3A_3297, %mul3A_3298 : i32
      %get3A_3300 = arith.index_cast %mul3A_3299 : i32 to index
      %get3A_3301 = tpu.vector_load %arg6[%get3A_3300] {strides = array<i32>} : memref<3136xi32, #tpu.memory_space<vmem>>, vector<16xi32>,
      %add3A_3302 = arith.constant 512 : i32
      %add3A_3303 = vector.broadcast %add3A_3302 : i32 to vector<16xi32>
      %add3A_3304 = arith.addi %mul3A_69, %add3A_3303 : vector<16xi32>
      %add3A_3305 = arith.addi %add3A_3304, %get3A_3301 : vector<16xi32>
      %add3A_3306 = arith.constant 0 : i32
      %add3A_3307 = vector.broadcast %add3A_3306 : i32 to vector<16xi32>
      %add3A_3308 = arith.addi %add3A_3305, %add3A_3307 : vector<16xi32>
      %gather3A_3309 = tpu.vector_load_idx %arg7[%add3A_3308] : memref<16384xf32, #tpu.memory_space<vmem>>[vector<16xi32>], vector<16xf32>,
      %mul3A_3310 = arith.constant 16 : i32
      %mul3A_3311 = arith.muli %add3A_3297, %mul3A_3310 : i32
      %add3A_3312 = arith.constant 0 : i32
      %add3A_3313 = arith.addi %add3A_3312, %mul3A_3311 : i32
      %get3A_3314 = arith.index_cast %add3A_3313 : i32 to index
      %get3A_3315 = tpu.vector_load %arg5[%get3A_3314] {strides = array<i32>} : memref<12544xf32, #tpu.memory_space<vmem>>, vector<16xf32>,
      %add3A_3316 = arith.addf %gather3A_3309, %get3A_3315 : vector<16xf32>
      tpu.vector_store_idx %arg7[%add3A_3308], %add3A_3316 : memref<16384xf32, #tpu.memory_space<vmem>>[vector<16xi32>], vector<16xf32>,
      %add3A_3317 = arith.constant 64 : i32
      %add3A_3318 = vector.broadcast %add3A_3317 : i32 to vector<16xi32>
      %add3A_3319 = arith.addi %add3A_3305, %add3A_3318 : vector<16xi32>
      %gather3A_3320 = tpu.vector_load_idx %arg7[%add3A_3319] : memref<16384xf32, #tpu.memory_space<vmem>>[vector<16xi32>], vector<16xf32>,
      %mul3A_3321 = arith.constant 16 : i32
      %mul3A_3322 = arith.muli %add3A_3297, %mul3A_3321 : i32
      %add3A_3323 = arith.constant 3136 : i32
      %add3A_3324 = arith.addi %add3A_3323, %mul3A_3322 : i32
      %get3A_3325 = arith.index_cast %add3A_3324 : i32 to index
      %get3A_3326 = tpu.vector_load %arg5[%get3A_3325] {strides = array<i32>} : memref<12544xf32, #tpu.memory_space<vmem>>, vector<16xf32>,
      %add3A_3327 = arith.addf %gather3A_3320, %get3A_3326 : vector<16xf32>
      tpu.vector_store_idx %arg7[%add3A_3319], %add3A_3327 : memref<16384xf32, #tpu.memory_space<vmem>>[vector<16xi32>], vector<16xf32>,
      %add3A_3328 = arith.constant 128 : i32
      %add3A_3329 = vector.broadcast %add3A_3328 : i32 to vector<16xi32>
      %add3A_3330 = arith.addi %add3A_3305, %add3A_3329 : vector<16xi32>
      %gather3A_3331 = tpu.vector_load_idx %arg7[%add3A_3330] : memref<16384xf32, #tpu.memory_space<vmem>>[vector<16xi32>], vector<16xf32>,
      %mul3A_3332 = arith.constant 16 : i32
      %mul3A_3333 = arith.muli %add3A_3297, %mul3A_3332 : i32
      %add3A_3334 = arith.constant 6272 : i32
      %add3A_3335 = arith.addi %add3A_3334, %mul3A_3333 : i32
      %get3A_3336 = arith.index_cast %add3A_3335 : i32 to index
      %get3A_3337 = tpu.vector_load %arg5[%get3A_3336] {strides = array<i32>} : memref<12544xf32, #tpu.memory_space<vmem>>, vector<16xf32>,
      %add3A_3338 = arith.addf %gather3A_3331, %get3A_3337 : vector<16xf32>
      tpu.vector_store_idx %arg7[%add3A_3330], %add3A_3338 : memref<16384xf32, #tpu.memory_space<vmem>>[vector<16xi32>], vector<16xf32>,
      %add3A_3339 = arith.constant 192 : i32
      %add3A_3340 = vector.broadcast %add3A_3339 : i32 to vector<16xi32>
      %add3A_3341 = arith.addi %add3A_3305, %add3A_3340 : vector<16xi32>
      %gather3A_3342 = tpu.vector_load_idx %arg7[%add3A_3341] : memref<16384xf32, #tpu.memory_space<vmem>>[vector<16xi32>], vector<16xf32>,
      %mul3A_3343 = arith.constant 16 : i32
      %mul3A_3344 = arith.muli %add3A_3297, %mul3A_3343 : i32
      %add3A_3345 = arith.constant 9408 : i32
      %add3A_3346 = arith.addi %add3A_3345, %mul3A_3344 : i32
      %get3A_3347 = arith.index_cast %add3A_3346 : i32 to index
      %get3A_3348 = tpu.vector_load %arg5[%get3A_3347] {strides = array<i32>} : memref<12544xf32, #tpu.memory_space<vmem>>, vector<16xf32>,
      %add3A_3349 = arith.addf %gather3A_3342, %get3A_3348 : vector<16xf32>
      tpu.vector_store_idx %arg7[%add3A_3341], %add3A_3349 : memref<16384xf32, #tpu.memory_space<vmem>>[vector<16xi32>], vector<16xf32>,
      %mul3A_3350 = arith.constant 4 : i32
      %mul3A_3351 = arith.muli %scan3A_3182, %mul3A_3350 : i32
      %add3A_3352 = arith.constant 3 : i32
      %add3A_3353 = arith.addi %mul3A_3351, %add3A_3352 : i32
      %mul3A_3354 = arith.constant 16 : i32
      %mul3A_3355 = arith.muli %add3A_3353, %mul3A_3354 : i32
      %get3A_3356 = arith.index_cast %mul3A_3355 : i32 to index
      %get3A_3357 = tpu.vector_load %arg6[%get3A_3356] {strides = array<i32>} : memref<3136xi32, #tpu.memory_space<vmem>>, vector<16xi32>,
      %add3A_3358 = arith.constant 768 : i32
      %add3A_3359 = vector.broadcast %add3A_3358 : i32 to vector<16xi32>
      %add3A_3360 = arith.addi %mul3A_69, %add3A_3359 : vector<16xi32>
      %add3A_3361 = arith.addi %add3A_3360, %get3A_3357 : vector<16xi32>
      %add3A_3362 = arith.constant 0 : i32
      %add3A_3363 = vector.broadcast %add3A_3362 : i32 to vector<16xi32>
      %add3A_3364 = arith.addi %add3A_3361, %add3A_3363 : vector<16xi32>
      %gather3A_3365 = tpu.vector_load_idx %arg7[%add3A_3364] : memref<16384xf32, #tpu.memory_space<vmem>>[vector<16xi32>], vector<16xf32>,
      %mul3A_3366 = arith.constant 16 : i32
      %mul3A_3367 = arith.muli %add3A_3353, %mul3A_3366 : i32
      %add3A_3368 = arith.constant 0 : i32
      %add3A_3369 = arith.addi %add3A_3368, %mul3A_3367 : i32
      %get3A_3370 = arith.index_cast %add3A_3369 : i32 to index
      %get3A_3371 = tpu.vector_load %arg5[%get3A_3370] {strides = array<i32>} : memref<12544xf32, #tpu.memory_space<vmem>>, vector<16xf32>,
      %add3A_3372 = arith.addf %gather3A_3365, %get3A_3371 : vector<16xf32>
      tpu.vector_store_idx %arg7[%add3A_3364], %add3A_3372 : memref<16384xf32, #tpu.memory_space<vmem>>[vector<16xi32>], vector<16xf32>,
      %add3A_3373 = arith.constant 64 : i32
      %add3A_3374 = vector.broadcast %add3A_3373 : i32 to vector<16xi32>
      %add3A_3375 = arith.addi %add3A_3361, %add3A_3374 : vector<16xi32>
      %gather3A_3376 = tpu.vector_load_idx %arg7[%add3A_3375] : memref<16384xf32, #tpu.memory_space<vmem>>[vector<16xi32>], vector<16xf32>,
      %mul3A_3377 = arith.constant 16 : i32
      %mul3A_3378 = arith.muli %add3A_3353, %mul3A_3377 : i32
      %add3A_3379 = arith.constant 3136 : i32
      %add3A_3380 = arith.addi %add3A_3379, %mul3A_3378 : i32
      %get3A_3381 = arith.index_cast %add3A_3380 : i32 to index
      %get3A_3382 = tpu.vector_load %arg5[%get3A_3381] {strides = array<i32>} : memref<12544xf32, #tpu.memory_space<vmem>>, vector<16xf32>,
      %add3A_3383 = arith.addf %gather3A_3376, %get3A_3382 : vector<16xf32>
      tpu.vector_store_idx %arg7[%add3A_3375], %add3A_3383 : memref<16384xf32, #tpu.memory_space<vmem>>[vector<16xi32>], vector<16xf32>,
      %add3A_3384 = arith.constant 128 : i32
      %add3A_3385 = vector.broadcast %add3A_3384 : i32 to vector<16xi32>
      %add3A_3386 = arith.addi %add3A_3361, %add3A_3385 : vector<16xi32>
      %gather3A_3387 = tpu.vector_load_idx %arg7[%add3A_3386] : memref<16384xf32, #tpu.memory_space<vmem>>[vector<16xi32>], vector<16xf32>,
      %mul3A_3388 = arith.constant 16 : i32
      %mul3A_3389 = arith.muli %add3A_3353, %mul3A_3388 : i32
      %add3A_3390 = arith.constant 6272 : i32
      %add3A_3391 = arith.addi %add3A_3390, %mul3A_3389 : i32
      %get3A_3392 = arith.index_cast %add3A_3391 : i32 to index
      %get3A_3393 = tpu.vector_load %arg5[%get3A_3392] {strides = array<i32>} : memref<12544xf32, #tpu.memory_space<vmem>>, vector<16xf32>,
      %add3A_3394 = arith.addf %gather3A_3387, %get3A_3393 : vector<16xf32>
      tpu.vector_store_idx %arg7[%add3A_3386], %add3A_3394 : memref<16384xf32, #tpu.memory_space<vmem>>[vector<16xi32>], vector<16xf32>,
      %add3A_3395 = arith.constant 192 : i32
      %add3A_3396 = vector.broadcast %add3A_3395 : i32 to vector<16xi32>
      %add3A_3397 = arith.addi %add3A_3361, %add3A_3396 : vector<16xi32>
      %gather3A_3398 = tpu.vector_load_idx %arg7[%add3A_3397] : memref<16384xf32, #tpu.memory_space<vmem>>[vector<16xi32>], vector<16xf32>,
      %mul3A_3399 = arith.constant 16 : i32
      %mul3A_3400 = arith.muli %add3A_3353, %mul3A_3399 : i32
      %add3A_3401 = arith.constant 9408 : i32
      %add3A_3402 = arith.addi %add3A_3401, %mul3A_3400 : i32
      %get3A_3403 = arith.index_cast %add3A_3402 : i32 to index
      %get3A_3404 = tpu.vector_load %arg5[%get3A_3403] {strides = array<i32>} : memref<12544xf32, #tpu.memory_space<vmem>>, vector<16xf32>,
      %add3A_3405 = arith.addf %gather3A_3398, %get3A_3404 : vector<16xf32>
      tpu.vector_store_idx %arg7[%add3A_3397], %add3A_3405 : memref<16384xf32, #tpu.memory_space<vmem>>[vector<16xi32>], vector<16xf32>,
    }
    %scan3A_75 = arith.constant 49 : i32
    %get3A = arith.constant 0 : index
    %get3A_76 = tpu.vector_load %arg7[%get3A] {strides = array<i32>} : memref<16384xf32, #tpu.memory_space<vmem>>, vector<16xf32>,
    %add3A_77 = arith.addf %broadcast_in_dim3A_61, %get3A_76 : vector<16xf32>
    %get3A_78 = arith.constant 256 : index
    %get3A_79 = tpu.vector_load %arg7[%get3A_78] {strides = array<i32>} : memref<16384xf32, #tpu.memory_space<vmem>>, vector<16xf32>,
    %add3A_80 = arith.addf %add3A_77, %get3A_79 : vector<16xf32>
    %get3A_81 = arith.constant 512 : index
    %get3A_82 = tpu.vector_load %arg7[%get3A_81] {strides = array<i32>} : memref<16384xf32, #tpu.memory_space<vmem>>, vector<16xf32>,
    %add3A_83 = arith.addf %add3A_80, %get3A_82 : vector<16xf32>
    %get3A_84 = arith.constant 768 : index
    %get3A_85 = tpu.vector_load %arg7[%get3A_84] {strides = array<i32>} : memref<16384xf32, #tpu.memory_space<vmem>>, vector<16xf32>,
    %add3A_86 = arith.addf %add3A_83, %get3A_85 : vector<16xf32>
    %get3A_87 = arith.constant 1024 : index
    %get3A_88 = tpu.vector_load %arg7[%get3A_87] {strides = array<i32>} : memref<16384xf32, #tpu.memory_space<vmem>>, vector<16xf32>,
    %add3A_89 = arith.addf %add3A_86, %get3A_88 : vector<16xf32>
    %get3A_90 = arith.constant 1280 : index
    %get3A_91 = tpu.vector_load %arg7[%get3A_90] {strides = array<i32>} : memref<16384xf32, #tpu.memory_space<vmem>>, vector<16xf32>,
    %add3A_92 = arith.addf %add3A_89, %get3A_91 : vector<16xf32>
    %get3A_93 = arith.constant 1536 : index
    %get3A_94 = tpu.vector_load %arg7[%get3A_93] {strides = array<i32>} : memref<16384xf32, #tpu.memory_space<vmem>>, vector<16xf32>,
    %add3A_95 = arith.addf %add3A_92, %get3A_94 : vector<16xf32>
    %get3A_96 = arith.constant 1792 : index
    %get3A_97 = tpu.vector_load %arg7[%get3A_96] {strides = array<i32>} : memref<16384xf32, #tpu.memory_space<vmem>>, vector<16xf32>,
    %add3A_98 = arith.addf %add3A_95, %get3A_97 : vector<16xf32>
    %get3A_99 = arith.constant 2048 : index
    %get3A_100 = tpu.vector_load %arg7[%get3A_99] {strides = array<i32>} : memref<16384xf32, #tpu.memory_space<vmem>>, vector<16xf32>,
    %add3A_101 = arith.addf %add3A_98, %get3A_100 : vector<16xf32>
    %get3A_102 = arith.constant 2304 : index
    %get3A_103 = tpu.vector_load %arg7[%get3A_102] {strides = array<i32>} : memref<16384xf32, #tpu.memory_space<vmem>>, vector<16xf32>,
    %add3A_104 = arith.addf %add3A_101, %get3A_103 : vector<16xf32>
    %get3A_105 = arith.constant 2560 : index
    %get3A_106 = tpu.vector_load %arg7[%get3A_105] {strides = array<i32>} : memref<16384xf32, #tpu.memory_space<vmem>>, vector<16xf32>,
    %add3A_107 = arith.addf %add3A_104, %get3A_106 : vector<16xf32>
    %get3A_108 = arith.constant 2816 : index
    %get3A_109 = tpu.vector_load %arg7[%get3A_108] {strides = array<i32>} : memref<16384xf32, #tpu.memory_space<vmem>>, vector<16xf32>,
    %add3A_110 = arith.addf %add3A_107, %get3A_109 : vector<16xf32>
    %get3A_111 = arith.constant 3072 : index
    %get3A_112 = tpu.vector_load %arg7[%get3A_111] {strides = array<i32>} : memref<16384xf32, #tpu.memory_space<vmem>>, vector<16xf32>,
    %add3A_113 = arith.addf %add3A_110, %get3A_112 : vector<16xf32>
    %get3A_114 = arith.constant 3328 : index
    %get3A_115 = tpu.vector_load %arg7[%get3A_114] {strides = array<i32>} : memref<16384xf32, #tpu.memory_space<vmem>>, vector<16xf32>,
    %add3A_116 = arith.addf %add3A_113, %get3A_115 : vector<16xf32>
    %get3A_117 = arith.constant 3584 : index
    %get3A_118 = tpu.vector_load %arg7[%get3A_117] {strides = array<i32>} : memref<16384xf32, #tpu.memory_space<vmem>>, vector<16xf32>,
    %add3A_119 = arith.addf %add3A_116, %get3A_118 : vector<16xf32>
    %get3A_120 = arith.constant 3840 : index
    %get3A_121 = tpu.vector_load %arg7[%get3A_120] {strides = array<i32>} : memref<16384xf32, #tpu.memory_space<vmem>>, vector<16xf32>,
    %add3A_122 = arith.addf %add3A_119, %get3A_121 : vector<16xf32>
    %get3A_123 = arith.constant 4096 : index
    %get3A_124 = tpu.vector_load %arg7[%get3A_123] {strides = array<i32>} : memref<16384xf32, #tpu.memory_space<vmem>>, vector<16xf32>,
    %add3A_125 = arith.addf %add3A_122, %get3A_124 : vector<16xf32>
    %get3A_126 = arith.constant 4352 : index
    %get3A_127 = tpu.vector_load %arg7[%get3A_126] {strides = array<i32>} : memref<16384xf32, #tpu.memory_space<vmem>>, vector<16xf32>,
    %add3A_128 = arith.addf %add3A_125, %get3A_127 : vector<16xf32>
    %get3A_129 = arith.constant 4608 : index
    %get3A_130 = tpu.vector_load %arg7[%get3A_129] {strides = array<i32>} : memref<16384xf32, #tpu.memory_space<vmem>>, vector<16xf32>,
    %add3A_131 = arith.addf %add3A_128, %get3A_130 : vector<16xf32>
    %get3A_132 = arith.constant 4864 : index
    %get3A_133 = tpu.vector_load %arg7[%get3A_132] {strides = array<i32>} : memref<16384xf32, #tpu.memory_space<vmem>>, vector<16xf32>,
    %add3A_134 = arith.addf %add3A_131, %get3A_133 : vector<16xf32>
    %get3A_135 = arith.constant 5120 : index
    %get3A_136 = tpu.vector_load %arg7[%get3A_135] {strides = array<i32>} : memref<16384xf32, #tpu.memory_space<vmem>>, vector<16xf32>,
    %add3A_137 = arith.addf %add3A_134, %get3A_136 : vector<16xf32>
    %get3A_138 = arith.constant 5376 : index
    %get3A_139 = tpu.vector_load %arg7[%get3A_138] {strides = array<i32>} : memref<16384xf32, #tpu.memory_space<vmem>>, vector<16xf32>,
    %add3A_140 = arith.addf %add3A_137, %get3A_139 : vector<16xf32>
    %get3A_141 = arith.constant 5632 : index
    %get3A_142 = tpu.vector_load %arg7[%get3A_141] {strides = array<i32>} : memref<16384xf32, #tpu.memory_space<vmem>>, vector<16xf32>,
    %add3A_143 = arith.addf %add3A_140, %get3A_142 : vector<16xf32>
    %get3A_144 = arith.constant 5888 : index
    %get3A_145 = tpu.vector_load %arg7[%get3A_144] {strides = array<i32>} : memref<16384xf32, #tpu.memory_space<vmem>>, vector<16xf32>,
    %add3A_146 = arith.addf %add3A_143, %get3A_145 : vector<16xf32>
    %get3A_147 = arith.constant 6144 : index
    %get3A_148 = tpu.vector_load %arg7[%get3A_147] {strides = array<i32>} : memref<16384xf32, #tpu.memory_space<vmem>>, vector<16xf32>,
    %add3A_149 = arith.addf %add3A_146, %get3A_148 : vector<16xf32>
    %get3A_150 = arith.constant 6400 : index
    %get3A_151 = tpu.vector_load %arg7[%get3A_150] {strides = array<i32>} : memref<16384xf32, #tpu.memory_space<vmem>>, vector<16xf32>,
    %add3A_152 = arith.addf %add3A_149, %get3A_151 : vector<16xf32>
    %get3A_153 = arith.constant 6656 : index
    %get3A_154 = tpu.vector_load %arg7[%get3A_153] {strides = array<i32>} : memref<16384xf32, #tpu.memory_space<vmem>>, vector<16xf32>,
    %add3A_155 = arith.addf %add3A_152, %get3A_154 : vector<16xf32>
    %get3A_156 = arith.constant 6912 : index
    %get3A_157 = tpu.vector_load %arg7[%get3A_156] {strides = array<i32>} : memref<16384xf32, #tpu.memory_space<vmem>>, vector<16xf32>,
    %add3A_158 = arith.addf %add3A_155, %get3A_157 : vector<16xf32>
    %get3A_159 = arith.constant 7168 : index
    %get3A_160 = tpu.vector_load %arg7[%get3A_159] {strides = array<i32>} : memref<16384xf32, #tpu.memory_space<vmem>>, vector<16xf32>,
    %add3A_161 = arith.addf %add3A_158, %get3A_160 : vector<16xf32>
    %get3A_162 = arith.constant 7424 : index
    %get3A_163 = tpu.vector_load %arg7[%get3A_162] {strides = array<i32>} : memref<16384xf32, #tpu.memory_space<vmem>>, vector<16xf32>,
    %add3A_164 = arith.addf %add3A_161, %get3A_163 : vector<16xf32>
    %get3A_165 = arith.constant 7680 : index
    %get3A_166 = tpu.vector_load %arg7[%get3A_165] {strides = array<i32>} : memref<16384xf32, #tpu.memory_space<vmem>>, vector<16xf32>,
    %add3A_167 = arith.addf %add3A_164, %get3A_166 : vector<16xf32>
    %get3A_168 = arith.constant 7936 : index
    %get3A_169 = tpu.vector_load %arg7[%get3A_168] {strides = array<i32>} : memref<16384xf32, #tpu.memory_space<vmem>>, vector<16xf32>,
    %add3A_170 = arith.addf %add3A_167, %get3A_169 : vector<16xf32>
    %get3A_171 = arith.constant 8192 : index
    %get3A_172 = tpu.vector_load %arg7[%get3A_171] {strides = array<i32>} : memref<16384xf32, #tpu.memory_space<vmem>>, vector<16xf32>,
    %add3A_173 = arith.addf %add3A_170, %get3A_172 : vector<16xf32>
    %get3A_174 = arith.constant 8448 : index
    %get3A_175 = tpu.vector_load %arg7[%get3A_174] {strides = array<i32>} : memref<16384xf32, #tpu.memory_space<vmem>>, vector<16xf32>,
    %add3A_176 = arith.addf %add3A_173, %get3A_175 : vector<16xf32>
    %get3A_177 = arith.constant 8704 : index
    %get3A_178 = tpu.vector_load %arg7[%get3A_177] {strides = array<i32>} : memref<16384xf32, #tpu.memory_space<vmem>>, vector<16xf32>,
    %add3A_179 = arith.addf %add3A_176, %get3A_178 : vector<16xf32>
    %get3A_180 = arith.constant 8960 : index
    %get3A_181 = tpu.vector_load %arg7[%get3A_180] {strides = array<i32>} : memref<16384xf32, #tpu.memory_space<vmem>>, vector<16xf32>,
    %add3A_182 = arith.addf %add3A_179, %get3A_181 : vector<16xf32>
    %get3A_183 = arith.constant 9216 : index
    %get3A_184 = tpu.vector_load %arg7[%get3A_183] {strides = array<i32>} : memref<16384xf32, #tpu.memory_space<vmem>>, vector<16xf32>,
    %add3A_185 = arith.addf %add3A_182, %get3A_184 : vector<16xf32>
    %get3A_186 = arith.constant 9472 : index
    %get3A_187 = tpu.vector_load %arg7[%get3A_186] {strides = array<i32>} : memref<16384xf32, #tpu.memory_space<vmem>>, vector<16xf32>,
    %add3A_188 = arith.addf %add3A_185, %get3A_187 : vector<16xf32>
    %get3A_189 = arith.constant 9728 : index
    %get3A_190 = tpu.vector_load %arg7[%get3A_189] {strides = array<i32>} : memref<16384xf32, #tpu.memory_space<vmem>>, vector<16xf32>,
    %add3A_191 = arith.addf %add3A_188, %get3A_190 : vector<16xf32>
    %get3A_192 = arith.constant 9984 : index
    %get3A_193 = tpu.vector_load %arg7[%get3A_192] {strides = array<i32>} : memref<16384xf32, #tpu.memory_space<vmem>>, vector<16xf32>,
    %add3A_194 = arith.addf %add3A_191, %get3A_193 : vector<16xf32>
    %get3A_195 = arith.constant 10240 : index
    %get3A_196 = tpu.vector_load %arg7[%get3A_195] {strides = array<i32>} : memref<16384xf32, #tpu.memory_space<vmem>>, vector<16xf32>,
    %add3A_197 = arith.addf %add3A_194, %get3A_196 : vector<16xf32>
    %get3A_198 = arith.constant 10496 : index
    %get3A_199 = tpu.vector_load %arg7[%get3A_198] {strides = array<i32>} : memref<16384xf32, #tpu.memory_space<vmem>>, vector<16xf32>,
    %add3A_200 = arith.addf %add3A_197, %get3A_199 : vector<16xf32>
    %get3A_201 = arith.constant 10752 : index
    %get3A_202 = tpu.vector_load %arg7[%get3A_201] {strides = array<i32>} : memref<16384xf32, #tpu.memory_space<vmem>>, vector<16xf32>,
    %add3A_203 = arith.addf %add3A_200, %get3A_202 : vector<16xf32>
    %get3A_204 = arith.constant 11008 : index
    %get3A_205 = tpu.vector_load %arg7[%get3A_204] {strides = array<i32>} : memref<16384xf32, #tpu.memory_space<vmem>>, vector<16xf32>,
    %add3A_206 = arith.addf %add3A_203, %get3A_205 : vector<16xf32>
    %get3A_207 = arith.constant 11264 : index
    %get3A_208 = tpu.vector_load %arg7[%get3A_207] {strides = array<i32>} : memref<16384xf32, #tpu.memory_space<vmem>>, vector<16xf32>,
    %add3A_209 = arith.addf %add3A_206, %get3A_208 : vector<16xf32>
    %get3A_210 = arith.constant 11520 : index
    %get3A_211 = tpu.vector_load %arg7[%get3A_210] {strides = array<i32>} : memref<16384xf32, #tpu.memory_space<vmem>>, vector<16xf32>,
    %add3A_212 = arith.addf %add3A_209, %get3A_211 : vector<16xf32>
    %get3A_213 = arith.constant 11776 : index
    %get3A_214 = tpu.vector_load %arg7[%get3A_213] {strides = array<i32>} : memref<16384xf32, #tpu.memory_space<vmem>>, vector<16xf32>,
    %add3A_215 = arith.addf %add3A_212, %get3A_214 : vector<16xf32>
    %get3A_216 = arith.constant 12032 : index
    %get3A_217 = tpu.vector_load %arg7[%get3A_216] {strides = array<i32>} : memref<16384xf32, #tpu.memory_space<vmem>>, vector<16xf32>,
    %add3A_218 = arith.addf %add3A_215, %get3A_217 : vector<16xf32>
    %get3A_219 = arith.constant 12288 : index
    %get3A_220 = tpu.vector_load %arg7[%get3A_219] {strides = array<i32>} : memref<16384xf32, #tpu.memory_space<vmem>>, vector<16xf32>,
    %add3A_221 = arith.addf %add3A_218, %get3A_220 : vector<16xf32>
    %get3A_222 = arith.constant 12544 : index
    %get3A_223 = tpu.vector_load %arg7[%get3A_222] {strides = array<i32>} : memref<16384xf32, #tpu.memory_space<vmem>>, vector<16xf32>,
    %add3A_224 = arith.addf %add3A_221, %get3A_223 : vector<16xf32>
    %get3A_225 = arith.constant 12800 : index
    %get3A_226 = tpu.vector_load %arg7[%get3A_225] {strides = array<i32>} : memref<16384xf32, #tpu.memory_space<vmem>>, vector<16xf32>,
    %add3A_227 = arith.addf %add3A_224, %get3A_226 : vector<16xf32>
    %get3A_228 = arith.constant 13056 : index
    %get3A_229 = tpu.vector_load %arg7[%get3A_228] {strides = array<i32>} : memref<16384xf32, #tpu.memory_space<vmem>>, vector<16xf32>,
    %add3A_230 = arith.addf %add3A_227, %get3A_229 : vector<16xf32>
    %get3A_231 = arith.constant 13312 : index
    %get3A_232 = tpu.vector_load %arg7[%get3A_231] {strides = array<i32>} : memref<16384xf32, #tpu.memory_space<vmem>>, vector<16xf32>,
    %add3A_233 = arith.addf %add3A_230, %get3A_232 : vector<16xf32>
    %get3A_234 = arith.constant 13568 : index
    %get3A_235 = tpu.vector_load %arg7[%get3A_234] {strides = array<i32>} : memref<16384xf32, #tpu.memory_space<vmem>>, vector<16xf32>,
    %add3A_236 = arith.addf %add3A_233, %get3A_235 : vector<16xf32>
    %get3A_237 = arith.constant 13824 : index
    %get3A_238 = tpu.vector_load %arg7[%get3A_237] {strides = array<i32>} : memref<16384xf32, #tpu.memory_space<vmem>>, vector<16xf32>,
    %add3A_239 = arith.addf %add3A_236, %get3A_238 : vector<16xf32>
    %get3A_240 = arith.constant 14080 : index
    %get3A_241 = tpu.vector_load %arg7[%get3A_240] {strides = array<i32>} : memref<16384xf32, #tpu.memory_space<vmem>>, vector<16xf32>,
    %add3A_242 = arith.addf %add3A_239, %get3A_241 : vector<16xf32>
    %get3A_243 = arith.constant 14336 : index
    %get3A_244 = tpu.vector_load %arg7[%get3A_243] {strides = array<i32>} : memref<16384xf32, #tpu.memory_space<vmem>>, vector<16xf32>,
    %add3A_245 = arith.addf %add3A_242, %get3A_244 : vector<16xf32>
    %get3A_246 = arith.constant 14592 : index
    %get3A_247 = tpu.vector_load %arg7[%get3A_246] {strides = array<i32>} : memref<16384xf32, #tpu.memory_space<vmem>>, vector<16xf32>,
    %add3A_248 = arith.addf %add3A_245, %get3A_247 : vector<16xf32>
    %get3A_249 = arith.constant 14848 : index
    %get3A_250 = tpu.vector_load %arg7[%get3A_249] {strides = array<i32>} : memref<16384xf32, #tpu.memory_space<vmem>>, vector<16xf32>,
    %add3A_251 = arith.addf %add3A_248, %get3A_250 : vector<16xf32>
    %get3A_252 = arith.constant 15104 : index
    %get3A_253 = tpu.vector_load %arg7[%get3A_252] {strides = array<i32>} : memref<16384xf32, #tpu.memory_space<vmem>>, vector<16xf32>,
    %add3A_254 = arith.addf %add3A_251, %get3A_253 : vector<16xf32>
    %get3A_255 = arith.constant 15360 : index
    %get3A_256 = tpu.vector_load %arg7[%get3A_255] {strides = array<i32>} : memref<16384xf32, #tpu.memory_space<vmem>>, vector<16xf32>,
    %add3A_257 = arith.addf %add3A_254, %get3A_256 : vector<16xf32>
    %get3A_258 = arith.constant 15616 : index
    %get3A_259 = tpu.vector_load %arg7[%get3A_258] {strides = array<i32>} : memref<16384xf32, #tpu.memory_space<vmem>>, vector<16xf32>,
    %add3A_260 = arith.addf %add3A_257, %get3A_259 : vector<16xf32>
    %get3A_261 = arith.constant 15872 : index
    %get3A_262 = tpu.vector_load %arg7[%get3A_261] {strides = array<i32>} : memref<16384xf32, #tpu.memory_space<vmem>>, vector<16xf32>,
    %add3A_263 = arith.addf %add3A_260, %get3A_262 : vector<16xf32>
    %get3A_264 = arith.constant 16128 : index
    %get3A_265 = tpu.vector_load %arg7[%get3A_264] {strides = array<i32>} : memref<16384xf32, #tpu.memory_space<vmem>>, vector<16xf32>,
    %add3A_266 = arith.addf %add3A_263, %get3A_265 : vector<16xf32>
    %swap3A = arith.constant 0 : index
    %swap3A_267 = tpu.vector_load %arg8[%swap3A] {strides = array<i32>} : memref<256xf32, #tpu.memory_space<vmem>>, vector<16xf32>,
    tpu.vector_store %arg8[%swap3A], %add3A_266 {strides = array<i32>} : memref<256xf32, #tpu.memory_space<vmem>>, vector<16xf32>,
    %get3A_268 = arith.constant 16 : index
    %get3A_269 = tpu.vector_load %arg7[%get3A_268] {strides = array<i32>} : memref<16384xf32, #tpu.memory_space<vmem>>, vector<16xf32>,
    %add3A_270 = arith.addf %broadcast_in_dim3A_61, %get3A_269 : vector<16xf32>
    %get3A_271 = arith.constant 272 : index
    %get3A_272 = tpu.vector_load %arg7[%get3A_271] {strides = array<i32>} : memref<16384xf32, #tpu.memory_space<vmem>>, vector<16xf32>,
    %add3A_273 = arith.addf %add3A_270, %get3A_272 : vector<16xf32>
    %get3A_274 = arith.constant 528 : index
    %get3A_275 = tpu.vector_load %arg7[%get3A_274] {strides = array<i32>} : memref<16384xf32, #tpu.memory_space<vmem>>, vector<16xf32>,
    %add3A_276 = arith.addf %add3A_273, %get3A_275 : vector<16xf32>
    %get3A_277 = arith.constant 784 : index
    %get3A_278 = tpu.vector_load %arg7[%get3A_277] {strides = array<i32>} : memref<16384xf32, #tpu.memory_space<vmem>>, vector<16xf32>,
    %add3A_279 = arith.addf %add3A_276, %get3A_278 : vector<16xf32>
    %get3A_280 = arith.constant 1040 : index
    %get3A_281 = tpu.vector_load %arg7[%get3A_280] {strides = array<i32>} : memref<16384xf32, #tpu.memory_space<vmem>>, vector<16xf32>,
    %add3A_282 = arith.addf %add3A_279, %get3A_281 : vector<16xf32>
    %get3A_283 = arith.constant 1296 : index
    %get3A_284 = tpu.vector_load %arg7[%get3A_283] {strides = array<i32>} : memref<16384xf32, #tpu.memory_space<vmem>>, vector<16xf32>,
    %add3A_285 = arith.addf %add3A_282, %get3A_284 : vector<16xf32>
    %get3A_286 = arith.constant 1552 : index
    %get3A_287 = tpu.vector_load %arg7[%get3A_286] {strides = array<i32>} : memref<16384xf32, #tpu.memory_space<vmem>>, vector<16xf32>,
    %add3A_288 = arith.addf %add3A_285, %get3A_287 : vector<16xf32>
    %get3A_289 = arith.constant 1808 : index
    %get3A_290 = tpu.vector_load %arg7[%get3A_289] {strides = array<i32>} : memref<16384xf32, #tpu.memory_space<vmem>>, vector<16xf32>,
    %add3A_291 = arith.addf %add3A_288, %get3A_290 : vector<16xf32>
    %get3A_292 = arith.constant 2064 : index
    %get3A_293 = tpu.vector_load %arg7[%get3A_292] {strides = array<i32>} : memref<16384xf32, #tpu.memory_space<vmem>>, vector<16xf32>,
    %add3A_294 = arith.addf %add3A_291, %get3A_293 : vector<16xf32>
    %get3A_295 = arith.constant 2320 : index
    %get3A_296 = tpu.vector_load %arg7[%get3A_295] {strides = array<i32>} : memref<16384xf32, #tpu.memory_space<vmem>>, vector<16xf32>,
    %add3A_297 = arith.addf %add3A_294, %get3A_296 : vector<16xf32>
    %get3A_298 = arith.constant 2576 : index
    %get3A_299 = tpu.vector_load %arg7[%get3A_298] {strides = array<i32>} : memref<16384xf32, #tpu.memory_space<vmem>>, vector<16xf32>,
    %add3A_300 = arith.addf %add3A_297, %get3A_299 : vector<16xf32>
    %get3A_301 = arith.constant 2832 : index
    %get3A_302 = tpu.vector_load %arg7[%get3A_301] {strides = array<i32>} : memref<16384xf32, #tpu.memory_space<vmem>>, vector<16xf32>,
    %add3A_303 = arith.addf %add3A_300, %get3A_302 : vector<16xf32>
    %get3A_304 = arith.constant 3088 : index
    %get3A_305 = tpu.vector_load %arg7[%get3A_304] {strides = array<i32>} : memref<16384xf32, #tpu.memory_space<vmem>>, vector<16xf32>,
    %add3A_306 = arith.addf %add3A_303, %get3A_305 : vector<16xf32>
    %get3A_307 = arith.constant 3344 : index
    %get3A_308 = tpu.vector_load %arg7[%get3A_307] {strides = array<i32>} : memref<16384xf32, #tpu.memory_space<vmem>>, vector<16xf32>,
    %add3A_309 = arith.addf %add3A_306, %get3A_308 : vector<16xf32>
    %get3A_310 = arith.constant 3600 : index
    %get3A_311 = tpu.vector_load %arg7[%get3A_310] {strides = array<i32>} : memref<16384xf32, #tpu.memory_space<vmem>>, vector<16xf32>,
    %add3A_312 = arith.addf %add3A_309, %get3A_311 : vector<16xf32>
    %get3A_313 = arith.constant 3856 : index
    %get3A_314 = tpu.vector_load %arg7[%get3A_313] {strides = array<i32>} : memref<16384xf32, #tpu.memory_space<vmem>>, vector<16xf32>,
    %add3A_315 = arith.addf %add3A_312, %get3A_314 : vector<16xf32>
    %get3A_316 = arith.constant 4112 : index
    %get3A_317 = tpu.vector_load %arg7[%get3A_316] {strides = array<i32>} : memref<16384xf32, #tpu.memory_space<vmem>>, vector<16xf32>,
    %add3A_318 = arith.addf %add3A_315, %get3A_317 : vector<16xf32>
    %get3A_319 = arith.constant 4368 : index
    %get3A_320 = tpu.vector_load %arg7[%get3A_319] {strides = array<i32>} : memref<16384xf32, #tpu.memory_space<vmem>>, vector<16xf32>,
    %add3A_321 = arith.addf %add3A_318, %get3A_320 : vector<16xf32>
    %get3A_322 = arith.constant 4624 : index
    %get3A_323 = tpu.vector_load %arg7[%get3A_322] {strides = array<i32>} : memref<16384xf32, #tpu.memory_space<vmem>>, vector<16xf32>,
    %add3A_324 = arith.addf %add3A_321, %get3A_323 : vector<16xf32>
    %get3A_325 = arith.constant 4880 : index
    %get3A_326 = tpu.vector_load %arg7[%get3A_325] {strides = array<i32>} : memref<16384xf32, #tpu.memory_space<vmem>>, vector<16xf32>,
    %add3A_327 = arith.addf %add3A_324, %get3A_326 : vector<16xf32>
    %get3A_328 = arith.constant 5136 : index
    %get3A_329 = tpu.vector_load %arg7[%get3A_328] {strides = array<i32>} : memref<16384xf32, #tpu.memory_space<vmem>>, vector<16xf32>,
    %add3A_330 = arith.addf %add3A_327, %get3A_329 : vector<16xf32>
    %get3A_331 = arith.constant 5392 : index
    %get3A_332 = tpu.vector_load %arg7[%get3A_331] {strides = array<i32>} : memref<16384xf32, #tpu.memory_space<vmem>>, vector<16xf32>,
    %add3A_333 = arith.addf %add3A_330, %get3A_332 : vector<16xf32>
    %get3A_334 = arith.constant 5648 : index
    %get3A_335 = tpu.vector_load %arg7[%get3A_334] {strides = array<i32>} : memref<16384xf32, #tpu.memory_space<vmem>>, vector<16xf32>,
    %add3A_336 = arith.addf %add3A_333, %get3A_335 : vector<16xf32>
    %get3A_337 = arith.constant 5904 : index
    %get3A_338 = tpu.vector_load %arg7[%get3A_337] {strides = array<i32>} : memref<16384xf32, #tpu.memory_space<vmem>>, vector<16xf32>,
    %add3A_339 = arith.addf %add3A_336, %get3A_338 : vector<16xf32>
    %get3A_340 = arith.constant 6160 : index
    %get3A_341 = tpu.vector_load %arg7[%get3A_340] {strides = array<i32>} : memref<16384xf32, #tpu.memory_space<vmem>>, vector<16xf32>,
    %add3A_342 = arith.addf %add3A_339, %get3A_341 : vector<16xf32>
    %get3A_343 = arith.constant 6416 : index
    %get3A_344 = tpu.vector_load %arg7[%get3A_343] {strides = array<i32>} : memref<16384xf32, #tpu.memory_space<vmem>>, vector<16xf32>,
    %add3A_345 = arith.addf %add3A_342, %get3A_344 : vector<16xf32>
    %get3A_346 = arith.constant 6672 : index
    %get3A_347 = tpu.vector_load %arg7[%get3A_346] {strides = array<i32>} : memref<16384xf32, #tpu.memory_space<vmem>>, vector<16xf32>,
    %add3A_348 = arith.addf %add3A_345, %get3A_347 : vector<16xf32>
    %get3A_349 = arith.constant 6928 : index
    %get3A_350 = tpu.vector_load %arg7[%get3A_349] {strides = array<i32>} : memref<16384xf32, #tpu.memory_space<vmem>>, vector<16xf32>,
    %add3A_351 = arith.addf %add3A_348, %get3A_350 : vector<16xf32>
    %get3A_352 = arith.constant 7184 : index
    %get3A_353 = tpu.vector_load %arg7[%get3A_352] {strides = array<i32>} : memref<16384xf32, #tpu.memory_space<vmem>>, vector<16xf32>,
    %add3A_354 = arith.addf %add3A_351, %get3A_353 : vector<16xf32>
    %get3A_355 = arith.constant 7440 : index
    %get3A_356 = tpu.vector_load %arg7[%get3A_355] {strides = array<i32>} : memref<16384xf32, #tpu.memory_space<vmem>>, vector<16xf32>,
    %add3A_357 = arith.addf %add3A_354, %get3A_356 : vector<16xf32>
    %get3A_358 = arith.constant 7696 : index
    %get3A_359 = tpu.vector_load %arg7[%get3A_358] {strides = array<i32>} : memref<16384xf32, #tpu.memory_space<vmem>>, vector<16xf32>,
    %add3A_360 = arith.addf %add3A_357, %get3A_359 : vector<16xf32>
    %get3A_361 = arith.constant 7952 : index
    %get3A_362 = tpu.vector_load %arg7[%get3A_361] {strides = array<i32>} : memref<16384xf32, #tpu.memory_space<vmem>>, vector<16xf32>,
    %add3A_363 = arith.addf %add3A_360, %get3A_362 : vector<16xf32>
    %get3A_364 = arith.constant 8208 : index
    %get3A_365 = tpu.vector_load %arg7[%get3A_364] {strides = array<i32>} : memref<16384xf32, #tpu.memory_space<vmem>>, vector<16xf32>,
    %add3A_366 = arith.addf %add3A_363, %get3A_365 : vector<16xf32>
    %get3A_367 = arith.constant 8464 : index
    %get3A_368 = tpu.vector_load %arg7[%get3A_367] {strides = array<i32>} : memref<16384xf32, #tpu.memory_space<vmem>>, vector<16xf32>,
    %add3A_369 = arith.addf %add3A_366, %get3A_368 : vector<16xf32>
    %get3A_370 = arith.constant 8720 : index
    %get3A_371 = tpu.vector_load %arg7[%get3A_370] {strides = array<i32>} : memref<16384xf32, #tpu.memory_space<vmem>>, vector<16xf32>,
    %add3A_372 = arith.addf %add3A_369, %get3A_371 : vector<16xf32>
    %get3A_373 = arith.constant 8976 : index
    %get3A_374 = tpu.vector_load %arg7[%get3A_373] {strides = array<i32>} : memref<16384xf32, #tpu.memory_space<vmem>>, vector<16xf32>,
    %add3A_375 = arith.addf %add3A_372, %get3A_374 : vector<16xf32>
    %get3A_376 = arith.constant 9232 : index
    %get3A_377 = tpu.vector_load %arg7[%get3A_376] {strides = array<i32>} : memref<16384xf32, #tpu.memory_space<vmem>>, vector<16xf32>,
    %add3A_378 = arith.addf %add3A_375, %get3A_377 : vector<16xf32>
    %get3A_379 = arith.constant 9488 : index
    %get3A_380 = tpu.vector_load %arg7[%get3A_379] {strides = array<i32>} : memref<16384xf32, #tpu.memory_space<vmem>>, vector<16xf32>,
    %add3A_381 = arith.addf %add3A_378, %get3A_380 : vector<16xf32>
    %get3A_382 = arith.constant 9744 : index
    %get3A_383 = tpu.vector_load %arg7[%get3A_382] {strides = array<i32>} : memref<16384xf32, #tpu.memory_space<vmem>>, vector<16xf32>,
    %add3A_384 = arith.addf %add3A_381, %get3A_383 : vector<16xf32>
    %get3A_385 = arith.constant 10000 : index
    %get3A_386 = tpu.vector_load %arg7[%get3A_385] {strides = array<i32>} : memref<16384xf32, #tpu.memory_space<vmem>>, vector<16xf32>,
    %add3A_387 = arith.addf %add3A_384, %get3A_386 : vector<16xf32>
    %get3A_388 = arith.constant 10256 : index
    %get3A_389 = tpu.vector_load %arg7[%get3A_388] {strides = array<i32>} : memref<16384xf32, #tpu.memory_space<vmem>>, vector<16xf32>,
    %add3A_390 = arith.addf %add3A_387, %get3A_389 : vector<16xf32>
    %get3A_391 = arith.constant 10512 : index
    %get3A_392 = tpu.vector_load %arg7[%get3A_391] {strides = array<i32>} : memref<16384xf32, #tpu.memory_space<vmem>>, vector<16xf32>,
    %add3A_393 = arith.addf %add3A_390, %get3A_392 : vector<16xf32>
    %get3A_394 = arith.constant 10768 : index
    %get3A_395 = tpu.vector_load %arg7[%get3A_394] {strides = array<i32>} : memref<16384xf32, #tpu.memory_space<vmem>>, vector<16xf32>,
    %add3A_396 = arith.addf %add3A_393, %get3A_395 : vector<16xf32>
    %get3A_397 = arith.constant 11024 : index
    %get3A_398 = tpu.vector_load %arg7[%get3A_397] {strides = array<i32>} : memref<16384xf32, #tpu.memory_space<vmem>>, vector<16xf32>,
    %add3A_399 = arith.addf %add3A_396, %get3A_398 : vector<16xf32>
    %get3A_400 = arith.constant 11280 : index
    %get3A_401 = tpu.vector_load %arg7[%get3A_400] {strides = array<i32>} : memref<16384xf32, #tpu.memory_space<vmem>>, vector<16xf32>,
    %add3A_402 = arith.addf %add3A_399, %get3A_401 : vector<16xf32>
    %get3A_403 = arith.constant 11536 : index
    %get3A_404 = tpu.vector_load %arg7[%get3A_403] {strides = array<i32>} : memref<16384xf32, #tpu.memory_space<vmem>>, vector<16xf32>,
    %add3A_405 = arith.addf %add3A_402, %get3A_404 : vector<16xf32>
    %get3A_406 = arith.constant 11792 : index
    %get3A_407 = tpu.vector_load %arg7[%get3A_406] {strides = array<i32>} : memref<16384xf32, #tpu.memory_space<vmem>>, vector<16xf32>,
    %add3A_408 = arith.addf %add3A_405, %get3A_407 : vector<16xf32>
    %get3A_409 = arith.constant 12048 : index
    %get3A_410 = tpu.vector_load %arg7[%get3A_409] {strides = array<i32>} : memref<16384xf32, #tpu.memory_space<vmem>>, vector<16xf32>,
    %add3A_411 = arith.addf %add3A_408, %get3A_410 : vector<16xf32>
    %get3A_412 = arith.constant 12304 : index
    %get3A_413 = tpu.vector_load %arg7[%get3A_412] {strides = array<i32>} : memref<16384xf32, #tpu.memory_space<vmem>>, vector<16xf32>,
    %add3A_414 = arith.addf %add3A_411, %get3A_413 : vector<16xf32>
    %get3A_415 = arith.constant 12560 : index
    %get3A_416 = tpu.vector_load %arg7[%get3A_415] {strides = array<i32>} : memref<16384xf32, #tpu.memory_space<vmem>>, vector<16xf32>,
    %add3A_417 = arith.addf %add3A_414, %get3A_416 : vector<16xf32>
    %get3A_418 = arith.constant 12816 : index
    %get3A_419 = tpu.vector_load %arg7[%get3A_418] {strides = array<i32>} : memref<16384xf32, #tpu.memory_space<vmem>>, vector<16xf32>,
    %add3A_420 = arith.addf %add3A_417, %get3A_419 : vector<16xf32>
    %get3A_421 = arith.constant 13072 : index
    %get3A_422 = tpu.vector_load %arg7[%get3A_421] {strides = array<i32>} : memref<16384xf32, #tpu.memory_space<vmem>>, vector<16xf32>,
    %add3A_423 = arith.addf %add3A_420, %get3A_422 : vector<16xf32>
    %get3A_424 = arith.constant 13328 : index
    %get3A_425 = tpu.vector_load %arg7[%get3A_424] {strides = array<i32>} : memref<16384xf32, #tpu.memory_space<vmem>>, vector<16xf32>,
    %add3A_426 = arith.addf %add3A_423, %get3A_425 : vector<16xf32>
    %get3A_427 = arith.constant 13584 : index
    %get3A_428 = tpu.vector_load %arg7[%get3A_427] {strides = array<i32>} : memref<16384xf32, #tpu.memory_space<vmem>>, vector<16xf32>,
    %add3A_429 = arith.addf %add3A_426, %get3A_428 : vector<16xf32>
    %get3A_430 = arith.constant 13840 : index
    %get3A_431 = tpu.vector_load %arg7[%get3A_430] {strides = array<i32>} : memref<16384xf32, #tpu.memory_space<vmem>>, vector<16xf32>,
    %add3A_432 = arith.addf %add3A_429, %get3A_431 : vector<16xf32>
    %get3A_433 = arith.constant 14096 : index
    %get3A_434 = tpu.vector_load %arg7[%get3A_433] {strides = array<i32>} : memref<16384xf32, #tpu.memory_space<vmem>>, vector<16xf32>,
    %add3A_435 = arith.addf %add3A_432, %get3A_434 : vector<16xf32>
    %get3A_436 = arith.constant 14352 : index
    %get3A_437 = tpu.vector_load %arg7[%get3A_436] {strides = array<i32>} : memref<16384xf32, #tpu.memory_space<vmem>>, vector<16xf32>,
    %add3A_438 = arith.addf %add3A_435, %get3A_437 : vector<16xf32>
    %get3A_439 = arith.constant 14608 : index
    %get3A_440 = tpu.vector_load %arg7[%get3A_439] {strides = array<i32>} : memref<16384xf32, #tpu.memory_space<vmem>>, vector<16xf32>,
    %add3A_441 = arith.addf %add3A_438, %get3A_440 : vector<16xf32>
    %get3A_442 = arith.constant 14864 : index
    %get3A_443 = tpu.vector_load %arg7[%get3A_442] {strides = array<i32>} : memref<16384xf32, #tpu.memory_space<vmem>>, vector<16xf32>,
    %add3A_444 = arith.addf %add3A_441, %get3A_443 : vector<16xf32>
    %get3A_445 = arith.constant 15120 : index
    %get3A_446 = tpu.vector_load %arg7[%get3A_445] {strides = array<i32>} : memref<16384xf32, #tpu.memory_space<vmem>>, vector<16xf32>,
    %add3A_447 = arith.addf %add3A_444, %get3A_446 : vector<16xf32>
    %get3A_448 = arith.constant 15376 : index
    %get3A_449 = tpu.vector_load %arg7[%get3A_448] {strides = array<i32>} : memref<16384xf32, #tpu.memory_space<vmem>>, vector<16xf32>,
    %add3A_450 = arith.addf %add3A_447, %get3A_449 : vector<16xf32>
    %get3A_451 = arith.constant 15632 : index
    %get3A_452 = tpu.vector_load %arg7[%get3A_451] {strides = array<i32>} : memref<16384xf32, #tpu.memory_space<vmem>>, vector<16xf32>,
    %add3A_453 = arith.addf %add3A_450, %get3A_452 : vector<16xf32>
    %get3A_454 = arith.constant 15888 : index
    %get3A_455 = tpu.vector_load %arg7[%get3A_454] {strides = array<i32>} : memref<16384xf32, #tpu.memory_space<vmem>>, vector<16xf32>,
    %add3A_456 = arith.addf %add3A_453, %get3A_455 : vector<16xf32>
    %get3A_457 = arith.constant 16144 : index
    %get3A_458 = tpu.vector_load %arg7[%get3A_457] {strides = array<i32>} : memref<16384xf32, #tpu.memory_space<vmem>>, vector<16xf32>,
    %add3A_459 = arith.addf %add3A_456, %get3A_458 : vector<16xf32>
    %swap3A_460 = arith.constant 16 : index
    %swap3A_461 = tpu.vector_load %arg8[%swap3A_460] {strides = array<i32>} : memref<256xf32, #tpu.memory_space<vmem>>, vector<16xf32>,
    tpu.vector_store %arg8[%swap3A_460], %add3A_459 {strides = array<i32>} : memref<256xf32, #tpu.memory_space<vmem>>, vector<16xf32>,
    %get3A_462 = arith.constant 32 : index
    %get3A_463 = tpu.vector_load %arg7[%get3A_462] {strides = array<i32>} : memref<16384xf32, #tpu.memory_space<vmem>>, vector<16xf32>,
    %add3A_464 = arith.addf %broadcast_in_dim3A_61, %get3A_463 : vector<16xf32>
    %get3A_465 = arith.constant 288 : index
    %get3A_466 = tpu.vector_load %arg7[%get3A_465] {strides = array<i32>} : memref<16384xf32, #tpu.memory_space<vmem>>, vector<16xf32>,
    %add3A_467 = arith.addf %add3A_464, %get3A_466 : vector<16xf32>
    %get3A_468 = arith.constant 544 : index
    %get3A_469 = tpu.vector_load %arg7[%get3A_468] {strides = array<i32>} : memref<16384xf32, #tpu.memory_space<vmem>>, vector<16xf32>,
    %add3A_470 = arith.addf %add3A_467, %get3A_469 : vector<16xf32>
    %get3A_471 = arith.constant 800 : index
    %get3A_472 = tpu.vector_load %arg7[%get3A_471] {strides = array<i32>} : memref<16384xf32, #tpu.memory_space<vmem>>, vector<16xf32>,
    %add3A_473 = arith.addf %add3A_470, %get3A_472 : vector<16xf32>
    %get3A_474 = arith.constant 1056 : index
    %get3A_475 = tpu.vector_load %arg7[%get3A_474] {strides = array<i32>} : memref<16384xf32, #tpu.memory_space<vmem>>, vector<16xf32>,
    %add3A_476 = arith.addf %add3A_473, %get3A_475 : vector<16xf32>
    %get3A_477 = arith.constant 1312 : index
    %get3A_478 = tpu.vector_load %arg7[%get3A_477] {strides = array<i32>} : memref<16384xf32, #tpu.memory_space<vmem>>, vector<16xf32>,
    %add3A_479 = arith.addf %add3A_476, %get3A_478 : vector<16xf32>
    %get3A_480 = arith.constant 1568 : index
    %get3A_481 = tpu.vector_load %arg7[%get3A_480] {strides = array<i32>} : memref<16384xf32, #tpu.memory_space<vmem>>, vector<16xf32>,
    %add3A_482 = arith.addf %add3A_479, %get3A_481 : vector<16xf32>
    %get3A_483 = arith.constant 1824 : index
    %get3A_484 = tpu.vector_load %arg7[%get3A_483] {strides = array<i32>} : memref<16384xf32, #tpu.memory_space<vmem>>, vector<16xf32>,
    %add3A_485 = arith.addf %add3A_482, %get3A_484 : vector<16xf32>
    %get3A_486 = arith.constant 2080 : index
    %get3A_487 = tpu.vector_load %arg7[%get3A_486] {strides = array<i32>} : memref<16384xf32, #tpu.memory_space<vmem>>, vector<16xf32>,
    %add3A_488 = arith.addf %add3A_485, %get3A_487 : vector<16xf32>
    %get3A_489 = arith.constant 2336 : index
    %get3A_490 = tpu.vector_load %arg7[%get3A_489] {strides = array<i32>} : memref<16384xf32, #tpu.memory_space<vmem>>, vector<16xf32>,
    %add3A_491 = arith.addf %add3A_488, %get3A_490 : vector<16xf32>
    %get3A_492 = arith.constant 2592 : index
    %get3A_493 = tpu.vector_load %arg7[%get3A_492] {strides = array<i32>} : memref<16384xf32, #tpu.memory_space<vmem>>, vector<16xf32>,
    %add3A_494 = arith.addf %add3A_491, %get3A_493 : vector<16xf32>
    %get3A_495 = arith.constant 2848 : index
    %get3A_496 = tpu.vector_load %arg7[%get3A_495] {strides = array<i32>} : memref<16384xf32, #tpu.memory_space<vmem>>, vector<16xf32>,
    %add3A_497 = arith.addf %add3A_494, %get3A_496 : vector<16xf32>
    %get3A_498 = arith.constant 3104 : index
    %get3A_499 = tpu.vector_load %arg7[%get3A_498] {strides = array<i32>} : memref<16384xf32, #tpu.memory_space<vmem>>, vector<16xf32>,
    %add3A_500 = arith.addf %add3A_497, %get3A_499 : vector<16xf32>
    %get3A_501 = arith.constant 3360 : index
    %get3A_502 = tpu.vector_load %arg7[%get3A_501] {strides = array<i32>} : memref<16384xf32, #tpu.memory_space<vmem>>, vector<16xf32>,
    %add3A_503 = arith.addf %add3A_500, %get3A_502 : vector<16xf32>
    %get3A_504 = arith.constant 3616 : index
    %get3A_505 = tpu.vector_load %arg7[%get3A_504] {strides = array<i32>} : memref<16384xf32, #tpu.memory_space<vmem>>, vector<16xf32>,
    %add3A_506 = arith.addf %add3A_503, %get3A_505 : vector<16xf32>
    %get3A_507 = arith.constant 3872 : index
    %get3A_508 = tpu.vector_load %arg7[%get3A_507] {strides = array<i32>} : memref<16384xf32, #tpu.memory_space<vmem>>, vector<16xf32>,
    %add3A_509 = arith.addf %add3A_506, %get3A_508 : vector<16xf32>
    %get3A_510 = arith.constant 4128 : index
    %get3A_511 = tpu.vector_load %arg7[%get3A_510] {strides = array<i32>} : memref<16384xf32, #tpu.memory_space<vmem>>, vector<16xf32>,
    %add3A_512 = arith.addf %add3A_509, %get3A_511 : vector<16xf32>
    %get3A_513 = arith.constant 4384 : index
    %get3A_514 = tpu.vector_load %arg7[%get3A_513] {strides = array<i32>} : memref<16384xf32, #tpu.memory_space<vmem>>, vector<16xf32>,
    %add3A_515 = arith.addf %add3A_512, %get3A_514 : vector<16xf32>
    %get3A_516 = arith.constant 4640 : index
    %get3A_517 = tpu.vector_load %arg7[%get3A_516] {strides = array<i32>} : memref<16384xf32, #tpu.memory_space<vmem>>, vector<16xf32>,
    %add3A_518 = arith.addf %add3A_515, %get3A_517 : vector<16xf32>
    %get3A_519 = arith.constant 4896 : index
    %get3A_520 = tpu.vector_load %arg7[%get3A_519] {strides = array<i32>} : memref<16384xf32, #tpu.memory_space<vmem>>, vector<16xf32>,
    %add3A_521 = arith.addf %add3A_518, %get3A_520 : vector<16xf32>
    %get3A_522 = arith.constant 5152 : index
    %get3A_523 = tpu.vector_load %arg7[%get3A_522] {strides = array<i32>} : memref<16384xf32, #tpu.memory_space<vmem>>, vector<16xf32>,
    %add3A_524 = arith.addf %add3A_521, %get3A_523 : vector<16xf32>
    %get3A_525 = arith.constant 5408 : index
    %get3A_526 = tpu.vector_load %arg7[%get3A_525] {strides = array<i32>} : memref<16384xf32, #tpu.memory_space<vmem>>, vector<16xf32>,
    %add3A_527 = arith.addf %add3A_524, %get3A_526 : vector<16xf32>
    %get3A_528 = arith.constant 5664 : index
    %get3A_529 = tpu.vector_load %arg7[%get3A_528] {strides = array<i32>} : memref<16384xf32, #tpu.memory_space<vmem>>, vector<16xf32>,
    %add3A_530 = arith.addf %add3A_527, %get3A_529 : vector<16xf32>
    %get3A_531 = arith.constant 5920 : index
    %get3A_532 = tpu.vector_load %arg7[%get3A_531] {strides = array<i32>} : memref<16384xf32, #tpu.memory_space<vmem>>, vector<16xf32>,
    %add3A_533 = arith.addf %add3A_530, %get3A_532 : vector<16xf32>
    %get3A_534 = arith.constant 6176 : index
    %get3A_535 = tpu.vector_load %arg7[%get3A_534] {strides = array<i32>} : memref<16384xf32, #tpu.memory_space<vmem>>, vector<16xf32>,
    %add3A_536 = arith.addf %add3A_533, %get3A_535 : vector<16xf32>
    %get3A_537 = arith.constant 6432 : index
    %get3A_538 = tpu.vector_load %arg7[%get3A_537] {strides = array<i32>} : memref<16384xf32, #tpu.memory_space<vmem>>, vector<16xf32>,
    %add3A_539 = arith.addf %add3A_536, %get3A_538 : vector<16xf32>
    %get3A_540 = arith.constant 6688 : index
    %get3A_541 = tpu.vector_load %arg7[%get3A_540] {strides = array<i32>} : memref<16384xf32, #tpu.memory_space<vmem>>, vector<16xf32>,
    %add3A_542 = arith.addf %add3A_539, %get3A_541 : vector<16xf32>
    %get3A_543 = arith.constant 6944 : index
    %get3A_544 = tpu.vector_load %arg7[%get3A_543] {strides = array<i32>} : memref<16384xf32, #tpu.memory_space<vmem>>, vector<16xf32>,
    %add3A_545 = arith.addf %add3A_542, %get3A_544 : vector<16xf32>
    %get3A_546 = arith.constant 7200 : index
    %get3A_547 = tpu.vector_load %arg7[%get3A_546] {strides = array<i32>} : memref<16384xf32, #tpu.memory_space<vmem>>, vector<16xf32>,
    %add3A_548 = arith.addf %add3A_545, %get3A_547 : vector<16xf32>
    %get3A_549 = arith.constant 7456 : index
    %get3A_550 = tpu.vector_load %arg7[%get3A_549] {strides = array<i32>} : memref<16384xf32, #tpu.memory_space<vmem>>, vector<16xf32>,
    %add3A_551 = arith.addf %add3A_548, %get3A_550 : vector<16xf32>
    %get3A_552 = arith.constant 7712 : index
    %get3A_553 = tpu.vector_load %arg7[%get3A_552] {strides = array<i32>} : memref<16384xf32, #tpu.memory_space<vmem>>, vector<16xf32>,
    %add3A_554 = arith.addf %add3A_551, %get3A_553 : vector<16xf32>
    %get3A_555 = arith.constant 7968 : index
    %get3A_556 = tpu.vector_load %arg7[%get3A_555] {strides = array<i32>} : memref<16384xf32, #tpu.memory_space<vmem>>, vector<16xf32>,
    %add3A_557 = arith.addf %add3A_554, %get3A_556 : vector<16xf32>
    %get3A_558 = arith.constant 8224 : index
    %get3A_559 = tpu.vector_load %arg7[%get3A_558] {strides = array<i32>} : memref<16384xf32, #tpu.memory_space<vmem>>, vector<16xf32>,
    %add3A_560 = arith.addf %add3A_557, %get3A_559 : vector<16xf32>
    %get3A_561 = arith.constant 8480 : index
    %get3A_562 = tpu.vector_load %arg7[%get3A_561] {strides = array<i32>} : memref<16384xf32, #tpu.memory_space<vmem>>, vector<16xf32>,
    %add3A_563 = arith.addf %add3A_560, %get3A_562 : vector<16xf32>
    %get3A_564 = arith.constant 8736 : index
    %get3A_565 = tpu.vector_load %arg7[%get3A_564] {strides = array<i32>} : memref<16384xf32, #tpu.memory_space<vmem>>, vector<16xf32>,
    %add3A_566 = arith.addf %add3A_563, %get3A_565 : vector<16xf32>
    %get3A_567 = arith.constant 8992 : index
    %get3A_568 = tpu.vector_load %arg7[%get3A_567] {strides = array<i32>} : memref<16384xf32, #tpu.memory_space<vmem>>, vector<16xf32>,
    %add3A_569 = arith.addf %add3A_566, %get3A_568 : vector<16xf32>
    %get3A_570 = arith.constant 9248 : index
    %get3A_571 = tpu.vector_load %arg7[%get3A_570] {strides = array<i32>} : memref<16384xf32, #tpu.memory_space<vmem>>, vector<16xf32>,
    %add3A_572 = arith.addf %add3A_569, %get3A_571 : vector<16xf32>
    %get3A_573 = arith.constant 9504 : index
    %get3A_574 = tpu.vector_load %arg7[%get3A_573] {strides = array<i32>} : memref<16384xf32, #tpu.memory_space<vmem>>, vector<16xf32>,
    %add3A_575 = arith.addf %add3A_572, %get3A_574 : vector<16xf32>
    %get3A_576 = arith.constant 9760 : index
    %get3A_577 = tpu.vector_load %arg7[%get3A_576] {strides = array<i32>} : memref<16384xf32, #tpu.memory_space<vmem>>, vector<16xf32>,
    %add3A_578 = arith.addf %add3A_575, %get3A_577 : vector<16xf32>
    %get3A_579 = arith.constant 10016 : index
    %get3A_580 = tpu.vector_load %arg7[%get3A_579] {strides = array<i32>} : memref<16384xf32, #tpu.memory_space<vmem>>, vector<16xf32>,
    %add3A_581 = arith.addf %add3A_578, %get3A_580 : vector<16xf32>
    %get3A_582 = arith.constant 10272 : index
    %get3A_583 = tpu.vector_load %arg7[%get3A_582] {strides = array<i32>} : memref<16384xf32, #tpu.memory_space<vmem>>, vector<16xf32>,
    %add3A_584 = arith.addf %add3A_581, %get3A_583 : vector<16xf32>
    %get3A_585 = arith.constant 10528 : index
    %get3A_586 = tpu.vector_load %arg7[%get3A_585] {strides = array<i32>} : memref<16384xf32, #tpu.memory_space<vmem>>, vector<16xf32>,
    %add3A_587 = arith.addf %add3A_584, %get3A_586 : vector<16xf32>
    %get3A_588 = arith.constant 10784 : index
    %get3A_589 = tpu.vector_load %arg7[%get3A_588] {strides = array<i32>} : memref<16384xf32, #tpu.memory_space<vmem>>, vector<16xf32>,
    %add3A_590 = arith.addf %add3A_587, %get3A_589 : vector<16xf32>
    %get3A_591 = arith.constant 11040 : index
    %get3A_592 = tpu.vector_load %arg7[%get3A_591] {strides = array<i32>} : memref<16384xf32, #tpu.memory_space<vmem>>, vector<16xf32>,
    %add3A_593 = arith.addf %add3A_590, %get3A_592 : vector<16xf32>
    %get3A_594 = arith.constant 11296 : index
    %get3A_595 = tpu.vector_load %arg7[%get3A_594] {strides = array<i32>} : memref<16384xf32, #tpu.memory_space<vmem>>, vector<16xf32>,
    %add3A_596 = arith.addf %add3A_593, %get3A_595 : vector<16xf32>
    %get3A_597 = arith.constant 11552 : index
    %get3A_598 = tpu.vector_load %arg7[%get3A_597] {strides = array<i32>} : memref<16384xf32, #tpu.memory_space<vmem>>, vector<16xf32>,
    %add3A_599 = arith.addf %add3A_596, %get3A_598 : vector<16xf32>
    %get3A_600 = arith.constant 11808 : index
    %get3A_601 = tpu.vector_load %arg7[%get3A_600] {strides = array<i32>} : memref<16384xf32, #tpu.memory_space<vmem>>, vector<16xf32>,
    %add3A_602 = arith.addf %add3A_599, %get3A_601 : vector<16xf32>
    %get3A_603 = arith.constant 12064 : index
    %get3A_604 = tpu.vector_load %arg7[%get3A_603] {strides = array<i32>} : memref<16384xf32, #tpu.memory_space<vmem>>, vector<16xf32>,
    %add3A_605 = arith.addf %add3A_602, %get3A_604 : vector<16xf32>
    %get3A_606 = arith.constant 12320 : index
    %get3A_607 = tpu.vector_load %arg7[%get3A_606] {strides = array<i32>} : memref<16384xf32, #tpu.memory_space<vmem>>, vector<16xf32>,
    %add3A_608 = arith.addf %add3A_605, %get3A_607 : vector<16xf32>
    %get3A_609 = arith.constant 12576 : index
    %get3A_610 = tpu.vector_load %arg7[%get3A_609] {strides = array<i32>} : memref<16384xf32, #tpu.memory_space<vmem>>, vector<16xf32>,
    %add3A_611 = arith.addf %add3A_608, %get3A_610 : vector<16xf32>
    %get3A_612 = arith.constant 12832 : index
    %get3A_613 = tpu.vector_load %arg7[%get3A_612] {strides = array<i32>} : memref<16384xf32, #tpu.memory_space<vmem>>, vector<16xf32>,
    %add3A_614 = arith.addf %add3A_611, %get3A_613 : vector<16xf32>
    %get3A_615 = arith.constant 13088 : index
    %get3A_616 = tpu.vector_load %arg7[%get3A_615] {strides = array<i32>} : memref<16384xf32, #tpu.memory_space<vmem>>, vector<16xf32>,
    %add3A_617 = arith.addf %add3A_614, %get3A_616 : vector<16xf32>
    %get3A_618 = arith.constant 13344 : index
    %get3A_619 = tpu.vector_load %arg7[%get3A_618] {strides = array<i32>} : memref<16384xf32, #tpu.memory_space<vmem>>, vector<16xf32>,
    %add3A_620 = arith.addf %add3A_617, %get3A_619 : vector<16xf32>
    %get3A_621 = arith.constant 13600 : index
    %get3A_622 = tpu.vector_load %arg7[%get3A_621] {strides = array<i32>} : memref<16384xf32, #tpu.memory_space<vmem>>, vector<16xf32>,
    %add3A_623 = arith.addf %add3A_620, %get3A_622 : vector<16xf32>
    %get3A_624 = arith.constant 13856 : index
    %get3A_625 = tpu.vector_load %arg7[%get3A_624] {strides = array<i32>} : memref<16384xf32, #tpu.memory_space<vmem>>, vector<16xf32>,
    %add3A_626 = arith.addf %add3A_623, %get3A_625 : vector<16xf32>
    %get3A_627 = arith.constant 14112 : index
    %get3A_628 = tpu.vector_load %arg7[%get3A_627] {strides = array<i32>} : memref<16384xf32, #tpu.memory_space<vmem>>, vector<16xf32>,
    %add3A_629 = arith.addf %add3A_626, %get3A_628 : vector<16xf32>
    %get3A_630 = arith.constant 14368 : index
    %get3A_631 = tpu.vector_load %arg7[%get3A_630] {strides = array<i32>} : memref<16384xf32, #tpu.memory_space<vmem>>, vector<16xf32>,
    %add3A_632 = arith.addf %add3A_629, %get3A_631 : vector<16xf32>
    %get3A_633 = arith.constant 14624 : index
    %get3A_634 = tpu.vector_load %arg7[%get3A_633] {strides = array<i32>} : memref<16384xf32, #tpu.memory_space<vmem>>, vector<16xf32>,
    %add3A_635 = arith.addf %add3A_632, %get3A_634 : vector<16xf32>
    %get3A_636 = arith.constant 14880 : index
    %get3A_637 = tpu.vector_load %arg7[%get3A_636] {strides = array<i32>} : memref<16384xf32, #tpu.memory_space<vmem>>, vector<16xf32>,
    %add3A_638 = arith.addf %add3A_635, %get3A_637 : vector<16xf32>
    %get3A_639 = arith.constant 15136 : index
    %get3A_640 = tpu.vector_load %arg7[%get3A_639] {strides = array<i32>} : memref<16384xf32, #tpu.memory_space<vmem>>, vector<16xf32>,
    %add3A_641 = arith.addf %add3A_638, %get3A_640 : vector<16xf32>
    %get3A_642 = arith.constant 15392 : index
    %get3A_643 = tpu.vector_load %arg7[%get3A_642] {strides = array<i32>} : memref<16384xf32, #tpu.memory_space<vmem>>, vector<16xf32>,
    %add3A_644 = arith.addf %add3A_641, %get3A_643 : vector<16xf32>
    %get3A_645 = arith.constant 15648 : index
    %get3A_646 = tpu.vector_load %arg7[%get3A_645] {strides = array<i32>} : memref<16384xf32, #tpu.memory_space<vmem>>, vector<16xf32>,
    %add3A_647 = arith.addf %add3A_644, %get3A_646 : vector<16xf32>
    %get3A_648 = arith.constant 15904 : index
    %get3A_649 = tpu.vector_load %arg7[%get3A_648] {strides = array<i32>} : memref<16384xf32, #tpu.memory_space<vmem>>, vector<16xf32>,
    %add3A_650 = arith.addf %add3A_647, %get3A_649 : vector<16xf32>
    %get3A_651 = arith.constant 16160 : index
    %get3A_652 = tpu.vector_load %arg7[%get3A_651] {strides = array<i32>} : memref<16384xf32, #tpu.memory_space<vmem>>, vector<16xf32>,
    %add3A_653 = arith.addf %add3A_650, %get3A_652 : vector<16xf32>
    %swap3A_654 = arith.constant 32 : index
    %swap3A_655 = tpu.vector_load %arg8[%swap3A_654] {strides = array<i32>} : memref<256xf32, #tpu.memory_space<vmem>>, vector<16xf32>,
    tpu.vector_store %arg8[%swap3A_654], %add3A_653 {strides = array<i32>} : memref<256xf32, #tpu.memory_space<vmem>>, vector<16xf32>,
    %get3A_656 = arith.constant 48 : index
    %get3A_657 = tpu.vector_load %arg7[%get3A_656] {strides = array<i32>} : memref<16384xf32, #tpu.memory_space<vmem>>, vector<16xf32>,
    %add3A_658 = arith.addf %broadcast_in_dim3A_61, %get3A_657 : vector<16xf32>
    %get3A_659 = arith.constant 304 : index
    %get3A_660 = tpu.vector_load %arg7[%get3A_659] {strides = array<i32>} : memref<16384xf32, #tpu.memory_space<vmem>>, vector<16xf32>,
    %add3A_661 = arith.addf %add3A_658, %get3A_660 : vector<16xf32>
    %get3A_662 = arith.constant 560 : index
    %get3A_663 = tpu.vector_load %arg7[%get3A_662] {strides = array<i32>} : memref<16384xf32, #tpu.memory_space<vmem>>, vector<16xf32>,
    %add3A_664 = arith.addf %add3A_661, %get3A_663 : vector<16xf32>
    %get3A_665 = arith.constant 816 : index
    %get3A_666 = tpu.vector_load %arg7[%get3A_665] {strides = array<i32>} : memref<16384xf32, #tpu.memory_space<vmem>>, vector<16xf32>,
    %add3A_667 = arith.addf %add3A_664, %get3A_666 : vector<16xf32>
    %get3A_668 = arith.constant 1072 : index
    %get3A_669 = tpu.vector_load %arg7[%get3A_668] {strides = array<i32>} : memref<16384xf32, #tpu.memory_space<vmem>>, vector<16xf32>,
    %add3A_670 = arith.addf %add3A_667, %get3A_669 : vector<16xf32>
    %get3A_671 = arith.constant 1328 : index
    %get3A_672 = tpu.vector_load %arg7[%get3A_671] {strides = array<i32>} : memref<16384xf32, #tpu.memory_space<vmem>>, vector<16xf32>,
    %add3A_673 = arith.addf %add3A_670, %get3A_672 : vector<16xf32>
    %get3A_674 = arith.constant 1584 : index
    %get3A_675 = tpu.vector_load %arg7[%get3A_674] {strides = array<i32>} : memref<16384xf32, #tpu.memory_space<vmem>>, vector<16xf32>,
    %add3A_676 = arith.addf %add3A_673, %get3A_675 : vector<16xf32>
    %get3A_677 = arith.constant 1840 : index
    %get3A_678 = tpu.vector_load %arg7[%get3A_677] {strides = array<i32>} : memref<16384xf32, #tpu.memory_space<vmem>>, vector<16xf32>,
    %add3A_679 = arith.addf %add3A_676, %get3A_678 : vector<16xf32>
    %get3A_680 = arith.constant 2096 : index
    %get3A_681 = tpu.vector_load %arg7[%get3A_680] {strides = array<i32>} : memref<16384xf32, #tpu.memory_space<vmem>>, vector<16xf32>,
    %add3A_682 = arith.addf %add3A_679, %get3A_681 : vector<16xf32>
    %get3A_683 = arith.constant 2352 : index
    %get3A_684 = tpu.vector_load %arg7[%get3A_683] {strides = array<i32>} : memref<16384xf32, #tpu.memory_space<vmem>>, vector<16xf32>,
    %add3A_685 = arith.addf %add3A_682, %get3A_684 : vector<16xf32>
    %get3A_686 = arith.constant 2608 : index
    %get3A_687 = tpu.vector_load %arg7[%get3A_686] {strides = array<i32>} : memref<16384xf32, #tpu.memory_space<vmem>>, vector<16xf32>,
    %add3A_688 = arith.addf %add3A_685, %get3A_687 : vector<16xf32>
    %get3A_689 = arith.constant 2864 : index
    %get3A_690 = tpu.vector_load %arg7[%get3A_689] {strides = array<i32>} : memref<16384xf32, #tpu.memory_space<vmem>>, vector<16xf32>,
    %add3A_691 = arith.addf %add3A_688, %get3A_690 : vector<16xf32>
    %get3A_692 = arith.constant 3120 : index
    %get3A_693 = tpu.vector_load %arg7[%get3A_692] {strides = array<i32>} : memref<16384xf32, #tpu.memory_space<vmem>>, vector<16xf32>,
    %add3A_694 = arith.addf %add3A_691, %get3A_693 : vector<16xf32>
    %get3A_695 = arith.constant 3376 : index
    %get3A_696 = tpu.vector_load %arg7[%get3A_695] {strides = array<i32>} : memref<16384xf32, #tpu.memory_space<vmem>>, vector<16xf32>,
    %add3A_697 = arith.addf %add3A_694, %get3A_696 : vector<16xf32>
    %get3A_698 = arith.constant 3632 : index
    %get3A_699 = tpu.vector_load %arg7[%get3A_698] {strides = array<i32>} : memref<16384xf32, #tpu.memory_space<vmem>>, vector<16xf32>,
    %add3A_700 = arith.addf %add3A_697, %get3A_699 : vector<16xf32>
    %get3A_701 = arith.constant 3888 : index
    %get3A_702 = tpu.vector_load %arg7[%get3A_701] {strides = array<i32>} : memref<16384xf32, #tpu.memory_space<vmem>>, vector<16xf32>,
    %add3A_703 = arith.addf %add3A_700, %get3A_702 : vector<16xf32>
    %get3A_704 = arith.constant 4144 : index
    %get3A_705 = tpu.vector_load %arg7[%get3A_704] {strides = array<i32>} : memref<16384xf32, #tpu.memory_space<vmem>>, vector<16xf32>,
    %add3A_706 = arith.addf %add3A_703, %get3A_705 : vector<16xf32>
    %get3A_707 = arith.constant 4400 : index
    %get3A_708 = tpu.vector_load %arg7[%get3A_707] {strides = array<i32>} : memref<16384xf32, #tpu.memory_space<vmem>>, vector<16xf32>,
    %add3A_709 = arith.addf %add3A_706, %get3A_708 : vector<16xf32>
    %get3A_710 = arith.constant 4656 : index
    %get3A_711 = tpu.vector_load %arg7[%get3A_710] {strides = array<i32>} : memref<16384xf32, #tpu.memory_space<vmem>>, vector<16xf32>,
    %add3A_712 = arith.addf %add3A_709, %get3A_711 : vector<16xf32>
    %get3A_713 = arith.constant 4912 : index
    %get3A_714 = tpu.vector_load %arg7[%get3A_713] {strides = array<i32>} : memref<16384xf32, #tpu.memory_space<vmem>>, vector<16xf32>,
    %add3A_715 = arith.addf %add3A_712, %get3A_714 : vector<16xf32>
    %get3A_716 = arith.constant 5168 : index
    %get3A_717 = tpu.vector_load %arg7[%get3A_716] {strides = array<i32>} : memref<16384xf32, #tpu.memory_space<vmem>>, vector<16xf32>,
    %add3A_718 = arith.addf %add3A_715, %get3A_717 : vector<16xf32>
    %get3A_719 = arith.constant 5424 : index
    %get3A_720 = tpu.vector_load %arg7[%get3A_719] {strides = array<i32>} : memref<16384xf32, #tpu.memory_space<vmem>>, vector<16xf32>,
    %add3A_721 = arith.addf %add3A_718, %get3A_720 : vector<16xf32>
    %get3A_722 = arith.constant 5680 : index
    %get3A_723 = tpu.vector_load %arg7[%get3A_722] {strides = array<i32>} : memref<16384xf32, #tpu.memory_space<vmem>>, vector<16xf32>,
    %add3A_724 = arith.addf %add3A_721, %get3A_723 : vector<16xf32>
    %get3A_725 = arith.constant 5936 : index
    %get3A_726 = tpu.vector_load %arg7[%get3A_725] {strides = array<i32>} : memref<16384xf32, #tpu.memory_space<vmem>>, vector<16xf32>,
    %add3A_727 = arith.addf %add3A_724, %get3A_726 : vector<16xf32>
    %get3A_728 = arith.constant 6192 : index
    %get3A_729 = tpu.vector_load %arg7[%get3A_728] {strides = array<i32>} : memref<16384xf32, #tpu.memory_space<vmem>>, vector<16xf32>,
    %add3A_730 = arith.addf %add3A_727, %get3A_729 : vector<16xf32>
    %get3A_731 = arith.constant 6448 : index
    %get3A_732 = tpu.vector_load %arg7[%get3A_731] {strides = array<i32>} : memref<16384xf32, #tpu.memory_space<vmem>>, vector<16xf32>,
    %add3A_733 = arith.addf %add3A_730, %get3A_732 : vector<16xf32>
    %get3A_734 = arith.constant 6704 : index
    %get3A_735 = tpu.vector_load %arg7[%get3A_734] {strides = array<i32>} : memref<16384xf32, #tpu.memory_space<vmem>>, vector<16xf32>,
    %add3A_736 = arith.addf %add3A_733, %get3A_735 : vector<16xf32>
    %get3A_737 = arith.constant 6960 : index
    %get3A_738 = tpu.vector_load %arg7[%get3A_737] {strides = array<i32>} : memref<16384xf32, #tpu.memory_space<vmem>>, vector<16xf32>,
    %add3A_739 = arith.addf %add3A_736, %get3A_738 : vector<16xf32>
    %get3A_740 = arith.constant 7216 : index
    %get3A_741 = tpu.vector_load %arg7[%get3A_740] {strides = array<i32>} : memref<16384xf32, #tpu.memory_space<vmem>>, vector<16xf32>,
    %add3A_742 = arith.addf %add3A_739, %get3A_741 : vector<16xf32>
    %get3A_743 = arith.constant 7472 : index
    %get3A_744 = tpu.vector_load %arg7[%get3A_743] {strides = array<i32>} : memref<16384xf32, #tpu.memory_space<vmem>>, vector<16xf32>,
    %add3A_745 = arith.addf %add3A_742, %get3A_744 : vector<16xf32>
    %get3A_746 = arith.constant 7728 : index
    %get3A_747 = tpu.vector_load %arg7[%get3A_746] {strides = array<i32>} : memref<16384xf32, #tpu.memory_space<vmem>>, vector<16xf32>,
    %add3A_748 = arith.addf %add3A_745, %get3A_747 : vector<16xf32>
    %get3A_749 = arith.constant 7984 : index
    %get3A_750 = tpu.vector_load %arg7[%get3A_749] {strides = array<i32>} : memref<16384xf32, #tpu.memory_space<vmem>>, vector<16xf32>,
    %add3A_751 = arith.addf %add3A_748, %get3A_750 : vector<16xf32>
    %get3A_752 = arith.constant 8240 : index
    %get3A_753 = tpu.vector_load %arg7[%get3A_752] {strides = array<i32>} : memref<16384xf32, #tpu.memory_space<vmem>>, vector<16xf32>,
    %add3A_754 = arith.addf %add3A_751, %get3A_753 : vector<16xf32>
    %get3A_755 = arith.constant 8496 : index
    %get3A_756 = tpu.vector_load %arg7[%get3A_755] {strides = array<i32>} : memref<16384xf32, #tpu.memory_space<vmem>>, vector<16xf32>,
    %add3A_757 = arith.addf %add3A_754, %get3A_756 : vector<16xf32>
    %get3A_758 = arith.constant 8752 : index
    %get3A_759 = tpu.vector_load %arg7[%get3A_758] {strides = array<i32>} : memref<16384xf32, #tpu.memory_space<vmem>>, vector<16xf32>,
    %add3A_760 = arith.addf %add3A_757, %get3A_759 : vector<16xf32>
    %get3A_761 = arith.constant 9008 : index
    %get3A_762 = tpu.vector_load %arg7[%get3A_761] {strides = array<i32>} : memref<16384xf32, #tpu.memory_space<vmem>>, vector<16xf32>,
    %add3A_763 = arith.addf %add3A_760, %get3A_762 : vector<16xf32>
    %get3A_764 = arith.constant 9264 : index
    %get3A_765 = tpu.vector_load %arg7[%get3A_764] {strides = array<i32>} : memref<16384xf32, #tpu.memory_space<vmem>>, vector<16xf32>,
    %add3A_766 = arith.addf %add3A_763, %get3A_765 : vector<16xf32>
    %get3A_767 = arith.constant 9520 : index
    %get3A_768 = tpu.vector_load %arg7[%get3A_767] {strides = array<i32>} : memref<16384xf32, #tpu.memory_space<vmem>>, vector<16xf32>,
    %add3A_769 = arith.addf %add3A_766, %get3A_768 : vector<16xf32>
    %get3A_770 = arith.constant 9776 : index
    %get3A_771 = tpu.vector_load %arg7[%get3A_770] {strides = array<i32>} : memref<16384xf32, #tpu.memory_space<vmem>>, vector<16xf32>,
    %add3A_772 = arith.addf %add3A_769, %get3A_771 : vector<16xf32>
    %get3A_773 = arith.constant 10032 : index
    %get3A_774 = tpu.vector_load %arg7[%get3A_773] {strides = array<i32>} : memref<16384xf32, #tpu.memory_space<vmem>>, vector<16xf32>,
    %add3A_775 = arith.addf %add3A_772, %get3A_774 : vector<16xf32>
    %get3A_776 = arith.constant 10288 : index
    %get3A_777 = tpu.vector_load %arg7[%get3A_776] {strides = array<i32>} : memref<16384xf32, #tpu.memory_space<vmem>>, vector<16xf32>,
    %add3A_778 = arith.addf %add3A_775, %get3A_777 : vector<16xf32>
    %get3A_779 = arith.constant 10544 : index
    %get3A_780 = tpu.vector_load %arg7[%get3A_779] {strides = array<i32>} : memref<16384xf32, #tpu.memory_space<vmem>>, vector<16xf32>,
    %add3A_781 = arith.addf %add3A_778, %get3A_780 : vector<16xf32>
    %get3A_782 = arith.constant 10800 : index
    %get3A_783 = tpu.vector_load %arg7[%get3A_782] {strides = array<i32>} : memref<16384xf32, #tpu.memory_space<vmem>>, vector<16xf32>,
    %add3A_784 = arith.addf %add3A_781, %get3A_783 : vector<16xf32>
    %get3A_785 = arith.constant 11056 : index
    %get3A_786 = tpu.vector_load %arg7[%get3A_785] {strides = array<i32>} : memref<16384xf32, #tpu.memory_space<vmem>>, vector<16xf32>,
    %add3A_787 = arith.addf %add3A_784, %get3A_786 : vector<16xf32>
    %get3A_788 = arith.constant 11312 : index
    %get3A_789 = tpu.vector_load %arg7[%get3A_788] {strides = array<i32>} : memref<16384xf32, #tpu.memory_space<vmem>>, vector<16xf32>,
    %add3A_790 = arith.addf %add3A_787, %get3A_789 : vector<16xf32>
    %get3A_791 = arith.constant 11568 : index
    %get3A_792 = tpu.vector_load %arg7[%get3A_791] {strides = array<i32>} : memref<16384xf32, #tpu.memory_space<vmem>>, vector<16xf32>,
    %add3A_793 = arith.addf %add3A_790, %get3A_792 : vector<16xf32>
    %get3A_794 = arith.constant 11824 : index
    %get3A_795 = tpu.vector_load %arg7[%get3A_794] {strides = array<i32>} : memref<16384xf32, #tpu.memory_space<vmem>>, vector<16xf32>,
    %add3A_796 = arith.addf %add3A_793, %get3A_795 : vector<16xf32>
    %get3A_797 = arith.constant 12080 : index
    %get3A_798 = tpu.vector_load %arg7[%get3A_797] {strides = array<i32>} : memref<16384xf32, #tpu.memory_space<vmem>>, vector<16xf32>,
    %add3A_799 = arith.addf %add3A_796, %get3A_798 : vector<16xf32>
    %get3A_800 = arith.constant 12336 : index
    %get3A_801 = tpu.vector_load %arg7[%get3A_800] {strides = array<i32>} : memref<16384xf32, #tpu.memory_space<vmem>>, vector<16xf32>,
    %add3A_802 = arith.addf %add3A_799, %get3A_801 : vector<16xf32>
    %get3A_803 = arith.constant 12592 : index
    %get3A_804 = tpu.vector_load %arg7[%get3A_803] {strides = array<i32>} : memref<16384xf32, #tpu.memory_space<vmem>>, vector<16xf32>,
    %add3A_805 = arith.addf %add3A_802, %get3A_804 : vector<16xf32>
    %get3A_806 = arith.constant 12848 : index
    %get3A_807 = tpu.vector_load %arg7[%get3A_806] {strides = array<i32>} : memref<16384xf32, #tpu.memory_space<vmem>>, vector<16xf32>,
    %add3A_808 = arith.addf %add3A_805, %get3A_807 : vector<16xf32>
    %get3A_809 = arith.constant 13104 : index
    %get3A_810 = tpu.vector_load %arg7[%get3A_809] {strides = array<i32>} : memref<16384xf32, #tpu.memory_space<vmem>>, vector<16xf32>,
    %add3A_811 = arith.addf %add3A_808, %get3A_810 : vector<16xf32>
    %get3A_812 = arith.constant 13360 : index
    %get3A_813 = tpu.vector_load %arg7[%get3A_812] {strides = array<i32>} : memref<16384xf32, #tpu.memory_space<vmem>>, vector<16xf32>,
    %add3A_814 = arith.addf %add3A_811, %get3A_813 : vector<16xf32>
    %get3A_815 = arith.constant 13616 : index
    %get3A_816 = tpu.vector_load %arg7[%get3A_815] {strides = array<i32>} : memref<16384xf32, #tpu.memory_space<vmem>>, vector<16xf32>,
    %add3A_817 = arith.addf %add3A_814, %get3A_816 : vector<16xf32>
    %get3A_818 = arith.constant 13872 : index
    %get3A_819 = tpu.vector_load %arg7[%get3A_818] {strides = array<i32>} : memref<16384xf32, #tpu.memory_space<vmem>>, vector<16xf32>,
    %add3A_820 = arith.addf %add3A_817, %get3A_819 : vector<16xf32>
    %get3A_821 = arith.constant 14128 : index
    %get3A_822 = tpu.vector_load %arg7[%get3A_821] {strides = array<i32>} : memref<16384xf32, #tpu.memory_space<vmem>>, vector<16xf32>,
    %add3A_823 = arith.addf %add3A_820, %get3A_822 : vector<16xf32>
    %get3A_824 = arith.constant 14384 : index
    %get3A_825 = tpu.vector_load %arg7[%get3A_824] {strides = array<i32>} : memref<16384xf32, #tpu.memory_space<vmem>>, vector<16xf32>,
    %add3A_826 = arith.addf %add3A_823, %get3A_825 : vector<16xf32>
    %get3A_827 = arith.constant 14640 : index
    %get3A_828 = tpu.vector_load %arg7[%get3A_827] {strides = array<i32>} : memref<16384xf32, #tpu.memory_space<vmem>>, vector<16xf32>,
    %add3A_829 = arith.addf %add3A_826, %get3A_828 : vector<16xf32>
    %get3A_830 = arith.constant 14896 : index
    %get3A_831 = tpu.vector_load %arg7[%get3A_830] {strides = array<i32>} : memref<16384xf32, #tpu.memory_space<vmem>>, vector<16xf32>,
    %add3A_832 = arith.addf %add3A_829, %get3A_831 : vector<16xf32>
    %get3A_833 = arith.constant 15152 : index
    %get3A_834 = tpu.vector_load %arg7[%get3A_833] {strides = array<i32>} : memref<16384xf32, #tpu.memory_space<vmem>>, vector<16xf32>,
    %add3A_835 = arith.addf %add3A_832, %get3A_834 : vector<16xf32>
    %get3A_836 = arith.constant 15408 : index
    %get3A_837 = tpu.vector_load %arg7[%get3A_836] {strides = array<i32>} : memref<16384xf32, #tpu.memory_space<vmem>>, vector<16xf32>,
    %add3A_838 = arith.addf %add3A_835, %get3A_837 : vector<16xf32>
    %get3A_839 = arith.constant 15664 : index
    %get3A_840 = tpu.vector_load %arg7[%get3A_839] {strides = array<i32>} : memref<16384xf32, #tpu.memory_space<vmem>>, vector<16xf32>,
    %add3A_841 = arith.addf %add3A_838, %get3A_840 : vector<16xf32>
    %get3A_842 = arith.constant 15920 : index
    %get3A_843 = tpu.vector_load %arg7[%get3A_842] {strides = array<i32>} : memref<16384xf32, #tpu.memory_space<vmem>>, vector<16xf32>,
    %add3A_844 = arith.addf %add3A_841, %get3A_843 : vector<16xf32>
    %get3A_845 = arith.constant 16176 : index
    %get3A_846 = tpu.vector_load %arg7[%get3A_845] {strides = array<i32>} : memref<16384xf32, #tpu.memory_space<vmem>>, vector<16xf32>,
    %add3A_847 = arith.addf %add3A_844, %get3A_846 : vector<16xf32>
    %swap3A_848 = arith.constant 48 : index
    %swap3A_849 = tpu.vector_load %arg8[%swap3A_848] {strides = array<i32>} : memref<256xf32, #tpu.memory_space<vmem>>, vector<16xf32>,
    tpu.vector_store %arg8[%swap3A_848], %add3A_847 {strides = array<i32>} : memref<256xf32, #tpu.memory_space<vmem>>, vector<16xf32>,
    %get3A_850 = arith.constant 64 : index
    %get3A_851 = tpu.vector_load %arg7[%get3A_850] {strides = array<i32>} : memref<16384xf32, #tpu.memory_space<vmem>>, vector<16xf32>,
    %add3A_852 = arith.addf %broadcast_in_dim3A_61, %get3A_851 : vector<16xf32>
    %get3A_853 = arith.constant 320 : index
    %get3A_854 = tpu.vector_load %arg7[%get3A_853] {strides = array<i32>} : memref<16384xf32, #tpu.memory_space<vmem>>, vector<16xf32>,
    %add3A_855 = arith.addf %add3A_852, %get3A_854 : vector<16xf32>
    %get3A_856 = arith.constant 576 : index
    %get3A_857 = tpu.vector_load %arg7[%get3A_856] {strides = array<i32>} : memref<16384xf32, #tpu.memory_space<vmem>>, vector<16xf32>,
    %add3A_858 = arith.addf %add3A_855, %get3A_857 : vector<16xf32>
    %get3A_859 = arith.constant 832 : index
    %get3A_860 = tpu.vector_load %arg7[%get3A_859] {strides = array<i32>} : memref<16384xf32, #tpu.memory_space<vmem>>, vector<16xf32>,
    %add3A_861 = arith.addf %add3A_858, %get3A_860 : vector<16xf32>
    %get3A_862 = arith.constant 1088 : index
    %get3A_863 = tpu.vector_load %arg7[%get3A_862] {strides = array<i32>} : memref<16384xf32, #tpu.memory_space<vmem>>, vector<16xf32>,
    %add3A_864 = arith.addf %add3A_861, %get3A_863 : vector<16xf32>
    %get3A_865 = arith.constant 1344 : index
    %get3A_866 = tpu.vector_load %arg7[%get3A_865] {strides = array<i32>} : memref<16384xf32, #tpu.memory_space<vmem>>, vector<16xf32>,
    %add3A_867 = arith.addf %add3A_864, %get3A_866 : vector<16xf32>
    %get3A_868 = arith.constant 1600 : index
    %get3A_869 = tpu.vector_load %arg7[%get3A_868] {strides = array<i32>} : memref<16384xf32, #tpu.memory_space<vmem>>, vector<16xf32>,
    %add3A_870 = arith.addf %add3A_867, %get3A_869 : vector<16xf32>
    %get3A_871 = arith.constant 1856 : index
    %get3A_872 = tpu.vector_load %arg7[%get3A_871] {strides = array<i32>} : memref<16384xf32, #tpu.memory_space<vmem>>, vector<16xf32>,
    %add3A_873 = arith.addf %add3A_870, %get3A_872 : vector<16xf32>
    %get3A_874 = arith.constant 2112 : index
    %get3A_875 = tpu.vector_load %arg7[%get3A_874] {strides = array<i32>} : memref<16384xf32, #tpu.memory_space<vmem>>, vector<16xf32>,
    %add3A_876 = arith.addf %add3A_873, %get3A_875 : vector<16xf32>
    %get3A_877 = arith.constant 2368 : index
    %get3A_878 = tpu.vector_load %arg7[%get3A_877] {strides = array<i32>} : memref<16384xf32, #tpu.memory_space<vmem>>, vector<16xf32>,
    %add3A_879 = arith.addf %add3A_876, %get3A_878 : vector<16xf32>
    %get3A_880 = arith.constant 2624 : index
    %get3A_881 = tpu.vector_load %arg7[%get3A_880] {strides = array<i32>} : memref<16384xf32, #tpu.memory_space<vmem>>, vector<16xf32>,
    %add3A_882 = arith.addf %add3A_879, %get3A_881 : vector<16xf32>
    %get3A_883 = arith.constant 2880 : index
    %get3A_884 = tpu.vector_load %arg7[%get3A_883] {strides = array<i32>} : memref<16384xf32, #tpu.memory_space<vmem>>, vector<16xf32>,
    %add3A_885 = arith.addf %add3A_882, %get3A_884 : vector<16xf32>
    %get3A_886 = arith.constant 3136 : index
    %get3A_887 = tpu.vector_load %arg7[%get3A_886] {strides = array<i32>} : memref<16384xf32, #tpu.memory_space<vmem>>, vector<16xf32>,
    %add3A_888 = arith.addf %add3A_885, %get3A_887 : vector<16xf32>
    %get3A_889 = arith.constant 3392 : index
    %get3A_890 = tpu.vector_load %arg7[%get3A_889] {strides = array<i32>} : memref<16384xf32, #tpu.memory_space<vmem>>, vector<16xf32>,
    %add3A_891 = arith.addf %add3A_888, %get3A_890 : vector<16xf32>
    %get3A_892 = arith.constant 3648 : index
    %get3A_893 = tpu.vector_load %arg7[%get3A_892] {strides = array<i32>} : memref<16384xf32, #tpu.memory_space<vmem>>, vector<16xf32>,
    %add3A_894 = arith.addf %add3A_891, %get3A_893 : vector<16xf32>
    %get3A_895 = arith.constant 3904 : index
    %get3A_896 = tpu.vector_load %arg7[%get3A_895] {strides = array<i32>} : memref<16384xf32, #tpu.memory_space<vmem>>, vector<16xf32>,
    %add3A_897 = arith.addf %add3A_894, %get3A_896 : vector<16xf32>
    %get3A_898 = arith.constant 4160 : index
    %get3A_899 = tpu.vector_load %arg7[%get3A_898] {strides = array<i32>} : memref<16384xf32, #tpu.memory_space<vmem>>, vector<16xf32>,
    %add3A_900 = arith.addf %add3A_897, %get3A_899 : vector<16xf32>
    %get3A_901 = arith.constant 4416 : index
    %get3A_902 = tpu.vector_load %arg7[%get3A_901] {strides = array<i32>} : memref<16384xf32, #tpu.memory_space<vmem>>, vector<16xf32>,
    %add3A_903 = arith.addf %add3A_900, %get3A_902 : vector<16xf32>
    %get3A_904 = arith.constant 4672 : index
    %get3A_905 = tpu.vector_load %arg7[%get3A_904] {strides = array<i32>} : memref<16384xf32, #tpu.memory_space<vmem>>, vector<16xf32>,
    %add3A_906 = arith.addf %add3A_903, %get3A_905 : vector<16xf32>
    %get3A_907 = arith.constant 4928 : index
    %get3A_908 = tpu.vector_load %arg7[%get3A_907] {strides = array<i32>} : memref<16384xf32, #tpu.memory_space<vmem>>, vector<16xf32>,
    %add3A_909 = arith.addf %add3A_906, %get3A_908 : vector<16xf32>
    %get3A_910 = arith.constant 5184 : index
    %get3A_911 = tpu.vector_load %arg7[%get3A_910] {strides = array<i32>} : memref<16384xf32, #tpu.memory_space<vmem>>, vector<16xf32>,
    %add3A_912 = arith.addf %add3A_909, %get3A_911 : vector<16xf32>
    %get3A_913 = arith.constant 5440 : index
    %get3A_914 = tpu.vector_load %arg7[%get3A_913] {strides = array<i32>} : memref<16384xf32, #tpu.memory_space<vmem>>, vector<16xf32>,
    %add3A_915 = arith.addf %add3A_912, %get3A_914 : vector<16xf32>
    %get3A_916 = arith.constant 5696 : index
    %get3A_917 = tpu.vector_load %arg7[%get3A_916] {strides = array<i32>} : memref<16384xf32, #tpu.memory_space<vmem>>, vector<16xf32>,
    %add3A_918 = arith.addf %add3A_915, %get3A_917 : vector<16xf32>
    %get3A_919 = arith.constant 5952 : index
    %get3A_920 = tpu.vector_load %arg7[%get3A_919] {strides = array<i32>} : memref<16384xf32, #tpu.memory_space<vmem>>, vector<16xf32>,
    %add3A_921 = arith.addf %add3A_918, %get3A_920 : vector<16xf32>
    %get3A_922 = arith.constant 6208 : index
    %get3A_923 = tpu.vector_load %arg7[%get3A_922] {strides = array<i32>} : memref<16384xf32, #tpu.memory_space<vmem>>, vector<16xf32>,
    %add3A_924 = arith.addf %add3A_921, %get3A_923 : vector<16xf32>
    %get3A_925 = arith.constant 6464 : index
    %get3A_926 = tpu.vector_load %arg7[%get3A_925] {strides = array<i32>} : memref<16384xf32, #tpu.memory_space<vmem>>, vector<16xf32>,
    %add3A_927 = arith.addf %add3A_924, %get3A_926 : vector<16xf32>
    %get3A_928 = arith.constant 6720 : index
    %get3A_929 = tpu.vector_load %arg7[%get3A_928] {strides = array<i32>} : memref<16384xf32, #tpu.memory_space<vmem>>, vector<16xf32>,
    %add3A_930 = arith.addf %add3A_927, %get3A_929 : vector<16xf32>
    %get3A_931 = arith.constant 6976 : index
    %get3A_932 = tpu.vector_load %arg7[%get3A_931] {strides = array<i32>} : memref<16384xf32, #tpu.memory_space<vmem>>, vector<16xf32>,
    %add3A_933 = arith.addf %add3A_930, %get3A_932 : vector<16xf32>
    %get3A_934 = arith.constant 7232 : index
    %get3A_935 = tpu.vector_load %arg7[%get3A_934] {strides = array<i32>} : memref<16384xf32, #tpu.memory_space<vmem>>, vector<16xf32>,
    %add3A_936 = arith.addf %add3A_933, %get3A_935 : vector<16xf32>
    %get3A_937 = arith.constant 7488 : index
    %get3A_938 = tpu.vector_load %arg7[%get3A_937] {strides = array<i32>} : memref<16384xf32, #tpu.memory_space<vmem>>, vector<16xf32>,
    %add3A_939 = arith.addf %add3A_936, %get3A_938 : vector<16xf32>
    %get3A_940 = arith.constant 7744 : index
    %get3A_941 = tpu.vector_load %arg7[%get3A_940] {strides = array<i32>} : memref<16384xf32, #tpu.memory_space<vmem>>, vector<16xf32>,
    %add3A_942 = arith.addf %add3A_939, %get3A_941 : vector<16xf32>
    %get3A_943 = arith.constant 8000 : index
    %get3A_944 = tpu.vector_load %arg7[%get3A_943] {strides = array<i32>} : memref<16384xf32, #tpu.memory_space<vmem>>, vector<16xf32>,
    %add3A_945 = arith.addf %add3A_942, %get3A_944 : vector<16xf32>
    %get3A_946 = arith.constant 8256 : index
    %get3A_947 = tpu.vector_load %arg7[%get3A_946] {strides = array<i32>} : memref<16384xf32, #tpu.memory_space<vmem>>, vector<16xf32>,
    %add3A_948 = arith.addf %add3A_945, %get3A_947 : vector<16xf32>
    %get3A_949 = arith.constant 8512 : index
    %get3A_950 = tpu.vector_load %arg7[%get3A_949] {strides = array<i32>} : memref<16384xf32, #tpu.memory_space<vmem>>, vector<16xf32>,
    %add3A_951 = arith.addf %add3A_948, %get3A_950 : vector<16xf32>
    %get3A_952 = arith.constant 8768 : index
    %get3A_953 = tpu.vector_load %arg7[%get3A_952] {strides = array<i32>} : memref<16384xf32, #tpu.memory_space<vmem>>, vector<16xf32>,
    %add3A_954 = arith.addf %add3A_951, %get3A_953 : vector<16xf32>
    %get3A_955 = arith.constant 9024 : index
    %get3A_956 = tpu.vector_load %arg7[%get3A_955] {strides = array<i32>} : memref<16384xf32, #tpu.memory_space<vmem>>, vector<16xf32>,
    %add3A_957 = arith.addf %add3A_954, %get3A_956 : vector<16xf32>
    %get3A_958 = arith.constant 9280 : index
    %get3A_959 = tpu.vector_load %arg7[%get3A_958] {strides = array<i32>} : memref<16384xf32, #tpu.memory_space<vmem>>, vector<16xf32>,
    %add3A_960 = arith.addf %add3A_957, %get3A_959 : vector<16xf32>
    %get3A_961 = arith.constant 9536 : index
    %get3A_962 = tpu.vector_load %arg7[%get3A_961] {strides = array<i32>} : memref<16384xf32, #tpu.memory_space<vmem>>, vector<16xf32>,
    %add3A_963 = arith.addf %add3A_960, %get3A_962 : vector<16xf32>
    %get3A_964 = arith.constant 9792 : index
    %get3A_965 = tpu.vector_load %arg7[%get3A_964] {strides = array<i32>} : memref<16384xf32, #tpu.memory_space<vmem>>, vector<16xf32>,
    %add3A_966 = arith.addf %add3A_963, %get3A_965 : vector<16xf32>
    %get3A_967 = arith.constant 10048 : index
    %get3A_968 = tpu.vector_load %arg7[%get3A_967] {strides = array<i32>} : memref<16384xf32, #tpu.memory_space<vmem>>, vector<16xf32>,
    %add3A_969 = arith.addf %add3A_966, %get3A_968 : vector<16xf32>
    %get3A_970 = arith.constant 10304 : index
    %get3A_971 = tpu.vector_load %arg7[%get3A_970] {strides = array<i32>} : memref<16384xf32, #tpu.memory_space<vmem>>, vector<16xf32>,
    %add3A_972 = arith.addf %add3A_969, %get3A_971 : vector<16xf32>
    %get3A_973 = arith.constant 10560 : index
    %get3A_974 = tpu.vector_load %arg7[%get3A_973] {strides = array<i32>} : memref<16384xf32, #tpu.memory_space<vmem>>, vector<16xf32>,
    %add3A_975 = arith.addf %add3A_972, %get3A_974 : vector<16xf32>
    %get3A_976 = arith.constant 10816 : index
    %get3A_977 = tpu.vector_load %arg7[%get3A_976] {strides = array<i32>} : memref<16384xf32, #tpu.memory_space<vmem>>, vector<16xf32>,
    %add3A_978 = arith.addf %add3A_975, %get3A_977 : vector<16xf32>
    %get3A_979 = arith.constant 11072 : index
    %get3A_980 = tpu.vector_load %arg7[%get3A_979] {strides = array<i32>} : memref<16384xf32, #tpu.memory_space<vmem>>, vector<16xf32>,
    %add3A_981 = arith.addf %add3A_978, %get3A_980 : vector<16xf32>
    %get3A_982 = arith.constant 11328 : index
    %get3A_983 = tpu.vector_load %arg7[%get3A_982] {strides = array<i32>} : memref<16384xf32, #tpu.memory_space<vmem>>, vector<16xf32>,
    %add3A_984 = arith.addf %add3A_981, %get3A_983 : vector<16xf32>
    %get3A_985 = arith.constant 11584 : index
    %get3A_986 = tpu.vector_load %arg7[%get3A_985] {strides = array<i32>} : memref<16384xf32, #tpu.memory_space<vmem>>, vector<16xf32>,
    %add3A_987 = arith.addf %add3A_984, %get3A_986 : vector<16xf32>
    %get3A_988 = arith.constant 11840 : index
    %get3A_989 = tpu.vector_load %arg7[%get3A_988] {strides = array<i32>} : memref<16384xf32, #tpu.memory_space<vmem>>, vector<16xf32>,
    %add3A_990 = arith.addf %add3A_987, %get3A_989 : vector<16xf32>
    %get3A_991 = arith.constant 12096 : index
    %get3A_992 = tpu.vector_load %arg7[%get3A_991] {strides = array<i32>} : memref<16384xf32, #tpu.memory_space<vmem>>, vector<16xf32>,
    %add3A_993 = arith.addf %add3A_990, %get3A_992 : vector<16xf32>
    %get3A_994 = arith.constant 12352 : index
    %get3A_995 = tpu.vector_load %arg7[%get3A_994] {strides = array<i32>} : memref<16384xf32, #tpu.memory_space<vmem>>, vector<16xf32>,
    %add3A_996 = arith.addf %add3A_993, %get3A_995 : vector<16xf32>
    %get3A_997 = arith.constant 12608 : index
    %get3A_998 = tpu.vector_load %arg7[%get3A_997] {strides = array<i32>} : memref<16384xf32, #tpu.memory_space<vmem>>, vector<16xf32>,
    %add3A_999 = arith.addf %add3A_996, %get3A_998 : vector<16xf32>
    %get3A_1000 = arith.constant 12864 : index
    %get3A_1001 = tpu.vector_load %arg7[%get3A_1000] {strides = array<i32>} : memref<16384xf32, #tpu.memory_space<vmem>>, vector<16xf32>,
    %add3A_1002 = arith.addf %add3A_999, %get3A_1001 : vector<16xf32>
    %get3A_1003 = arith.constant 13120 : index
    %get3A_1004 = tpu.vector_load %arg7[%get3A_1003] {strides = array<i32>} : memref<16384xf32, #tpu.memory_space<vmem>>, vector<16xf32>,
    %add3A_1005 = arith.addf %add3A_1002, %get3A_1004 : vector<16xf32>
    %get3A_1006 = arith.constant 13376 : index
    %get3A_1007 = tpu.vector_load %arg7[%get3A_1006] {strides = array<i32>} : memref<16384xf32, #tpu.memory_space<vmem>>, vector<16xf32>,
    %add3A_1008 = arith.addf %add3A_1005, %get3A_1007 : vector<16xf32>
    %get3A_1009 = arith.constant 13632 : index
    %get3A_1010 = tpu.vector_load %arg7[%get3A_1009] {strides = array<i32>} : memref<16384xf32, #tpu.memory_space<vmem>>, vector<16xf32>,
    %add3A_1011 = arith.addf %add3A_1008, %get3A_1010 : vector<16xf32>
    %get3A_1012 = arith.constant 13888 : index
    %get3A_1013 = tpu.vector_load %arg7[%get3A_1012] {strides = array<i32>} : memref<16384xf32, #tpu.memory_space<vmem>>, vector<16xf32>,
    %add3A_1014 = arith.addf %add3A_1011, %get3A_1013 : vector<16xf32>
    %get3A_1015 = arith.constant 14144 : index
    %get3A_1016 = tpu.vector_load %arg7[%get3A_1015] {strides = array<i32>} : memref<16384xf32, #tpu.memory_space<vmem>>, vector<16xf32>,
    %add3A_1017 = arith.addf %add3A_1014, %get3A_1016 : vector<16xf32>
    %get3A_1018 = arith.constant 14400 : index
    %get3A_1019 = tpu.vector_load %arg7[%get3A_1018] {strides = array<i32>} : memref<16384xf32, #tpu.memory_space<vmem>>, vector<16xf32>,
    %add3A_1020 = arith.addf %add3A_1017, %get3A_1019 : vector<16xf32>
    %get3A_1021 = arith.constant 14656 : index
    %get3A_1022 = tpu.vector_load %arg7[%get3A_1021] {strides = array<i32>} : memref<16384xf32, #tpu.memory_space<vmem>>, vector<16xf32>,
    %add3A_1023 = arith.addf %add3A_1020, %get3A_1022 : vector<16xf32>
    %get3A_1024 = arith.constant 14912 : index
    %get3A_1025 = tpu.vector_load %arg7[%get3A_1024] {strides = array<i32>} : memref<16384xf32, #tpu.memory_space<vmem>>, vector<16xf32>,
    %add3A_1026 = arith.addf %add3A_1023, %get3A_1025 : vector<16xf32>
    %get3A_1027 = arith.constant 15168 : index
    %get3A_1028 = tpu.vector_load %arg7[%get3A_1027] {strides = array<i32>} : memref<16384xf32, #tpu.memory_space<vmem>>, vector<16xf32>,
    %add3A_1029 = arith.addf %add3A_1026, %get3A_1028 : vector<16xf32>
    %get3A_1030 = arith.constant 15424 : index
    %get3A_1031 = tpu.vector_load %arg7[%get3A_1030] {strides = array<i32>} : memref<16384xf32, #tpu.memory_space<vmem>>, vector<16xf32>,
    %add3A_1032 = arith.addf %add3A_1029, %get3A_1031 : vector<16xf32>
    %get3A_1033 = arith.constant 15680 : index
    %get3A_1034 = tpu.vector_load %arg7[%get3A_1033] {strides = array<i32>} : memref<16384xf32, #tpu.memory_space<vmem>>, vector<16xf32>,
    %add3A_1035 = arith.addf %add3A_1032, %get3A_1034 : vector<16xf32>
    %get3A_1036 = arith.constant 15936 : index
    %get3A_1037 = tpu.vector_load %arg7[%get3A_1036] {strides = array<i32>} : memref<16384xf32, #tpu.memory_space<vmem>>, vector<16xf32>,
    %add3A_1038 = arith.addf %add3A_1035, %get3A_1037 : vector<16xf32>
    %get3A_1039 = arith.constant 16192 : index
    %get3A_1040 = tpu.vector_load %arg7[%get3A_1039] {strides = array<i32>} : memref<16384xf32, #tpu.memory_space<vmem>>, vector<16xf32>,
    %add3A_1041 = arith.addf %add3A_1038, %get3A_1040 : vector<16xf32>
    %swap3A_1042 = arith.constant 64 : index
    %swap3A_1043 = tpu.vector_load %arg8[%swap3A_1042] {strides = array<i32>} : memref<256xf32, #tpu.memory_space<vmem>>, vector<16xf32>,
    tpu.vector_store %arg8[%swap3A_1042], %add3A_1041 {strides = array<i32>} : memref<256xf32, #tpu.memory_space<vmem>>, vector<16xf32>,
    %get3A_1044 = arith.constant 80 : index
    %get3A_1045 = tpu.vector_load %arg7[%get3A_1044] {strides = array<i32>} : memref<16384xf32, #tpu.memory_space<vmem>>, vector<16xf32>,
    %add3A_1046 = arith.addf %broadcast_in_dim3A_61, %get3A_1045 : vector<16xf32>
    %get3A_1047 = arith.constant 336 : index
    %get3A_1048 = tpu.vector_load %arg7[%get3A_1047] {strides = array<i32>} : memref<16384xf32, #tpu.memory_space<vmem>>, vector<16xf32>,
    %add3A_1049 = arith.addf %add3A_1046, %get3A_1048 : vector<16xf32>
    %get3A_1050 = arith.constant 592 : index
    %get3A_1051 = tpu.vector_load %arg7[%get3A_1050] {strides = array<i32>} : memref<16384xf32, #tpu.memory_space<vmem>>, vector<16xf32>,
    %add3A_1052 = arith.addf %add3A_1049, %get3A_1051 : vector<16xf32>
    %get3A_1053 = arith.constant 848 : index
    %get3A_1054 = tpu.vector_load %arg7[%get3A_1053] {strides = array<i32>} : memref<16384xf32, #tpu.memory_space<vmem>>, vector<16xf32>,
    %add3A_1055 = arith.addf %add3A_1052, %get3A_1054 : vector<16xf32>
    %get3A_1056 = arith.constant 1104 : index
    %get3A_1057 = tpu.vector_load %arg7[%get3A_1056] {strides = array<i32>} : memref<16384xf32, #tpu.memory_space<vmem>>, vector<16xf32>,
    %add3A_1058 = arith.addf %add3A_1055, %get3A_1057 : vector<16xf32>
    %get3A_1059 = arith.constant 1360 : index
    %get3A_1060 = tpu.vector_load %arg7[%get3A_1059] {strides = array<i32>} : memref<16384xf32, #tpu.memory_space<vmem>>, vector<16xf32>,
    %add3A_1061 = arith.addf %add3A_1058, %get3A_1060 : vector<16xf32>
    %get3A_1062 = arith.constant 1616 : index
    %get3A_1063 = tpu.vector_load %arg7[%get3A_1062] {strides = array<i32>} : memref<16384xf32, #tpu.memory_space<vmem>>, vector<16xf32>,
    %add3A_1064 = arith.addf %add3A_1061, %get3A_1063 : vector<16xf32>
    %get3A_1065 = arith.constant 1872 : index
    %get3A_1066 = tpu.vector_load %arg7[%get3A_1065] {strides = array<i32>} : memref<16384xf32, #tpu.memory_space<vmem>>, vector<16xf32>,
    %add3A_1067 = arith.addf %add3A_1064, %get3A_1066 : vector<16xf32>
    %get3A_1068 = arith.constant 2128 : index
    %get3A_1069 = tpu.vector_load %arg7[%get3A_1068] {strides = array<i32>} : memref<16384xf32, #tpu.memory_space<vmem>>, vector<16xf32>,
    %add3A_1070 = arith.addf %add3A_1067, %get3A_1069 : vector<16xf32>
    %get3A_1071 = arith.constant 2384 : index
    %get3A_1072 = tpu.vector_load %arg7[%get3A_1071] {strides = array<i32>} : memref<16384xf32, #tpu.memory_space<vmem>>, vector<16xf32>,
    %add3A_1073 = arith.addf %add3A_1070, %get3A_1072 : vector<16xf32>
    %get3A_1074 = arith.constant 2640 : index
    %get3A_1075 = tpu.vector_load %arg7[%get3A_1074] {strides = array<i32>} : memref<16384xf32, #tpu.memory_space<vmem>>, vector<16xf32>,
    %add3A_1076 = arith.addf %add3A_1073, %get3A_1075 : vector<16xf32>
    %get3A_1077 = arith.constant 2896 : index
    %get3A_1078 = tpu.vector_load %arg7[%get3A_1077] {strides = array<i32>} : memref<16384xf32, #tpu.memory_space<vmem>>, vector<16xf32>,
    %add3A_1079 = arith.addf %add3A_1076, %get3A_1078 : vector<16xf32>
    %get3A_1080 = arith.constant 3152 : index
    %get3A_1081 = tpu.vector_load %arg7[%get3A_1080] {strides = array<i32>} : memref<16384xf32, #tpu.memory_space<vmem>>, vector<16xf32>,
    %add3A_1082 = arith.addf %add3A_1079, %get3A_1081 : vector<16xf32>
    %get3A_1083 = arith.constant 3408 : index
    %get3A_1084 = tpu.vector_load %arg7[%get3A_1083] {strides = array<i32>} : memref<16384xf32, #tpu.memory_space<vmem>>, vector<16xf32>,
    %add3A_1085 = arith.addf %add3A_1082, %get3A_1084 : vector<16xf32>
    %get3A_1086 = arith.constant 3664 : index
    %get3A_1087 = tpu.vector_load %arg7[%get3A_1086] {strides = array<i32>} : memref<16384xf32, #tpu.memory_space<vmem>>, vector<16xf32>,
    %add3A_1088 = arith.addf %add3A_1085, %get3A_1087 : vector<16xf32>
    %get3A_1089 = arith.constant 3920 : index
    %get3A_1090 = tpu.vector_load %arg7[%get3A_1089] {strides = array<i32>} : memref<16384xf32, #tpu.memory_space<vmem>>, vector<16xf32>,
    %add3A_1091 = arith.addf %add3A_1088, %get3A_1090 : vector<16xf32>
    %get3A_1092 = arith.constant 4176 : index
    %get3A_1093 = tpu.vector_load %arg7[%get3A_1092] {strides = array<i32>} : memref<16384xf32, #tpu.memory_space<vmem>>, vector<16xf32>,
    %add3A_1094 = arith.addf %add3A_1091, %get3A_1093 : vector<16xf32>
    %get3A_1095 = arith.constant 4432 : index
    %get3A_1096 = tpu.vector_load %arg7[%get3A_1095] {strides = array<i32>} : memref<16384xf32, #tpu.memory_space<vmem>>, vector<16xf32>,
    %add3A_1097 = arith.addf %add3A_1094, %get3A_1096 : vector<16xf32>
    %get3A_1098 = arith.constant 4688 : index
    %get3A_1099 = tpu.vector_load %arg7[%get3A_1098] {strides = array<i32>} : memref<16384xf32, #tpu.memory_space<vmem>>, vector<16xf32>,
    %add3A_1100 = arith.addf %add3A_1097, %get3A_1099 : vector<16xf32>
    %get3A_1101 = arith.constant 4944 : index
    %get3A_1102 = tpu.vector_load %arg7[%get3A_1101] {strides = array<i32>} : memref<16384xf32, #tpu.memory_space<vmem>>, vector<16xf32>,
    %add3A_1103 = arith.addf %add3A_1100, %get3A_1102 : vector<16xf32>
    %get3A_1104 = arith.constant 5200 : index
    %get3A_1105 = tpu.vector_load %arg7[%get3A_1104] {strides = array<i32>} : memref<16384xf32, #tpu.memory_space<vmem>>, vector<16xf32>,
    %add3A_1106 = arith.addf %add3A_1103, %get3A_1105 : vector<16xf32>
    %get3A_1107 = arith.constant 5456 : index
    %get3A_1108 = tpu.vector_load %arg7[%get3A_1107] {strides = array<i32>} : memref<16384xf32, #tpu.memory_space<vmem>>, vector<16xf32>,
    %add3A_1109 = arith.addf %add3A_1106, %get3A_1108 : vector<16xf32>
    %get3A_1110 = arith.constant 5712 : index
    %get3A_1111 = tpu.vector_load %arg7[%get3A_1110] {strides = array<i32>} : memref<16384xf32, #tpu.memory_space<vmem>>, vector<16xf32>,
    %add3A_1112 = arith.addf %add3A_1109, %get3A_1111 : vector<16xf32>
    %get3A_1113 = arith.constant 5968 : index
    %get3A_1114 = tpu.vector_load %arg7[%get3A_1113] {strides = array<i32>} : memref<16384xf32, #tpu.memory_space<vmem>>, vector<16xf32>,
    %add3A_1115 = arith.addf %add3A_1112, %get3A_1114 : vector<16xf32>
    %get3A_1116 = arith.constant 6224 : index
    %get3A_1117 = tpu.vector_load %arg7[%get3A_1116] {strides = array<i32>} : memref<16384xf32, #tpu.memory_space<vmem>>, vector<16xf32>,
    %add3A_1118 = arith.addf %add3A_1115, %get3A_1117 : vector<16xf32>
    %get3A_1119 = arith.constant 6480 : index
    %get3A_1120 = tpu.vector_load %arg7[%get3A_1119] {strides = array<i32>} : memref<16384xf32, #tpu.memory_space<vmem>>, vector<16xf32>,
    %add3A_1121 = arith.addf %add3A_1118, %get3A_1120 : vector<16xf32>
    %get3A_1122 = arith.constant 6736 : index
    %get3A_1123 = tpu.vector_load %arg7[%get3A_1122] {strides = array<i32>} : memref<16384xf32, #tpu.memory_space<vmem>>, vector<16xf32>,
    %add3A_1124 = arith.addf %add3A_1121, %get3A_1123 : vector<16xf32>
    %get3A_1125 = arith.constant 6992 : index
    %get3A_1126 = tpu.vector_load %arg7[%get3A_1125] {strides = array<i32>} : memref<16384xf32, #tpu.memory_space<vmem>>, vector<16xf32>,
    %add3A_1127 = arith.addf %add3A_1124, %get3A_1126 : vector<16xf32>
    %get3A_1128 = arith.constant 7248 : index
    %get3A_1129 = tpu.vector_load %arg7[%get3A_1128] {strides = array<i32>} : memref<16384xf32, #tpu.memory_space<vmem>>, vector<16xf32>,
    %add3A_1130 = arith.addf %add3A_1127, %get3A_1129 : vector<16xf32>
    %get3A_1131 = arith.constant 7504 : index
    %get3A_1132 = tpu.vector_load %arg7[%get3A_1131] {strides = array<i32>} : memref<16384xf32, #tpu.memory_space<vmem>>, vector<16xf32>,
    %add3A_1133 = arith.addf %add3A_1130, %get3A_1132 : vector<16xf32>
    %get3A_1134 = arith.constant 7760 : index
    %get3A_1135 = tpu.vector_load %arg7[%get3A_1134] {strides = array<i32>} : memref<16384xf32, #tpu.memory_space<vmem>>, vector<16xf32>,
    %add3A_1136 = arith.addf %add3A_1133, %get3A_1135 : vector<16xf32>
    %get3A_1137 = arith.constant 8016 : index
    %get3A_1138 = tpu.vector_load %arg7[%get3A_1137] {strides = array<i32>} : memref<16384xf32, #tpu.memory_space<vmem>>, vector<16xf32>,
    %add3A_1139 = arith.addf %add3A_1136, %get3A_1138 : vector<16xf32>
    %get3A_1140 = arith.constant 8272 : index
    %get3A_1141 = tpu.vector_load %arg7[%get3A_1140] {strides = array<i32>} : memref<16384xf32, #tpu.memory_space<vmem>>, vector<16xf32>,
    %add3A_1142 = arith.addf %add3A_1139, %get3A_1141 : vector<16xf32>
    %get3A_1143 = arith.constant 8528 : index
    %get3A_1144 = tpu.vector_load %arg7[%get3A_1143] {strides = array<i32>} : memref<16384xf32, #tpu.memory_space<vmem>>, vector<16xf32>,
    %add3A_1145 = arith.addf %add3A_1142, %get3A_1144 : vector<16xf32>
    %get3A_1146 = arith.constant 8784 : index
    %get3A_1147 = tpu.vector_load %arg7[%get3A_1146] {strides = array<i32>} : memref<16384xf32, #tpu.memory_space<vmem>>, vector<16xf32>,
    %add3A_1148 = arith.addf %add3A_1145, %get3A_1147 : vector<16xf32>
    %get3A_1149 = arith.constant 9040 : index
    %get3A_1150 = tpu.vector_load %arg7[%get3A_1149] {strides = array<i32>} : memref<16384xf32, #tpu.memory_space<vmem>>, vector<16xf32>,
    %add3A_1151 = arith.addf %add3A_1148, %get3A_1150 : vector<16xf32>
    %get3A_1152 = arith.constant 9296 : index
    %get3A_1153 = tpu.vector_load %arg7[%get3A_1152] {strides = array<i32>} : memref<16384xf32, #tpu.memory_space<vmem>>, vector<16xf32>,
    %add3A_1154 = arith.addf %add3A_1151, %get3A_1153 : vector<16xf32>
    %get3A_1155 = arith.constant 9552 : index
    %get3A_1156 = tpu.vector_load %arg7[%get3A_1155] {strides = array<i32>} : memref<16384xf32, #tpu.memory_space<vmem>>, vector<16xf32>,
    %add3A_1157 = arith.addf %add3A_1154, %get3A_1156 : vector<16xf32>
    %get3A_1158 = arith.constant 9808 : index
    %get3A_1159 = tpu.vector_load %arg7[%get3A_1158] {strides = array<i32>} : memref<16384xf32, #tpu.memory_space<vmem>>, vector<16xf32>,
    %add3A_1160 = arith.addf %add3A_1157, %get3A_1159 : vector<16xf32>
    %get3A_1161 = arith.constant 10064 : index
    %get3A_1162 = tpu.vector_load %arg7[%get3A_1161] {strides = array<i32>} : memref<16384xf32, #tpu.memory_space<vmem>>, vector<16xf32>,
    %add3A_1163 = arith.addf %add3A_1160, %get3A_1162 : vector<16xf32>
    %get3A_1164 = arith.constant 10320 : index
    %get3A_1165 = tpu.vector_load %arg7[%get3A_1164] {strides = array<i32>} : memref<16384xf32, #tpu.memory_space<vmem>>, vector<16xf32>,
    %add3A_1166 = arith.addf %add3A_1163, %get3A_1165 : vector<16xf32>
    %get3A_1167 = arith.constant 10576 : index
    %get3A_1168 = tpu.vector_load %arg7[%get3A_1167] {strides = array<i32>} : memref<16384xf32, #tpu.memory_space<vmem>>, vector<16xf32>,
    %add3A_1169 = arith.addf %add3A_1166, %get3A_1168 : vector<16xf32>
    %get3A_1170 = arith.constant 10832 : index
    %get3A_1171 = tpu.vector_load %arg7[%get3A_1170] {strides = array<i32>} : memref<16384xf32, #tpu.memory_space<vmem>>, vector<16xf32>,
    %add3A_1172 = arith.addf %add3A_1169, %get3A_1171 : vector<16xf32>
    %get3A_1173 = arith.constant 11088 : index
    %get3A_1174 = tpu.vector_load %arg7[%get3A_1173] {strides = array<i32>} : memref<16384xf32, #tpu.memory_space<vmem>>, vector<16xf32>,
    %add3A_1175 = arith.addf %add3A_1172, %get3A_1174 : vector<16xf32>
    %get3A_1176 = arith.constant 11344 : index
    %get3A_1177 = tpu.vector_load %arg7[%get3A_1176] {strides = array<i32>} : memref<16384xf32, #tpu.memory_space<vmem>>, vector<16xf32>,
    %add3A_1178 = arith.addf %add3A_1175, %get3A_1177 : vector<16xf32>
    %get3A_1179 = arith.constant 11600 : index
    %get3A_1180 = tpu.vector_load %arg7[%get3A_1179] {strides = array<i32>} : memref<16384xf32, #tpu.memory_space<vmem>>, vector<16xf32>,
    %add3A_1181 = arith.addf %add3A_1178, %get3A_1180 : vector<16xf32>
    %get3A_1182 = arith.constant 11856 : index
    %get3A_1183 = tpu.vector_load %arg7[%get3A_1182] {strides = array<i32>} : memref<16384xf32, #tpu.memory_space<vmem>>, vector<16xf32>,
    %add3A_1184 = arith.addf %add3A_1181, %get3A_1183 : vector<16xf32>
    %get3A_1185 = arith.constant 12112 : index
    %get3A_1186 = tpu.vector_load %arg7[%get3A_1185] {strides = array<i32>} : memref<16384xf32, #tpu.memory_space<vmem>>, vector<16xf32>,
    %add3A_1187 = arith.addf %add3A_1184, %get3A_1186 : vector<16xf32>
    %get3A_1188 = arith.constant 12368 : index
    %get3A_1189 = tpu.vector_load %arg7[%get3A_1188] {strides = array<i32>} : memref<16384xf32, #tpu.memory_space<vmem>>, vector<16xf32>,
    %add3A_1190 = arith.addf %add3A_1187, %get3A_1189 : vector<16xf32>
    %get3A_1191 = arith.constant 12624 : index
    %get3A_1192 = tpu.vector_load %arg7[%get3A_1191] {strides = array<i32>} : memref<16384xf32, #tpu.memory_space<vmem>>, vector<16xf32>,
    %add3A_1193 = arith.addf %add3A_1190, %get3A_1192 : vector<16xf32>
    %get3A_1194 = arith.constant 12880 : index
    %get3A_1195 = tpu.vector_load %arg7[%get3A_1194] {strides = array<i32>} : memref<16384xf32, #tpu.memory_space<vmem>>, vector<16xf32>,
    %add3A_1196 = arith.addf %add3A_1193, %get3A_1195 : vector<16xf32>
    %get3A_1197 = arith.constant 13136 : index
    %get3A_1198 = tpu.vector_load %arg7[%get3A_1197] {strides = array<i32>} : memref<16384xf32, #tpu.memory_space<vmem>>, vector<16xf32>,
    %add3A_1199 = arith.addf %add3A_1196, %get3A_1198 : vector<16xf32>
    %get3A_1200 = arith.constant 13392 : index
    %get3A_1201 = tpu.vector_load %arg7[%get3A_1200] {strides = array<i32>} : memref<16384xf32, #tpu.memory_space<vmem>>, vector<16xf32>,
    %add3A_1202 = arith.addf %add3A_1199, %get3A_1201 : vector<16xf32>
    %get3A_1203 = arith.constant 13648 : index
    %get3A_1204 = tpu.vector_load %arg7[%get3A_1203] {strides = array<i32>} : memref<16384xf32, #tpu.memory_space<vmem>>, vector<16xf32>,
    %add3A_1205 = arith.addf %add3A_1202, %get3A_1204 : vector<16xf32>
    %get3A_1206 = arith.constant 13904 : index
    %get3A_1207 = tpu.vector_load %arg7[%get3A_1206] {strides = array<i32>} : memref<16384xf32, #tpu.memory_space<vmem>>, vector<16xf32>,
    %add3A_1208 = arith.addf %add3A_1205, %get3A_1207 : vector<16xf32>
    %get3A_1209 = arith.constant 14160 : index
    %get3A_1210 = tpu.vector_load %arg7[%get3A_1209] {strides = array<i32>} : memref<16384xf32, #tpu.memory_space<vmem>>, vector<16xf32>,
    %add3A_1211 = arith.addf %add3A_1208, %get3A_1210 : vector<16xf32>
    %get3A_1212 = arith.constant 14416 : index
    %get3A_1213 = tpu.vector_load %arg7[%get3A_1212] {strides = array<i32>} : memref<16384xf32, #tpu.memory_space<vmem>>, vector<16xf32>,
    %add3A_1214 = arith.addf %add3A_1211, %get3A_1213 : vector<16xf32>
    %get3A_1215 = arith.constant 14672 : index
    %get3A_1216 = tpu.vector_load %arg7[%get3A_1215] {strides = array<i32>} : memref<16384xf32, #tpu.memory_space<vmem>>, vector<16xf32>,
    %add3A_1217 = arith.addf %add3A_1214, %get3A_1216 : vector<16xf32>
    %get3A_1218 = arith.constant 14928 : index
    %get3A_1219 = tpu.vector_load %arg7[%get3A_1218] {strides = array<i32>} : memref<16384xf32, #tpu.memory_space<vmem>>, vector<16xf32>,
    %add3A_1220 = arith.addf %add3A_1217, %get3A_1219 : vector<16xf32>
    %get3A_1221 = arith.constant 15184 : index
    %get3A_1222 = tpu.vector_load %arg7[%get3A_1221] {strides = array<i32>} : memref<16384xf32, #tpu.memory_space<vmem>>, vector<16xf32>,
    %add3A_1223 = arith.addf %add3A_1220, %get3A_1222 : vector<16xf32>
    %get3A_1224 = arith.constant 15440 : index
    %get3A_1225 = tpu.vector_load %arg7[%get3A_1224] {strides = array<i32>} : memref<16384xf32, #tpu.memory_space<vmem>>, vector<16xf32>,
    %add3A_1226 = arith.addf %add3A_1223, %get3A_1225 : vector<16xf32>
    %get3A_1227 = arith.constant 15696 : index
    %get3A_1228 = tpu.vector_load %arg7[%get3A_1227] {strides = array<i32>} : memref<16384xf32, #tpu.memory_space<vmem>>, vector<16xf32>,
    %add3A_1229 = arith.addf %add3A_1226, %get3A_1228 : vector<16xf32>
    %get3A_1230 = arith.constant 15952 : index
    %get3A_1231 = tpu.vector_load %arg7[%get3A_1230] {strides = array<i32>} : memref<16384xf32, #tpu.memory_space<vmem>>, vector<16xf32>,
    %add3A_1232 = arith.addf %add3A_1229, %get3A_1231 : vector<16xf32>
    %get3A_1233 = arith.constant 16208 : index
    %get3A_1234 = tpu.vector_load %arg7[%get3A_1233] {strides = array<i32>} : memref<16384xf32, #tpu.memory_space<vmem>>, vector<16xf32>,
    %add3A_1235 = arith.addf %add3A_1232, %get3A_1234 : vector<16xf32>
    %swap3A_1236 = arith.constant 80 : index
    %swap3A_1237 = tpu.vector_load %arg8[%swap3A_1236] {strides = array<i32>} : memref<256xf32, #tpu.memory_space<vmem>>, vector<16xf32>,
    tpu.vector_store %arg8[%swap3A_1236], %add3A_1235 {strides = array<i32>} : memref<256xf32, #tpu.memory_space<vmem>>, vector<16xf32>,
    %get3A_1238 = arith.constant 96 : index
    %get3A_1239 = tpu.vector_load %arg7[%get3A_1238] {strides = array<i32>} : memref<16384xf32, #tpu.memory_space<vmem>>, vector<16xf32>,
    %add3A_1240 = arith.addf %broadcast_in_dim3A_61, %get3A_1239 : vector<16xf32>
    %get3A_1241 = arith.constant 352 : index
    %get3A_1242 = tpu.vector_load %arg7[%get3A_1241] {strides = array<i32>} : memref<16384xf32, #tpu.memory_space<vmem>>, vector<16xf32>,
    %add3A_1243 = arith.addf %add3A_1240, %get3A_1242 : vector<16xf32>
    %get3A_1244 = arith.constant 608 : index
    %get3A_1245 = tpu.vector_load %arg7[%get3A_1244] {strides = array<i32>} : memref<16384xf32, #tpu.memory_space<vmem>>, vector<16xf32>,
    %add3A_1246 = arith.addf %add3A_1243, %get3A_1245 : vector<16xf32>
    %get3A_1247 = arith.constant 864 : index
    %get3A_1248 = tpu.vector_load %arg7[%get3A_1247] {strides = array<i32>} : memref<16384xf32, #tpu.memory_space<vmem>>, vector<16xf32>,
    %add3A_1249 = arith.addf %add3A_1246, %get3A_1248 : vector<16xf32>
    %get3A_1250 = arith.constant 1120 : index
    %get3A_1251 = tpu.vector_load %arg7[%get3A_1250] {strides = array<i32>} : memref<16384xf32, #tpu.memory_space<vmem>>, vector<16xf32>,
    %add3A_1252 = arith.addf %add3A_1249, %get3A_1251 : vector<16xf32>
    %get3A_1253 = arith.constant 1376 : index
    %get3A_1254 = tpu.vector_load %arg7[%get3A_1253] {strides = array<i32>} : memref<16384xf32, #tpu.memory_space<vmem>>, vector<16xf32>,
    %add3A_1255 = arith.addf %add3A_1252, %get3A_1254 : vector<16xf32>
    %get3A_1256 = arith.constant 1632 : index
    %get3A_1257 = tpu.vector_load %arg7[%get3A_1256] {strides = array<i32>} : memref<16384xf32, #tpu.memory_space<vmem>>, vector<16xf32>,
    %add3A_1258 = arith.addf %add3A_1255, %get3A_1257 : vector<16xf32>
    %get3A_1259 = arith.constant 1888 : index
    %get3A_1260 = tpu.vector_load %arg7[%get3A_1259] {strides = array<i32>} : memref<16384xf32, #tpu.memory_space<vmem>>, vector<16xf32>,
    %add3A_1261 = arith.addf %add3A_1258, %get3A_1260 : vector<16xf32>
    %get3A_1262 = arith.constant 2144 : index
    %get3A_1263 = tpu.vector_load %arg7[%get3A_1262] {strides = array<i32>} : memref<16384xf32, #tpu.memory_space<vmem>>, vector<16xf32>,
    %add3A_1264 = arith.addf %add3A_1261, %get3A_1263 : vector<16xf32>
    %get3A_1265 = arith.constant 2400 : index
    %get3A_1266 = tpu.vector_load %arg7[%get3A_1265] {strides = array<i32>} : memref<16384xf32, #tpu.memory_space<vmem>>, vector<16xf32>,
    %add3A_1267 = arith.addf %add3A_1264, %get3A_1266 : vector<16xf32>
    %get3A_1268 = arith.constant 2656 : index
    %get3A_1269 = tpu.vector_load %arg7[%get3A_1268] {strides = array<i32>} : memref<16384xf32, #tpu.memory_space<vmem>>, vector<16xf32>,
    %add3A_1270 = arith.addf %add3A_1267, %get3A_1269 : vector<16xf32>
    %get3A_1271 = arith.constant 2912 : index
    %get3A_1272 = tpu.vector_load %arg7[%get3A_1271] {strides = array<i32>} : memref<16384xf32, #tpu.memory_space<vmem>>, vector<16xf32>,
    %add3A_1273 = arith.addf %add3A_1270, %get3A_1272 : vector<16xf32>
    %get3A_1274 = arith.constant 3168 : index
    %get3A_1275 = tpu.vector_load %arg7[%get3A_1274] {strides = array<i32>} : memref<16384xf32, #tpu.memory_space<vmem>>, vector<16xf32>,
    %add3A_1276 = arith.addf %add3A_1273, %get3A_1275 : vector<16xf32>
    %get3A_1277 = arith.constant 3424 : index
    %get3A_1278 = tpu.vector_load %arg7[%get3A_1277] {strides = array<i32>} : memref<16384xf32, #tpu.memory_space<vmem>>, vector<16xf32>,
    %add3A_1279 = arith.addf %add3A_1276, %get3A_1278 : vector<16xf32>
    %get3A_1280 = arith.constant 3680 : index
    %get3A_1281 = tpu.vector_load %arg7[%get3A_1280] {strides = array<i32>} : memref<16384xf32, #tpu.memory_space<vmem>>, vector<16xf32>,
    %add3A_1282 = arith.addf %add3A_1279, %get3A_1281 : vector<16xf32>
    %get3A_1283 = arith.constant 3936 : index
    %get3A_1284 = tpu.vector_load %arg7[%get3A_1283] {strides = array<i32>} : memref<16384xf32, #tpu.memory_space<vmem>>, vector<16xf32>,
    %add3A_1285 = arith.addf %add3A_1282, %get3A_1284 : vector<16xf32>
    %get3A_1286 = arith.constant 4192 : index
    %get3A_1287 = tpu.vector_load %arg7[%get3A_1286] {strides = array<i32>} : memref<16384xf32, #tpu.memory_space<vmem>>, vector<16xf32>,
    %add3A_1288 = arith.addf %add3A_1285, %get3A_1287 : vector<16xf32>
    %get3A_1289 = arith.constant 4448 : index
    %get3A_1290 = tpu.vector_load %arg7[%get3A_1289] {strides = array<i32>} : memref<16384xf32, #tpu.memory_space<vmem>>, vector<16xf32>,
    %add3A_1291 = arith.addf %add3A_1288, %get3A_1290 : vector<16xf32>
    %get3A_1292 = arith.constant 4704 : index
    %get3A_1293 = tpu.vector_load %arg7[%get3A_1292] {strides = array<i32>} : memref<16384xf32, #tpu.memory_space<vmem>>, vector<16xf32>,
    %add3A_1294 = arith.addf %add3A_1291, %get3A_1293 : vector<16xf32>
    %get3A_1295 = arith.constant 4960 : index
    %get3A_1296 = tpu.vector_load %arg7[%get3A_1295] {strides = array<i32>} : memref<16384xf32, #tpu.memory_space<vmem>>, vector<16xf32>,
    %add3A_1297 = arith.addf %add3A_1294, %get3A_1296 : vector<16xf32>
    %get3A_1298 = arith.constant 5216 : index
    %get3A_1299 = tpu.vector_load %arg7[%get3A_1298] {strides = array<i32>} : memref<16384xf32, #tpu.memory_space<vmem>>, vector<16xf32>,
    %add3A_1300 = arith.addf %add3A_1297, %get3A_1299 : vector<16xf32>
    %get3A_1301 = arith.constant 5472 : index
    %get3A_1302 = tpu.vector_load %arg7[%get3A_1301] {strides = array<i32>} : memref<16384xf32, #tpu.memory_space<vmem>>, vector<16xf32>,
    %add3A_1303 = arith.addf %add3A_1300, %get3A_1302 : vector<16xf32>
    %get3A_1304 = arith.constant 5728 : index
    %get3A_1305 = tpu.vector_load %arg7[%get3A_1304] {strides = array<i32>} : memref<16384xf32, #tpu.memory_space<vmem>>, vector<16xf32>,
    %add3A_1306 = arith.addf %add3A_1303, %get3A_1305 : vector<16xf32>
    %get3A_1307 = arith.constant 5984 : index
    %get3A_1308 = tpu.vector_load %arg7[%get3A_1307] {strides = array<i32>} : memref<16384xf32, #tpu.memory_space<vmem>>, vector<16xf32>,
    %add3A_1309 = arith.addf %add3A_1306, %get3A_1308 : vector<16xf32>
    %get3A_1310 = arith.constant 6240 : index
    %get3A_1311 = tpu.vector_load %arg7[%get3A_1310] {strides = array<i32>} : memref<16384xf32, #tpu.memory_space<vmem>>, vector<16xf32>,
    %add3A_1312 = arith.addf %add3A_1309, %get3A_1311 : vector<16xf32>
    %get3A_1313 = arith.constant 6496 : index
    %get3A_1314 = tpu.vector_load %arg7[%get3A_1313] {strides = array<i32>} : memref<16384xf32, #tpu.memory_space<vmem>>, vector<16xf32>,
    %add3A_1315 = arith.addf %add3A_1312, %get3A_1314 : vector<16xf32>
    %get3A_1316 = arith.constant 6752 : index
    %get3A_1317 = tpu.vector_load %arg7[%get3A_1316] {strides = array<i32>} : memref<16384xf32, #tpu.memory_space<vmem>>, vector<16xf32>,
    %add3A_1318 = arith.addf %add3A_1315, %get3A_1317 : vector<16xf32>
    %get3A_1319 = arith.constant 7008 : index
    %get3A_1320 = tpu.vector_load %arg7[%get3A_1319] {strides = array<i32>} : memref<16384xf32, #tpu.memory_space<vmem>>, vector<16xf32>,
    %add3A_1321 = arith.addf %add3A_1318, %get3A_1320 : vector<16xf32>
    %get3A_1322 = arith.constant 7264 : index
    %get3A_1323 = tpu.vector_load %arg7[%get3A_1322] {strides = array<i32>} : memref<16384xf32, #tpu.memory_space<vmem>>, vector<16xf32>,
    %add3A_1324 = arith.addf %add3A_1321, %get3A_1323 : vector<16xf32>
    %get3A_1325 = arith.constant 7520 : index
    %get3A_1326 = tpu.vector_load %arg7[%get3A_1325] {strides = array<i32>} : memref<16384xf32, #tpu.memory_space<vmem>>, vector<16xf32>,
    %add3A_1327 = arith.addf %add3A_1324, %get3A_1326 : vector<16xf32>
    %get3A_1328 = arith.constant 7776 : index
    %get3A_1329 = tpu.vector_load %arg7[%get3A_1328] {strides = array<i32>} : memref<16384xf32, #tpu.memory_space<vmem>>, vector<16xf32>,
    %add3A_1330 = arith.addf %add3A_1327, %get3A_1329 : vector<16xf32>
    %get3A_1331 = arith.constant 8032 : index
    %get3A_1332 = tpu.vector_load %arg7[%get3A_1331] {strides = array<i32>} : memref<16384xf32, #tpu.memory_space<vmem>>, vector<16xf32>,
    %add3A_1333 = arith.addf %add3A_1330, %get3A_1332 : vector<16xf32>
    %get3A_1334 = arith.constant 8288 : index
    %get3A_1335 = tpu.vector_load %arg7[%get3A_1334] {strides = array<i32>} : memref<16384xf32, #tpu.memory_space<vmem>>, vector<16xf32>,
    %add3A_1336 = arith.addf %add3A_1333, %get3A_1335 : vector<16xf32>
    %get3A_1337 = arith.constant 8544 : index
    %get3A_1338 = tpu.vector_load %arg7[%get3A_1337] {strides = array<i32>} : memref<16384xf32, #tpu.memory_space<vmem>>, vector<16xf32>,
    %add3A_1339 = arith.addf %add3A_1336, %get3A_1338 : vector<16xf32>
    %get3A_1340 = arith.constant 8800 : index
    %get3A_1341 = tpu.vector_load %arg7[%get3A_1340] {strides = array<i32>} : memref<16384xf32, #tpu.memory_space<vmem>>, vector<16xf32>,
    %add3A_1342 = arith.addf %add3A_1339, %get3A_1341 : vector<16xf32>
    %get3A_1343 = arith.constant 9056 : index
    %get3A_1344 = tpu.vector_load %arg7[%get3A_1343] {strides = array<i32>} : memref<16384xf32, #tpu.memory_space<vmem>>, vector<16xf32>,
    %add3A_1345 = arith.addf %add3A_1342, %get3A_1344 : vector<16xf32>
    %get3A_1346 = arith.constant 9312 : index
    %get3A_1347 = tpu.vector_load %arg7[%get3A_1346] {strides = array<i32>} : memref<16384xf32, #tpu.memory_space<vmem>>, vector<16xf32>,
    %add3A_1348 = arith.addf %add3A_1345, %get3A_1347 : vector<16xf32>
    %get3A_1349 = arith.constant 9568 : index
    %get3A_1350 = tpu.vector_load %arg7[%get3A_1349] {strides = array<i32>} : memref<16384xf32, #tpu.memory_space<vmem>>, vector<16xf32>,
    %add3A_1351 = arith.addf %add3A_1348, %get3A_1350 : vector<16xf32>
    %get3A_1352 = arith.constant 9824 : index
    %get3A_1353 = tpu.vector_load %arg7[%get3A_1352] {strides = array<i32>} : memref<16384xf32, #tpu.memory_space<vmem>>, vector<16xf32>,
    %add3A_1354 = arith.addf %add3A_1351, %get3A_1353 : vector<16xf32>
    %get3A_1355 = arith.constant 10080 : index
    %get3A_1356 = tpu.vector_load %arg7[%get3A_1355] {strides = array<i32>} : memref<16384xf32, #tpu.memory_space<vmem>>, vector<16xf32>,
    %add3A_1357 = arith.addf %add3A_1354, %get3A_1356 : vector<16xf32>
    %get3A_1358 = arith.constant 10336 : index
    %get3A_1359 = tpu.vector_load %arg7[%get3A_1358] {strides = array<i32>} : memref<16384xf32, #tpu.memory_space<vmem>>, vector<16xf32>,
    %add3A_1360 = arith.addf %add3A_1357, %get3A_1359 : vector<16xf32>
    %get3A_1361 = arith.constant 10592 : index
    %get3A_1362 = tpu.vector_load %arg7[%get3A_1361] {strides = array<i32>} : memref<16384xf32, #tpu.memory_space<vmem>>, vector<16xf32>,
    %add3A_1363 = arith.addf %add3A_1360, %get3A_1362 : vector<16xf32>
    %get3A_1364 = arith.constant 10848 : index
    %get3A_1365 = tpu.vector_load %arg7[%get3A_1364] {strides = array<i32>} : memref<16384xf32, #tpu.memory_space<vmem>>, vector<16xf32>,
    %add3A_1366 = arith.addf %add3A_1363, %get3A_1365 : vector<16xf32>
    %get3A_1367 = arith.constant 11104 : index
    %get3A_1368 = tpu.vector_load %arg7[%get3A_1367] {strides = array<i32>} : memref<16384xf32, #tpu.memory_space<vmem>>, vector<16xf32>,
    %add3A_1369 = arith.addf %add3A_1366, %get3A_1368 : vector<16xf32>
    %get3A_1370 = arith.constant 11360 : index
    %get3A_1371 = tpu.vector_load %arg7[%get3A_1370] {strides = array<i32>} : memref<16384xf32, #tpu.memory_space<vmem>>, vector<16xf32>,
    %add3A_1372 = arith.addf %add3A_1369, %get3A_1371 : vector<16xf32>
    %get3A_1373 = arith.constant 11616 : index
    %get3A_1374 = tpu.vector_load %arg7[%get3A_1373] {strides = array<i32>} : memref<16384xf32, #tpu.memory_space<vmem>>, vector<16xf32>,
    %add3A_1375 = arith.addf %add3A_1372, %get3A_1374 : vector<16xf32>
    %get3A_1376 = arith.constant 11872 : index
    %get3A_1377 = tpu.vector_load %arg7[%get3A_1376] {strides = array<i32>} : memref<16384xf32, #tpu.memory_space<vmem>>, vector<16xf32>,
    %add3A_1378 = arith.addf %add3A_1375, %get3A_1377 : vector<16xf32>
    %get3A_1379 = arith.constant 12128 : index
    %get3A_1380 = tpu.vector_load %arg7[%get3A_1379] {strides = array<i32>} : memref<16384xf32, #tpu.memory_space<vmem>>, vector<16xf32>,
    %add3A_1381 = arith.addf %add3A_1378, %get3A_1380 : vector<16xf32>
    %get3A_1382 = arith.constant 12384 : index
    %get3A_1383 = tpu.vector_load %arg7[%get3A_1382] {strides = array<i32>} : memref<16384xf32, #tpu.memory_space<vmem>>, vector<16xf32>,
    %add3A_1384 = arith.addf %add3A_1381, %get3A_1383 : vector<16xf32>
    %get3A_1385 = arith.constant 12640 : index
    %get3A_1386 = tpu.vector_load %arg7[%get3A_1385] {strides = array<i32>} : memref<16384xf32, #tpu.memory_space<vmem>>, vector<16xf32>,
    %add3A_1387 = arith.addf %add3A_1384, %get3A_1386 : vector<16xf32>
    %get3A_1388 = arith.constant 12896 : index
    %get3A_1389 = tpu.vector_load %arg7[%get3A_1388] {strides = array<i32>} : memref<16384xf32, #tpu.memory_space<vmem>>, vector<16xf32>,
    %add3A_1390 = arith.addf %add3A_1387, %get3A_1389 : vector<16xf32>
    %get3A_1391 = arith.constant 13152 : index
    %get3A_1392 = tpu.vector_load %arg7[%get3A_1391] {strides = array<i32>} : memref<16384xf32, #tpu.memory_space<vmem>>, vector<16xf32>,
    %add3A_1393 = arith.addf %add3A_1390, %get3A_1392 : vector<16xf32>
    %get3A_1394 = arith.constant 13408 : index
    %get3A_1395 = tpu.vector_load %arg7[%get3A_1394] {strides = array<i32>} : memref<16384xf32, #tpu.memory_space<vmem>>, vector<16xf32>,
    %add3A_1396 = arith.addf %add3A_1393, %get3A_1395 : vector<16xf32>
    %get3A_1397 = arith.constant 13664 : index
    %get3A_1398 = tpu.vector_load %arg7[%get3A_1397] {strides = array<i32>} : memref<16384xf32, #tpu.memory_space<vmem>>, vector<16xf32>,
    %add3A_1399 = arith.addf %add3A_1396, %get3A_1398 : vector<16xf32>
    %get3A_1400 = arith.constant 13920 : index
    %get3A_1401 = tpu.vector_load %arg7[%get3A_1400] {strides = array<i32>} : memref<16384xf32, #tpu.memory_space<vmem>>, vector<16xf32>,
    %add3A_1402 = arith.addf %add3A_1399, %get3A_1401 : vector<16xf32>
    %get3A_1403 = arith.constant 14176 : index
    %get3A_1404 = tpu.vector_load %arg7[%get3A_1403] {strides = array<i32>} : memref<16384xf32, #tpu.memory_space<vmem>>, vector<16xf32>,
    %add3A_1405 = arith.addf %add3A_1402, %get3A_1404 : vector<16xf32>
    %get3A_1406 = arith.constant 14432 : index
    %get3A_1407 = tpu.vector_load %arg7[%get3A_1406] {strides = array<i32>} : memref<16384xf32, #tpu.memory_space<vmem>>, vector<16xf32>,
    %add3A_1408 = arith.addf %add3A_1405, %get3A_1407 : vector<16xf32>
    %get3A_1409 = arith.constant 14688 : index
    %get3A_1410 = tpu.vector_load %arg7[%get3A_1409] {strides = array<i32>} : memref<16384xf32, #tpu.memory_space<vmem>>, vector<16xf32>,
    %add3A_1411 = arith.addf %add3A_1408, %get3A_1410 : vector<16xf32>
    %get3A_1412 = arith.constant 14944 : index
    %get3A_1413 = tpu.vector_load %arg7[%get3A_1412] {strides = array<i32>} : memref<16384xf32, #tpu.memory_space<vmem>>, vector<16xf32>,
    %add3A_1414 = arith.addf %add3A_1411, %get3A_1413 : vector<16xf32>
    %get3A_1415 = arith.constant 15200 : index
    %get3A_1416 = tpu.vector_load %arg7[%get3A_1415] {strides = array<i32>} : memref<16384xf32, #tpu.memory_space<vmem>>, vector<16xf32>,
    %add3A_1417 = arith.addf %add3A_1414, %get3A_1416 : vector<16xf32>
    %get3A_1418 = arith.constant 15456 : index
    %get3A_1419 = tpu.vector_load %arg7[%get3A_1418] {strides = array<i32>} : memref<16384xf32, #tpu.memory_space<vmem>>, vector<16xf32>,
    %add3A_1420 = arith.addf %add3A_1417, %get3A_1419 : vector<16xf32>
    %get3A_1421 = arith.constant 15712 : index
    %get3A_1422 = tpu.vector_load %arg7[%get3A_1421] {strides = array<i32>} : memref<16384xf32, #tpu.memory_space<vmem>>, vector<16xf32>,
    %add3A_1423 = arith.addf %add3A_1420, %get3A_1422 : vector<16xf32>
    %get3A_1424 = arith.constant 15968 : index
    %get3A_1425 = tpu.vector_load %arg7[%get3A_1424] {strides = array<i32>} : memref<16384xf32, #tpu.memory_space<vmem>>, vector<16xf32>,
    %add3A_1426 = arith.addf %add3A_1423, %get3A_1425 : vector<16xf32>
    %get3A_1427 = arith.constant 16224 : index
    %get3A_1428 = tpu.vector_load %arg7[%get3A_1427] {strides = array<i32>} : memref<16384xf32, #tpu.memory_space<vmem>>, vector<16xf32>,
    %add3A_1429 = arith.addf %add3A_1426, %get3A_1428 : vector<16xf32>
    %swap3A_1430 = arith.constant 96 : index
    %swap3A_1431 = tpu.vector_load %arg8[%swap3A_1430] {strides = array<i32>} : memref<256xf32, #tpu.memory_space<vmem>>, vector<16xf32>,
    tpu.vector_store %arg8[%swap3A_1430], %add3A_1429 {strides = array<i32>} : memref<256xf32, #tpu.memory_space<vmem>>, vector<16xf32>,
    %get3A_1432 = arith.constant 112 : index
    %get3A_1433 = tpu.vector_load %arg7[%get3A_1432] {strides = array<i32>} : memref<16384xf32, #tpu.memory_space<vmem>>, vector<16xf32>,
    %add3A_1434 = arith.addf %broadcast_in_dim3A_61, %get3A_1433 : vector<16xf32>
    %get3A_1435 = arith.constant 368 : index
    %get3A_1436 = tpu.vector_load %arg7[%get3A_1435] {strides = array<i32>} : memref<16384xf32, #tpu.memory_space<vmem>>, vector<16xf32>,
    %add3A_1437 = arith.addf %add3A_1434, %get3A_1436 : vector<16xf32>
    %get3A_1438 = arith.constant 624 : index
    %get3A_1439 = tpu.vector_load %arg7[%get3A_1438] {strides = array<i32>} : memref<16384xf32, #tpu.memory_space<vmem>>, vector<16xf32>,
    %add3A_1440 = arith.addf %add3A_1437, %get3A_1439 : vector<16xf32>
    %get3A_1441 = arith.constant 880 : index
    %get3A_1442 = tpu.vector_load %arg7[%get3A_1441] {strides = array<i32>} : memref<16384xf32, #tpu.memory_space<vmem>>, vector<16xf32>,
    %add3A_1443 = arith.addf %add3A_1440, %get3A_1442 : vector<16xf32>
    %get3A_1444 = arith.constant 1136 : index
    %get3A_1445 = tpu.vector_load %arg7[%get3A_1444] {strides = array<i32>} : memref<16384xf32, #tpu.memory_space<vmem>>, vector<16xf32>,
    %add3A_1446 = arith.addf %add3A_1443, %get3A_1445 : vector<16xf32>
    %get3A_1447 = arith.constant 1392 : index
    %get3A_1448 = tpu.vector_load %arg7[%get3A_1447] {strides = array<i32>} : memref<16384xf32, #tpu.memory_space<vmem>>, vector<16xf32>,
    %add3A_1449 = arith.addf %add3A_1446, %get3A_1448 : vector<16xf32>
    %get3A_1450 = arith.constant 1648 : index
    %get3A_1451 = tpu.vector_load %arg7[%get3A_1450] {strides = array<i32>} : memref<16384xf32, #tpu.memory_space<vmem>>, vector<16xf32>,
    %add3A_1452 = arith.addf %add3A_1449, %get3A_1451 : vector<16xf32>
    %get3A_1453 = arith.constant 1904 : index
    %get3A_1454 = tpu.vector_load %arg7[%get3A_1453] {strides = array<i32>} : memref<16384xf32, #tpu.memory_space<vmem>>, vector<16xf32>,
    %add3A_1455 = arith.addf %add3A_1452, %get3A_1454 : vector<16xf32>
    %get3A_1456 = arith.constant 2160 : index
    %get3A_1457 = tpu.vector_load %arg7[%get3A_1456] {strides = array<i32>} : memref<16384xf32, #tpu.memory_space<vmem>>, vector<16xf32>,
    %add3A_1458 = arith.addf %add3A_1455, %get3A_1457 : vector<16xf32>
    %get3A_1459 = arith.constant 2416 : index
    %get3A_1460 = tpu.vector_load %arg7[%get3A_1459] {strides = array<i32>} : memref<16384xf32, #tpu.memory_space<vmem>>, vector<16xf32>,
    %add3A_1461 = arith.addf %add3A_1458, %get3A_1460 : vector<16xf32>
    %get3A_1462 = arith.constant 2672 : index
    %get3A_1463 = tpu.vector_load %arg7[%get3A_1462] {strides = array<i32>} : memref<16384xf32, #tpu.memory_space<vmem>>, vector<16xf32>,
    %add3A_1464 = arith.addf %add3A_1461, %get3A_1463 : vector<16xf32>
    %get3A_1465 = arith.constant 2928 : index
    %get3A_1466 = tpu.vector_load %arg7[%get3A_1465] {strides = array<i32>} : memref<16384xf32, #tpu.memory_space<vmem>>, vector<16xf32>,
    %add3A_1467 = arith.addf %add3A_1464, %get3A_1466 : vector<16xf32>
    %get3A_1468 = arith.constant 3184 : index
    %get3A_1469 = tpu.vector_load %arg7[%get3A_1468] {strides = array<i32>} : memref<16384xf32, #tpu.memory_space<vmem>>, vector<16xf32>,
    %add3A_1470 = arith.addf %add3A_1467, %get3A_1469 : vector<16xf32>
    %get3A_1471 = arith.constant 3440 : index
    %get3A_1472 = tpu.vector_load %arg7[%get3A_1471] {strides = array<i32>} : memref<16384xf32, #tpu.memory_space<vmem>>, vector<16xf32>,
    %add3A_1473 = arith.addf %add3A_1470, %get3A_1472 : vector<16xf32>
    %get3A_1474 = arith.constant 3696 : index
    %get3A_1475 = tpu.vector_load %arg7[%get3A_1474] {strides = array<i32>} : memref<16384xf32, #tpu.memory_space<vmem>>, vector<16xf32>,
    %add3A_1476 = arith.addf %add3A_1473, %get3A_1475 : vector<16xf32>
    %get3A_1477 = arith.constant 3952 : index
    %get3A_1478 = tpu.vector_load %arg7[%get3A_1477] {strides = array<i32>} : memref<16384xf32, #tpu.memory_space<vmem>>, vector<16xf32>,
    %add3A_1479 = arith.addf %add3A_1476, %get3A_1478 : vector<16xf32>
    %get3A_1480 = arith.constant 4208 : index
    %get3A_1481 = tpu.vector_load %arg7[%get3A_1480] {strides = array<i32>} : memref<16384xf32, #tpu.memory_space<vmem>>, vector<16xf32>,
    %add3A_1482 = arith.addf %add3A_1479, %get3A_1481 : vector<16xf32>
    %get3A_1483 = arith.constant 4464 : index
    %get3A_1484 = tpu.vector_load %arg7[%get3A_1483] {strides = array<i32>} : memref<16384xf32, #tpu.memory_space<vmem>>, vector<16xf32>,
    %add3A_1485 = arith.addf %add3A_1482, %get3A_1484 : vector<16xf32>
    %get3A_1486 = arith.constant 4720 : index
    %get3A_1487 = tpu.vector_load %arg7[%get3A_1486] {strides = array<i32>} : memref<16384xf32, #tpu.memory_space<vmem>>, vector<16xf32>,
    %add3A_1488 = arith.addf %add3A_1485, %get3A_1487 : vector<16xf32>
    %get3A_1489 = arith.constant 4976 : index
    %get3A_1490 = tpu.vector_load %arg7[%get3A_1489] {strides = array<i32>} : memref<16384xf32, #tpu.memory_space<vmem>>, vector<16xf32>,
    %add3A_1491 = arith.addf %add3A_1488, %get3A_1490 : vector<16xf32>
    %get3A_1492 = arith.constant 5232 : index
    %get3A_1493 = tpu.vector_load %arg7[%get3A_1492] {strides = array<i32>} : memref<16384xf32, #tpu.memory_space<vmem>>, vector<16xf32>,
    %add3A_1494 = arith.addf %add3A_1491, %get3A_1493 : vector<16xf32>
    %get3A_1495 = arith.constant 5488 : index
    %get3A_1496 = tpu.vector_load %arg7[%get3A_1495] {strides = array<i32>} : memref<16384xf32, #tpu.memory_space<vmem>>, vector<16xf32>,
    %add3A_1497 = arith.addf %add3A_1494, %get3A_1496 : vector<16xf32>
    %get3A_1498 = arith.constant 5744 : index
    %get3A_1499 = tpu.vector_load %arg7[%get3A_1498] {strides = array<i32>} : memref<16384xf32, #tpu.memory_space<vmem>>, vector<16xf32>,
    %add3A_1500 = arith.addf %add3A_1497, %get3A_1499 : vector<16xf32>
    %get3A_1501 = arith.constant 6000 : index
    %get3A_1502 = tpu.vector_load %arg7[%get3A_1501] {strides = array<i32>} : memref<16384xf32, #tpu.memory_space<vmem>>, vector<16xf32>,
    %add3A_1503 = arith.addf %add3A_1500, %get3A_1502 : vector<16xf32>
    %get3A_1504 = arith.constant 6256 : index
    %get3A_1505 = tpu.vector_load %arg7[%get3A_1504] {strides = array<i32>} : memref<16384xf32, #tpu.memory_space<vmem>>, vector<16xf32>,
    %add3A_1506 = arith.addf %add3A_1503, %get3A_1505 : vector<16xf32>
    %get3A_1507 = arith.constant 6512 : index
    %get3A_1508 = tpu.vector_load %arg7[%get3A_1507] {strides = array<i32>} : memref<16384xf32, #tpu.memory_space<vmem>>, vector<16xf32>,
    %add3A_1509 = arith.addf %add3A_1506, %get3A_1508 : vector<16xf32>
    %get3A_1510 = arith.constant 6768 : index
    %get3A_1511 = tpu.vector_load %arg7[%get3A_1510] {strides = array<i32>} : memref<16384xf32, #tpu.memory_space<vmem>>, vector<16xf32>,
    %add3A_1512 = arith.addf %add3A_1509, %get3A_1511 : vector<16xf32>
    %get3A_1513 = arith.constant 7024 : index
    %get3A_1514 = tpu.vector_load %arg7[%get3A_1513] {strides = array<i32>} : memref<16384xf32, #tpu.memory_space<vmem>>, vector<16xf32>,
    %add3A_1515 = arith.addf %add3A_1512, %get3A_1514 : vector<16xf32>
    %get3A_1516 = arith.constant 7280 : index
    %get3A_1517 = tpu.vector_load %arg7[%get3A_1516] {strides = array<i32>} : memref<16384xf32, #tpu.memory_space<vmem>>, vector<16xf32>,
    %add3A_1518 = arith.addf %add3A_1515, %get3A_1517 : vector<16xf32>
    %get3A_1519 = arith.constant 7536 : index
    %get3A_1520 = tpu.vector_load %arg7[%get3A_1519] {strides = array<i32>} : memref<16384xf32, #tpu.memory_space<vmem>>, vector<16xf32>,
    %add3A_1521 = arith.addf %add3A_1518, %get3A_1520 : vector<16xf32>
    %get3A_1522 = arith.constant 7792 : index
    %get3A_1523 = tpu.vector_load %arg7[%get3A_1522] {strides = array<i32>} : memref<16384xf32, #tpu.memory_space<vmem>>, vector<16xf32>,
    %add3A_1524 = arith.addf %add3A_1521, %get3A_1523 : vector<16xf32>
    %get3A_1525 = arith.constant 8048 : index
    %get3A_1526 = tpu.vector_load %arg7[%get3A_1525] {strides = array<i32>} : memref<16384xf32, #tpu.memory_space<vmem>>, vector<16xf32>,
    %add3A_1527 = arith.addf %add3A_1524, %get3A_1526 : vector<16xf32>
    %get3A_1528 = arith.constant 8304 : index
    %get3A_1529 = tpu.vector_load %arg7[%get3A_1528] {strides = array<i32>} : memref<16384xf32, #tpu.memory_space<vmem>>, vector<16xf32>,
    %add3A_1530 = arith.addf %add3A_1527, %get3A_1529 : vector<16xf32>
    %get3A_1531 = arith.constant 8560 : index
    %get3A_1532 = tpu.vector_load %arg7[%get3A_1531] {strides = array<i32>} : memref<16384xf32, #tpu.memory_space<vmem>>, vector<16xf32>,
    %add3A_1533 = arith.addf %add3A_1530, %get3A_1532 : vector<16xf32>
    %get3A_1534 = arith.constant 8816 : index
    %get3A_1535 = tpu.vector_load %arg7[%get3A_1534] {strides = array<i32>} : memref<16384xf32, #tpu.memory_space<vmem>>, vector<16xf32>,
    %add3A_1536 = arith.addf %add3A_1533, %get3A_1535 : vector<16xf32>
    %get3A_1537 = arith.constant 9072 : index
    %get3A_1538 = tpu.vector_load %arg7[%get3A_1537] {strides = array<i32>} : memref<16384xf32, #tpu.memory_space<vmem>>, vector<16xf32>,
    %add3A_1539 = arith.addf %add3A_1536, %get3A_1538 : vector<16xf32>
    %get3A_1540 = arith.constant 9328 : index
    %get3A_1541 = tpu.vector_load %arg7[%get3A_1540] {strides = array<i32>} : memref<16384xf32, #tpu.memory_space<vmem>>, vector<16xf32>,
    %add3A_1542 = arith.addf %add3A_1539, %get3A_1541 : vector<16xf32>
    %get3A_1543 = arith.constant 9584 : index
    %get3A_1544 = tpu.vector_load %arg7[%get3A_1543] {strides = array<i32>} : memref<16384xf32, #tpu.memory_space<vmem>>, vector<16xf32>,
    %add3A_1545 = arith.addf %add3A_1542, %get3A_1544 : vector<16xf32>
    %get3A_1546 = arith.constant 9840 : index
    %get3A_1547 = tpu.vector_load %arg7[%get3A_1546] {strides = array<i32>} : memref<16384xf32, #tpu.memory_space<vmem>>, vector<16xf32>,
    %add3A_1548 = arith.addf %add3A_1545, %get3A_1547 : vector<16xf32>
    %get3A_1549 = arith.constant 10096 : index
    %get3A_1550 = tpu.vector_load %arg7[%get3A_1549] {strides = array<i32>} : memref<16384xf32, #tpu.memory_space<vmem>>, vector<16xf32>,
    %add3A_1551 = arith.addf %add3A_1548, %get3A_1550 : vector<16xf32>
    %get3A_1552 = arith.constant 10352 : index
    %get3A_1553 = tpu.vector_load %arg7[%get3A_1552] {strides = array<i32>} : memref<16384xf32, #tpu.memory_space<vmem>>, vector<16xf32>,
    %add3A_1554 = arith.addf %add3A_1551, %get3A_1553 : vector<16xf32>
    %get3A_1555 = arith.constant 10608 : index
    %get3A_1556 = tpu.vector_load %arg7[%get3A_1555] {strides = array<i32>} : memref<16384xf32, #tpu.memory_space<vmem>>, vector<16xf32>,
    %add3A_1557 = arith.addf %add3A_1554, %get3A_1556 : vector<16xf32>
    %get3A_1558 = arith.constant 10864 : index
    %get3A_1559 = tpu.vector_load %arg7[%get3A_1558] {strides = array<i32>} : memref<16384xf32, #tpu.memory_space<vmem>>, vector<16xf32>,
    %add3A_1560 = arith.addf %add3A_1557, %get3A_1559 : vector<16xf32>
    %get3A_1561 = arith.constant 11120 : index
    %get3A_1562 = tpu.vector_load %arg7[%get3A_1561] {strides = array<i32>} : memref<16384xf32, #tpu.memory_space<vmem>>, vector<16xf32>,
    %add3A_1563 = arith.addf %add3A_1560, %get3A_1562 : vector<16xf32>
    %get3A_1564 = arith.constant 11376 : index
    %get3A_1565 = tpu.vector_load %arg7[%get3A_1564] {strides = array<i32>} : memref<16384xf32, #tpu.memory_space<vmem>>, vector<16xf32>,
    %add3A_1566 = arith.addf %add3A_1563, %get3A_1565 : vector<16xf32>
    %get3A_1567 = arith.constant 11632 : index
    %get3A_1568 = tpu.vector_load %arg7[%get3A_1567] {strides = array<i32>} : memref<16384xf32, #tpu.memory_space<vmem>>, vector<16xf32>,
    %add3A_1569 = arith.addf %add3A_1566, %get3A_1568 : vector<16xf32>
    %get3A_1570 = arith.constant 11888 : index
    %get3A_1571 = tpu.vector_load %arg7[%get3A_1570] {strides = array<i32>} : memref<16384xf32, #tpu.memory_space<vmem>>, vector<16xf32>,
    %add3A_1572 = arith.addf %add3A_1569, %get3A_1571 : vector<16xf32>
    %get3A_1573 = arith.constant 12144 : index
    %get3A_1574 = tpu.vector_load %arg7[%get3A_1573] {strides = array<i32>} : memref<16384xf32, #tpu.memory_space<vmem>>, vector<16xf32>,
    %add3A_1575 = arith.addf %add3A_1572, %get3A_1574 : vector<16xf32>
    %get3A_1576 = arith.constant 12400 : index
    %get3A_1577 = tpu.vector_load %arg7[%get3A_1576] {strides = array<i32>} : memref<16384xf32, #tpu.memory_space<vmem>>, vector<16xf32>,
    %add3A_1578 = arith.addf %add3A_1575, %get3A_1577 : vector<16xf32>
    %get3A_1579 = arith.constant 12656 : index
    %get3A_1580 = tpu.vector_load %arg7[%get3A_1579] {strides = array<i32>} : memref<16384xf32, #tpu.memory_space<vmem>>, vector<16xf32>,
    %add3A_1581 = arith.addf %add3A_1578, %get3A_1580 : vector<16xf32>
    %get3A_1582 = arith.constant 12912 : index
    %get3A_1583 = tpu.vector_load %arg7[%get3A_1582] {strides = array<i32>} : memref<16384xf32, #tpu.memory_space<vmem>>, vector<16xf32>,
    %add3A_1584 = arith.addf %add3A_1581, %get3A_1583 : vector<16xf32>
    %get3A_1585 = arith.constant 13168 : index
    %get3A_1586 = tpu.vector_load %arg7[%get3A_1585] {strides = array<i32>} : memref<16384xf32, #tpu.memory_space<vmem>>, vector<16xf32>,
    %add3A_1587 = arith.addf %add3A_1584, %get3A_1586 : vector<16xf32>
    %get3A_1588 = arith.constant 13424 : index
    %get3A_1589 = tpu.vector_load %arg7[%get3A_1588] {strides = array<i32>} : memref<16384xf32, #tpu.memory_space<vmem>>, vector<16xf32>,
    %add3A_1590 = arith.addf %add3A_1587, %get3A_1589 : vector<16xf32>
    %get3A_1591 = arith.constant 13680 : index
    %get3A_1592 = tpu.vector_load %arg7[%get3A_1591] {strides = array<i32>} : memref<16384xf32, #tpu.memory_space<vmem>>, vector<16xf32>,
    %add3A_1593 = arith.addf %add3A_1590, %get3A_1592 : vector<16xf32>
    %get3A_1594 = arith.constant 13936 : index
    %get3A_1595 = tpu.vector_load %arg7[%get3A_1594] {strides = array<i32>} : memref<16384xf32, #tpu.memory_space<vmem>>, vector<16xf32>,
    %add3A_1596 = arith.addf %add3A_1593, %get3A_1595 : vector<16xf32>
    %get3A_1597 = arith.constant 14192 : index
    %get3A_1598 = tpu.vector_load %arg7[%get3A_1597] {strides = array<i32>} : memref<16384xf32, #tpu.memory_space<vmem>>, vector<16xf32>,
    %add3A_1599 = arith.addf %add3A_1596, %get3A_1598 : vector<16xf32>
    %get3A_1600 = arith.constant 14448 : index
    %get3A_1601 = tpu.vector_load %arg7[%get3A_1600] {strides = array<i32>} : memref<16384xf32, #tpu.memory_space<vmem>>, vector<16xf32>,
    %add3A_1602 = arith.addf %add3A_1599, %get3A_1601 : vector<16xf32>
    %get3A_1603 = arith.constant 14704 : index
    %get3A_1604 = tpu.vector_load %arg7[%get3A_1603] {strides = array<i32>} : memref<16384xf32, #tpu.memory_space<vmem>>, vector<16xf32>,
    %add3A_1605 = arith.addf %add3A_1602, %get3A_1604 : vector<16xf32>
    %get3A_1606 = arith.constant 14960 : index
    %get3A_1607 = tpu.vector_load %arg7[%get3A_1606] {strides = array<i32>} : memref<16384xf32, #tpu.memory_space<vmem>>, vector<16xf32>,
    %add3A_1608 = arith.addf %add3A_1605, %get3A_1607 : vector<16xf32>
    %get3A_1609 = arith.constant 15216 : index
    %get3A_1610 = tpu.vector_load %arg7[%get3A_1609] {strides = array<i32>} : memref<16384xf32, #tpu.memory_space<vmem>>, vector<16xf32>,
    %add3A_1611 = arith.addf %add3A_1608, %get3A_1610 : vector<16xf32>
    %get3A_1612 = arith.constant 15472 : index
    %get3A_1613 = tpu.vector_load %arg7[%get3A_1612] {strides = array<i32>} : memref<16384xf32, #tpu.memory_space<vmem>>, vector<16xf32>,
    %add3A_1614 = arith.addf %add3A_1611, %get3A_1613 : vector<16xf32>
    %get3A_1615 = arith.constant 15728 : index
    %get3A_1616 = tpu.vector_load %arg7[%get3A_1615] {strides = array<i32>} : memref<16384xf32, #tpu.memory_space<vmem>>, vector<16xf32>,
    %add3A_1617 = arith.addf %add3A_1614, %get3A_1616 : vector<16xf32>
    %get3A_1618 = arith.constant 15984 : index
    %get3A_1619 = tpu.vector_load %arg7[%get3A_1618] {strides = array<i32>} : memref<16384xf32, #tpu.memory_space<vmem>>, vector<16xf32>,
    %add3A_1620 = arith.addf %add3A_1617, %get3A_1619 : vector<16xf32>
    %get3A_1621 = arith.constant 16240 : index
    %get3A_1622 = tpu.vector_load %arg7[%get3A_1621] {strides = array<i32>} : memref<16384xf32, #tpu.memory_space<vmem>>, vector<16xf32>,
    %add3A_1623 = arith.addf %add3A_1620, %get3A_1622 : vector<16xf32>
    %swap3A_1624 = arith.constant 112 : index
    %swap3A_1625 = tpu.vector_load %arg8[%swap3A_1624] {strides = array<i32>} : memref<256xf32, #tpu.memory_space<vmem>>, vector<16xf32>,
    tpu.vector_store %arg8[%swap3A_1624], %add3A_1623 {strides = array<i32>} : memref<256xf32, #tpu.memory_space<vmem>>, vector<16xf32>,
    %get3A_1626 = arith.constant 128 : index
    %get3A_1627 = tpu.vector_load %arg7[%get3A_1626] {strides = array<i32>} : memref<16384xf32, #tpu.memory_space<vmem>>, vector<16xf32>,
    %add3A_1628 = arith.addf %broadcast_in_dim3A_61, %get3A_1627 : vector<16xf32>
    %get3A_1629 = arith.constant 384 : index
    %get3A_1630 = tpu.vector_load %arg7[%get3A_1629] {strides = array<i32>} : memref<16384xf32, #tpu.memory_space<vmem>>, vector<16xf32>,
    %add3A_1631 = arith.addf %add3A_1628, %get3A_1630 : vector<16xf32>
    %get3A_1632 = arith.constant 640 : index
    %get3A_1633 = tpu.vector_load %arg7[%get3A_1632] {strides = array<i32>} : memref<16384xf32, #tpu.memory_space<vmem>>, vector<16xf32>,
    %add3A_1634 = arith.addf %add3A_1631, %get3A_1633 : vector<16xf32>
    %get3A_1635 = arith.constant 896 : index
    %get3A_1636 = tpu.vector_load %arg7[%get3A_1635] {strides = array<i32>} : memref<16384xf32, #tpu.memory_space<vmem>>, vector<16xf32>,
    %add3A_1637 = arith.addf %add3A_1634, %get3A_1636 : vector<16xf32>
    %get3A_1638 = arith.constant 1152 : index
    %get3A_1639 = tpu.vector_load %arg7[%get3A_1638] {strides = array<i32>} : memref<16384xf32, #tpu.memory_space<vmem>>, vector<16xf32>,
    %add3A_1640 = arith.addf %add3A_1637, %get3A_1639 : vector<16xf32>
    %get3A_1641 = arith.constant 1408 : index
    %get3A_1642 = tpu.vector_load %arg7[%get3A_1641] {strides = array<i32>} : memref<16384xf32, #tpu.memory_space<vmem>>, vector<16xf32>,
    %add3A_1643 = arith.addf %add3A_1640, %get3A_1642 : vector<16xf32>
    %get3A_1644 = arith.constant 1664 : index
    %get3A_1645 = tpu.vector_load %arg7[%get3A_1644] {strides = array<i32>} : memref<16384xf32, #tpu.memory_space<vmem>>, vector<16xf32>,
    %add3A_1646 = arith.addf %add3A_1643, %get3A_1645 : vector<16xf32>
    %get3A_1647 = arith.constant 1920 : index
    %get3A_1648 = tpu.vector_load %arg7[%get3A_1647] {strides = array<i32>} : memref<16384xf32, #tpu.memory_space<vmem>>, vector<16xf32>,
    %add3A_1649 = arith.addf %add3A_1646, %get3A_1648 : vector<16xf32>
    %get3A_1650 = arith.constant 2176 : index
    %get3A_1651 = tpu.vector_load %arg7[%get3A_1650] {strides = array<i32>} : memref<16384xf32, #tpu.memory_space<vmem>>, vector<16xf32>,
    %add3A_1652 = arith.addf %add3A_1649, %get3A_1651 : vector<16xf32>
    %get3A_1653 = arith.constant 2432 : index
    %get3A_1654 = tpu.vector_load %arg7[%get3A_1653] {strides = array<i32>} : memref<16384xf32, #tpu.memory_space<vmem>>, vector<16xf32>,
    %add3A_1655 = arith.addf %add3A_1652, %get3A_1654 : vector<16xf32>
    %get3A_1656 = arith.constant 2688 : index
    %get3A_1657 = tpu.vector_load %arg7[%get3A_1656] {strides = array<i32>} : memref<16384xf32, #tpu.memory_space<vmem>>, vector<16xf32>,
    %add3A_1658 = arith.addf %add3A_1655, %get3A_1657 : vector<16xf32>
    %get3A_1659 = arith.constant 2944 : index
    %get3A_1660 = tpu.vector_load %arg7[%get3A_1659] {strides = array<i32>} : memref<16384xf32, #tpu.memory_space<vmem>>, vector<16xf32>,
    %add3A_1661 = arith.addf %add3A_1658, %get3A_1660 : vector<16xf32>
    %get3A_1662 = arith.constant 3200 : index
    %get3A_1663 = tpu.vector_load %arg7[%get3A_1662] {strides = array<i32>} : memref<16384xf32, #tpu.memory_space<vmem>>, vector<16xf32>,
    %add3A_1664 = arith.addf %add3A_1661, %get3A_1663 : vector<16xf32>
    %get3A_1665 = arith.constant 3456 : index
    %get3A_1666 = tpu.vector_load %arg7[%get3A_1665] {strides = array<i32>} : memref<16384xf32, #tpu.memory_space<vmem>>, vector<16xf32>,
    %add3A_1667 = arith.addf %add3A_1664, %get3A_1666 : vector<16xf32>
    %get3A_1668 = arith.constant 3712 : index
    %get3A_1669 = tpu.vector_load %arg7[%get3A_1668] {strides = array<i32>} : memref<16384xf32, #tpu.memory_space<vmem>>, vector<16xf32>,
    %add3A_1670 = arith.addf %add3A_1667, %get3A_1669 : vector<16xf32>
    %get3A_1671 = arith.constant 3968 : index
    %get3A_1672 = tpu.vector_load %arg7[%get3A_1671] {strides = array<i32>} : memref<16384xf32, #tpu.memory_space<vmem>>, vector<16xf32>,
    %add3A_1673 = arith.addf %add3A_1670, %get3A_1672 : vector<16xf32>
    %get3A_1674 = arith.constant 4224 : index
    %get3A_1675 = tpu.vector_load %arg7[%get3A_1674] {strides = array<i32>} : memref<16384xf32, #tpu.memory_space<vmem>>, vector<16xf32>,
    %add3A_1676 = arith.addf %add3A_1673, %get3A_1675 : vector<16xf32>
    %get3A_1677 = arith.constant 4480 : index
    %get3A_1678 = tpu.vector_load %arg7[%get3A_1677] {strides = array<i32>} : memref<16384xf32, #tpu.memory_space<vmem>>, vector<16xf32>,
    %add3A_1679 = arith.addf %add3A_1676, %get3A_1678 : vector<16xf32>
    %get3A_1680 = arith.constant 4736 : index
    %get3A_1681 = tpu.vector_load %arg7[%get3A_1680] {strides = array<i32>} : memref<16384xf32, #tpu.memory_space<vmem>>, vector<16xf32>,
    %add3A_1682 = arith.addf %add3A_1679, %get3A_1681 : vector<16xf32>
    %get3A_1683 = arith.constant 4992 : index
    %get3A_1684 = tpu.vector_load %arg7[%get3A_1683] {strides = array<i32>} : memref<16384xf32, #tpu.memory_space<vmem>>, vector<16xf32>,
    %add3A_1685 = arith.addf %add3A_1682, %get3A_1684 : vector<16xf32>
    %get3A_1686 = arith.constant 5248 : index
    %get3A_1687 = tpu.vector_load %arg7[%get3A_1686] {strides = array<i32>} : memref<16384xf32, #tpu.memory_space<vmem>>, vector<16xf32>,
    %add3A_1688 = arith.addf %add3A_1685, %get3A_1687 : vector<16xf32>
    %get3A_1689 = arith.constant 5504 : index
    %get3A_1690 = tpu.vector_load %arg7[%get3A_1689] {strides = array<i32>} : memref<16384xf32, #tpu.memory_space<vmem>>, vector<16xf32>,
    %add3A_1691 = arith.addf %add3A_1688, %get3A_1690 : vector<16xf32>
    %get3A_1692 = arith.constant 5760 : index
    %get3A_1693 = tpu.vector_load %arg7[%get3A_1692] {strides = array<i32>} : memref<16384xf32, #tpu.memory_space<vmem>>, vector<16xf32>,
    %add3A_1694 = arith.addf %add3A_1691, %get3A_1693 : vector<16xf32>
    %get3A_1695 = arith.constant 6016 : index
    %get3A_1696 = tpu.vector_load %arg7[%get3A_1695] {strides = array<i32>} : memref<16384xf32, #tpu.memory_space<vmem>>, vector<16xf32>,
    %add3A_1697 = arith.addf %add3A_1694, %get3A_1696 : vector<16xf32>
    %get3A_1698 = arith.constant 6272 : index
    %get3A_1699 = tpu.vector_load %arg7[%get3A_1698] {strides = array<i32>} : memref<16384xf32, #tpu.memory_space<vmem>>, vector<16xf32>,
    %add3A_1700 = arith.addf %add3A_1697, %get3A_1699 : vector<16xf32>
    %get3A_1701 = arith.constant 6528 : index
    %get3A_1702 = tpu.vector_load %arg7[%get3A_1701] {strides = array<i32>} : memref<16384xf32, #tpu.memory_space<vmem>>, vector<16xf32>,
    %add3A_1703 = arith.addf %add3A_1700, %get3A_1702 : vector<16xf32>
    %get3A_1704 = arith.constant 6784 : index
    %get3A_1705 = tpu.vector_load %arg7[%get3A_1704] {strides = array<i32>} : memref<16384xf32, #tpu.memory_space<vmem>>, vector<16xf32>,
    %add3A_1706 = arith.addf %add3A_1703, %get3A_1705 : vector<16xf32>
    %get3A_1707 = arith.constant 7040 : index
    %get3A_1708 = tpu.vector_load %arg7[%get3A_1707] {strides = array<i32>} : memref<16384xf32, #tpu.memory_space<vmem>>, vector<16xf32>,
    %add3A_1709 = arith.addf %add3A_1706, %get3A_1708 : vector<16xf32>
    %get3A_1710 = arith.constant 7296 : index
    %get3A_1711 = tpu.vector_load %arg7[%get3A_1710] {strides = array<i32>} : memref<16384xf32, #tpu.memory_space<vmem>>, vector<16xf32>,
    %add3A_1712 = arith.addf %add3A_1709, %get3A_1711 : vector<16xf32>
    %get3A_1713 = arith.constant 7552 : index
    %get3A_1714 = tpu.vector_load %arg7[%get3A_1713] {strides = array<i32>} : memref<16384xf32, #tpu.memory_space<vmem>>, vector<16xf32>,
    %add3A_1715 = arith.addf %add3A_1712, %get3A_1714 : vector<16xf32>
    %get3A_1716 = arith.constant 7808 : index
    %get3A_1717 = tpu.vector_load %arg7[%get3A_1716] {strides = array<i32>} : memref<16384xf32, #tpu.memory_space<vmem>>, vector<16xf32>,
    %add3A_1718 = arith.addf %add3A_1715, %get3A_1717 : vector<16xf32>
    %get3A_1719 = arith.constant 8064 : index
    %get3A_1720 = tpu.vector_load %arg7[%get3A_1719] {strides = array<i32>} : memref<16384xf32, #tpu.memory_space<vmem>>, vector<16xf32>,
    %add3A_1721 = arith.addf %add3A_1718, %get3A_1720 : vector<16xf32>
    %get3A_1722 = arith.constant 8320 : index
    %get3A_1723 = tpu.vector_load %arg7[%get3A_1722] {strides = array<i32>} : memref<16384xf32, #tpu.memory_space<vmem>>, vector<16xf32>,
    %add3A_1724 = arith.addf %add3A_1721, %get3A_1723 : vector<16xf32>
    %get3A_1725 = arith.constant 8576 : index
    %get3A_1726 = tpu.vector_load %arg7[%get3A_1725] {strides = array<i32>} : memref<16384xf32, #tpu.memory_space<vmem>>, vector<16xf32>,
    %add3A_1727 = arith.addf %add3A_1724, %get3A_1726 : vector<16xf32>
    %get3A_1728 = arith.constant 8832 : index
    %get3A_1729 = tpu.vector_load %arg7[%get3A_1728] {strides = array<i32>} : memref<16384xf32, #tpu.memory_space<vmem>>, vector<16xf32>,
    %add3A_1730 = arith.addf %add3A_1727, %get3A_1729 : vector<16xf32>
    %get3A_1731 = arith.constant 9088 : index
    %get3A_1732 = tpu.vector_load %arg7[%get3A_1731] {strides = array<i32>} : memref<16384xf32, #tpu.memory_space<vmem>>, vector<16xf32>,
    %add3A_1733 = arith.addf %add3A_1730, %get3A_1732 : vector<16xf32>
    %get3A_1734 = arith.constant 9344 : index
    %get3A_1735 = tpu.vector_load %arg7[%get3A_1734] {strides = array<i32>} : memref<16384xf32, #tpu.memory_space<vmem>>, vector<16xf32>,
    %add3A_1736 = arith.addf %add3A_1733, %get3A_1735 : vector<16xf32>
    %get3A_1737 = arith.constant 9600 : index
    %get3A_1738 = tpu.vector_load %arg7[%get3A_1737] {strides = array<i32>} : memref<16384xf32, #tpu.memory_space<vmem>>, vector<16xf32>,
    %add3A_1739 = arith.addf %add3A_1736, %get3A_1738 : vector<16xf32>
    %get3A_1740 = arith.constant 9856 : index
    %get3A_1741 = tpu.vector_load %arg7[%get3A_1740] {strides = array<i32>} : memref<16384xf32, #tpu.memory_space<vmem>>, vector<16xf32>,
    %add3A_1742 = arith.addf %add3A_1739, %get3A_1741 : vector<16xf32>
    %get3A_1743 = arith.constant 10112 : index
    %get3A_1744 = tpu.vector_load %arg7[%get3A_1743] {strides = array<i32>} : memref<16384xf32, #tpu.memory_space<vmem>>, vector<16xf32>,
    %add3A_1745 = arith.addf %add3A_1742, %get3A_1744 : vector<16xf32>
    %get3A_1746 = arith.constant 10368 : index
    %get3A_1747 = tpu.vector_load %arg7[%get3A_1746] {strides = array<i32>} : memref<16384xf32, #tpu.memory_space<vmem>>, vector<16xf32>,
    %add3A_1748 = arith.addf %add3A_1745, %get3A_1747 : vector<16xf32>
    %get3A_1749 = arith.constant 10624 : index
    %get3A_1750 = tpu.vector_load %arg7[%get3A_1749] {strides = array<i32>} : memref<16384xf32, #tpu.memory_space<vmem>>, vector<16xf32>,
    %add3A_1751 = arith.addf %add3A_1748, %get3A_1750 : vector<16xf32>
    %get3A_1752 = arith.constant 10880 : index
    %get3A_1753 = tpu.vector_load %arg7[%get3A_1752] {strides = array<i32>} : memref<16384xf32, #tpu.memory_space<vmem>>, vector<16xf32>,
    %add3A_1754 = arith.addf %add3A_1751, %get3A_1753 : vector<16xf32>
    %get3A_1755 = arith.constant 11136 : index
    %get3A_1756 = tpu.vector_load %arg7[%get3A_1755] {strides = array<i32>} : memref<16384xf32, #tpu.memory_space<vmem>>, vector<16xf32>,
    %add3A_1757 = arith.addf %add3A_1754, %get3A_1756 : vector<16xf32>
    %get3A_1758 = arith.constant 11392 : index
    %get3A_1759 = tpu.vector_load %arg7[%get3A_1758] {strides = array<i32>} : memref<16384xf32, #tpu.memory_space<vmem>>, vector<16xf32>,
    %add3A_1760 = arith.addf %add3A_1757, %get3A_1759 : vector<16xf32>
    %get3A_1761 = arith.constant 11648 : index
    %get3A_1762 = tpu.vector_load %arg7[%get3A_1761] {strides = array<i32>} : memref<16384xf32, #tpu.memory_space<vmem>>, vector<16xf32>,
    %add3A_1763 = arith.addf %add3A_1760, %get3A_1762 : vector<16xf32>
    %get3A_1764 = arith.constant 11904 : index
    %get3A_1765 = tpu.vector_load %arg7[%get3A_1764] {strides = array<i32>} : memref<16384xf32, #tpu.memory_space<vmem>>, vector<16xf32>,
    %add3A_1766 = arith.addf %add3A_1763, %get3A_1765 : vector<16xf32>
    %get3A_1767 = arith.constant 12160 : index
    %get3A_1768 = tpu.vector_load %arg7[%get3A_1767] {strides = array<i32>} : memref<16384xf32, #tpu.memory_space<vmem>>, vector<16xf32>,
    %add3A_1769 = arith.addf %add3A_1766, %get3A_1768 : vector<16xf32>
    %get3A_1770 = arith.constant 12416 : index
    %get3A_1771 = tpu.vector_load %arg7[%get3A_1770] {strides = array<i32>} : memref<16384xf32, #tpu.memory_space<vmem>>, vector<16xf32>,
    %add3A_1772 = arith.addf %add3A_1769, %get3A_1771 : vector<16xf32>
    %get3A_1773 = arith.constant 12672 : index
    %get3A_1774 = tpu.vector_load %arg7[%get3A_1773] {strides = array<i32>} : memref<16384xf32, #tpu.memory_space<vmem>>, vector<16xf32>,
    %add3A_1775 = arith.addf %add3A_1772, %get3A_1774 : vector<16xf32>
    %get3A_1776 = arith.constant 12928 : index
    %get3A_1777 = tpu.vector_load %arg7[%get3A_1776] {strides = array<i32>} : memref<16384xf32, #tpu.memory_space<vmem>>, vector<16xf32>,
    %add3A_1778 = arith.addf %add3A_1775, %get3A_1777 : vector<16xf32>
    %get3A_1779 = arith.constant 13184 : index
    %get3A_1780 = tpu.vector_load %arg7[%get3A_1779] {strides = array<i32>} : memref<16384xf32, #tpu.memory_space<vmem>>, vector<16xf32>,
    %add3A_1781 = arith.addf %add3A_1778, %get3A_1780 : vector<16xf32>
    %get3A_1782 = arith.constant 13440 : index
    %get3A_1783 = tpu.vector_load %arg7[%get3A_1782] {strides = array<i32>} : memref<16384xf32, #tpu.memory_space<vmem>>, vector<16xf32>,
    %add3A_1784 = arith.addf %add3A_1781, %get3A_1783 : vector<16xf32>
    %get3A_1785 = arith.constant 13696 : index
    %get3A_1786 = tpu.vector_load %arg7[%get3A_1785] {strides = array<i32>} : memref<16384xf32, #tpu.memory_space<vmem>>, vector<16xf32>,
    %add3A_1787 = arith.addf %add3A_1784, %get3A_1786 : vector<16xf32>
    %get3A_1788 = arith.constant 13952 : index
    %get3A_1789 = tpu.vector_load %arg7[%get3A_1788] {strides = array<i32>} : memref<16384xf32, #tpu.memory_space<vmem>>, vector<16xf32>,
    %add3A_1790 = arith.addf %add3A_1787, %get3A_1789 : vector<16xf32>
    %get3A_1791 = arith.constant 14208 : index
    %get3A_1792 = tpu.vector_load %arg7[%get3A_1791] {strides = array<i32>} : memref<16384xf32, #tpu.memory_space<vmem>>, vector<16xf32>,
    %add3A_1793 = arith.addf %add3A_1790, %get3A_1792 : vector<16xf32>
    %get3A_1794 = arith.constant 14464 : index
    %get3A_1795 = tpu.vector_load %arg7[%get3A_1794] {strides = array<i32>} : memref<16384xf32, #tpu.memory_space<vmem>>, vector<16xf32>,
    %add3A_1796 = arith.addf %add3A_1793, %get3A_1795 : vector<16xf32>
    %get3A_1797 = arith.constant 14720 : index
    %get3A_1798 = tpu.vector_load %arg7[%get3A_1797] {strides = array<i32>} : memref<16384xf32, #tpu.memory_space<vmem>>, vector<16xf32>,
    %add3A_1799 = arith.addf %add3A_1796, %get3A_1798 : vector<16xf32>
    %get3A_1800 = arith.constant 14976 : index
    %get3A_1801 = tpu.vector_load %arg7[%get3A_1800] {strides = array<i32>} : memref<16384xf32, #tpu.memory_space<vmem>>, vector<16xf32>,
    %add3A_1802 = arith.addf %add3A_1799, %get3A_1801 : vector<16xf32>
    %get3A_1803 = arith.constant 15232 : index
    %get3A_1804 = tpu.vector_load %arg7[%get3A_1803] {strides = array<i32>} : memref<16384xf32, #tpu.memory_space<vmem>>, vector<16xf32>,
    %add3A_1805 = arith.addf %add3A_1802, %get3A_1804 : vector<16xf32>
    %get3A_1806 = arith.constant 15488 : index
    %get3A_1807 = tpu.vector_load %arg7[%get3A_1806] {strides = array<i32>} : memref<16384xf32, #tpu.memory_space<vmem>>, vector<16xf32>,
    %add3A_1808 = arith.addf %add3A_1805, %get3A_1807 : vector<16xf32>
    %get3A_1809 = arith.constant 15744 : index
    %get3A_1810 = tpu.vector_load %arg7[%get3A_1809] {strides = array<i32>} : memref<16384xf32, #tpu.memory_space<vmem>>, vector<16xf32>,
    %add3A_1811 = arith.addf %add3A_1808, %get3A_1810 : vector<16xf32>
    %get3A_1812 = arith.constant 16000 : index
    %get3A_1813 = tpu.vector_load %arg7[%get3A_1812] {strides = array<i32>} : memref<16384xf32, #tpu.memory_space<vmem>>, vector<16xf32>,
    %add3A_1814 = arith.addf %add3A_1811, %get3A_1813 : vector<16xf32>
    %get3A_1815 = arith.constant 16256 : index
    %get3A_1816 = tpu.vector_load %arg7[%get3A_1815] {strides = array<i32>} : memref<16384xf32, #tpu.memory_space<vmem>>, vector<16xf32>,
    %add3A_1817 = arith.addf %add3A_1814, %get3A_1816 : vector<16xf32>
    %swap3A_1818 = arith.constant 128 : index
    %swap3A_1819 = tpu.vector_load %arg8[%swap3A_1818] {strides = array<i32>} : memref<256xf32, #tpu.memory_space<vmem>>, vector<16xf32>,
    tpu.vector_store %arg8[%swap3A_1818], %add3A_1817 {strides = array<i32>} : memref<256xf32, #tpu.memory_space<vmem>>, vector<16xf32>,
    %get3A_1820 = arith.constant 144 : index
    %get3A_1821 = tpu.vector_load %arg7[%get3A_1820] {strides = array<i32>} : memref<16384xf32, #tpu.memory_space<vmem>>, vector<16xf32>,
    %add3A_1822 = arith.addf %broadcast_in_dim3A_61, %get3A_1821 : vector<16xf32>
    %get3A_1823 = arith.constant 400 : index
    %get3A_1824 = tpu.vector_load %arg7[%get3A_1823] {strides = array<i32>} : memref<16384xf32, #tpu.memory_space<vmem>>, vector<16xf32>,
    %add3A_1825 = arith.addf %add3A_1822, %get3A_1824 : vector<16xf32>
    %get3A_1826 = arith.constant 656 : index
    %get3A_1827 = tpu.vector_load %arg7[%get3A_1826] {strides = array<i32>} : memref<16384xf32, #tpu.memory_space<vmem>>, vector<16xf32>,
    %add3A_1828 = arith.addf %add3A_1825, %get3A_1827 : vector<16xf32>
    %get3A_1829 = arith.constant 912 : index
    %get3A_1830 = tpu.vector_load %arg7[%get3A_1829] {strides = array<i32>} : memref<16384xf32, #tpu.memory_space<vmem>>, vector<16xf32>,
    %add3A_1831 = arith.addf %add3A_1828, %get3A_1830 : vector<16xf32>
    %get3A_1832 = arith.constant 1168 : index
    %get3A_1833 = tpu.vector_load %arg7[%get3A_1832] {strides = array<i32>} : memref<16384xf32, #tpu.memory_space<vmem>>, vector<16xf32>,
    %add3A_1834 = arith.addf %add3A_1831, %get3A_1833 : vector<16xf32>
    %get3A_1835 = arith.constant 1424 : index
    %get3A_1836 = tpu.vector_load %arg7[%get3A_1835] {strides = array<i32>} : memref<16384xf32, #tpu.memory_space<vmem>>, vector<16xf32>,
    %add3A_1837 = arith.addf %add3A_1834, %get3A_1836 : vector<16xf32>
    %get3A_1838 = arith.constant 1680 : index
    %get3A_1839 = tpu.vector_load %arg7[%get3A_1838] {strides = array<i32>} : memref<16384xf32, #tpu.memory_space<vmem>>, vector<16xf32>,
    %add3A_1840 = arith.addf %add3A_1837, %get3A_1839 : vector<16xf32>
    %get3A_1841 = arith.constant 1936 : index
    %get3A_1842 = tpu.vector_load %arg7[%get3A_1841] {strides = array<i32>} : memref<16384xf32, #tpu.memory_space<vmem>>, vector<16xf32>,
    %add3A_1843 = arith.addf %add3A_1840, %get3A_1842 : vector<16xf32>
    %get3A_1844 = arith.constant 2192 : index
    %get3A_1845 = tpu.vector_load %arg7[%get3A_1844] {strides = array<i32>} : memref<16384xf32, #tpu.memory_space<vmem>>, vector<16xf32>,
    %add3A_1846 = arith.addf %add3A_1843, %get3A_1845 : vector<16xf32>
    %get3A_1847 = arith.constant 2448 : index
    %get3A_1848 = tpu.vector_load %arg7[%get3A_1847] {strides = array<i32>} : memref<16384xf32, #tpu.memory_space<vmem>>, vector<16xf32>,
    %add3A_1849 = arith.addf %add3A_1846, %get3A_1848 : vector<16xf32>
    %get3A_1850 = arith.constant 2704 : index
    %get3A_1851 = tpu.vector_load %arg7[%get3A_1850] {strides = array<i32>} : memref<16384xf32, #tpu.memory_space<vmem>>, vector<16xf32>,
    %add3A_1852 = arith.addf %add3A_1849, %get3A_1851 : vector<16xf32>
    %get3A_1853 = arith.constant 2960 : index
    %get3A_1854 = tpu.vector_load %arg7[%get3A_1853] {strides = array<i32>} : memref<16384xf32, #tpu.memory_space<vmem>>, vector<16xf32>,
    %add3A_1855 = arith.addf %add3A_1852, %get3A_1854 : vector<16xf32>
    %get3A_1856 = arith.constant 3216 : index
    %get3A_1857 = tpu.vector_load %arg7[%get3A_1856] {strides = array<i32>} : memref<16384xf32, #tpu.memory_space<vmem>>, vector<16xf32>,
    %add3A_1858 = arith.addf %add3A_1855, %get3A_1857 : vector<16xf32>
    %get3A_1859 = arith.constant 3472 : index
    %get3A_1860 = tpu.vector_load %arg7[%get3A_1859] {strides = array<i32>} : memref<16384xf32, #tpu.memory_space<vmem>>, vector<16xf32>,
    %add3A_1861 = arith.addf %add3A_1858, %get3A_1860 : vector<16xf32>
    %get3A_1862 = arith.constant 3728 : index
    %get3A_1863 = tpu.vector_load %arg7[%get3A_1862] {strides = array<i32>} : memref<16384xf32, #tpu.memory_space<vmem>>, vector<16xf32>,
    %add3A_1864 = arith.addf %add3A_1861, %get3A_1863 : vector<16xf32>
    %get3A_1865 = arith.constant 3984 : index
    %get3A_1866 = tpu.vector_load %arg7[%get3A_1865] {strides = array<i32>} : memref<16384xf32, #tpu.memory_space<vmem>>, vector<16xf32>,
    %add3A_1867 = arith.addf %add3A_1864, %get3A_1866 : vector<16xf32>
    %get3A_1868 = arith.constant 4240 : index
    %get3A_1869 = tpu.vector_load %arg7[%get3A_1868] {strides = array<i32>} : memref<16384xf32, #tpu.memory_space<vmem>>, vector<16xf32>,
    %add3A_1870 = arith.addf %add3A_1867, %get3A_1869 : vector<16xf32>
    %get3A_1871 = arith.constant 4496 : index
    %get3A_1872 = tpu.vector_load %arg7[%get3A_1871] {strides = array<i32>} : memref<16384xf32, #tpu.memory_space<vmem>>, vector<16xf32>,
    %add3A_1873 = arith.addf %add3A_1870, %get3A_1872 : vector<16xf32>
    %get3A_1874 = arith.constant 4752 : index
    %get3A_1875 = tpu.vector_load %arg7[%get3A_1874] {strides = array<i32>} : memref<16384xf32, #tpu.memory_space<vmem>>, vector<16xf32>,
    %add3A_1876 = arith.addf %add3A_1873, %get3A_1875 : vector<16xf32>
    %get3A_1877 = arith.constant 5008 : index
    %get3A_1878 = tpu.vector_load %arg7[%get3A_1877] {strides = array<i32>} : memref<16384xf32, #tpu.memory_space<vmem>>, vector<16xf32>,
    %add3A_1879 = arith.addf %add3A_1876, %get3A_1878 : vector<16xf32>
    %get3A_1880 = arith.constant 5264 : index
    %get3A_1881 = tpu.vector_load %arg7[%get3A_1880] {strides = array<i32>} : memref<16384xf32, #tpu.memory_space<vmem>>, vector<16xf32>,
    %add3A_1882 = arith.addf %add3A_1879, %get3A_1881 : vector<16xf32>
    %get3A_1883 = arith.constant 5520 : index
    %get3A_1884 = tpu.vector_load %arg7[%get3A_1883] {strides = array<i32>} : memref<16384xf32, #tpu.memory_space<vmem>>, vector<16xf32>,
    %add3A_1885 = arith.addf %add3A_1882, %get3A_1884 : vector<16xf32>
    %get3A_1886 = arith.constant 5776 : index
    %get3A_1887 = tpu.vector_load %arg7[%get3A_1886] {strides = array<i32>} : memref<16384xf32, #tpu.memory_space<vmem>>, vector<16xf32>,
    %add3A_1888 = arith.addf %add3A_1885, %get3A_1887 : vector<16xf32>
    %get3A_1889 = arith.constant 6032 : index
    %get3A_1890 = tpu.vector_load %arg7[%get3A_1889] {strides = array<i32>} : memref<16384xf32, #tpu.memory_space<vmem>>, vector<16xf32>,
    %add3A_1891 = arith.addf %add3A_1888, %get3A_1890 : vector<16xf32>
    %get3A_1892 = arith.constant 6288 : index
    %get3A_1893 = tpu.vector_load %arg7[%get3A_1892] {strides = array<i32>} : memref<16384xf32, #tpu.memory_space<vmem>>, vector<16xf32>,
    %add3A_1894 = arith.addf %add3A_1891, %get3A_1893 : vector<16xf32>
    %get3A_1895 = arith.constant 6544 : index
    %get3A_1896 = tpu.vector_load %arg7[%get3A_1895] {strides = array<i32>} : memref<16384xf32, #tpu.memory_space<vmem>>, vector<16xf32>,
    %add3A_1897 = arith.addf %add3A_1894, %get3A_1896 : vector<16xf32>
    %get3A_1898 = arith.constant 6800 : index
    %get3A_1899 = tpu.vector_load %arg7[%get3A_1898] {strides = array<i32>} : memref<16384xf32, #tpu.memory_space<vmem>>, vector<16xf32>,
    %add3A_1900 = arith.addf %add3A_1897, %get3A_1899 : vector<16xf32>
    %get3A_1901 = arith.constant 7056 : index
    %get3A_1902 = tpu.vector_load %arg7[%get3A_1901] {strides = array<i32>} : memref<16384xf32, #tpu.memory_space<vmem>>, vector<16xf32>,
    %add3A_1903 = arith.addf %add3A_1900, %get3A_1902 : vector<16xf32>
    %get3A_1904 = arith.constant 7312 : index
    %get3A_1905 = tpu.vector_load %arg7[%get3A_1904] {strides = array<i32>} : memref<16384xf32, #tpu.memory_space<vmem>>, vector<16xf32>,
    %add3A_1906 = arith.addf %add3A_1903, %get3A_1905 : vector<16xf32>
    %get3A_1907 = arith.constant 7568 : index
    %get3A_1908 = tpu.vector_load %arg7[%get3A_1907] {strides = array<i32>} : memref<16384xf32, #tpu.memory_space<vmem>>, vector<16xf32>,
    %add3A_1909 = arith.addf %add3A_1906, %get3A_1908 : vector<16xf32>
    %get3A_1910 = arith.constant 7824 : index
    %get3A_1911 = tpu.vector_load %arg7[%get3A_1910] {strides = array<i32>} : memref<16384xf32, #tpu.memory_space<vmem>>, vector<16xf32>,
    %add3A_1912 = arith.addf %add3A_1909, %get3A_1911 : vector<16xf32>
    %get3A_1913 = arith.constant 8080 : index
    %get3A_1914 = tpu.vector_load %arg7[%get3A_1913] {strides = array<i32>} : memref<16384xf32, #tpu.memory_space<vmem>>, vector<16xf32>,
    %add3A_1915 = arith.addf %add3A_1912, %get3A_1914 : vector<16xf32>
    %get3A_1916 = arith.constant 8336 : index
    %get3A_1917 = tpu.vector_load %arg7[%get3A_1916] {strides = array<i32>} : memref<16384xf32, #tpu.memory_space<vmem>>, vector<16xf32>,
    %add3A_1918 = arith.addf %add3A_1915, %get3A_1917 : vector<16xf32>
    %get3A_1919 = arith.constant 8592 : index
    %get3A_1920 = tpu.vector_load %arg7[%get3A_1919] {strides = array<i32>} : memref<16384xf32, #tpu.memory_space<vmem>>, vector<16xf32>,
    %add3A_1921 = arith.addf %add3A_1918, %get3A_1920 : vector<16xf32>
    %get3A_1922 = arith.constant 8848 : index
    %get3A_1923 = tpu.vector_load %arg7[%get3A_1922] {strides = array<i32>} : memref<16384xf32, #tpu.memory_space<vmem>>, vector<16xf32>,
    %add3A_1924 = arith.addf %add3A_1921, %get3A_1923 : vector<16xf32>
    %get3A_1925 = arith.constant 9104 : index
    %get3A_1926 = tpu.vector_load %arg7[%get3A_1925] {strides = array<i32>} : memref<16384xf32, #tpu.memory_space<vmem>>, vector<16xf32>,
    %add3A_1927 = arith.addf %add3A_1924, %get3A_1926 : vector<16xf32>
    %get3A_1928 = arith.constant 9360 : index
    %get3A_1929 = tpu.vector_load %arg7[%get3A_1928] {strides = array<i32>} : memref<16384xf32, #tpu.memory_space<vmem>>, vector<16xf32>,
    %add3A_1930 = arith.addf %add3A_1927, %get3A_1929 : vector<16xf32>
    %get3A_1931 = arith.constant 9616 : index
    %get3A_1932 = tpu.vector_load %arg7[%get3A_1931] {strides = array<i32>} : memref<16384xf32, #tpu.memory_space<vmem>>, vector<16xf32>,
    %add3A_1933 = arith.addf %add3A_1930, %get3A_1932 : vector<16xf32>
    %get3A_1934 = arith.constant 9872 : index
    %get3A_1935 = tpu.vector_load %arg7[%get3A_1934] {strides = array<i32>} : memref<16384xf32, #tpu.memory_space<vmem>>, vector<16xf32>,
    %add3A_1936 = arith.addf %add3A_1933, %get3A_1935 : vector<16xf32>
    %get3A_1937 = arith.constant 10128 : index
    %get3A_1938 = tpu.vector_load %arg7[%get3A_1937] {strides = array<i32>} : memref<16384xf32, #tpu.memory_space<vmem>>, vector<16xf32>,
    %add3A_1939 = arith.addf %add3A_1936, %get3A_1938 : vector<16xf32>
    %get3A_1940 = arith.constant 10384 : index
    %get3A_1941 = tpu.vector_load %arg7[%get3A_1940] {strides = array<i32>} : memref<16384xf32, #tpu.memory_space<vmem>>, vector<16xf32>,
    %add3A_1942 = arith.addf %add3A_1939, %get3A_1941 : vector<16xf32>
    %get3A_1943 = arith.constant 10640 : index
    %get3A_1944 = tpu.vector_load %arg7[%get3A_1943] {strides = array<i32>} : memref<16384xf32, #tpu.memory_space<vmem>>, vector<16xf32>,
    %add3A_1945 = arith.addf %add3A_1942, %get3A_1944 : vector<16xf32>
    %get3A_1946 = arith.constant 10896 : index
    %get3A_1947 = tpu.vector_load %arg7[%get3A_1946] {strides = array<i32>} : memref<16384xf32, #tpu.memory_space<vmem>>, vector<16xf32>,
    %add3A_1948 = arith.addf %add3A_1945, %get3A_1947 : vector<16xf32>
    %get3A_1949 = arith.constant 11152 : index
    %get3A_1950 = tpu.vector_load %arg7[%get3A_1949] {strides = array<i32>} : memref<16384xf32, #tpu.memory_space<vmem>>, vector<16xf32>,
    %add3A_1951 = arith.addf %add3A_1948, %get3A_1950 : vector<16xf32>
    %get3A_1952 = arith.constant 11408 : index
    %get3A_1953 = tpu.vector_load %arg7[%get3A_1952] {strides = array<i32>} : memref<16384xf32, #tpu.memory_space<vmem>>, vector<16xf32>,
    %add3A_1954 = arith.addf %add3A_1951, %get3A_1953 : vector<16xf32>
    %get3A_1955 = arith.constant 11664 : index
    %get3A_1956 = tpu.vector_load %arg7[%get3A_1955] {strides = array<i32>} : memref<16384xf32, #tpu.memory_space<vmem>>, vector<16xf32>,
    %add3A_1957 = arith.addf %add3A_1954, %get3A_1956 : vector<16xf32>
    %get3A_1958 = arith.constant 11920 : index
    %get3A_1959 = tpu.vector_load %arg7[%get3A_1958] {strides = array<i32>} : memref<16384xf32, #tpu.memory_space<vmem>>, vector<16xf32>,
    %add3A_1960 = arith.addf %add3A_1957, %get3A_1959 : vector<16xf32>
    %get3A_1961 = arith.constant 12176 : index
    %get3A_1962 = tpu.vector_load %arg7[%get3A_1961] {strides = array<i32>} : memref<16384xf32, #tpu.memory_space<vmem>>, vector<16xf32>,
    %add3A_1963 = arith.addf %add3A_1960, %get3A_1962 : vector<16xf32>
    %get3A_1964 = arith.constant 12432 : index
    %get3A_1965 = tpu.vector_load %arg7[%get3A_1964] {strides = array<i32>} : memref<16384xf32, #tpu.memory_space<vmem>>, vector<16xf32>,
    %add3A_1966 = arith.addf %add3A_1963, %get3A_1965 : vector<16xf32>
    %get3A_1967 = arith.constant 12688 : index
    %get3A_1968 = tpu.vector_load %arg7[%get3A_1967] {strides = array<i32>} : memref<16384xf32, #tpu.memory_space<vmem>>, vector<16xf32>,
    %add3A_1969 = arith.addf %add3A_1966, %get3A_1968 : vector<16xf32>
    %get3A_1970 = arith.constant 12944 : index
    %get3A_1971 = tpu.vector_load %arg7[%get3A_1970] {strides = array<i32>} : memref<16384xf32, #tpu.memory_space<vmem>>, vector<16xf32>,
    %add3A_1972 = arith.addf %add3A_1969, %get3A_1971 : vector<16xf32>
    %get3A_1973 = arith.constant 13200 : index
    %get3A_1974 = tpu.vector_load %arg7[%get3A_1973] {strides = array<i32>} : memref<16384xf32, #tpu.memory_space<vmem>>, vector<16xf32>,
    %add3A_1975 = arith.addf %add3A_1972, %get3A_1974 : vector<16xf32>
    %get3A_1976 = arith.constant 13456 : index
    %get3A_1977 = tpu.vector_load %arg7[%get3A_1976] {strides = array<i32>} : memref<16384xf32, #tpu.memory_space<vmem>>, vector<16xf32>,
    %add3A_1978 = arith.addf %add3A_1975, %get3A_1977 : vector<16xf32>
    %get3A_1979 = arith.constant 13712 : index
    %get3A_1980 = tpu.vector_load %arg7[%get3A_1979] {strides = array<i32>} : memref<16384xf32, #tpu.memory_space<vmem>>, vector<16xf32>,
    %add3A_1981 = arith.addf %add3A_1978, %get3A_1980 : vector<16xf32>
    %get3A_1982 = arith.constant 13968 : index
    %get3A_1983 = tpu.vector_load %arg7[%get3A_1982] {strides = array<i32>} : memref<16384xf32, #tpu.memory_space<vmem>>, vector<16xf32>,
    %add3A_1984 = arith.addf %add3A_1981, %get3A_1983 : vector<16xf32>
    %get3A_1985 = arith.constant 14224 : index
    %get3A_1986 = tpu.vector_load %arg7[%get3A_1985] {strides = array<i32>} : memref<16384xf32, #tpu.memory_space<vmem>>, vector<16xf32>,
    %add3A_1987 = arith.addf %add3A_1984, %get3A_1986 : vector<16xf32>
    %get3A_1988 = arith.constant 14480 : index
    %get3A_1989 = tpu.vector_load %arg7[%get3A_1988] {strides = array<i32>} : memref<16384xf32, #tpu.memory_space<vmem>>, vector<16xf32>,
    %add3A_1990 = arith.addf %add3A_1987, %get3A_1989 : vector<16xf32>
    %get3A_1991 = arith.constant 14736 : index
    %get3A_1992 = tpu.vector_load %arg7[%get3A_1991] {strides = array<i32>} : memref<16384xf32, #tpu.memory_space<vmem>>, vector<16xf32>,
    %add3A_1993 = arith.addf %add3A_1990, %get3A_1992 : vector<16xf32>
    %get3A_1994 = arith.constant 14992 : index
    %get3A_1995 = tpu.vector_load %arg7[%get3A_1994] {strides = array<i32>} : memref<16384xf32, #tpu.memory_space<vmem>>, vector<16xf32>,
    %add3A_1996 = arith.addf %add3A_1993, %get3A_1995 : vector<16xf32>
    %get3A_1997 = arith.constant 15248 : index
    %get3A_1998 = tpu.vector_load %arg7[%get3A_1997] {strides = array<i32>} : memref<16384xf32, #tpu.memory_space<vmem>>, vector<16xf32>,
    %add3A_1999 = arith.addf %add3A_1996, %get3A_1998 : vector<16xf32>
    %get3A_2000 = arith.constant 15504 : index
    %get3A_2001 = tpu.vector_load %arg7[%get3A_2000] {strides = array<i32>} : memref<16384xf32, #tpu.memory_space<vmem>>, vector<16xf32>,
    %add3A_2002 = arith.addf %add3A_1999, %get3A_2001 : vector<16xf32>
    %get3A_2003 = arith.constant 15760 : index
    %get3A_2004 = tpu.vector_load %arg7[%get3A_2003] {strides = array<i32>} : memref<16384xf32, #tpu.memory_space<vmem>>, vector<16xf32>,
    %add3A_2005 = arith.addf %add3A_2002, %get3A_2004 : vector<16xf32>
    %get3A_2006 = arith.constant 16016 : index
    %get3A_2007 = tpu.vector_load %arg7[%get3A_2006] {strides = array<i32>} : memref<16384xf32, #tpu.memory_space<vmem>>, vector<16xf32>,
    %add3A_2008 = arith.addf %add3A_2005, %get3A_2007 : vector<16xf32>
    %get3A_2009 = arith.constant 16272 : index
    %get3A_2010 = tpu.vector_load %arg7[%get3A_2009] {strides = array<i32>} : memref<16384xf32, #tpu.memory_space<vmem>>, vector<16xf32>,
    %add3A_2011 = arith.addf %add3A_2008, %get3A_2010 : vector<16xf32>
    %swap3A_2012 = arith.constant 144 : index
    %swap3A_2013 = tpu.vector_load %arg8[%swap3A_2012] {strides = array<i32>} : memref<256xf32, #tpu.memory_space<vmem>>, vector<16xf32>,
    tpu.vector_store %arg8[%swap3A_2012], %add3A_2011 {strides = array<i32>} : memref<256xf32, #tpu.memory_space<vmem>>, vector<16xf32>,
    %get3A_2014 = arith.constant 160 : index
    %get3A_2015 = tpu.vector_load %arg7[%get3A_2014] {strides = array<i32>} : memref<16384xf32, #tpu.memory_space<vmem>>, vector<16xf32>,
    %add3A_2016 = arith.addf %broadcast_in_dim3A_61, %get3A_2015 : vector<16xf32>
    %get3A_2017 = arith.constant 416 : index
    %get3A_2018 = tpu.vector_load %arg7[%get3A_2017] {strides = array<i32>} : memref<16384xf32, #tpu.memory_space<vmem>>, vector<16xf32>,
    %add3A_2019 = arith.addf %add3A_2016, %get3A_2018 : vector<16xf32>
    %get3A_2020 = arith.constant 672 : index
    %get3A_2021 = tpu.vector_load %arg7[%get3A_2020] {strides = array<i32>} : memref<16384xf32, #tpu.memory_space<vmem>>, vector<16xf32>,
    %add3A_2022 = arith.addf %add3A_2019, %get3A_2021 : vector<16xf32>
    %get3A_2023 = arith.constant 928 : index
    %get3A_2024 = tpu.vector_load %arg7[%get3A_2023] {strides = array<i32>} : memref<16384xf32, #tpu.memory_space<vmem>>, vector<16xf32>,
    %add3A_2025 = arith.addf %add3A_2022, %get3A_2024 : vector<16xf32>
    %get3A_2026 = arith.constant 1184 : index
    %get3A_2027 = tpu.vector_load %arg7[%get3A_2026] {strides = array<i32>} : memref<16384xf32, #tpu.memory_space<vmem>>, vector<16xf32>,
    %add3A_2028 = arith.addf %add3A_2025, %get3A_2027 : vector<16xf32>
    %get3A_2029 = arith.constant 1440 : index
    %get3A_2030 = tpu.vector_load %arg7[%get3A_2029] {strides = array<i32>} : memref<16384xf32, #tpu.memory_space<vmem>>, vector<16xf32>,
    %add3A_2031 = arith.addf %add3A_2028, %get3A_2030 : vector<16xf32>
    %get3A_2032 = arith.constant 1696 : index
    %get3A_2033 = tpu.vector_load %arg7[%get3A_2032] {strides = array<i32>} : memref<16384xf32, #tpu.memory_space<vmem>>, vector<16xf32>,
    %add3A_2034 = arith.addf %add3A_2031, %get3A_2033 : vector<16xf32>
    %get3A_2035 = arith.constant 1952 : index
    %get3A_2036 = tpu.vector_load %arg7[%get3A_2035] {strides = array<i32>} : memref<16384xf32, #tpu.memory_space<vmem>>, vector<16xf32>,
    %add3A_2037 = arith.addf %add3A_2034, %get3A_2036 : vector<16xf32>
    %get3A_2038 = arith.constant 2208 : index
    %get3A_2039 = tpu.vector_load %arg7[%get3A_2038] {strides = array<i32>} : memref<16384xf32, #tpu.memory_space<vmem>>, vector<16xf32>,
    %add3A_2040 = arith.addf %add3A_2037, %get3A_2039 : vector<16xf32>
    %get3A_2041 = arith.constant 2464 : index
    %get3A_2042 = tpu.vector_load %arg7[%get3A_2041] {strides = array<i32>} : memref<16384xf32, #tpu.memory_space<vmem>>, vector<16xf32>,
    %add3A_2043 = arith.addf %add3A_2040, %get3A_2042 : vector<16xf32>
    %get3A_2044 = arith.constant 2720 : index
    %get3A_2045 = tpu.vector_load %arg7[%get3A_2044] {strides = array<i32>} : memref<16384xf32, #tpu.memory_space<vmem>>, vector<16xf32>,
    %add3A_2046 = arith.addf %add3A_2043, %get3A_2045 : vector<16xf32>
    %get3A_2047 = arith.constant 2976 : index
    %get3A_2048 = tpu.vector_load %arg7[%get3A_2047] {strides = array<i32>} : memref<16384xf32, #tpu.memory_space<vmem>>, vector<16xf32>,
    %add3A_2049 = arith.addf %add3A_2046, %get3A_2048 : vector<16xf32>
    %get3A_2050 = arith.constant 3232 : index
    %get3A_2051 = tpu.vector_load %arg7[%get3A_2050] {strides = array<i32>} : memref<16384xf32, #tpu.memory_space<vmem>>, vector<16xf32>,
    %add3A_2052 = arith.addf %add3A_2049, %get3A_2051 : vector<16xf32>
    %get3A_2053 = arith.constant 3488 : index
    %get3A_2054 = tpu.vector_load %arg7[%get3A_2053] {strides = array<i32>} : memref<16384xf32, #tpu.memory_space<vmem>>, vector<16xf32>,
    %add3A_2055 = arith.addf %add3A_2052, %get3A_2054 : vector<16xf32>
    %get3A_2056 = arith.constant 3744 : index
    %get3A_2057 = tpu.vector_load %arg7[%get3A_2056] {strides = array<i32>} : memref<16384xf32, #tpu.memory_space<vmem>>, vector<16xf32>,
    %add3A_2058 = arith.addf %add3A_2055, %get3A_2057 : vector<16xf32>
    %get3A_2059 = arith.constant 4000 : index
    %get3A_2060 = tpu.vector_load %arg7[%get3A_2059] {strides = array<i32>} : memref<16384xf32, #tpu.memory_space<vmem>>, vector<16xf32>,
    %add3A_2061 = arith.addf %add3A_2058, %get3A_2060 : vector<16xf32>
    %get3A_2062 = arith.constant 4256 : index
    %get3A_2063 = tpu.vector_load %arg7[%get3A_2062] {strides = array<i32>} : memref<16384xf32, #tpu.memory_space<vmem>>, vector<16xf32>,
    %add3A_2064 = arith.addf %add3A_2061, %get3A_2063 : vector<16xf32>
    %get3A_2065 = arith.constant 4512 : index
    %get3A_2066 = tpu.vector_load %arg7[%get3A_2065] {strides = array<i32>} : memref<16384xf32, #tpu.memory_space<vmem>>, vector<16xf32>,
    %add3A_2067 = arith.addf %add3A_2064, %get3A_2066 : vector<16xf32>
    %get3A_2068 = arith.constant 4768 : index
    %get3A_2069 = tpu.vector_load %arg7[%get3A_2068] {strides = array<i32>} : memref<16384xf32, #tpu.memory_space<vmem>>, vector<16xf32>,
    %add3A_2070 = arith.addf %add3A_2067, %get3A_2069 : vector<16xf32>
    %get3A_2071 = arith.constant 5024 : index
    %get3A_2072 = tpu.vector_load %arg7[%get3A_2071] {strides = array<i32>} : memref<16384xf32, #tpu.memory_space<vmem>>, vector<16xf32>,
    %add3A_2073 = arith.addf %add3A_2070, %get3A_2072 : vector<16xf32>
    %get3A_2074 = arith.constant 5280 : index
    %get3A_2075 = tpu.vector_load %arg7[%get3A_2074] {strides = array<i32>} : memref<16384xf32, #tpu.memory_space<vmem>>, vector<16xf32>,
    %add3A_2076 = arith.addf %add3A_2073, %get3A_2075 : vector<16xf32>
    %get3A_2077 = arith.constant 5536 : index
    %get3A_2078 = tpu.vector_load %arg7[%get3A_2077] {strides = array<i32>} : memref<16384xf32, #tpu.memory_space<vmem>>, vector<16xf32>,
    %add3A_2079 = arith.addf %add3A_2076, %get3A_2078 : vector<16xf32>
    %get3A_2080 = arith.constant 5792 : index
    %get3A_2081 = tpu.vector_load %arg7[%get3A_2080] {strides = array<i32>} : memref<16384xf32, #tpu.memory_space<vmem>>, vector<16xf32>,
    %add3A_2082 = arith.addf %add3A_2079, %get3A_2081 : vector<16xf32>
    %get3A_2083 = arith.constant 6048 : index
    %get3A_2084 = tpu.vector_load %arg7[%get3A_2083] {strides = array<i32>} : memref<16384xf32, #tpu.memory_space<vmem>>, vector<16xf32>,
    %add3A_2085 = arith.addf %add3A_2082, %get3A_2084 : vector<16xf32>
    %get3A_2086 = arith.constant 6304 : index
    %get3A_2087 = tpu.vector_load %arg7[%get3A_2086] {strides = array<i32>} : memref<16384xf32, #tpu.memory_space<vmem>>, vector<16xf32>,
    %add3A_2088 = arith.addf %add3A_2085, %get3A_2087 : vector<16xf32>
    %get3A_2089 = arith.constant 6560 : index
    %get3A_2090 = tpu.vector_load %arg7[%get3A_2089] {strides = array<i32>} : memref<16384xf32, #tpu.memory_space<vmem>>, vector<16xf32>,
    %add3A_2091 = arith.addf %add3A_2088, %get3A_2090 : vector<16xf32>
    %get3A_2092 = arith.constant 6816 : index
    %get3A_2093 = tpu.vector_load %arg7[%get3A_2092] {strides = array<i32>} : memref<16384xf32, #tpu.memory_space<vmem>>, vector<16xf32>,
    %add3A_2094 = arith.addf %add3A_2091, %get3A_2093 : vector<16xf32>
    %get3A_2095 = arith.constant 7072 : index
    %get3A_2096 = tpu.vector_load %arg7[%get3A_2095] {strides = array<i32>} : memref<16384xf32, #tpu.memory_space<vmem>>, vector<16xf32>,
    %add3A_2097 = arith.addf %add3A_2094, %get3A_2096 : vector<16xf32>
    %get3A_2098 = arith.constant 7328 : index
    %get3A_2099 = tpu.vector_load %arg7[%get3A_2098] {strides = array<i32>} : memref<16384xf32, #tpu.memory_space<vmem>>, vector<16xf32>,
    %add3A_2100 = arith.addf %add3A_2097, %get3A_2099 : vector<16xf32>
    %get3A_2101 = arith.constant 7584 : index
    %get3A_2102 = tpu.vector_load %arg7[%get3A_2101] {strides = array<i32>} : memref<16384xf32, #tpu.memory_space<vmem>>, vector<16xf32>,
    %add3A_2103 = arith.addf %add3A_2100, %get3A_2102 : vector<16xf32>
    %get3A_2104 = arith.constant 7840 : index
    %get3A_2105 = tpu.vector_load %arg7[%get3A_2104] {strides = array<i32>} : memref<16384xf32, #tpu.memory_space<vmem>>, vector<16xf32>,
    %add3A_2106 = arith.addf %add3A_2103, %get3A_2105 : vector<16xf32>
    %get3A_2107 = arith.constant 8096 : index
    %get3A_2108 = tpu.vector_load %arg7[%get3A_2107] {strides = array<i32>} : memref<16384xf32, #tpu.memory_space<vmem>>, vector<16xf32>,
    %add3A_2109 = arith.addf %add3A_2106, %get3A_2108 : vector<16xf32>
    %get3A_2110 = arith.constant 8352 : index
    %get3A_2111 = tpu.vector_load %arg7[%get3A_2110] {strides = array<i32>} : memref<16384xf32, #tpu.memory_space<vmem>>, vector<16xf32>,
    %add3A_2112 = arith.addf %add3A_2109, %get3A_2111 : vector<16xf32>
    %get3A_2113 = arith.constant 8608 : index
    %get3A_2114 = tpu.vector_load %arg7[%get3A_2113] {strides = array<i32>} : memref<16384xf32, #tpu.memory_space<vmem>>, vector<16xf32>,
    %add3A_2115 = arith.addf %add3A_2112, %get3A_2114 : vector<16xf32>
    %get3A_2116 = arith.constant 8864 : index
    %get3A_2117 = tpu.vector_load %arg7[%get3A_2116] {strides = array<i32>} : memref<16384xf32, #tpu.memory_space<vmem>>, vector<16xf32>,
    %add3A_2118 = arith.addf %add3A_2115, %get3A_2117 : vector<16xf32>
    %get3A_2119 = arith.constant 9120 : index
    %get3A_2120 = tpu.vector_load %arg7[%get3A_2119] {strides = array<i32>} : memref<16384xf32, #tpu.memory_space<vmem>>, vector<16xf32>,
    %add3A_2121 = arith.addf %add3A_2118, %get3A_2120 : vector<16xf32>
    %get3A_2122 = arith.constant 9376 : index
    %get3A_2123 = tpu.vector_load %arg7[%get3A_2122] {strides = array<i32>} : memref<16384xf32, #tpu.memory_space<vmem>>, vector<16xf32>,
    %add3A_2124 = arith.addf %add3A_2121, %get3A_2123 : vector<16xf32>
    %get3A_2125 = arith.constant 9632 : index
    %get3A_2126 = tpu.vector_load %arg7[%get3A_2125] {strides = array<i32>} : memref<16384xf32, #tpu.memory_space<vmem>>, vector<16xf32>,
    %add3A_2127 = arith.addf %add3A_2124, %get3A_2126 : vector<16xf32>
    %get3A_2128 = arith.constant 9888 : index
    %get3A_2129 = tpu.vector_load %arg7[%get3A_2128] {strides = array<i32>} : memref<16384xf32, #tpu.memory_space<vmem>>, vector<16xf32>,
    %add3A_2130 = arith.addf %add3A_2127, %get3A_2129 : vector<16xf32>
    %get3A_2131 = arith.constant 10144 : index
    %get3A_2132 = tpu.vector_load %arg7[%get3A_2131] {strides = array<i32>} : memref<16384xf32, #tpu.memory_space<vmem>>, vector<16xf32>,
    %add3A_2133 = arith.addf %add3A_2130, %get3A_2132 : vector<16xf32>
    %get3A_2134 = arith.constant 10400 : index
    %get3A_2135 = tpu.vector_load %arg7[%get3A_2134] {strides = array<i32>} : memref<16384xf32, #tpu.memory_space<vmem>>, vector<16xf32>,
    %add3A_2136 = arith.addf %add3A_2133, %get3A_2135 : vector<16xf32>
    %get3A_2137 = arith.constant 10656 : index
    %get3A_2138 = tpu.vector_load %arg7[%get3A_2137] {strides = array<i32>} : memref<16384xf32, #tpu.memory_space<vmem>>, vector<16xf32>,
    %add3A_2139 = arith.addf %add3A_2136, %get3A_2138 : vector<16xf32>
    %get3A_2140 = arith.constant 10912 : index
    %get3A_2141 = tpu.vector_load %arg7[%get3A_2140] {strides = array<i32>} : memref<16384xf32, #tpu.memory_space<vmem>>, vector<16xf32>,
    %add3A_2142 = arith.addf %add3A_2139, %get3A_2141 : vector<16xf32>
    %get3A_2143 = arith.constant 11168 : index
    %get3A_2144 = tpu.vector_load %arg7[%get3A_2143] {strides = array<i32>} : memref<16384xf32, #tpu.memory_space<vmem>>, vector<16xf32>,
    %add3A_2145 = arith.addf %add3A_2142, %get3A_2144 : vector<16xf32>
    %get3A_2146 = arith.constant 11424 : index
    %get3A_2147 = tpu.vector_load %arg7[%get3A_2146] {strides = array<i32>} : memref<16384xf32, #tpu.memory_space<vmem>>, vector<16xf32>,
    %add3A_2148 = arith.addf %add3A_2145, %get3A_2147 : vector<16xf32>
    %get3A_2149 = arith.constant 11680 : index
    %get3A_2150 = tpu.vector_load %arg7[%get3A_2149] {strides = array<i32>} : memref<16384xf32, #tpu.memory_space<vmem>>, vector<16xf32>,
    %add3A_2151 = arith.addf %add3A_2148, %get3A_2150 : vector<16xf32>
    %get3A_2152 = arith.constant 11936 : index
    %get3A_2153 = tpu.vector_load %arg7[%get3A_2152] {strides = array<i32>} : memref<16384xf32, #tpu.memory_space<vmem>>, vector<16xf32>,
    %add3A_2154 = arith.addf %add3A_2151, %get3A_2153 : vector<16xf32>
    %get3A_2155 = arith.constant 12192 : index
    %get3A_2156 = tpu.vector_load %arg7[%get3A_2155] {strides = array<i32>} : memref<16384xf32, #tpu.memory_space<vmem>>, vector<16xf32>,
    %add3A_2157 = arith.addf %add3A_2154, %get3A_2156 : vector<16xf32>
    %get3A_2158 = arith.constant 12448 : index
    %get3A_2159 = tpu.vector_load %arg7[%get3A_2158] {strides = array<i32>} : memref<16384xf32, #tpu.memory_space<vmem>>, vector<16xf32>,
    %add3A_2160 = arith.addf %add3A_2157, %get3A_2159 : vector<16xf32>
    %get3A_2161 = arith.constant 12704 : index
    %get3A_2162 = tpu.vector_load %arg7[%get3A_2161] {strides = array<i32>} : memref<16384xf32, #tpu.memory_space<vmem>>, vector<16xf32>,
    %add3A_2163 = arith.addf %add3A_2160, %get3A_2162 : vector<16xf32>
    %get3A_2164 = arith.constant 12960 : index
    %get3A_2165 = tpu.vector_load %arg7[%get3A_2164] {strides = array<i32>} : memref<16384xf32, #tpu.memory_space<vmem>>, vector<16xf32>,
    %add3A_2166 = arith.addf %add3A_2163, %get3A_2165 : vector<16xf32>
    %get3A_2167 = arith.constant 13216 : index
    %get3A_2168 = tpu.vector_load %arg7[%get3A_2167] {strides = array<i32>} : memref<16384xf32, #tpu.memory_space<vmem>>, vector<16xf32>,
    %add3A_2169 = arith.addf %add3A_2166, %get3A_2168 : vector<16xf32>
    %get3A_2170 = arith.constant 13472 : index
    %get3A_2171 = tpu.vector_load %arg7[%get3A_2170] {strides = array<i32>} : memref<16384xf32, #tpu.memory_space<vmem>>, vector<16xf32>,
    %add3A_2172 = arith.addf %add3A_2169, %get3A_2171 : vector<16xf32>
    %get3A_2173 = arith.constant 13728 : index
    %get3A_2174 = tpu.vector_load %arg7[%get3A_2173] {strides = array<i32>} : memref<16384xf32, #tpu.memory_space<vmem>>, vector<16xf32>,
    %add3A_2175 = arith.addf %add3A_2172, %get3A_2174 : vector<16xf32>
    %get3A_2176 = arith.constant 13984 : index
    %get3A_2177 = tpu.vector_load %arg7[%get3A_2176] {strides = array<i32>} : memref<16384xf32, #tpu.memory_space<vmem>>, vector<16xf32>,
    %add3A_2178 = arith.addf %add3A_2175, %get3A_2177 : vector<16xf32>
    %get3A_2179 = arith.constant 14240 : index
    %get3A_2180 = tpu.vector_load %arg7[%get3A_2179] {strides = array<i32>} : memref<16384xf32, #tpu.memory_space<vmem>>, vector<16xf32>,
    %add3A_2181 = arith.addf %add3A_2178, %get3A_2180 : vector<16xf32>
    %get3A_2182 = arith.constant 14496 : index
    %get3A_2183 = tpu.vector_load %arg7[%get3A_2182] {strides = array<i32>} : memref<16384xf32, #tpu.memory_space<vmem>>, vector<16xf32>,
    %add3A_2184 = arith.addf %add3A_2181, %get3A_2183 : vector<16xf32>
    %get3A_2185 = arith.constant 14752 : index
    %get3A_2186 = tpu.vector_load %arg7[%get3A_2185] {strides = array<i32>} : memref<16384xf32, #tpu.memory_space<vmem>>, vector<16xf32>,
    %add3A_2187 = arith.addf %add3A_2184, %get3A_2186 : vector<16xf32>
    %get3A_2188 = arith.constant 15008 : index
    %get3A_2189 = tpu.vector_load %arg7[%get3A_2188] {strides = array<i32>} : memref<16384xf32, #tpu.memory_space<vmem>>, vector<16xf32>,
    %add3A_2190 = arith.addf %add3A_2187, %get3A_2189 : vector<16xf32>
    %get3A_2191 = arith.constant 15264 : index
    %get3A_2192 = tpu.vector_load %arg7[%get3A_2191] {strides = array<i32>} : memref<16384xf32, #tpu.memory_space<vmem>>, vector<16xf32>,
    %add3A_2193 = arith.addf %add3A_2190, %get3A_2192 : vector<16xf32>
    %get3A_2194 = arith.constant 15520 : index
    %get3A_2195 = tpu.vector_load %arg7[%get3A_2194] {strides = array<i32>} : memref<16384xf32, #tpu.memory_space<vmem>>, vector<16xf32>,
    %add3A_2196 = arith.addf %add3A_2193, %get3A_2195 : vector<16xf32>
    %get3A_2197 = arith.constant 15776 : index
    %get3A_2198 = tpu.vector_load %arg7[%get3A_2197] {strides = array<i32>} : memref<16384xf32, #tpu.memory_space<vmem>>, vector<16xf32>,
    %add3A_2199 = arith.addf %add3A_2196, %get3A_2198 : vector<16xf32>
    %get3A_2200 = arith.constant 16032 : index
    %get3A_2201 = tpu.vector_load %arg7[%get3A_2200] {strides = array<i32>} : memref<16384xf32, #tpu.memory_space<vmem>>, vector<16xf32>,
    %add3A_2202 = arith.addf %add3A_2199, %get3A_2201 : vector<16xf32>
    %get3A_2203 = arith.constant 16288 : index
    %get3A_2204 = tpu.vector_load %arg7[%get3A_2203] {strides = array<i32>} : memref<16384xf32, #tpu.memory_space<vmem>>, vector<16xf32>,
    %add3A_2205 = arith.addf %add3A_2202, %get3A_2204 : vector<16xf32>
    %swap3A_2206 = arith.constant 160 : index
    %swap3A_2207 = tpu.vector_load %arg8[%swap3A_2206] {strides = array<i32>} : memref<256xf32, #tpu.memory_space<vmem>>, vector<16xf32>,
    tpu.vector_store %arg8[%swap3A_2206], %add3A_2205 {strides = array<i32>} : memref<256xf32, #tpu.memory_space<vmem>>, vector<16xf32>,
    %get3A_2208 = arith.constant 176 : index
    %get3A_2209 = tpu.vector_load %arg7[%get3A_2208] {strides = array<i32>} : memref<16384xf32, #tpu.memory_space<vmem>>, vector<16xf32>,
    %add3A_2210 = arith.addf %broadcast_in_dim3A_61, %get3A_2209 : vector<16xf32>
    %get3A_2211 = arith.constant 432 : index
    %get3A_2212 = tpu.vector_load %arg7[%get3A_2211] {strides = array<i32>} : memref<16384xf32, #tpu.memory_space<vmem>>, vector<16xf32>,
    %add3A_2213 = arith.addf %add3A_2210, %get3A_2212 : vector<16xf32>
    %get3A_2214 = arith.constant 688 : index
    %get3A_2215 = tpu.vector_load %arg7[%get3A_2214] {strides = array<i32>} : memref<16384xf32, #tpu.memory_space<vmem>>, vector<16xf32>,
    %add3A_2216 = arith.addf %add3A_2213, %get3A_2215 : vector<16xf32>
    %get3A_2217 = arith.constant 944 : index
    %get3A_2218 = tpu.vector_load %arg7[%get3A_2217] {strides = array<i32>} : memref<16384xf32, #tpu.memory_space<vmem>>, vector<16xf32>,
    %add3A_2219 = arith.addf %add3A_2216, %get3A_2218 : vector<16xf32>
    %get3A_2220 = arith.constant 1200 : index
    %get3A_2221 = tpu.vector_load %arg7[%get3A_2220] {strides = array<i32>} : memref<16384xf32, #tpu.memory_space<vmem>>, vector<16xf32>,
    %add3A_2222 = arith.addf %add3A_2219, %get3A_2221 : vector<16xf32>
    %get3A_2223 = arith.constant 1456 : index
    %get3A_2224 = tpu.vector_load %arg7[%get3A_2223] {strides = array<i32>} : memref<16384xf32, #tpu.memory_space<vmem>>, vector<16xf32>,
    %add3A_2225 = arith.addf %add3A_2222, %get3A_2224 : vector<16xf32>
    %get3A_2226 = arith.constant 1712 : index
    %get3A_2227 = tpu.vector_load %arg7[%get3A_2226] {strides = array<i32>} : memref<16384xf32, #tpu.memory_space<vmem>>, vector<16xf32>,
    %add3A_2228 = arith.addf %add3A_2225, %get3A_2227 : vector<16xf32>
    %get3A_2229 = arith.constant 1968 : index
    %get3A_2230 = tpu.vector_load %arg7[%get3A_2229] {strides = array<i32>} : memref<16384xf32, #tpu.memory_space<vmem>>, vector<16xf32>,
    %add3A_2231 = arith.addf %add3A_2228, %get3A_2230 : vector<16xf32>
    %get3A_2232 = arith.constant 2224 : index
    %get3A_2233 = tpu.vector_load %arg7[%get3A_2232] {strides = array<i32>} : memref<16384xf32, #tpu.memory_space<vmem>>, vector<16xf32>,
    %add3A_2234 = arith.addf %add3A_2231, %get3A_2233 : vector<16xf32>
    %get3A_2235 = arith.constant 2480 : index
    %get3A_2236 = tpu.vector_load %arg7[%get3A_2235] {strides = array<i32>} : memref<16384xf32, #tpu.memory_space<vmem>>, vector<16xf32>,
    %add3A_2237 = arith.addf %add3A_2234, %get3A_2236 : vector<16xf32>
    %get3A_2238 = arith.constant 2736 : index
    %get3A_2239 = tpu.vector_load %arg7[%get3A_2238] {strides = array<i32>} : memref<16384xf32, #tpu.memory_space<vmem>>, vector<16xf32>,
    %add3A_2240 = arith.addf %add3A_2237, %get3A_2239 : vector<16xf32>
    %get3A_2241 = arith.constant 2992 : index
    %get3A_2242 = tpu.vector_load %arg7[%get3A_2241] {strides = array<i32>} : memref<16384xf32, #tpu.memory_space<vmem>>, vector<16xf32>,
    %add3A_2243 = arith.addf %add3A_2240, %get3A_2242 : vector<16xf32>
    %get3A_2244 = arith.constant 3248 : index
    %get3A_2245 = tpu.vector_load %arg7[%get3A_2244] {strides = array<i32>} : memref<16384xf32, #tpu.memory_space<vmem>>, vector<16xf32>,
    %add3A_2246 = arith.addf %add3A_2243, %get3A_2245 : vector<16xf32>
    %get3A_2247 = arith.constant 3504 : index
    %get3A_2248 = tpu.vector_load %arg7[%get3A_2247] {strides = array<i32>} : memref<16384xf32, #tpu.memory_space<vmem>>, vector<16xf32>,
    %add3A_2249 = arith.addf %add3A_2246, %get3A_2248 : vector<16xf32>
    %get3A_2250 = arith.constant 3760 : index
    %get3A_2251 = tpu.vector_load %arg7[%get3A_2250] {strides = array<i32>} : memref<16384xf32, #tpu.memory_space<vmem>>, vector<16xf32>,
    %add3A_2252 = arith.addf %add3A_2249, %get3A_2251 : vector<16xf32>
    %get3A_2253 = arith.constant 4016 : index
    %get3A_2254 = tpu.vector_load %arg7[%get3A_2253] {strides = array<i32>} : memref<16384xf32, #tpu.memory_space<vmem>>, vector<16xf32>,
    %add3A_2255 = arith.addf %add3A_2252, %get3A_2254 : vector<16xf32>
    %get3A_2256 = arith.constant 4272 : index
    %get3A_2257 = tpu.vector_load %arg7[%get3A_2256] {strides = array<i32>} : memref<16384xf32, #tpu.memory_space<vmem>>, vector<16xf32>,
    %add3A_2258 = arith.addf %add3A_2255, %get3A_2257 : vector<16xf32>
    %get3A_2259 = arith.constant 4528 : index
    %get3A_2260 = tpu.vector_load %arg7[%get3A_2259] {strides = array<i32>} : memref<16384xf32, #tpu.memory_space<vmem>>, vector<16xf32>,
    %add3A_2261 = arith.addf %add3A_2258, %get3A_2260 : vector<16xf32>
    %get3A_2262 = arith.constant 4784 : index
    %get3A_2263 = tpu.vector_load %arg7[%get3A_2262] {strides = array<i32>} : memref<16384xf32, #tpu.memory_space<vmem>>, vector<16xf32>,
    %add3A_2264 = arith.addf %add3A_2261, %get3A_2263 : vector<16xf32>
    %get3A_2265 = arith.constant 5040 : index
    %get3A_2266 = tpu.vector_load %arg7[%get3A_2265] {strides = array<i32>} : memref<16384xf32, #tpu.memory_space<vmem>>, vector<16xf32>,
    %add3A_2267 = arith.addf %add3A_2264, %get3A_2266 : vector<16xf32>
    %get3A_2268 = arith.constant 5296 : index
    %get3A_2269 = tpu.vector_load %arg7[%get3A_2268] {strides = array<i32>} : memref<16384xf32, #tpu.memory_space<vmem>>, vector<16xf32>,
    %add3A_2270 = arith.addf %add3A_2267, %get3A_2269 : vector<16xf32>
    %get3A_2271 = arith.constant 5552 : index
    %get3A_2272 = tpu.vector_load %arg7[%get3A_2271] {strides = array<i32>} : memref<16384xf32, #tpu.memory_space<vmem>>, vector<16xf32>,
    %add3A_2273 = arith.addf %add3A_2270, %get3A_2272 : vector<16xf32>
    %get3A_2274 = arith.constant 5808 : index
    %get3A_2275 = tpu.vector_load %arg7[%get3A_2274] {strides = array<i32>} : memref<16384xf32, #tpu.memory_space<vmem>>, vector<16xf32>,
    %add3A_2276 = arith.addf %add3A_2273, %get3A_2275 : vector<16xf32>
    %get3A_2277 = arith.constant 6064 : index
    %get3A_2278 = tpu.vector_load %arg7[%get3A_2277] {strides = array<i32>} : memref<16384xf32, #tpu.memory_space<vmem>>, vector<16xf32>,
    %add3A_2279 = arith.addf %add3A_2276, %get3A_2278 : vector<16xf32>
    %get3A_2280 = arith.constant 6320 : index
    %get3A_2281 = tpu.vector_load %arg7[%get3A_2280] {strides = array<i32>} : memref<16384xf32, #tpu.memory_space<vmem>>, vector<16xf32>,
    %add3A_2282 = arith.addf %add3A_2279, %get3A_2281 : vector<16xf32>
    %get3A_2283 = arith.constant 6576 : index
    %get3A_2284 = tpu.vector_load %arg7[%get3A_2283] {strides = array<i32>} : memref<16384xf32, #tpu.memory_space<vmem>>, vector<16xf32>,
    %add3A_2285 = arith.addf %add3A_2282, %get3A_2284 : vector<16xf32>
    %get3A_2286 = arith.constant 6832 : index
    %get3A_2287 = tpu.vector_load %arg7[%get3A_2286] {strides = array<i32>} : memref<16384xf32, #tpu.memory_space<vmem>>, vector<16xf32>,
    %add3A_2288 = arith.addf %add3A_2285, %get3A_2287 : vector<16xf32>
    %get3A_2289 = arith.constant 7088 : index
    %get3A_2290 = tpu.vector_load %arg7[%get3A_2289] {strides = array<i32>} : memref<16384xf32, #tpu.memory_space<vmem>>, vector<16xf32>,
    %add3A_2291 = arith.addf %add3A_2288, %get3A_2290 : vector<16xf32>
    %get3A_2292 = arith.constant 7344 : index
    %get3A_2293 = tpu.vector_load %arg7[%get3A_2292] {strides = array<i32>} : memref<16384xf32, #tpu.memory_space<vmem>>, vector<16xf32>,
    %add3A_2294 = arith.addf %add3A_2291, %get3A_2293 : vector<16xf32>
    %get3A_2295 = arith.constant 7600 : index
    %get3A_2296 = tpu.vector_load %arg7[%get3A_2295] {strides = array<i32>} : memref<16384xf32, #tpu.memory_space<vmem>>, vector<16xf32>,
    %add3A_2297 = arith.addf %add3A_2294, %get3A_2296 : vector<16xf32>
    %get3A_2298 = arith.constant 7856 : index
    %get3A_2299 = tpu.vector_load %arg7[%get3A_2298] {strides = array<i32>} : memref<16384xf32, #tpu.memory_space<vmem>>, vector<16xf32>,
    %add3A_2300 = arith.addf %add3A_2297, %get3A_2299 : vector<16xf32>
    %get3A_2301 = arith.constant 8112 : index
    %get3A_2302 = tpu.vector_load %arg7[%get3A_2301] {strides = array<i32>} : memref<16384xf32, #tpu.memory_space<vmem>>, vector<16xf32>,
    %add3A_2303 = arith.addf %add3A_2300, %get3A_2302 : vector<16xf32>
    %get3A_2304 = arith.constant 8368 : index
    %get3A_2305 = tpu.vector_load %arg7[%get3A_2304] {strides = array<i32>} : memref<16384xf32, #tpu.memory_space<vmem>>, vector<16xf32>,
    %add3A_2306 = arith.addf %add3A_2303, %get3A_2305 : vector<16xf32>
    %get3A_2307 = arith.constant 8624 : index
    %get3A_2308 = tpu.vector_load %arg7[%get3A_2307] {strides = array<i32>} : memref<16384xf32, #tpu.memory_space<vmem>>, vector<16xf32>,
    %add3A_2309 = arith.addf %add3A_2306, %get3A_2308 : vector<16xf32>
    %get3A_2310 = arith.constant 8880 : index
    %get3A_2311 = tpu.vector_load %arg7[%get3A_2310] {strides = array<i32>} : memref<16384xf32, #tpu.memory_space<vmem>>, vector<16xf32>,
    %add3A_2312 = arith.addf %add3A_2309, %get3A_2311 : vector<16xf32>
    %get3A_2313 = arith.constant 9136 : index
    %get3A_2314 = tpu.vector_load %arg7[%get3A_2313] {strides = array<i32>} : memref<16384xf32, #tpu.memory_space<vmem>>, vector<16xf32>,
    %add3A_2315 = arith.addf %add3A_2312, %get3A_2314 : vector<16xf32>
    %get3A_2316 = arith.constant 9392 : index
    %get3A_2317 = tpu.vector_load %arg7[%get3A_2316] {strides = array<i32>} : memref<16384xf32, #tpu.memory_space<vmem>>, vector<16xf32>,
    %add3A_2318 = arith.addf %add3A_2315, %get3A_2317 : vector<16xf32>
    %get3A_2319 = arith.constant 9648 : index
    %get3A_2320 = tpu.vector_load %arg7[%get3A_2319] {strides = array<i32>} : memref<16384xf32, #tpu.memory_space<vmem>>, vector<16xf32>,
    %add3A_2321 = arith.addf %add3A_2318, %get3A_2320 : vector<16xf32>
    %get3A_2322 = arith.constant 9904 : index
    %get3A_2323 = tpu.vector_load %arg7[%get3A_2322] {strides = array<i32>} : memref<16384xf32, #tpu.memory_space<vmem>>, vector<16xf32>,
    %add3A_2324 = arith.addf %add3A_2321, %get3A_2323 : vector<16xf32>
    %get3A_2325 = arith.constant 10160 : index
    %get3A_2326 = tpu.vector_load %arg7[%get3A_2325] {strides = array<i32>} : memref<16384xf32, #tpu.memory_space<vmem>>, vector<16xf32>,
    %add3A_2327 = arith.addf %add3A_2324, %get3A_2326 : vector<16xf32>
    %get3A_2328 = arith.constant 10416 : index
    %get3A_2329 = tpu.vector_load %arg7[%get3A_2328] {strides = array<i32>} : memref<16384xf32, #tpu.memory_space<vmem>>, vector<16xf32>,
    %add3A_2330 = arith.addf %add3A_2327, %get3A_2329 : vector<16xf32>
    %get3A_2331 = arith.constant 10672 : index
    %get3A_2332 = tpu.vector_load %arg7[%get3A_2331] {strides = array<i32>} : memref<16384xf32, #tpu.memory_space<vmem>>, vector<16xf32>,
    %add3A_2333 = arith.addf %add3A_2330, %get3A_2332 : vector<16xf32>
    %get3A_2334 = arith.constant 10928 : index
    %get3A_2335 = tpu.vector_load %arg7[%get3A_2334] {strides = array<i32>} : memref<16384xf32, #tpu.memory_space<vmem>>, vector<16xf32>,
    %add3A_2336 = arith.addf %add3A_2333, %get3A_2335 : vector<16xf32>
    %get3A_2337 = arith.constant 11184 : index
    %get3A_2338 = tpu.vector_load %arg7[%get3A_2337] {strides = array<i32>} : memref<16384xf32, #tpu.memory_space<vmem>>, vector<16xf32>,
    %add3A_2339 = arith.addf %add3A_2336, %get3A_2338 : vector<16xf32>
    %get3A_2340 = arith.constant 11440 : index
    %get3A_2341 = tpu.vector_load %arg7[%get3A_2340] {strides = array<i32>} : memref<16384xf32, #tpu.memory_space<vmem>>, vector<16xf32>,
    %add3A_2342 = arith.addf %add3A_2339, %get3A_2341 : vector<16xf32>
    %get3A_2343 = arith.constant 11696 : index
    %get3A_2344 = tpu.vector_load %arg7[%get3A_2343] {strides = array<i32>} : memref<16384xf32, #tpu.memory_space<vmem>>, vector<16xf32>,
    %add3A_2345 = arith.addf %add3A_2342, %get3A_2344 : vector<16xf32>
    %get3A_2346 = arith.constant 11952 : index
    %get3A_2347 = tpu.vector_load %arg7[%get3A_2346] {strides = array<i32>} : memref<16384xf32, #tpu.memory_space<vmem>>, vector<16xf32>,
    %add3A_2348 = arith.addf %add3A_2345, %get3A_2347 : vector<16xf32>
    %get3A_2349 = arith.constant 12208 : index
    %get3A_2350 = tpu.vector_load %arg7[%get3A_2349] {strides = array<i32>} : memref<16384xf32, #tpu.memory_space<vmem>>, vector<16xf32>,
    %add3A_2351 = arith.addf %add3A_2348, %get3A_2350 : vector<16xf32>
    %get3A_2352 = arith.constant 12464 : index
    %get3A_2353 = tpu.vector_load %arg7[%get3A_2352] {strides = array<i32>} : memref<16384xf32, #tpu.memory_space<vmem>>, vector<16xf32>,
    %add3A_2354 = arith.addf %add3A_2351, %get3A_2353 : vector<16xf32>
    %get3A_2355 = arith.constant 12720 : index
    %get3A_2356 = tpu.vector_load %arg7[%get3A_2355] {strides = array<i32>} : memref<16384xf32, #tpu.memory_space<vmem>>, vector<16xf32>,
    %add3A_2357 = arith.addf %add3A_2354, %get3A_2356 : vector<16xf32>
    %get3A_2358 = arith.constant 12976 : index
    %get3A_2359 = tpu.vector_load %arg7[%get3A_2358] {strides = array<i32>} : memref<16384xf32, #tpu.memory_space<vmem>>, vector<16xf32>,
    %add3A_2360 = arith.addf %add3A_2357, %get3A_2359 : vector<16xf32>
    %get3A_2361 = arith.constant 13232 : index
    %get3A_2362 = tpu.vector_load %arg7[%get3A_2361] {strides = array<i32>} : memref<16384xf32, #tpu.memory_space<vmem>>, vector<16xf32>,
    %add3A_2363 = arith.addf %add3A_2360, %get3A_2362 : vector<16xf32>
    %get3A_2364 = arith.constant 13488 : index
    %get3A_2365 = tpu.vector_load %arg7[%get3A_2364] {strides = array<i32>} : memref<16384xf32, #tpu.memory_space<vmem>>, vector<16xf32>,
    %add3A_2366 = arith.addf %add3A_2363, %get3A_2365 : vector<16xf32>
    %get3A_2367 = arith.constant 13744 : index
    %get3A_2368 = tpu.vector_load %arg7[%get3A_2367] {strides = array<i32>} : memref<16384xf32, #tpu.memory_space<vmem>>, vector<16xf32>,
    %add3A_2369 = arith.addf %add3A_2366, %get3A_2368 : vector<16xf32>
    %get3A_2370 = arith.constant 14000 : index
    %get3A_2371 = tpu.vector_load %arg7[%get3A_2370] {strides = array<i32>} : memref<16384xf32, #tpu.memory_space<vmem>>, vector<16xf32>,
    %add3A_2372 = arith.addf %add3A_2369, %get3A_2371 : vector<16xf32>
    %get3A_2373 = arith.constant 14256 : index
    %get3A_2374 = tpu.vector_load %arg7[%get3A_2373] {strides = array<i32>} : memref<16384xf32, #tpu.memory_space<vmem>>, vector<16xf32>,
    %add3A_2375 = arith.addf %add3A_2372, %get3A_2374 : vector<16xf32>
    %get3A_2376 = arith.constant 14512 : index
    %get3A_2377 = tpu.vector_load %arg7[%get3A_2376] {strides = array<i32>} : memref<16384xf32, #tpu.memory_space<vmem>>, vector<16xf32>,
    %add3A_2378 = arith.addf %add3A_2375, %get3A_2377 : vector<16xf32>
    %get3A_2379 = arith.constant 14768 : index
    %get3A_2380 = tpu.vector_load %arg7[%get3A_2379] {strides = array<i32>} : memref<16384xf32, #tpu.memory_space<vmem>>, vector<16xf32>,
    %add3A_2381 = arith.addf %add3A_2378, %get3A_2380 : vector<16xf32>
    %get3A_2382 = arith.constant 15024 : index
    %get3A_2383 = tpu.vector_load %arg7[%get3A_2382] {strides = array<i32>} : memref<16384xf32, #tpu.memory_space<vmem>>, vector<16xf32>,
    %add3A_2384 = arith.addf %add3A_2381, %get3A_2383 : vector<16xf32>
    %get3A_2385 = arith.constant 15280 : index
    %get3A_2386 = tpu.vector_load %arg7[%get3A_2385] {strides = array<i32>} : memref<16384xf32, #tpu.memory_space<vmem>>, vector<16xf32>,
    %add3A_2387 = arith.addf %add3A_2384, %get3A_2386 : vector<16xf32>
    %get3A_2388 = arith.constant 15536 : index
    %get3A_2389 = tpu.vector_load %arg7[%get3A_2388] {strides = array<i32>} : memref<16384xf32, #tpu.memory_space<vmem>>, vector<16xf32>,
    %add3A_2390 = arith.addf %add3A_2387, %get3A_2389 : vector<16xf32>
    %get3A_2391 = arith.constant 15792 : index
    %get3A_2392 = tpu.vector_load %arg7[%get3A_2391] {strides = array<i32>} : memref<16384xf32, #tpu.memory_space<vmem>>, vector<16xf32>,
    %add3A_2393 = arith.addf %add3A_2390, %get3A_2392 : vector<16xf32>
    %get3A_2394 = arith.constant 16048 : index
    %get3A_2395 = tpu.vector_load %arg7[%get3A_2394] {strides = array<i32>} : memref<16384xf32, #tpu.memory_space<vmem>>, vector<16xf32>,
    %add3A_2396 = arith.addf %add3A_2393, %get3A_2395 : vector<16xf32>
    %get3A_2397 = arith.constant 16304 : index
    %get3A_2398 = tpu.vector_load %arg7[%get3A_2397] {strides = array<i32>} : memref<16384xf32, #tpu.memory_space<vmem>>, vector<16xf32>,
    %add3A_2399 = arith.addf %add3A_2396, %get3A_2398 : vector<16xf32>
    %swap3A_2400 = arith.constant 176 : index
    %swap3A_2401 = tpu.vector_load %arg8[%swap3A_2400] {strides = array<i32>} : memref<256xf32, #tpu.memory_space<vmem>>, vector<16xf32>,
    tpu.vector_store %arg8[%swap3A_2400], %add3A_2399 {strides = array<i32>} : memref<256xf32, #tpu.memory_space<vmem>>, vector<16xf32>,
    %get3A_2402 = arith.constant 192 : index
    %get3A_2403 = tpu.vector_load %arg7[%get3A_2402] {strides = array<i32>} : memref<16384xf32, #tpu.memory_space<vmem>>, vector<16xf32>,
    %add3A_2404 = arith.addf %broadcast_in_dim3A_61, %get3A_2403 : vector<16xf32>
    %get3A_2405 = arith.constant 448 : index
    %get3A_2406 = tpu.vector_load %arg7[%get3A_2405] {strides = array<i32>} : memref<16384xf32, #tpu.memory_space<vmem>>, vector<16xf32>,
    %add3A_2407 = arith.addf %add3A_2404, %get3A_2406 : vector<16xf32>
    %get3A_2408 = arith.constant 704 : index
    %get3A_2409 = tpu.vector_load %arg7[%get3A_2408] {strides = array<i32>} : memref<16384xf32, #tpu.memory_space<vmem>>, vector<16xf32>,
    %add3A_2410 = arith.addf %add3A_2407, %get3A_2409 : vector<16xf32>
    %get3A_2411 = arith.constant 960 : index
    %get3A_2412 = tpu.vector_load %arg7[%get3A_2411] {strides = array<i32>} : memref<16384xf32, #tpu.memory_space<vmem>>, vector<16xf32>,
    %add3A_2413 = arith.addf %add3A_2410, %get3A_2412 : vector<16xf32>
    %get3A_2414 = arith.constant 1216 : index
    %get3A_2415 = tpu.vector_load %arg7[%get3A_2414] {strides = array<i32>} : memref<16384xf32, #tpu.memory_space<vmem>>, vector<16xf32>,
    %add3A_2416 = arith.addf %add3A_2413, %get3A_2415 : vector<16xf32>
    %get3A_2417 = arith.constant 1472 : index
    %get3A_2418 = tpu.vector_load %arg7[%get3A_2417] {strides = array<i32>} : memref<16384xf32, #tpu.memory_space<vmem>>, vector<16xf32>,
    %add3A_2419 = arith.addf %add3A_2416, %get3A_2418 : vector<16xf32>
    %get3A_2420 = arith.constant 1728 : index
    %get3A_2421 = tpu.vector_load %arg7[%get3A_2420] {strides = array<i32>} : memref<16384xf32, #tpu.memory_space<vmem>>, vector<16xf32>,
    %add3A_2422 = arith.addf %add3A_2419, %get3A_2421 : vector<16xf32>
    %get3A_2423 = arith.constant 1984 : index
    %get3A_2424 = tpu.vector_load %arg7[%get3A_2423] {strides = array<i32>} : memref<16384xf32, #tpu.memory_space<vmem>>, vector<16xf32>,
    %add3A_2425 = arith.addf %add3A_2422, %get3A_2424 : vector<16xf32>
    %get3A_2426 = arith.constant 2240 : index
    %get3A_2427 = tpu.vector_load %arg7[%get3A_2426] {strides = array<i32>} : memref<16384xf32, #tpu.memory_space<vmem>>, vector<16xf32>,
    %add3A_2428 = arith.addf %add3A_2425, %get3A_2427 : vector<16xf32>
    %get3A_2429 = arith.constant 2496 : index
    %get3A_2430 = tpu.vector_load %arg7[%get3A_2429] {strides = array<i32>} : memref<16384xf32, #tpu.memory_space<vmem>>, vector<16xf32>,
    %add3A_2431 = arith.addf %add3A_2428, %get3A_2430 : vector<16xf32>
    %get3A_2432 = arith.constant 2752 : index
    %get3A_2433 = tpu.vector_load %arg7[%get3A_2432] {strides = array<i32>} : memref<16384xf32, #tpu.memory_space<vmem>>, vector<16xf32>,
    %add3A_2434 = arith.addf %add3A_2431, %get3A_2433 : vector<16xf32>
    %get3A_2435 = arith.constant 3008 : index
    %get3A_2436 = tpu.vector_load %arg7[%get3A_2435] {strides = array<i32>} : memref<16384xf32, #tpu.memory_space<vmem>>, vector<16xf32>,
    %add3A_2437 = arith.addf %add3A_2434, %get3A_2436 : vector<16xf32>
    %get3A_2438 = arith.constant 3264 : index
    %get3A_2439 = tpu.vector_load %arg7[%get3A_2438] {strides = array<i32>} : memref<16384xf32, #tpu.memory_space<vmem>>, vector<16xf32>,
    %add3A_2440 = arith.addf %add3A_2437, %get3A_2439 : vector<16xf32>
    %get3A_2441 = arith.constant 3520 : index
    %get3A_2442 = tpu.vector_load %arg7[%get3A_2441] {strides = array<i32>} : memref<16384xf32, #tpu.memory_space<vmem>>, vector<16xf32>,
    %add3A_2443 = arith.addf %add3A_2440, %get3A_2442 : vector<16xf32>
    %get3A_2444 = arith.constant 3776 : index
    %get3A_2445 = tpu.vector_load %arg7[%get3A_2444] {strides = array<i32>} : memref<16384xf32, #tpu.memory_space<vmem>>, vector<16xf32>,
    %add3A_2446 = arith.addf %add3A_2443, %get3A_2445 : vector<16xf32>
    %get3A_2447 = arith.constant 4032 : index
    %get3A_2448 = tpu.vector_load %arg7[%get3A_2447] {strides = array<i32>} : memref<16384xf32, #tpu.memory_space<vmem>>, vector<16xf32>,
    %add3A_2449 = arith.addf %add3A_2446, %get3A_2448 : vector<16xf32>
    %get3A_2450 = arith.constant 4288 : index
    %get3A_2451 = tpu.vector_load %arg7[%get3A_2450] {strides = array<i32>} : memref<16384xf32, #tpu.memory_space<vmem>>, vector<16xf32>,
    %add3A_2452 = arith.addf %add3A_2449, %get3A_2451 : vector<16xf32>
    %get3A_2453 = arith.constant 4544 : index
    %get3A_2454 = tpu.vector_load %arg7[%get3A_2453] {strides = array<i32>} : memref<16384xf32, #tpu.memory_space<vmem>>, vector<16xf32>,
    %add3A_2455 = arith.addf %add3A_2452, %get3A_2454 : vector<16xf32>
    %get3A_2456 = arith.constant 4800 : index
    %get3A_2457 = tpu.vector_load %arg7[%get3A_2456] {strides = array<i32>} : memref<16384xf32, #tpu.memory_space<vmem>>, vector<16xf32>,
    %add3A_2458 = arith.addf %add3A_2455, %get3A_2457 : vector<16xf32>
    %get3A_2459 = arith.constant 5056 : index
    %get3A_2460 = tpu.vector_load %arg7[%get3A_2459] {strides = array<i32>} : memref<16384xf32, #tpu.memory_space<vmem>>, vector<16xf32>,
    %add3A_2461 = arith.addf %add3A_2458, %get3A_2460 : vector<16xf32>
    %get3A_2462 = arith.constant 5312 : index
    %get3A_2463 = tpu.vector_load %arg7[%get3A_2462] {strides = array<i32>} : memref<16384xf32, #tpu.memory_space<vmem>>, vector<16xf32>,
    %add3A_2464 = arith.addf %add3A_2461, %get3A_2463 : vector<16xf32>
    %get3A_2465 = arith.constant 5568 : index
    %get3A_2466 = tpu.vector_load %arg7[%get3A_2465] {strides = array<i32>} : memref<16384xf32, #tpu.memory_space<vmem>>, vector<16xf32>,
    %add3A_2467 = arith.addf %add3A_2464, %get3A_2466 : vector<16xf32>
    %get3A_2468 = arith.constant 5824 : index
    %get3A_2469 = tpu.vector_load %arg7[%get3A_2468] {strides = array<i32>} : memref<16384xf32, #tpu.memory_space<vmem>>, vector<16xf32>,
    %add3A_2470 = arith.addf %add3A_2467, %get3A_2469 : vector<16xf32>
    %get3A_2471 = arith.constant 6080 : index
    %get3A_2472 = tpu.vector_load %arg7[%get3A_2471] {strides = array<i32>} : memref<16384xf32, #tpu.memory_space<vmem>>, vector<16xf32>,
    %add3A_2473 = arith.addf %add3A_2470, %get3A_2472 : vector<16xf32>
    %get3A_2474 = arith.constant 6336 : index
    %get3A_2475 = tpu.vector_load %arg7[%get3A_2474] {strides = array<i32>} : memref<16384xf32, #tpu.memory_space<vmem>>, vector<16xf32>,
    %add3A_2476 = arith.addf %add3A_2473, %get3A_2475 : vector<16xf32>
    %get3A_2477 = arith.constant 6592 : index
    %get3A_2478 = tpu.vector_load %arg7[%get3A_2477] {strides = array<i32>} : memref<16384xf32, #tpu.memory_space<vmem>>, vector<16xf32>,
    %add3A_2479 = arith.addf %add3A_2476, %get3A_2478 : vector<16xf32>
    %get3A_2480 = arith.constant 6848 : index
    %get3A_2481 = tpu.vector_load %arg7[%get3A_2480] {strides = array<i32>} : memref<16384xf32, #tpu.memory_space<vmem>>, vector<16xf32>,
    %add3A_2482 = arith.addf %add3A_2479, %get3A_2481 : vector<16xf32>
    %get3A_2483 = arith.constant 7104 : index
    %get3A_2484 = tpu.vector_load %arg7[%get3A_2483] {strides = array<i32>} : memref<16384xf32, #tpu.memory_space<vmem>>, vector<16xf32>,
    %add3A_2485 = arith.addf %add3A_2482, %get3A_2484 : vector<16xf32>
    %get3A_2486 = arith.constant 7360 : index
    %get3A_2487 = tpu.vector_load %arg7[%get3A_2486] {strides = array<i32>} : memref<16384xf32, #tpu.memory_space<vmem>>, vector<16xf32>,
    %add3A_2488 = arith.addf %add3A_2485, %get3A_2487 : vector<16xf32>
    %get3A_2489 = arith.constant 7616 : index
    %get3A_2490 = tpu.vector_load %arg7[%get3A_2489] {strides = array<i32>} : memref<16384xf32, #tpu.memory_space<vmem>>, vector<16xf32>,
    %add3A_2491 = arith.addf %add3A_2488, %get3A_2490 : vector<16xf32>
    %get3A_2492 = arith.constant 7872 : index
    %get3A_2493 = tpu.vector_load %arg7[%get3A_2492] {strides = array<i32>} : memref<16384xf32, #tpu.memory_space<vmem>>, vector<16xf32>,
    %add3A_2494 = arith.addf %add3A_2491, %get3A_2493 : vector<16xf32>
    %get3A_2495 = arith.constant 8128 : index
    %get3A_2496 = tpu.vector_load %arg7[%get3A_2495] {strides = array<i32>} : memref<16384xf32, #tpu.memory_space<vmem>>, vector<16xf32>,
    %add3A_2497 = arith.addf %add3A_2494, %get3A_2496 : vector<16xf32>
    %get3A_2498 = arith.constant 8384 : index
    %get3A_2499 = tpu.vector_load %arg7[%get3A_2498] {strides = array<i32>} : memref<16384xf32, #tpu.memory_space<vmem>>, vector<16xf32>,
    %add3A_2500 = arith.addf %add3A_2497, %get3A_2499 : vector<16xf32>
    %get3A_2501 = arith.constant 8640 : index
    %get3A_2502 = tpu.vector_load %arg7[%get3A_2501] {strides = array<i32>} : memref<16384xf32, #tpu.memory_space<vmem>>, vector<16xf32>,
    %add3A_2503 = arith.addf %add3A_2500, %get3A_2502 : vector<16xf32>
    %get3A_2504 = arith.constant 8896 : index
    %get3A_2505 = tpu.vector_load %arg7[%get3A_2504] {strides = array<i32>} : memref<16384xf32, #tpu.memory_space<vmem>>, vector<16xf32>,
    %add3A_2506 = arith.addf %add3A_2503, %get3A_2505 : vector<16xf32>
    %get3A_2507 = arith.constant 9152 : index
    %get3A_2508 = tpu.vector_load %arg7[%get3A_2507] {strides = array<i32>} : memref<16384xf32, #tpu.memory_space<vmem>>, vector<16xf32>,
    %add3A_2509 = arith.addf %add3A_2506, %get3A_2508 : vector<16xf32>
    %get3A_2510 = arith.constant 9408 : index
    %get3A_2511 = tpu.vector_load %arg7[%get3A_2510] {strides = array<i32>} : memref<16384xf32, #tpu.memory_space<vmem>>, vector<16xf32>,
    %add3A_2512 = arith.addf %add3A_2509, %get3A_2511 : vector<16xf32>
    %get3A_2513 = arith.constant 9664 : index
    %get3A_2514 = tpu.vector_load %arg7[%get3A_2513] {strides = array<i32>} : memref<16384xf32, #tpu.memory_space<vmem>>, vector<16xf32>,
    %add3A_2515 = arith.addf %add3A_2512, %get3A_2514 : vector<16xf32>
    %get3A_2516 = arith.constant 9920 : index
    %get3A_2517 = tpu.vector_load %arg7[%get3A_2516] {strides = array<i32>} : memref<16384xf32, #tpu.memory_space<vmem>>, vector<16xf32>,
    %add3A_2518 = arith.addf %add3A_2515, %get3A_2517 : vector<16xf32>
    %get3A_2519 = arith.constant 10176 : index
    %get3A_2520 = tpu.vector_load %arg7[%get3A_2519] {strides = array<i32>} : memref<16384xf32, #tpu.memory_space<vmem>>, vector<16xf32>,
    %add3A_2521 = arith.addf %add3A_2518, %get3A_2520 : vector<16xf32>
    %get3A_2522 = arith.constant 10432 : index
    %get3A_2523 = tpu.vector_load %arg7[%get3A_2522] {strides = array<i32>} : memref<16384xf32, #tpu.memory_space<vmem>>, vector<16xf32>,
    %add3A_2524 = arith.addf %add3A_2521, %get3A_2523 : vector<16xf32>
    %get3A_2525 = arith.constant 10688 : index
    %get3A_2526 = tpu.vector_load %arg7[%get3A_2525] {strides = array<i32>} : memref<16384xf32, #tpu.memory_space<vmem>>, vector<16xf32>,
    %add3A_2527 = arith.addf %add3A_2524, %get3A_2526 : vector<16xf32>
    %get3A_2528 = arith.constant 10944 : index
    %get3A_2529 = tpu.vector_load %arg7[%get3A_2528] {strides = array<i32>} : memref<16384xf32, #tpu.memory_space<vmem>>, vector<16xf32>,
    %add3A_2530 = arith.addf %add3A_2527, %get3A_2529 : vector<16xf32>
    %get3A_2531 = arith.constant 11200 : index
    %get3A_2532 = tpu.vector_load %arg7[%get3A_2531] {strides = array<i32>} : memref<16384xf32, #tpu.memory_space<vmem>>, vector<16xf32>,
    %add3A_2533 = arith.addf %add3A_2530, %get3A_2532 : vector<16xf32>
    %get3A_2534 = arith.constant 11456 : index
    %get3A_2535 = tpu.vector_load %arg7[%get3A_2534] {strides = array<i32>} : memref<16384xf32, #tpu.memory_space<vmem>>, vector<16xf32>,
    %add3A_2536 = arith.addf %add3A_2533, %get3A_2535 : vector<16xf32>
    %get3A_2537 = arith.constant 11712 : index
    %get3A_2538 = tpu.vector_load %arg7[%get3A_2537] {strides = array<i32>} : memref<16384xf32, #tpu.memory_space<vmem>>, vector<16xf32>,
    %add3A_2539 = arith.addf %add3A_2536, %get3A_2538 : vector<16xf32>
    %get3A_2540 = arith.constant 11968 : index
    %get3A_2541 = tpu.vector_load %arg7[%get3A_2540] {strides = array<i32>} : memref<16384xf32, #tpu.memory_space<vmem>>, vector<16xf32>,
    %add3A_2542 = arith.addf %add3A_2539, %get3A_2541 : vector<16xf32>
    %get3A_2543 = arith.constant 12224 : index
    %get3A_2544 = tpu.vector_load %arg7[%get3A_2543] {strides = array<i32>} : memref<16384xf32, #tpu.memory_space<vmem>>, vector<16xf32>,
    %add3A_2545 = arith.addf %add3A_2542, %get3A_2544 : vector<16xf32>
    %get3A_2546 = arith.constant 12480 : index
    %get3A_2547 = tpu.vector_load %arg7[%get3A_2546] {strides = array<i32>} : memref<16384xf32, #tpu.memory_space<vmem>>, vector<16xf32>,
    %add3A_2548 = arith.addf %add3A_2545, %get3A_2547 : vector<16xf32>
    %get3A_2549 = arith.constant 12736 : index
    %get3A_2550 = tpu.vector_load %arg7[%get3A_2549] {strides = array<i32>} : memref<16384xf32, #tpu.memory_space<vmem>>, vector<16xf32>,
    %add3A_2551 = arith.addf %add3A_2548, %get3A_2550 : vector<16xf32>
    %get3A_2552 = arith.constant 12992 : index
    %get3A_2553 = tpu.vector_load %arg7[%get3A_2552] {strides = array<i32>} : memref<16384xf32, #tpu.memory_space<vmem>>, vector<16xf32>,
    %add3A_2554 = arith.addf %add3A_2551, %get3A_2553 : vector<16xf32>
    %get3A_2555 = arith.constant 13248 : index
    %get3A_2556 = tpu.vector_load %arg7[%get3A_2555] {strides = array<i32>} : memref<16384xf32, #tpu.memory_space<vmem>>, vector<16xf32>,
    %add3A_2557 = arith.addf %add3A_2554, %get3A_2556 : vector<16xf32>
    %get3A_2558 = arith.constant 13504 : index
    %get3A_2559 = tpu.vector_load %arg7[%get3A_2558] {strides = array<i32>} : memref<16384xf32, #tpu.memory_space<vmem>>, vector<16xf32>,
    %add3A_2560 = arith.addf %add3A_2557, %get3A_2559 : vector<16xf32>
    %get3A_2561 = arith.constant 13760 : index
    %get3A_2562 = tpu.vector_load %arg7[%get3A_2561] {strides = array<i32>} : memref<16384xf32, #tpu.memory_space<vmem>>, vector<16xf32>,
    %add3A_2563 = arith.addf %add3A_2560, %get3A_2562 : vector<16xf32>
    %get3A_2564 = arith.constant 14016 : index
    %get3A_2565 = tpu.vector_load %arg7[%get3A_2564] {strides = array<i32>} : memref<16384xf32, #tpu.memory_space<vmem>>, vector<16xf32>,
    %add3A_2566 = arith.addf %add3A_2563, %get3A_2565 : vector<16xf32>
    %get3A_2567 = arith.constant 14272 : index
    %get3A_2568 = tpu.vector_load %arg7[%get3A_2567] {strides = array<i32>} : memref<16384xf32, #tpu.memory_space<vmem>>, vector<16xf32>,
    %add3A_2569 = arith.addf %add3A_2566, %get3A_2568 : vector<16xf32>
    %get3A_2570 = arith.constant 14528 : index
    %get3A_2571 = tpu.vector_load %arg7[%get3A_2570] {strides = array<i32>} : memref<16384xf32, #tpu.memory_space<vmem>>, vector<16xf32>,
    %add3A_2572 = arith.addf %add3A_2569, %get3A_2571 : vector<16xf32>
    %get3A_2573 = arith.constant 14784 : index
    %get3A_2574 = tpu.vector_load %arg7[%get3A_2573] {strides = array<i32>} : memref<16384xf32, #tpu.memory_space<vmem>>, vector<16xf32>,
    %add3A_2575 = arith.addf %add3A_2572, %get3A_2574 : vector<16xf32>
    %get3A_2576 = arith.constant 15040 : index
    %get3A_2577 = tpu.vector_load %arg7[%get3A_2576] {strides = array<i32>} : memref<16384xf32, #tpu.memory_space<vmem>>, vector<16xf32>,
    %add3A_2578 = arith.addf %add3A_2575, %get3A_2577 : vector<16xf32>
    %get3A_2579 = arith.constant 15296 : index
    %get3A_2580 = tpu.vector_load %arg7[%get3A_2579] {strides = array<i32>} : memref<16384xf32, #tpu.memory_space<vmem>>, vector<16xf32>,
    %add3A_2581 = arith.addf %add3A_2578, %get3A_2580 : vector<16xf32>
    %get3A_2582 = arith.constant 15552 : index
    %get3A_2583 = tpu.vector_load %arg7[%get3A_2582] {strides = array<i32>} : memref<16384xf32, #tpu.memory_space<vmem>>, vector<16xf32>,
    %add3A_2584 = arith.addf %add3A_2581, %get3A_2583 : vector<16xf32>
    %get3A_2585 = arith.constant 15808 : index
    %get3A_2586 = tpu.vector_load %arg7[%get3A_2585] {strides = array<i32>} : memref<16384xf32, #tpu.memory_space<vmem>>, vector<16xf32>,
    %add3A_2587 = arith.addf %add3A_2584, %get3A_2586 : vector<16xf32>
    %get3A_2588 = arith.constant 16064 : index
    %get3A_2589 = tpu.vector_load %arg7[%get3A_2588] {strides = array<i32>} : memref<16384xf32, #tpu.memory_space<vmem>>, vector<16xf32>,
    %add3A_2590 = arith.addf %add3A_2587, %get3A_2589 : vector<16xf32>
    %get3A_2591 = arith.constant 16320 : index
    %get3A_2592 = tpu.vector_load %arg7[%get3A_2591] {strides = array<i32>} : memref<16384xf32, #tpu.memory_space<vmem>>, vector<16xf32>,
    %add3A_2593 = arith.addf %add3A_2590, %get3A_2592 : vector<16xf32>
    %swap3A_2594 = arith.constant 192 : index
    %swap3A_2595 = tpu.vector_load %arg8[%swap3A_2594] {strides = array<i32>} : memref<256xf32, #tpu.memory_space<vmem>>, vector<16xf32>,
    tpu.vector_store %arg8[%swap3A_2594], %add3A_2593 {strides = array<i32>} : memref<256xf32, #tpu.memory_space<vmem>>, vector<16xf32>,
    %get3A_2596 = arith.constant 208 : index
    %get3A_2597 = tpu.vector_load %arg7[%get3A_2596] {strides = array<i32>} : memref<16384xf32, #tpu.memory_space<vmem>>, vector<16xf32>,
    %add3A_2598 = arith.addf %broadcast_in_dim3A_61, %get3A_2597 : vector<16xf32>
    %get3A_2599 = arith.constant 464 : index
    %get3A_2600 = tpu.vector_load %arg7[%get3A_2599] {strides = array<i32>} : memref<16384xf32, #tpu.memory_space<vmem>>, vector<16xf32>,
    %add3A_2601 = arith.addf %add3A_2598, %get3A_2600 : vector<16xf32>
    %get3A_2602 = arith.constant 720 : index
    %get3A_2603 = tpu.vector_load %arg7[%get3A_2602] {strides = array<i32>} : memref<16384xf32, #tpu.memory_space<vmem>>, vector<16xf32>,
    %add3A_2604 = arith.addf %add3A_2601, %get3A_2603 : vector<16xf32>
    %get3A_2605 = arith.constant 976 : index
    %get3A_2606 = tpu.vector_load %arg7[%get3A_2605] {strides = array<i32>} : memref<16384xf32, #tpu.memory_space<vmem>>, vector<16xf32>,
    %add3A_2607 = arith.addf %add3A_2604, %get3A_2606 : vector<16xf32>
    %get3A_2608 = arith.constant 1232 : index
    %get3A_2609 = tpu.vector_load %arg7[%get3A_2608] {strides = array<i32>} : memref<16384xf32, #tpu.memory_space<vmem>>, vector<16xf32>,
    %add3A_2610 = arith.addf %add3A_2607, %get3A_2609 : vector<16xf32>
    %get3A_2611 = arith.constant 1488 : index
    %get3A_2612 = tpu.vector_load %arg7[%get3A_2611] {strides = array<i32>} : memref<16384xf32, #tpu.memory_space<vmem>>, vector<16xf32>,
    %add3A_2613 = arith.addf %add3A_2610, %get3A_2612 : vector<16xf32>
    %get3A_2614 = arith.constant 1744 : index
    %get3A_2615 = tpu.vector_load %arg7[%get3A_2614] {strides = array<i32>} : memref<16384xf32, #tpu.memory_space<vmem>>, vector<16xf32>,
    %add3A_2616 = arith.addf %add3A_2613, %get3A_2615 : vector<16xf32>
    %get3A_2617 = arith.constant 2000 : index
    %get3A_2618 = tpu.vector_load %arg7[%get3A_2617] {strides = array<i32>} : memref<16384xf32, #tpu.memory_space<vmem>>, vector<16xf32>,
    %add3A_2619 = arith.addf %add3A_2616, %get3A_2618 : vector<16xf32>
    %get3A_2620 = arith.constant 2256 : index
    %get3A_2621 = tpu.vector_load %arg7[%get3A_2620] {strides = array<i32>} : memref<16384xf32, #tpu.memory_space<vmem>>, vector<16xf32>,
    %add3A_2622 = arith.addf %add3A_2619, %get3A_2621 : vector<16xf32>
    %get3A_2623 = arith.constant 2512 : index
    %get3A_2624 = tpu.vector_load %arg7[%get3A_2623] {strides = array<i32>} : memref<16384xf32, #tpu.memory_space<vmem>>, vector<16xf32>,
    %add3A_2625 = arith.addf %add3A_2622, %get3A_2624 : vector<16xf32>
    %get3A_2626 = arith.constant 2768 : index
    %get3A_2627 = tpu.vector_load %arg7[%get3A_2626] {strides = array<i32>} : memref<16384xf32, #tpu.memory_space<vmem>>, vector<16xf32>,
    %add3A_2628 = arith.addf %add3A_2625, %get3A_2627 : vector<16xf32>
    %get3A_2629 = arith.constant 3024 : index
    %get3A_2630 = tpu.vector_load %arg7[%get3A_2629] {strides = array<i32>} : memref<16384xf32, #tpu.memory_space<vmem>>, vector<16xf32>,
    %add3A_2631 = arith.addf %add3A_2628, %get3A_2630 : vector<16xf32>
    %get3A_2632 = arith.constant 3280 : index
    %get3A_2633 = tpu.vector_load %arg7[%get3A_2632] {strides = array<i32>} : memref<16384xf32, #tpu.memory_space<vmem>>, vector<16xf32>,
    %add3A_2634 = arith.addf %add3A_2631, %get3A_2633 : vector<16xf32>
    %get3A_2635 = arith.constant 3536 : index
    %get3A_2636 = tpu.vector_load %arg7[%get3A_2635] {strides = array<i32>} : memref<16384xf32, #tpu.memory_space<vmem>>, vector<16xf32>,
    %add3A_2637 = arith.addf %add3A_2634, %get3A_2636 : vector<16xf32>
    %get3A_2638 = arith.constant 3792 : index
    %get3A_2639 = tpu.vector_load %arg7[%get3A_2638] {strides = array<i32>} : memref<16384xf32, #tpu.memory_space<vmem>>, vector<16xf32>,
    %add3A_2640 = arith.addf %add3A_2637, %get3A_2639 : vector<16xf32>
    %get3A_2641 = arith.constant 4048 : index
    %get3A_2642 = tpu.vector_load %arg7[%get3A_2641] {strides = array<i32>} : memref<16384xf32, #tpu.memory_space<vmem>>, vector<16xf32>,
    %add3A_2643 = arith.addf %add3A_2640, %get3A_2642 : vector<16xf32>
    %get3A_2644 = arith.constant 4304 : index
    %get3A_2645 = tpu.vector_load %arg7[%get3A_2644] {strides = array<i32>} : memref<16384xf32, #tpu.memory_space<vmem>>, vector<16xf32>,
    %add3A_2646 = arith.addf %add3A_2643, %get3A_2645 : vector<16xf32>
    %get3A_2647 = arith.constant 4560 : index
    %get3A_2648 = tpu.vector_load %arg7[%get3A_2647] {strides = array<i32>} : memref<16384xf32, #tpu.memory_space<vmem>>, vector<16xf32>,
    %add3A_2649 = arith.addf %add3A_2646, %get3A_2648 : vector<16xf32>
    %get3A_2650 = arith.constant 4816 : index
    %get3A_2651 = tpu.vector_load %arg7[%get3A_2650] {strides = array<i32>} : memref<16384xf32, #tpu.memory_space<vmem>>, vector<16xf32>,
    %add3A_2652 = arith.addf %add3A_2649, %get3A_2651 : vector<16xf32>
    %get3A_2653 = arith.constant 5072 : index
    %get3A_2654 = tpu.vector_load %arg7[%get3A_2653] {strides = array<i32>} : memref<16384xf32, #tpu.memory_space<vmem>>, vector<16xf32>,
    %add3A_2655 = arith.addf %add3A_2652, %get3A_2654 : vector<16xf32>
    %get3A_2656 = arith.constant 5328 : index
    %get3A_2657 = tpu.vector_load %arg7[%get3A_2656] {strides = array<i32>} : memref<16384xf32, #tpu.memory_space<vmem>>, vector<16xf32>,
    %add3A_2658 = arith.addf %add3A_2655, %get3A_2657 : vector<16xf32>
    %get3A_2659 = arith.constant 5584 : index
    %get3A_2660 = tpu.vector_load %arg7[%get3A_2659] {strides = array<i32>} : memref<16384xf32, #tpu.memory_space<vmem>>, vector<16xf32>,
    %add3A_2661 = arith.addf %add3A_2658, %get3A_2660 : vector<16xf32>
    %get3A_2662 = arith.constant 5840 : index
    %get3A_2663 = tpu.vector_load %arg7[%get3A_2662] {strides = array<i32>} : memref<16384xf32, #tpu.memory_space<vmem>>, vector<16xf32>,
    %add3A_2664 = arith.addf %add3A_2661, %get3A_2663 : vector<16xf32>
    %get3A_2665 = arith.constant 6096 : index
    %get3A_2666 = tpu.vector_load %arg7[%get3A_2665] {strides = array<i32>} : memref<16384xf32, #tpu.memory_space<vmem>>, vector<16xf32>,
    %add3A_2667 = arith.addf %add3A_2664, %get3A_2666 : vector<16xf32>
    %get3A_2668 = arith.constant 6352 : index
    %get3A_2669 = tpu.vector_load %arg7[%get3A_2668] {strides = array<i32>} : memref<16384xf32, #tpu.memory_space<vmem>>, vector<16xf32>,
    %add3A_2670 = arith.addf %add3A_2667, %get3A_2669 : vector<16xf32>
    %get3A_2671 = arith.constant 6608 : index
    %get3A_2672 = tpu.vector_load %arg7[%get3A_2671] {strides = array<i32>} : memref<16384xf32, #tpu.memory_space<vmem>>, vector<16xf32>,
    %add3A_2673 = arith.addf %add3A_2670, %get3A_2672 : vector<16xf32>
    %get3A_2674 = arith.constant 6864 : index
    %get3A_2675 = tpu.vector_load %arg7[%get3A_2674] {strides = array<i32>} : memref<16384xf32, #tpu.memory_space<vmem>>, vector<16xf32>,
    %add3A_2676 = arith.addf %add3A_2673, %get3A_2675 : vector<16xf32>
    %get3A_2677 = arith.constant 7120 : index
    %get3A_2678 = tpu.vector_load %arg7[%get3A_2677] {strides = array<i32>} : memref<16384xf32, #tpu.memory_space<vmem>>, vector<16xf32>,
    %add3A_2679 = arith.addf %add3A_2676, %get3A_2678 : vector<16xf32>
    %get3A_2680 = arith.constant 7376 : index
    %get3A_2681 = tpu.vector_load %arg7[%get3A_2680] {strides = array<i32>} : memref<16384xf32, #tpu.memory_space<vmem>>, vector<16xf32>,
    %add3A_2682 = arith.addf %add3A_2679, %get3A_2681 : vector<16xf32>
    %get3A_2683 = arith.constant 7632 : index
    %get3A_2684 = tpu.vector_load %arg7[%get3A_2683] {strides = array<i32>} : memref<16384xf32, #tpu.memory_space<vmem>>, vector<16xf32>,
    %add3A_2685 = arith.addf %add3A_2682, %get3A_2684 : vector<16xf32>
    %get3A_2686 = arith.constant 7888 : index
    %get3A_2687 = tpu.vector_load %arg7[%get3A_2686] {strides = array<i32>} : memref<16384xf32, #tpu.memory_space<vmem>>, vector<16xf32>,
    %add3A_2688 = arith.addf %add3A_2685, %get3A_2687 : vector<16xf32>
    %get3A_2689 = arith.constant 8144 : index
    %get3A_2690 = tpu.vector_load %arg7[%get3A_2689] {strides = array<i32>} : memref<16384xf32, #tpu.memory_space<vmem>>, vector<16xf32>,
    %add3A_2691 = arith.addf %add3A_2688, %get3A_2690 : vector<16xf32>
    %get3A_2692 = arith.constant 8400 : index
    %get3A_2693 = tpu.vector_load %arg7[%get3A_2692] {strides = array<i32>} : memref<16384xf32, #tpu.memory_space<vmem>>, vector<16xf32>,
    %add3A_2694 = arith.addf %add3A_2691, %get3A_2693 : vector<16xf32>
    %get3A_2695 = arith.constant 8656 : index
    %get3A_2696 = tpu.vector_load %arg7[%get3A_2695] {strides = array<i32>} : memref<16384xf32, #tpu.memory_space<vmem>>, vector<16xf32>,
    %add3A_2697 = arith.addf %add3A_2694, %get3A_2696 : vector<16xf32>
    %get3A_2698 = arith.constant 8912 : index
    %get3A_2699 = tpu.vector_load %arg7[%get3A_2698] {strides = array<i32>} : memref<16384xf32, #tpu.memory_space<vmem>>, vector<16xf32>,
    %add3A_2700 = arith.addf %add3A_2697, %get3A_2699 : vector<16xf32>
    %get3A_2701 = arith.constant 9168 : index
    %get3A_2702 = tpu.vector_load %arg7[%get3A_2701] {strides = array<i32>} : memref<16384xf32, #tpu.memory_space<vmem>>, vector<16xf32>,
    %add3A_2703 = arith.addf %add3A_2700, %get3A_2702 : vector<16xf32>
    %get3A_2704 = arith.constant 9424 : index
    %get3A_2705 = tpu.vector_load %arg7[%get3A_2704] {strides = array<i32>} : memref<16384xf32, #tpu.memory_space<vmem>>, vector<16xf32>,
    %add3A_2706 = arith.addf %add3A_2703, %get3A_2705 : vector<16xf32>
    %get3A_2707 = arith.constant 9680 : index
    %get3A_2708 = tpu.vector_load %arg7[%get3A_2707] {strides = array<i32>} : memref<16384xf32, #tpu.memory_space<vmem>>, vector<16xf32>,
    %add3A_2709 = arith.addf %add3A_2706, %get3A_2708 : vector<16xf32>
    %get3A_2710 = arith.constant 9936 : index
    %get3A_2711 = tpu.vector_load %arg7[%get3A_2710] {strides = array<i32>} : memref<16384xf32, #tpu.memory_space<vmem>>, vector<16xf32>,
    %add3A_2712 = arith.addf %add3A_2709, %get3A_2711 : vector<16xf32>
    %get3A_2713 = arith.constant 10192 : index
    %get3A_2714 = tpu.vector_load %arg7[%get3A_2713] {strides = array<i32>} : memref<16384xf32, #tpu.memory_space<vmem>>, vector<16xf32>,
    %add3A_2715 = arith.addf %add3A_2712, %get3A_2714 : vector<16xf32>
    %get3A_2716 = arith.constant 10448 : index
    %get3A_2717 = tpu.vector_load %arg7[%get3A_2716] {strides = array<i32>} : memref<16384xf32, #tpu.memory_space<vmem>>, vector<16xf32>,
    %add3A_2718 = arith.addf %add3A_2715, %get3A_2717 : vector<16xf32>
    %get3A_2719 = arith.constant 10704 : index
    %get3A_2720 = tpu.vector_load %arg7[%get3A_2719] {strides = array<i32>} : memref<16384xf32, #tpu.memory_space<vmem>>, vector<16xf32>,
    %add3A_2721 = arith.addf %add3A_2718, %get3A_2720 : vector<16xf32>
    %get3A_2722 = arith.constant 10960 : index
    %get3A_2723 = tpu.vector_load %arg7[%get3A_2722] {strides = array<i32>} : memref<16384xf32, #tpu.memory_space<vmem>>, vector<16xf32>,
    %add3A_2724 = arith.addf %add3A_2721, %get3A_2723 : vector<16xf32>
    %get3A_2725 = arith.constant 11216 : index
    %get3A_2726 = tpu.vector_load %arg7[%get3A_2725] {strides = array<i32>} : memref<16384xf32, #tpu.memory_space<vmem>>, vector<16xf32>,
    %add3A_2727 = arith.addf %add3A_2724, %get3A_2726 : vector<16xf32>
    %get3A_2728 = arith.constant 11472 : index
    %get3A_2729 = tpu.vector_load %arg7[%get3A_2728] {strides = array<i32>} : memref<16384xf32, #tpu.memory_space<vmem>>, vector<16xf32>,
    %add3A_2730 = arith.addf %add3A_2727, %get3A_2729 : vector<16xf32>
    %get3A_2731 = arith.constant 11728 : index
    %get3A_2732 = tpu.vector_load %arg7[%get3A_2731] {strides = array<i32>} : memref<16384xf32, #tpu.memory_space<vmem>>, vector<16xf32>,
    %add3A_2733 = arith.addf %add3A_2730, %get3A_2732 : vector<16xf32>
    %get3A_2734 = arith.constant 11984 : index
    %get3A_2735 = tpu.vector_load %arg7[%get3A_2734] {strides = array<i32>} : memref<16384xf32, #tpu.memory_space<vmem>>, vector<16xf32>,
    %add3A_2736 = arith.addf %add3A_2733, %get3A_2735 : vector<16xf32>
    %get3A_2737 = arith.constant 12240 : index
    %get3A_2738 = tpu.vector_load %arg7[%get3A_2737] {strides = array<i32>} : memref<16384xf32, #tpu.memory_space<vmem>>, vector<16xf32>,
    %add3A_2739 = arith.addf %add3A_2736, %get3A_2738 : vector<16xf32>
    %get3A_2740 = arith.constant 12496 : index
    %get3A_2741 = tpu.vector_load %arg7[%get3A_2740] {strides = array<i32>} : memref<16384xf32, #tpu.memory_space<vmem>>, vector<16xf32>,
    %add3A_2742 = arith.addf %add3A_2739, %get3A_2741 : vector<16xf32>
    %get3A_2743 = arith.constant 12752 : index
    %get3A_2744 = tpu.vector_load %arg7[%get3A_2743] {strides = array<i32>} : memref<16384xf32, #tpu.memory_space<vmem>>, vector<16xf32>,
    %add3A_2745 = arith.addf %add3A_2742, %get3A_2744 : vector<16xf32>
    %get3A_2746 = arith.constant 13008 : index
    %get3A_2747 = tpu.vector_load %arg7[%get3A_2746] {strides = array<i32>} : memref<16384xf32, #tpu.memory_space<vmem>>, vector<16xf32>,
    %add3A_2748 = arith.addf %add3A_2745, %get3A_2747 : vector<16xf32>
    %get3A_2749 = arith.constant 13264 : index
    %get3A_2750 = tpu.vector_load %arg7[%get3A_2749] {strides = array<i32>} : memref<16384xf32, #tpu.memory_space<vmem>>, vector<16xf32>,
    %add3A_2751 = arith.addf %add3A_2748, %get3A_2750 : vector<16xf32>
    %get3A_2752 = arith.constant 13520 : index
    %get3A_2753 = tpu.vector_load %arg7[%get3A_2752] {strides = array<i32>} : memref<16384xf32, #tpu.memory_space<vmem>>, vector<16xf32>,
    %add3A_2754 = arith.addf %add3A_2751, %get3A_2753 : vector<16xf32>
    %get3A_2755 = arith.constant 13776 : index
    %get3A_2756 = tpu.vector_load %arg7[%get3A_2755] {strides = array<i32>} : memref<16384xf32, #tpu.memory_space<vmem>>, vector<16xf32>,
    %add3A_2757 = arith.addf %add3A_2754, %get3A_2756 : vector<16xf32>
    %get3A_2758 = arith.constant 14032 : index
    %get3A_2759 = tpu.vector_load %arg7[%get3A_2758] {strides = array<i32>} : memref<16384xf32, #tpu.memory_space<vmem>>, vector<16xf32>,
    %add3A_2760 = arith.addf %add3A_2757, %get3A_2759 : vector<16xf32>
    %get3A_2761 = arith.constant 14288 : index
    %get3A_2762 = tpu.vector_load %arg7[%get3A_2761] {strides = array<i32>} : memref<16384xf32, #tpu.memory_space<vmem>>, vector<16xf32>,
    %add3A_2763 = arith.addf %add3A_2760, %get3A_2762 : vector<16xf32>
    %get3A_2764 = arith.constant 14544 : index
    %get3A_2765 = tpu.vector_load %arg7[%get3A_2764] {strides = array<i32>} : memref<16384xf32, #tpu.memory_space<vmem>>, vector<16xf32>,
    %add3A_2766 = arith.addf %add3A_2763, %get3A_2765 : vector<16xf32>
    %get3A_2767 = arith.constant 14800 : index
    %get3A_2768 = tpu.vector_load %arg7[%get3A_2767] {strides = array<i32>} : memref<16384xf32, #tpu.memory_space<vmem>>, vector<16xf32>,
    %add3A_2769 = arith.addf %add3A_2766, %get3A_2768 : vector<16xf32>
    %get3A_2770 = arith.constant 15056 : index
    %get3A_2771 = tpu.vector_load %arg7[%get3A_2770] {strides = array<i32>} : memref<16384xf32, #tpu.memory_space<vmem>>, vector<16xf32>,
    %add3A_2772 = arith.addf %add3A_2769, %get3A_2771 : vector<16xf32>
    %get3A_2773 = arith.constant 15312 : index
    %get3A_2774 = tpu.vector_load %arg7[%get3A_2773] {strides = array<i32>} : memref<16384xf32, #tpu.memory_space<vmem>>, vector<16xf32>,
    %add3A_2775 = arith.addf %add3A_2772, %get3A_2774 : vector<16xf32>
    %get3A_2776 = arith.constant 15568 : index
    %get3A_2777 = tpu.vector_load %arg7[%get3A_2776] {strides = array<i32>} : memref<16384xf32, #tpu.memory_space<vmem>>, vector<16xf32>,
    %add3A_2778 = arith.addf %add3A_2775, %get3A_2777 : vector<16xf32>
    %get3A_2779 = arith.constant 15824 : index
    %get3A_2780 = tpu.vector_load %arg7[%get3A_2779] {strides = array<i32>} : memref<16384xf32, #tpu.memory_space<vmem>>, vector<16xf32>,
    %add3A_2781 = arith.addf %add3A_2778, %get3A_2780 : vector<16xf32>
    %get3A_2782 = arith.constant 16080 : index
    %get3A_2783 = tpu.vector_load %arg7[%get3A_2782] {strides = array<i32>} : memref<16384xf32, #tpu.memory_space<vmem>>, vector<16xf32>,
    %add3A_2784 = arith.addf %add3A_2781, %get3A_2783 : vector<16xf32>
    %get3A_2785 = arith.constant 16336 : index
    %get3A_2786 = tpu.vector_load %arg7[%get3A_2785] {strides = array<i32>} : memref<16384xf32, #tpu.memory_space<vmem>>, vector<16xf32>,
    %add3A_2787 = arith.addf %add3A_2784, %get3A_2786 : vector<16xf32>
    %swap3A_2788 = arith.constant 208 : index
    %swap3A_2789 = tpu.vector_load %arg8[%swap3A_2788] {strides = array<i32>} : memref<256xf32, #tpu.memory_space<vmem>>, vector<16xf32>,
    tpu.vector_store %arg8[%swap3A_2788], %add3A_2787 {strides = array<i32>} : memref<256xf32, #tpu.memory_space<vmem>>, vector<16xf32>,
    %get3A_2790 = arith.constant 224 : index
    %get3A_2791 = tpu.vector_load %arg7[%get3A_2790] {strides = array<i32>} : memref<16384xf32, #tpu.memory_space<vmem>>, vector<16xf32>,
    %add3A_2792 = arith.addf %broadcast_in_dim3A_61, %get3A_2791 : vector<16xf32>
    %get3A_2793 = arith.constant 480 : index
    %get3A_2794 = tpu.vector_load %arg7[%get3A_2793] {strides = array<i32>} : memref<16384xf32, #tpu.memory_space<vmem>>, vector<16xf32>,
    %add3A_2795 = arith.addf %add3A_2792, %get3A_2794 : vector<16xf32>
    %get3A_2796 = arith.constant 736 : index
    %get3A_2797 = tpu.vector_load %arg7[%get3A_2796] {strides = array<i32>} : memref<16384xf32, #tpu.memory_space<vmem>>, vector<16xf32>,
    %add3A_2798 = arith.addf %add3A_2795, %get3A_2797 : vector<16xf32>
    %get3A_2799 = arith.constant 992 : index
    %get3A_2800 = tpu.vector_load %arg7[%get3A_2799] {strides = array<i32>} : memref<16384xf32, #tpu.memory_space<vmem>>, vector<16xf32>,
    %add3A_2801 = arith.addf %add3A_2798, %get3A_2800 : vector<16xf32>
    %get3A_2802 = arith.constant 1248 : index
    %get3A_2803 = tpu.vector_load %arg7[%get3A_2802] {strides = array<i32>} : memref<16384xf32, #tpu.memory_space<vmem>>, vector<16xf32>,
    %add3A_2804 = arith.addf %add3A_2801, %get3A_2803 : vector<16xf32>
    %get3A_2805 = arith.constant 1504 : index
    %get3A_2806 = tpu.vector_load %arg7[%get3A_2805] {strides = array<i32>} : memref<16384xf32, #tpu.memory_space<vmem>>, vector<16xf32>,
    %add3A_2807 = arith.addf %add3A_2804, %get3A_2806 : vector<16xf32>
    %get3A_2808 = arith.constant 1760 : index
    %get3A_2809 = tpu.vector_load %arg7[%get3A_2808] {strides = array<i32>} : memref<16384xf32, #tpu.memory_space<vmem>>, vector<16xf32>,
    %add3A_2810 = arith.addf %add3A_2807, %get3A_2809 : vector<16xf32>
    %get3A_2811 = arith.constant 2016 : index
    %get3A_2812 = tpu.vector_load %arg7[%get3A_2811] {strides = array<i32>} : memref<16384xf32, #tpu.memory_space<vmem>>, vector<16xf32>,
    %add3A_2813 = arith.addf %add3A_2810, %get3A_2812 : vector<16xf32>
    %get3A_2814 = arith.constant 2272 : index
    %get3A_2815 = tpu.vector_load %arg7[%get3A_2814] {strides = array<i32>} : memref<16384xf32, #tpu.memory_space<vmem>>, vector<16xf32>,
    %add3A_2816 = arith.addf %add3A_2813, %get3A_2815 : vector<16xf32>
    %get3A_2817 = arith.constant 2528 : index
    %get3A_2818 = tpu.vector_load %arg7[%get3A_2817] {strides = array<i32>} : memref<16384xf32, #tpu.memory_space<vmem>>, vector<16xf32>,
    %add3A_2819 = arith.addf %add3A_2816, %get3A_2818 : vector<16xf32>
    %get3A_2820 = arith.constant 2784 : index
    %get3A_2821 = tpu.vector_load %arg7[%get3A_2820] {strides = array<i32>} : memref<16384xf32, #tpu.memory_space<vmem>>, vector<16xf32>,
    %add3A_2822 = arith.addf %add3A_2819, %get3A_2821 : vector<16xf32>
    %get3A_2823 = arith.constant 3040 : index
    %get3A_2824 = tpu.vector_load %arg7[%get3A_2823] {strides = array<i32>} : memref<16384xf32, #tpu.memory_space<vmem>>, vector<16xf32>,
    %add3A_2825 = arith.addf %add3A_2822, %get3A_2824 : vector<16xf32>
    %get3A_2826 = arith.constant 3296 : index
    %get3A_2827 = tpu.vector_load %arg7[%get3A_2826] {strides = array<i32>} : memref<16384xf32, #tpu.memory_space<vmem>>, vector<16xf32>,
    %add3A_2828 = arith.addf %add3A_2825, %get3A_2827 : vector<16xf32>
    %get3A_2829 = arith.constant 3552 : index
    %get3A_2830 = tpu.vector_load %arg7[%get3A_2829] {strides = array<i32>} : memref<16384xf32, #tpu.memory_space<vmem>>, vector<16xf32>,
    %add3A_2831 = arith.addf %add3A_2828, %get3A_2830 : vector<16xf32>
    %get3A_2832 = arith.constant 3808 : index
    %get3A_2833 = tpu.vector_load %arg7[%get3A_2832] {strides = array<i32>} : memref<16384xf32, #tpu.memory_space<vmem>>, vector<16xf32>,
    %add3A_2834 = arith.addf %add3A_2831, %get3A_2833 : vector<16xf32>
    %get3A_2835 = arith.constant 4064 : index
    %get3A_2836 = tpu.vector_load %arg7[%get3A_2835] {strides = array<i32>} : memref<16384xf32, #tpu.memory_space<vmem>>, vector<16xf32>,
    %add3A_2837 = arith.addf %add3A_2834, %get3A_2836 : vector<16xf32>
    %get3A_2838 = arith.constant 4320 : index
    %get3A_2839 = tpu.vector_load %arg7[%get3A_2838] {strides = array<i32>} : memref<16384xf32, #tpu.memory_space<vmem>>, vector<16xf32>,
    %add3A_2840 = arith.addf %add3A_2837, %get3A_2839 : vector<16xf32>
    %get3A_2841 = arith.constant 4576 : index
    %get3A_2842 = tpu.vector_load %arg7[%get3A_2841] {strides = array<i32>} : memref<16384xf32, #tpu.memory_space<vmem>>, vector<16xf32>,
    %add3A_2843 = arith.addf %add3A_2840, %get3A_2842 : vector<16xf32>
    %get3A_2844 = arith.constant 4832 : index
    %get3A_2845 = tpu.vector_load %arg7[%get3A_2844] {strides = array<i32>} : memref<16384xf32, #tpu.memory_space<vmem>>, vector<16xf32>,
    %add3A_2846 = arith.addf %add3A_2843, %get3A_2845 : vector<16xf32>
    %get3A_2847 = arith.constant 5088 : index
    %get3A_2848 = tpu.vector_load %arg7[%get3A_2847] {strides = array<i32>} : memref<16384xf32, #tpu.memory_space<vmem>>, vector<16xf32>,
    %add3A_2849 = arith.addf %add3A_2846, %get3A_2848 : vector<16xf32>
    %get3A_2850 = arith.constant 5344 : index
    %get3A_2851 = tpu.vector_load %arg7[%get3A_2850] {strides = array<i32>} : memref<16384xf32, #tpu.memory_space<vmem>>, vector<16xf32>,
    %add3A_2852 = arith.addf %add3A_2849, %get3A_2851 : vector<16xf32>
    %get3A_2853 = arith.constant 5600 : index
    %get3A_2854 = tpu.vector_load %arg7[%get3A_2853] {strides = array<i32>} : memref<16384xf32, #tpu.memory_space<vmem>>, vector<16xf32>,
    %add3A_2855 = arith.addf %add3A_2852, %get3A_2854 : vector<16xf32>
    %get3A_2856 = arith.constant 5856 : index
    %get3A_2857 = tpu.vector_load %arg7[%get3A_2856] {strides = array<i32>} : memref<16384xf32, #tpu.memory_space<vmem>>, vector<16xf32>,
    %add3A_2858 = arith.addf %add3A_2855, %get3A_2857 : vector<16xf32>
    %get3A_2859 = arith.constant 6112 : index
    %get3A_2860 = tpu.vector_load %arg7[%get3A_2859] {strides = array<i32>} : memref<16384xf32, #tpu.memory_space<vmem>>, vector<16xf32>,
    %add3A_2861 = arith.addf %add3A_2858, %get3A_2860 : vector<16xf32>
    %get3A_2862 = arith.constant 6368 : index
    %get3A_2863 = tpu.vector_load %arg7[%get3A_2862] {strides = array<i32>} : memref<16384xf32, #tpu.memory_space<vmem>>, vector<16xf32>,
    %add3A_2864 = arith.addf %add3A_2861, %get3A_2863 : vector<16xf32>
    %get3A_2865 = arith.constant 6624 : index
    %get3A_2866 = tpu.vector_load %arg7[%get3A_2865] {strides = array<i32>} : memref<16384xf32, #tpu.memory_space<vmem>>, vector<16xf32>,
    %add3A_2867 = arith.addf %add3A_2864, %get3A_2866 : vector<16xf32>
    %get3A_2868 = arith.constant 6880 : index
    %get3A_2869 = tpu.vector_load %arg7[%get3A_2868] {strides = array<i32>} : memref<16384xf32, #tpu.memory_space<vmem>>, vector<16xf32>,
    %add3A_2870 = arith.addf %add3A_2867, %get3A_2869 : vector<16xf32>
    %get3A_2871 = arith.constant 7136 : index
    %get3A_2872 = tpu.vector_load %arg7[%get3A_2871] {strides = array<i32>} : memref<16384xf32, #tpu.memory_space<vmem>>, vector<16xf32>,
    %add3A_2873 = arith.addf %add3A_2870, %get3A_2872 : vector<16xf32>
    %get3A_2874 = arith.constant 7392 : index
    %get3A_2875 = tpu.vector_load %arg7[%get3A_2874] {strides = array<i32>} : memref<16384xf32, #tpu.memory_space<vmem>>, vector<16xf32>,
    %add3A_2876 = arith.addf %add3A_2873, %get3A_2875 : vector<16xf32>
    %get3A_2877 = arith.constant 7648 : index
    %get3A_2878 = tpu.vector_load %arg7[%get3A_2877] {strides = array<i32>} : memref<16384xf32, #tpu.memory_space<vmem>>, vector<16xf32>,
    %add3A_2879 = arith.addf %add3A_2876, %get3A_2878 : vector<16xf32>
    %get3A_2880 = arith.constant 7904 : index
    %get3A_2881 = tpu.vector_load %arg7[%get3A_2880] {strides = array<i32>} : memref<16384xf32, #tpu.memory_space<vmem>>, vector<16xf32>,
    %add3A_2882 = arith.addf %add3A_2879, %get3A_2881 : vector<16xf32>
    %get3A_2883 = arith.constant 8160 : index
    %get3A_2884 = tpu.vector_load %arg7[%get3A_2883] {strides = array<i32>} : memref<16384xf32, #tpu.memory_space<vmem>>, vector<16xf32>,
    %add3A_2885 = arith.addf %add3A_2882, %get3A_2884 : vector<16xf32>
    %get3A_2886 = arith.constant 8416 : index
    %get3A_2887 = tpu.vector_load %arg7[%get3A_2886] {strides = array<i32>} : memref<16384xf32, #tpu.memory_space<vmem>>, vector<16xf32>,
    %add3A_2888 = arith.addf %add3A_2885, %get3A_2887 : vector<16xf32>
    %get3A_2889 = arith.constant 8672 : index
    %get3A_2890 = tpu.vector_load %arg7[%get3A_2889] {strides = array<i32>} : memref<16384xf32, #tpu.memory_space<vmem>>, vector<16xf32>,
    %add3A_2891 = arith.addf %add3A_2888, %get3A_2890 : vector<16xf32>
    %get3A_2892 = arith.constant 8928 : index
    %get3A_2893 = tpu.vector_load %arg7[%get3A_2892] {strides = array<i32>} : memref<16384xf32, #tpu.memory_space<vmem>>, vector<16xf32>,
    %add3A_2894 = arith.addf %add3A_2891, %get3A_2893 : vector<16xf32>
    %get3A_2895 = arith.constant 9184 : index
    %get3A_2896 = tpu.vector_load %arg7[%get3A_2895] {strides = array<i32>} : memref<16384xf32, #tpu.memory_space<vmem>>, vector<16xf32>,
    %add3A_2897 = arith.addf %add3A_2894, %get3A_2896 : vector<16xf32>
    %get3A_2898 = arith.constant 9440 : index
    %get3A_2899 = tpu.vector_load %arg7[%get3A_2898] {strides = array<i32>} : memref<16384xf32, #tpu.memory_space<vmem>>, vector<16xf32>,
    %add3A_2900 = arith.addf %add3A_2897, %get3A_2899 : vector<16xf32>
    %get3A_2901 = arith.constant 9696 : index
    %get3A_2902 = tpu.vector_load %arg7[%get3A_2901] {strides = array<i32>} : memref<16384xf32, #tpu.memory_space<vmem>>, vector<16xf32>,
    %add3A_2903 = arith.addf %add3A_2900, %get3A_2902 : vector<16xf32>
    %get3A_2904 = arith.constant 9952 : index
    %get3A_2905 = tpu.vector_load %arg7[%get3A_2904] {strides = array<i32>} : memref<16384xf32, #tpu.memory_space<vmem>>, vector<16xf32>,
    %add3A_2906 = arith.addf %add3A_2903, %get3A_2905 : vector<16xf32>
    %get3A_2907 = arith.constant 10208 : index
    %get3A_2908 = tpu.vector_load %arg7[%get3A_2907] {strides = array<i32>} : memref<16384xf32, #tpu.memory_space<vmem>>, vector<16xf32>,
    %add3A_2909 = arith.addf %add3A_2906, %get3A_2908 : vector<16xf32>
    %get3A_2910 = arith.constant 10464 : index
    %get3A_2911 = tpu.vector_load %arg7[%get3A_2910] {strides = array<i32>} : memref<16384xf32, #tpu.memory_space<vmem>>, vector<16xf32>,
    %add3A_2912 = arith.addf %add3A_2909, %get3A_2911 : vector<16xf32>
    %get3A_2913 = arith.constant 10720 : index
    %get3A_2914 = tpu.vector_load %arg7[%get3A_2913] {strides = array<i32>} : memref<16384xf32, #tpu.memory_space<vmem>>, vector<16xf32>,
    %add3A_2915 = arith.addf %add3A_2912, %get3A_2914 : vector<16xf32>
    %get3A_2916 = arith.constant 10976 : index
    %get3A_2917 = tpu.vector_load %arg7[%get3A_2916] {strides = array<i32>} : memref<16384xf32, #tpu.memory_space<vmem>>, vector<16xf32>,
    %add3A_2918 = arith.addf %add3A_2915, %get3A_2917 : vector<16xf32>
    %get3A_2919 = arith.constant 11232 : index
    %get3A_2920 = tpu.vector_load %arg7[%get3A_2919] {strides = array<i32>} : memref<16384xf32, #tpu.memory_space<vmem>>, vector<16xf32>,
    %add3A_2921 = arith.addf %add3A_2918, %get3A_2920 : vector<16xf32>
    %get3A_2922 = arith.constant 11488 : index
    %get3A_2923 = tpu.vector_load %arg7[%get3A_2922] {strides = array<i32>} : memref<16384xf32, #tpu.memory_space<vmem>>, vector<16xf32>,
    %add3A_2924 = arith.addf %add3A_2921, %get3A_2923 : vector<16xf32>
    %get3A_2925 = arith.constant 11744 : index
    %get3A_2926 = tpu.vector_load %arg7[%get3A_2925] {strides = array<i32>} : memref<16384xf32, #tpu.memory_space<vmem>>, vector<16xf32>,
    %add3A_2927 = arith.addf %add3A_2924, %get3A_2926 : vector<16xf32>
    %get3A_2928 = arith.constant 12000 : index
    %get3A_2929 = tpu.vector_load %arg7[%get3A_2928] {strides = array<i32>} : memref<16384xf32, #tpu.memory_space<vmem>>, vector<16xf32>,
    %add3A_2930 = arith.addf %add3A_2927, %get3A_2929 : vector<16xf32>
    %get3A_2931 = arith.constant 12256 : index
    %get3A_2932 = tpu.vector_load %arg7[%get3A_2931] {strides = array<i32>} : memref<16384xf32, #tpu.memory_space<vmem>>, vector<16xf32>,
    %add3A_2933 = arith.addf %add3A_2930, %get3A_2932 : vector<16xf32>
    %get3A_2934 = arith.constant 12512 : index
    %get3A_2935 = tpu.vector_load %arg7[%get3A_2934] {strides = array<i32>} : memref<16384xf32, #tpu.memory_space<vmem>>, vector<16xf32>,
    %add3A_2936 = arith.addf %add3A_2933, %get3A_2935 : vector<16xf32>
    %get3A_2937 = arith.constant 12768 : index
    %get3A_2938 = tpu.vector_load %arg7[%get3A_2937] {strides = array<i32>} : memref<16384xf32, #tpu.memory_space<vmem>>, vector<16xf32>,
    %add3A_2939 = arith.addf %add3A_2936, %get3A_2938 : vector<16xf32>
    %get3A_2940 = arith.constant 13024 : index
    %get3A_2941 = tpu.vector_load %arg7[%get3A_2940] {strides = array<i32>} : memref<16384xf32, #tpu.memory_space<vmem>>, vector<16xf32>,
    %add3A_2942 = arith.addf %add3A_2939, %get3A_2941 : vector<16xf32>
    %get3A_2943 = arith.constant 13280 : index
    %get3A_2944 = tpu.vector_load %arg7[%get3A_2943] {strides = array<i32>} : memref<16384xf32, #tpu.memory_space<vmem>>, vector<16xf32>,
    %add3A_2945 = arith.addf %add3A_2942, %get3A_2944 : vector<16xf32>
    %get3A_2946 = arith.constant 13536 : index
    %get3A_2947 = tpu.vector_load %arg7[%get3A_2946] {strides = array<i32>} : memref<16384xf32, #tpu.memory_space<vmem>>, vector<16xf32>,
    %add3A_2948 = arith.addf %add3A_2945, %get3A_2947 : vector<16xf32>
    %get3A_2949 = arith.constant 13792 : index
    %get3A_2950 = tpu.vector_load %arg7[%get3A_2949] {strides = array<i32>} : memref<16384xf32, #tpu.memory_space<vmem>>, vector<16xf32>,
    %add3A_2951 = arith.addf %add3A_2948, %get3A_2950 : vector<16xf32>
    %get3A_2952 = arith.constant 14048 : index
    %get3A_2953 = tpu.vector_load %arg7[%get3A_2952] {strides = array<i32>} : memref<16384xf32, #tpu.memory_space<vmem>>, vector<16xf32>,
    %add3A_2954 = arith.addf %add3A_2951, %get3A_2953 : vector<16xf32>
    %get3A_2955 = arith.constant 14304 : index
    %get3A_2956 = tpu.vector_load %arg7[%get3A_2955] {strides = array<i32>} : memref<16384xf32, #tpu.memory_space<vmem>>, vector<16xf32>,
    %add3A_2957 = arith.addf %add3A_2954, %get3A_2956 : vector<16xf32>
    %get3A_2958 = arith.constant 14560 : index
    %get3A_2959 = tpu.vector_load %arg7[%get3A_2958] {strides = array<i32>} : memref<16384xf32, #tpu.memory_space<vmem>>, vector<16xf32>,
    %add3A_2960 = arith.addf %add3A_2957, %get3A_2959 : vector<16xf32>
    %get3A_2961 = arith.constant 14816 : index
    %get3A_2962 = tpu.vector_load %arg7[%get3A_2961] {strides = array<i32>} : memref<16384xf32, #tpu.memory_space<vmem>>, vector<16xf32>,
    %add3A_2963 = arith.addf %add3A_2960, %get3A_2962 : vector<16xf32>
    %get3A_2964 = arith.constant 15072 : index
    %get3A_2965 = tpu.vector_load %arg7[%get3A_2964] {strides = array<i32>} : memref<16384xf32, #tpu.memory_space<vmem>>, vector<16xf32>,
    %add3A_2966 = arith.addf %add3A_2963, %get3A_2965 : vector<16xf32>
    %get3A_2967 = arith.constant 15328 : index
    %get3A_2968 = tpu.vector_load %arg7[%get3A_2967] {strides = array<i32>} : memref<16384xf32, #tpu.memory_space<vmem>>, vector<16xf32>,
    %add3A_2969 = arith.addf %add3A_2966, %get3A_2968 : vector<16xf32>
    %get3A_2970 = arith.constant 15584 : index
    %get3A_2971 = tpu.vector_load %arg7[%get3A_2970] {strides = array<i32>} : memref<16384xf32, #tpu.memory_space<vmem>>, vector<16xf32>,
    %add3A_2972 = arith.addf %add3A_2969, %get3A_2971 : vector<16xf32>
    %get3A_2973 = arith.constant 15840 : index
    %get3A_2974 = tpu.vector_load %arg7[%get3A_2973] {strides = array<i32>} : memref<16384xf32, #tpu.memory_space<vmem>>, vector<16xf32>,
    %add3A_2975 = arith.addf %add3A_2972, %get3A_2974 : vector<16xf32>
    %get3A_2976 = arith.constant 16096 : index
    %get3A_2977 = tpu.vector_load %arg7[%get3A_2976] {strides = array<i32>} : memref<16384xf32, #tpu.memory_space<vmem>>, vector<16xf32>,
    %add3A_2978 = arith.addf %add3A_2975, %get3A_2977 : vector<16xf32>
    %get3A_2979 = arith.constant 16352 : index
    %get3A_2980 = tpu.vector_load %arg7[%get3A_2979] {strides = array<i32>} : memref<16384xf32, #tpu.memory_space<vmem>>, vector<16xf32>,
    %add3A_2981 = arith.addf %add3A_2978, %get3A_2980 : vector<16xf32>
    %swap3A_2982 = arith.constant 224 : index
    %swap3A_2983 = tpu.vector_load %arg8[%swap3A_2982] {strides = array<i32>} : memref<256xf32, #tpu.memory_space<vmem>>, vector<16xf32>,
    tpu.vector_store %arg8[%swap3A_2982], %add3A_2981 {strides = array<i32>} : memref<256xf32, #tpu.memory_space<vmem>>, vector<16xf32>,
    %get3A_2984 = arith.constant 240 : index
    %get3A_2985 = tpu.vector_load %arg7[%get3A_2984] {strides = array<i32>} : memref<16384xf32, #tpu.memory_space<vmem>>, vector<16xf32>,
    %add3A_2986 = arith.addf %broadcast_in_dim3A_61, %get3A_2985 : vector<16xf32>
    %get3A_2987 = arith.constant 496 : index
    %get3A_2988 = tpu.vector_load %arg7[%get3A_2987] {strides = array<i32>} : memref<16384xf32, #tpu.memory_space<vmem>>, vector<16xf32>,
    %add3A_2989 = arith.addf %add3A_2986, %get3A_2988 : vector<16xf32>
    %get3A_2990 = arith.constant 752 : index
    %get3A_2991 = tpu.vector_load %arg7[%get3A_2990] {strides = array<i32>} : memref<16384xf32, #tpu.memory_space<vmem>>, vector<16xf32>,
    %add3A_2992 = arith.addf %add3A_2989, %get3A_2991 : vector<16xf32>
    %get3A_2993 = arith.constant 1008 : index
    %get3A_2994 = tpu.vector_load %arg7[%get3A_2993] {strides = array<i32>} : memref<16384xf32, #tpu.memory_space<vmem>>, vector<16xf32>,
    %add3A_2995 = arith.addf %add3A_2992, %get3A_2994 : vector<16xf32>
    %get3A_2996 = arith.constant 1264 : index
    %get3A_2997 = tpu.vector_load %arg7[%get3A_2996] {strides = array<i32>} : memref<16384xf32, #tpu.memory_space<vmem>>, vector<16xf32>,
    %add3A_2998 = arith.addf %add3A_2995, %get3A_2997 : vector<16xf32>
    %get3A_2999 = arith.constant 1520 : index
    %get3A_3000 = tpu.vector_load %arg7[%get3A_2999] {strides = array<i32>} : memref<16384xf32, #tpu.memory_space<vmem>>, vector<16xf32>,
    %add3A_3001 = arith.addf %add3A_2998, %get3A_3000 : vector<16xf32>
    %get3A_3002 = arith.constant 1776 : index
    %get3A_3003 = tpu.vector_load %arg7[%get3A_3002] {strides = array<i32>} : memref<16384xf32, #tpu.memory_space<vmem>>, vector<16xf32>,
    %add3A_3004 = arith.addf %add3A_3001, %get3A_3003 : vector<16xf32>
    %get3A_3005 = arith.constant 2032 : index
    %get3A_3006 = tpu.vector_load %arg7[%get3A_3005] {strides = array<i32>} : memref<16384xf32, #tpu.memory_space<vmem>>, vector<16xf32>,
    %add3A_3007 = arith.addf %add3A_3004, %get3A_3006 : vector<16xf32>
    %get3A_3008 = arith.constant 2288 : index
    %get3A_3009 = tpu.vector_load %arg7[%get3A_3008] {strides = array<i32>} : memref<16384xf32, #tpu.memory_space<vmem>>, vector<16xf32>,
    %add3A_3010 = arith.addf %add3A_3007, %get3A_3009 : vector<16xf32>
    %get3A_3011 = arith.constant 2544 : index
    %get3A_3012 = tpu.vector_load %arg7[%get3A_3011] {strides = array<i32>} : memref<16384xf32, #tpu.memory_space<vmem>>, vector<16xf32>,
    %add3A_3013 = arith.addf %add3A_3010, %get3A_3012 : vector<16xf32>
    %get3A_3014 = arith.constant 2800 : index
    %get3A_3015 = tpu.vector_load %arg7[%get3A_3014] {strides = array<i32>} : memref<16384xf32, #tpu.memory_space<vmem>>, vector<16xf32>,
    %add3A_3016 = arith.addf %add3A_3013, %get3A_3015 : vector<16xf32>
    %get3A_3017 = arith.constant 3056 : index
    %get3A_3018 = tpu.vector_load %arg7[%get3A_3017] {strides = array<i32>} : memref<16384xf32, #tpu.memory_space<vmem>>, vector<16xf32>,
    %add3A_3019 = arith.addf %add3A_3016, %get3A_3018 : vector<16xf32>
    %get3A_3020 = arith.constant 3312 : index
    %get3A_3021 = tpu.vector_load %arg7[%get3A_3020] {strides = array<i32>} : memref<16384xf32, #tpu.memory_space<vmem>>, vector<16xf32>,
    %add3A_3022 = arith.addf %add3A_3019, %get3A_3021 : vector<16xf32>
    %get3A_3023 = arith.constant 3568 : index
    %get3A_3024 = tpu.vector_load %arg7[%get3A_3023] {strides = array<i32>} : memref<16384xf32, #tpu.memory_space<vmem>>, vector<16xf32>,
    %add3A_3025 = arith.addf %add3A_3022, %get3A_3024 : vector<16xf32>
    %get3A_3026 = arith.constant 3824 : index
    %get3A_3027 = tpu.vector_load %arg7[%get3A_3026] {strides = array<i32>} : memref<16384xf32, #tpu.memory_space<vmem>>, vector<16xf32>,
    %add3A_3028 = arith.addf %add3A_3025, %get3A_3027 : vector<16xf32>
    %get3A_3029 = arith.constant 4080 : index
    %get3A_3030 = tpu.vector_load %arg7[%get3A_3029] {strides = array<i32>} : memref<16384xf32, #tpu.memory_space<vmem>>, vector<16xf32>,
    %add3A_3031 = arith.addf %add3A_3028, %get3A_3030 : vector<16xf32>
    %get3A_3032 = arith.constant 4336 : index
    %get3A_3033 = tpu.vector_load %arg7[%get3A_3032] {strides = array<i32>} : memref<16384xf32, #tpu.memory_space<vmem>>, vector<16xf32>,
    %add3A_3034 = arith.addf %add3A_3031, %get3A_3033 : vector<16xf32>
    %get3A_3035 = arith.constant 4592 : index
    %get3A_3036 = tpu.vector_load %arg7[%get3A_3035] {strides = array<i32>} : memref<16384xf32, #tpu.memory_space<vmem>>, vector<16xf32>,
    %add3A_3037 = arith.addf %add3A_3034, %get3A_3036 : vector<16xf32>
    %get3A_3038 = arith.constant 4848 : index
    %get3A_3039 = tpu.vector_load %arg7[%get3A_3038] {strides = array<i32>} : memref<16384xf32, #tpu.memory_space<vmem>>, vector<16xf32>,
    %add3A_3040 = arith.addf %add3A_3037, %get3A_3039 : vector<16xf32>
    %get3A_3041 = arith.constant 5104 : index
    %get3A_3042 = tpu.vector_load %arg7[%get3A_3041] {strides = array<i32>} : memref<16384xf32, #tpu.memory_space<vmem>>, vector<16xf32>,
    %add3A_3043 = arith.addf %add3A_3040, %get3A_3042 : vector<16xf32>
    %get3A_3044 = arith.constant 5360 : index
    %get3A_3045 = tpu.vector_load %arg7[%get3A_3044] {strides = array<i32>} : memref<16384xf32, #tpu.memory_space<vmem>>, vector<16xf32>,
    %add3A_3046 = arith.addf %add3A_3043, %get3A_3045 : vector<16xf32>
    %get3A_3047 = arith.constant 5616 : index
    %get3A_3048 = tpu.vector_load %arg7[%get3A_3047] {strides = array<i32>} : memref<16384xf32, #tpu.memory_space<vmem>>, vector<16xf32>,
    %add3A_3049 = arith.addf %add3A_3046, %get3A_3048 : vector<16xf32>
    %get3A_3050 = arith.constant 5872 : index
    %get3A_3051 = tpu.vector_load %arg7[%get3A_3050] {strides = array<i32>} : memref<16384xf32, #tpu.memory_space<vmem>>, vector<16xf32>,
    %add3A_3052 = arith.addf %add3A_3049, %get3A_3051 : vector<16xf32>
    %get3A_3053 = arith.constant 6128 : index
    %get3A_3054 = tpu.vector_load %arg7[%get3A_3053] {strides = array<i32>} : memref<16384xf32, #tpu.memory_space<vmem>>, vector<16xf32>,
    %add3A_3055 = arith.addf %add3A_3052, %get3A_3054 : vector<16xf32>
    %get3A_3056 = arith.constant 6384 : index
    %get3A_3057 = tpu.vector_load %arg7[%get3A_3056] {strides = array<i32>} : memref<16384xf32, #tpu.memory_space<vmem>>, vector<16xf32>,
    %add3A_3058 = arith.addf %add3A_3055, %get3A_3057 : vector<16xf32>
    %get3A_3059 = arith.constant 6640 : index
    %get3A_3060 = tpu.vector_load %arg7[%get3A_3059] {strides = array<i32>} : memref<16384xf32, #tpu.memory_space<vmem>>, vector<16xf32>,
    %add3A_3061 = arith.addf %add3A_3058, %get3A_3060 : vector<16xf32>
    %get3A_3062 = arith.constant 6896 : index
    %get3A_3063 = tpu.vector_load %arg7[%get3A_3062] {strides = array<i32>} : memref<16384xf32, #tpu.memory_space<vmem>>, vector<16xf32>,
    %add3A_3064 = arith.addf %add3A_3061, %get3A_3063 : vector<16xf32>
    %get3A_3065 = arith.constant 7152 : index
    %get3A_3066 = tpu.vector_load %arg7[%get3A_3065] {strides = array<i32>} : memref<16384xf32, #tpu.memory_space<vmem>>, vector<16xf32>,
    %add3A_3067 = arith.addf %add3A_3064, %get3A_3066 : vector<16xf32>
    %get3A_3068 = arith.constant 7408 : index
    %get3A_3069 = tpu.vector_load %arg7[%get3A_3068] {strides = array<i32>} : memref<16384xf32, #tpu.memory_space<vmem>>, vector<16xf32>,
    %add3A_3070 = arith.addf %add3A_3067, %get3A_3069 : vector<16xf32>
    %get3A_3071 = arith.constant 7664 : index
    %get3A_3072 = tpu.vector_load %arg7[%get3A_3071] {strides = array<i32>} : memref<16384xf32, #tpu.memory_space<vmem>>, vector<16xf32>,
    %add3A_3073 = arith.addf %add3A_3070, %get3A_3072 : vector<16xf32>
    %get3A_3074 = arith.constant 7920 : index
    %get3A_3075 = tpu.vector_load %arg7[%get3A_3074] {strides = array<i32>} : memref<16384xf32, #tpu.memory_space<vmem>>, vector<16xf32>,
    %add3A_3076 = arith.addf %add3A_3073, %get3A_3075 : vector<16xf32>
    %get3A_3077 = arith.constant 8176 : index
    %get3A_3078 = tpu.vector_load %arg7[%get3A_3077] {strides = array<i32>} : memref<16384xf32, #tpu.memory_space<vmem>>, vector<16xf32>,
    %add3A_3079 = arith.addf %add3A_3076, %get3A_3078 : vector<16xf32>
    %get3A_3080 = arith.constant 8432 : index
    %get3A_3081 = tpu.vector_load %arg7[%get3A_3080] {strides = array<i32>} : memref<16384xf32, #tpu.memory_space<vmem>>, vector<16xf32>,
    %add3A_3082 = arith.addf %add3A_3079, %get3A_3081 : vector<16xf32>
    %get3A_3083 = arith.constant 8688 : index
    %get3A_3084 = tpu.vector_load %arg7[%get3A_3083] {strides = array<i32>} : memref<16384xf32, #tpu.memory_space<vmem>>, vector<16xf32>,
    %add3A_3085 = arith.addf %add3A_3082, %get3A_3084 : vector<16xf32>
    %get3A_3086 = arith.constant 8944 : index
    %get3A_3087 = tpu.vector_load %arg7[%get3A_3086] {strides = array<i32>} : memref<16384xf32, #tpu.memory_space<vmem>>, vector<16xf32>,
    %add3A_3088 = arith.addf %add3A_3085, %get3A_3087 : vector<16xf32>
    %get3A_3089 = arith.constant 9200 : index
    %get3A_3090 = tpu.vector_load %arg7[%get3A_3089] {strides = array<i32>} : memref<16384xf32, #tpu.memory_space<vmem>>, vector<16xf32>,
    %add3A_3091 = arith.addf %add3A_3088, %get3A_3090 : vector<16xf32>
    %get3A_3092 = arith.constant 9456 : index
    %get3A_3093 = tpu.vector_load %arg7[%get3A_3092] {strides = array<i32>} : memref<16384xf32, #tpu.memory_space<vmem>>, vector<16xf32>,
    %add3A_3094 = arith.addf %add3A_3091, %get3A_3093 : vector<16xf32>
    %get3A_3095 = arith.constant 9712 : index
    %get3A_3096 = tpu.vector_load %arg7[%get3A_3095] {strides = array<i32>} : memref<16384xf32, #tpu.memory_space<vmem>>, vector<16xf32>,
    %add3A_3097 = arith.addf %add3A_3094, %get3A_3096 : vector<16xf32>
    %get3A_3098 = arith.constant 9968 : index
    %get3A_3099 = tpu.vector_load %arg7[%get3A_3098] {strides = array<i32>} : memref<16384xf32, #tpu.memory_space<vmem>>, vector<16xf32>,
    %add3A_3100 = arith.addf %add3A_3097, %get3A_3099 : vector<16xf32>
    %get3A_3101 = arith.constant 10224 : index
    %get3A_3102 = tpu.vector_load %arg7[%get3A_3101] {strides = array<i32>} : memref<16384xf32, #tpu.memory_space<vmem>>, vector<16xf32>,
    %add3A_3103 = arith.addf %add3A_3100, %get3A_3102 : vector<16xf32>
    %get3A_3104 = arith.constant 10480 : index
    %get3A_3105 = tpu.vector_load %arg7[%get3A_3104] {strides = array<i32>} : memref<16384xf32, #tpu.memory_space<vmem>>, vector<16xf32>,
    %add3A_3106 = arith.addf %add3A_3103, %get3A_3105 : vector<16xf32>
    %get3A_3107 = arith.constant 10736 : index
    %get3A_3108 = tpu.vector_load %arg7[%get3A_3107] {strides = array<i32>} : memref<16384xf32, #tpu.memory_space<vmem>>, vector<16xf32>,
    %add3A_3109 = arith.addf %add3A_3106, %get3A_3108 : vector<16xf32>
    %get3A_3110 = arith.constant 10992 : index
    %get3A_3111 = tpu.vector_load %arg7[%get3A_3110] {strides = array<i32>} : memref<16384xf32, #tpu.memory_space<vmem>>, vector<16xf32>,
    %add3A_3112 = arith.addf %add3A_3109, %get3A_3111 : vector<16xf32>
    %get3A_3113 = arith.constant 11248 : index
    %get3A_3114 = tpu.vector_load %arg7[%get3A_3113] {strides = array<i32>} : memref<16384xf32, #tpu.memory_space<vmem>>, vector<16xf32>,
    %add3A_3115 = arith.addf %add3A_3112, %get3A_3114 : vector<16xf32>
    %get3A_3116 = arith.constant 11504 : index
    %get3A_3117 = tpu.vector_load %arg7[%get3A_3116] {strides = array<i32>} : memref<16384xf32, #tpu.memory_space<vmem>>, vector<16xf32>,
    %add3A_3118 = arith.addf %add3A_3115, %get3A_3117 : vector<16xf32>
    %get3A_3119 = arith.constant 11760 : index
    %get3A_3120 = tpu.vector_load %arg7[%get3A_3119] {strides = array<i32>} : memref<16384xf32, #tpu.memory_space<vmem>>, vector<16xf32>,
    %add3A_3121 = arith.addf %add3A_3118, %get3A_3120 : vector<16xf32>
    %get3A_3122 = arith.constant 12016 : index
    %get3A_3123 = tpu.vector_load %arg7[%get3A_3122] {strides = array<i32>} : memref<16384xf32, #tpu.memory_space<vmem>>, vector<16xf32>,
    %add3A_3124 = arith.addf %add3A_3121, %get3A_3123 : vector<16xf32>
    %get3A_3125 = arith.constant 12272 : index
    %get3A_3126 = tpu.vector_load %arg7[%get3A_3125] {strides = array<i32>} : memref<16384xf32, #tpu.memory_space<vmem>>, vector<16xf32>,
    %add3A_3127 = arith.addf %add3A_3124, %get3A_3126 : vector<16xf32>
    %get3A_3128 = arith.constant 12528 : index
    %get3A_3129 = tpu.vector_load %arg7[%get3A_3128] {strides = array<i32>} : memref<16384xf32, #tpu.memory_space<vmem>>, vector<16xf32>,
    %add3A_3130 = arith.addf %add3A_3127, %get3A_3129 : vector<16xf32>
    %get3A_3131 = arith.constant 12784 : index
    %get3A_3132 = tpu.vector_load %arg7[%get3A_3131] {strides = array<i32>} : memref<16384xf32, #tpu.memory_space<vmem>>, vector<16xf32>,
    %add3A_3133 = arith.addf %add3A_3130, %get3A_3132 : vector<16xf32>
    %get3A_3134 = arith.constant 13040 : index
    %get3A_3135 = tpu.vector_load %arg7[%get3A_3134] {strides = array<i32>} : memref<16384xf32, #tpu.memory_space<vmem>>, vector<16xf32>,
    %add3A_3136 = arith.addf %add3A_3133, %get3A_3135 : vector<16xf32>
    %get3A_3137 = arith.constant 13296 : index
    %get3A_3138 = tpu.vector_load %arg7[%get3A_3137] {strides = array<i32>} : memref<16384xf32, #tpu.memory_space<vmem>>, vector<16xf32>,
    %add3A_3139 = arith.addf %add3A_3136, %get3A_3138 : vector<16xf32>
    %get3A_3140 = arith.constant 13552 : index
    %get3A_3141 = tpu.vector_load %arg7[%get3A_3140] {strides = array<i32>} : memref<16384xf32, #tpu.memory_space<vmem>>, vector<16xf32>,
    %add3A_3142 = arith.addf %add3A_3139, %get3A_3141 : vector<16xf32>
    %get3A_3143 = arith.constant 13808 : index
    %get3A_3144 = tpu.vector_load %arg7[%get3A_3143] {strides = array<i32>} : memref<16384xf32, #tpu.memory_space<vmem>>, vector<16xf32>,
    %add3A_3145 = arith.addf %add3A_3142, %get3A_3144 : vector<16xf32>
    %get3A_3146 = arith.constant 14064 : index
    %get3A_3147 = tpu.vector_load %arg7[%get3A_3146] {strides = array<i32>} : memref<16384xf32, #tpu.memory_space<vmem>>, vector<16xf32>,
    %add3A_3148 = arith.addf %add3A_3145, %get3A_3147 : vector<16xf32>
    %get3A_3149 = arith.constant 14320 : index
    %get3A_3150 = tpu.vector_load %arg7[%get3A_3149] {strides = array<i32>} : memref<16384xf32, #tpu.memory_space<vmem>>, vector<16xf32>,
    %add3A_3151 = arith.addf %add3A_3148, %get3A_3150 : vector<16xf32>
    %get3A_3152 = arith.constant 14576 : index
    %get3A_3153 = tpu.vector_load %arg7[%get3A_3152] {strides = array<i32>} : memref<16384xf32, #tpu.memory_space<vmem>>, vector<16xf32>,
    %add3A_3154 = arith.addf %add3A_3151, %get3A_3153 : vector<16xf32>
    %get3A_3155 = arith.constant 14832 : index
    %get3A_3156 = tpu.vector_load %arg7[%get3A_3155] {strides = array<i32>} : memref<16384xf32, #tpu.memory_space<vmem>>, vector<16xf32>,
    %add3A_3157 = arith.addf %add3A_3154, %get3A_3156 : vector<16xf32>
    %get3A_3158 = arith.constant 15088 : index
    %get3A_3159 = tpu.vector_load %arg7[%get3A_3158] {strides = array<i32>} : memref<16384xf32, #tpu.memory_space<vmem>>, vector<16xf32>,
    %add3A_3160 = arith.addf %add3A_3157, %get3A_3159 : vector<16xf32>
    %get3A_3161 = arith.constant 15344 : index
    %get3A_3162 = tpu.vector_load %arg7[%get3A_3161] {strides = array<i32>} : memref<16384xf32, #tpu.memory_space<vmem>>, vector<16xf32>,
    %add3A_3163 = arith.addf %add3A_3160, %get3A_3162 : vector<16xf32>
    %get3A_3164 = arith.constant 15600 : index
    %get3A_3165 = tpu.vector_load %arg7[%get3A_3164] {strides = array<i32>} : memref<16384xf32, #tpu.memory_space<vmem>>, vector<16xf32>,
    %add3A_3166 = arith.addf %add3A_3163, %get3A_3165 : vector<16xf32>
    %get3A_3167 = arith.constant 15856 : index
    %get3A_3168 = tpu.vector_load %arg7[%get3A_3167] {strides = array<i32>} : memref<16384xf32, #tpu.memory_space<vmem>>, vector<16xf32>,
    %add3A_3169 = arith.addf %add3A_3166, %get3A_3168 : vector<16xf32>
    %get3A_3170 = arith.constant 16112 : index
    %get3A_3171 = tpu.vector_load %arg7[%get3A_3170] {strides = array<i32>} : memref<16384xf32, #tpu.memory_space<vmem>>, vector<16xf32>,
    %add3A_3172 = arith.addf %add3A_3169, %get3A_3171 : vector<16xf32>
    %get3A_3173 = arith.constant 16368 : index
    %get3A_3174 = tpu.vector_load %arg7[%get3A_3173] {strides = array<i32>} : memref<16384xf32, #tpu.memory_space<vmem>>, vector<16xf32>,
    %add3A_3175 = arith.addf %add3A_3172, %get3A_3174 : vector<16xf32>
    %swap3A_3176 = arith.constant 240 : index
    %swap3A_3177 = tpu.vector_load %arg8[%swap3A_3176] {strides = array<i32>} : memref<256xf32, #tpu.memory_space<vmem>>, vector<16xf32>,
    tpu.vector_store %arg8[%swap3A_3176], %add3A_3175 {strides = array<i32>} : memref<256xf32, #tpu.memory_space<vmem>>, vector<16xf32>,
    %mul3A_3178 = arith.constant 4 : i32
    %mul3A_3179 = arith.muli %add3A, %mul3A_3178 : i32
    %mul3A_3180 = arith.constant 64 : i32
    %mul3A_3181 = arith.muli %mul3A_3179, %mul3A_3180 : i32
    "tpu.region"() ({
      %run_scoped3A = tpu.sem_alloc : memref<!tpu.dma_semaphore, #tpu.memory_space<semaphore_mem>>
      %dma_start3A_3182 = tpu.memref_slice %arg4[%mul3A_3181] : memref<8192xf32, #tpu.memory_space<hbm>> -> memref<256xf32, #tpu.memory_space<hbm>>
      %dma_start3A_3183 = tpu.memref_slice %arg4[%mul3A_3181] : memref<8192xf32, #tpu.memory_space<hbm>> -> memref<256xf32, #tpu.memory_space<hbm>>
      tpu.enqueue_dma source(%arg8 : memref<256xf32, #tpu.memory_space<vmem>>) target(%dma_start3A_3183 : memref<256xf32, #tpu.memory_space<hbm>>) target_semaphore(%run_scoped3A : memref<!tpu.dma_semaphore, #tpu.memory_space<semaphore_mem>>)
      %dma_wait3A_3184 = tpu.memref_slice %arg4[%mul3A_3181] : memref<8192xf32, #tpu.memory_space<hbm>> -> memref<256xf32, #tpu.memory_space<hbm>>
      %dma_wait3A_3185 = tpu.memref_slice %arg4[%mul3A_3181] : memref<8192xf32, #tpu.memory_space<hbm>> -> memref<256xf32, #tpu.memory_space<hbm>>
      tpu.wait_dma2 semaphore(%run_scoped3A : memref<!tpu.dma_semaphore, #tpu.memory_space<semaphore_mem>>) src(%arg8 : memref<256xf32, #tpu.memory_space<vmem>>) dst(%dma_wait3A_3185 : memref<256xf32, #tpu.memory_space<hbm>>)
      tpu.yield
    }) : () -> ()
    return
  }
}

module attributes {stable_mosaic.version = 14 : i64} {
  func.func @_main_body(%arg0: i32, %arg1: memref<1x2000x1xi32, #tpu.memory_space<vmem>>, %arg2: memref<2000x256xf32, #tpu.memory_space<vmem>>, %arg3: memref<2000x3xf32, #tpu.memory_space<vmem>>, %arg4: memref<256x256xf32, #tpu.memory_space<vmem>>, %arg5: memref<3x256xf32, #tpu.memory_space<vmem>>, %arg6: memref<64x256xf32, #tpu.memory_space<vmem>>) attributes {dimension_semantics = [#tpu.dimension_semantics<arbitrary>], iteration_bounds = array<i64: 50>, scalar_prefetch = 0 : i64, scratch_operands = 0 : i64, tpu.core_type = #tpu.core_type<tc>, window_params = [{transform_indices = @transform_0, window_bounds = array<i64: 1, 2000, 1>}, {transform_indices = @transform_1, window_bounds = array<i64: 2000, 256>}, {transform_indices = @transform_2, window_bounds = array<i64: 2000, 3>}, {pipeline_mode = #tpu.pipeline_mode<synchronous>, transform_indices = @transform_3, window_bounds = array<i64: 256, 256>}, {pipeline_mode = #tpu.pipeline_mode<synchronous>, transform_indices = @transform_4, window_bounds = array<i64: 3, 256>}, {pipeline_mode = #tpu.pipeline_mode<synchronous>, transform_indices = @transform_5, window_bounds = array<i64: 64, 256>}]} {
    %eq3A = arith.constant 0 : i32
    %eq3A_0 = arith.cmpi eq, %arg0, %eq3A : i32
    %convert_element_type3A = arith.extui %eq3A_0 : i1 to i32
    %cond3A = arith.constant 0 : i32
    %cond3A_1 = arith.cmpi ne, %convert_element_type3A, %cond3A : i32
    scf.if %cond3A_1 {
      %broadcast_in_dim3A = arith.constant 0xFF800000 : f32
      %broadcast_in_dim3A_41 = vector.broadcast %broadcast_in_dim3A : f32 to vector<64x256xf32>
      %swap3A = arith.constant 0 : index
      %swap3A_42 = arith.constant 0 : index
      %swap3A_43 = vector.load %arg6[%swap3A, %swap3A_42] : memref<64x256xf32, #tpu.memory_space<vmem>>, vector<64x256xf32>
      tpu.vector_store %arg6[%swap3A, %swap3A_42], %broadcast_in_dim3A_41 {strides = array<i32>} : memref<64x256xf32, #tpu.memory_space<vmem>>, vector<64x256xf32>,
    } else {
    }
    %get3A = arith.constant 0 : index
    %get3A_2 = arith.constant 0 : index
    %get3A_3 = arith.constant 0 : index
    %get3A_4 = vector.load %arg1[%get3A, %get3A_2, %get3A_3] : memref<1x2000x1xi32, #tpu.memory_space<vmem>>, vector<1x2000x1xi32>
    %get3A_5 = vector.shape_cast %get3A_4 : vector<1x2000x1xi32> to vector<2000x1xi32>
    %get3A_6 = arith.constant 0 : index
    %get3A_7 = arith.constant 0 : index
    %get3A_8 = vector.load %arg2[%get3A_6, %get3A_7] : memref<2000x256xf32, #tpu.memory_space<vmem>>, vector<2000x256xf32>
    %get3A_9 = arith.constant 0 : index
    %get3A_10 = arith.constant 0 : index
    %get3A_11 = vector.load %arg4[%get3A_9, %get3A_10] : memref<256x256xf32, #tpu.memory_space<vmem>>, vector<256x256xf32>
    %dot_general3A = arith.constant dense<0.000000e+00> : vector<2000x256xf32>
    %dot_general3A_12 = tpu.matmul %get3A_8, %get3A_11, %dot_general3A {dimension_numbers = #tpu.dot_dimension_numbers<[1], [0], [0], [1], [0, 0, 1, 1], [], []>, transpose_lhs_hint = false} : vector<2000x256xf32>, vector<256x256xf32>, vector<2000x256xf32> -> vector<2000x256xf32>
    %get3A_13 = arith.constant 0 : index
    %get3A_14 = arith.constant 0 : index
    %get3A_15 = vector.load %arg3[%get3A_13, %get3A_14] : memref<2000x3xf32, #tpu.memory_space<vmem>>, vector<2000x3xf32>
    %get3A_16 = arith.constant 0 : index
    %get3A_17 = arith.constant 0 : index
    %get3A_18 = vector.load %arg5[%get3A_16, %get3A_17] : memref<3x256xf32, #tpu.memory_space<vmem>>, vector<3x256xf32>
    %dot_general3A_19 = arith.constant dense<0.000000e+00> : vector<2000x256xf32>
    %dot_general3A_20 = tpu.matmul %get3A_15, %get3A_18, %dot_general3A_19 {dimension_numbers = #tpu.dot_dimension_numbers<[1], [0], [0], [1], [0, 0, 1, 1], [], []>, transpose_lhs_hint = false} : vector<2000x3xf32>, vector<3x256xf32>, vector<2000x256xf32> -> vector<2000x256xf32>
    %add3A = arith.addf %dot_general3A_12, %dot_general3A_20 : vector<2000x256xf32>
    %get3A_21 = arith.constant 0 : index
    %get3A_22 = arith.constant 0 : index
    %get3A_23 = arith.constant 0 : index
    %get3A_24 = vector.load %arg1[%get3A_21, %get3A_22, %get3A_23] : memref<1x2000x1xi32, #tpu.memory_space<vmem>>, vector<1x1x1xi32>
    %get3A_25 = vector.extract %get3A_24[0, 0, 0] : i32 from vector<1x1x1xi32>
    %get3A_26 = arith.constant 0 : index
    %get3A_27 = arith.constant 1999 : index
    %get3A_28 = arith.constant 0 : index
    %get3A_29 = vector.load %arg1[%get3A_26, %get3A_27, %get3A_28] : memref<1x2000x1xi32, #tpu.memory_space<vmem>>, vector<1x1x1xi32>
    %get3A_30 = vector.extract %get3A_29[0, 0, 0] : i32 from vector<1x1x1xi32>
    %add3A_31 = arith.constant 1 : i32
    %add3A_32 = arith.addi %get3A_30, %add3A_31 : i32
    %while3A = arith.constant 0 : i32
    %while3A_33 = arith.subi %add3A_32, %get3A_25 : i32
    %while3A_34 = arith.addi %get3A_25, %while3A_33 : i32
    %while3A_35 = arith.constant 1 : i32
    %while3A_36 = arith.divsi %while3A_33, %while3A_35 : i32
    %while3A_37 = arith.muli %while3A_36, %while3A_35 : i32
    %while3A_38 = arith.addi %get3A_25, %while3A_37 : i32
    %while3A_39 = arith.constant 1 : i32
    scf.for %while3A_41 = %get3A_25 to %while3A_38 step %while3A_39  : i32 {
      %eq3A_42 = vector.broadcast %while3A_41 : i32 to vector<2000x1xi32>
      %eq3A_43 = arith.cmpi eq, %get3A_5, %eq3A_42 : vector<2000x1xi32>
      %jit3A = arith.constant 0xFF800000 : f32
      %broadcast_in_dim3A = vector.shape_cast %eq3A_43 : vector<2000x1xi1> to vector<2000x1xi1>
      %broadcast_in_dim3A_44 = vector.broadcast %broadcast_in_dim3A : vector<2000x1xi1> to vector<2000x256xi1>
      %broadcast_in_dim3A_45 = vector.broadcast %jit3A : f32 to vector<2000x256xf32>
      %select_n3A = arith.select %broadcast_in_dim3A_44, %add3A, %broadcast_in_dim3A_45 : vector<2000x256xi1>, vector<2000x256xf32>
      %reduce_max3A = arith.constant dense<0xFF800000> : vector<256xf32>
      %reduce_max3A_46 = vector.multi_reduction <maximumf>, %select_n3A, %reduce_max3A [0] : vector<2000x256xf32> to vector<256xf32>
      %broadcast_in_dim3A_47 = vector.shape_cast %reduce_max3A_46 : vector<256xf32> to vector<1x256xf32>
      %get3A_48 = arith.index_cast %while3A_41 : i32 to index
      %get3A_49 = arith.constant 0 : index
      %get3A_50 = vector.load %arg6[%get3A_48, %get3A_49] : memref<64x256xf32, #tpu.memory_space<vmem>>, vector<1x256xf32>
      %max3A = arith.maximumf %get3A_50, %broadcast_in_dim3A_47 : vector<1x256xf32>
      %swap3A = arith.index_cast %while3A_41 : i32 to index
      %swap3A_51 = arith.constant 0 : index
      %swap3A_52 = vector.load %arg6[%swap3A, %swap3A_51] : memref<64x256xf32, #tpu.memory_space<vmem>>, vector<1x256xf32>
      tpu.vector_store %arg6[%swap3A, %swap3A_51], %max3A {strides = array<i32>} : memref<64x256xf32, #tpu.memory_space<vmem>>, vector<1x256xf32>,
    }
    %while3A_40 = arith.constant 1 : i32
    scf.for %while3A_41 = %while3A_38 to %while3A_34 step %while3A_40  : i32 {
      %eq3A_42 = vector.broadcast %while3A_41 : i32 to vector<2000x1xi32>
      %eq3A_43 = arith.cmpi eq, %get3A_5, %eq3A_42 : vector<2000x1xi32>
      %jit3A = arith.constant 0xFF800000 : f32
      %broadcast_in_dim3A = vector.shape_cast %eq3A_43 : vector<2000x1xi1> to vector<2000x1xi1>
      %broadcast_in_dim3A_44 = vector.broadcast %broadcast_in_dim3A : vector<2000x1xi1> to vector<2000x256xi1>
      %broadcast_in_dim3A_45 = vector.broadcast %jit3A : f32 to vector<2000x256xf32>
      %select_n3A = arith.select %broadcast_in_dim3A_44, %add3A, %broadcast_in_dim3A_45 : vector<2000x256xi1>, vector<2000x256xf32>
      %reduce_max3A = arith.constant dense<0xFF800000> : vector<256xf32>
      %reduce_max3A_46 = vector.multi_reduction <maximumf>, %select_n3A, %reduce_max3A [0] : vector<2000x256xf32> to vector<256xf32>
      %broadcast_in_dim3A_47 = vector.shape_cast %reduce_max3A_46 : vector<256xf32> to vector<1x256xf32>
      %get3A_48 = arith.index_cast %while3A_41 : i32 to index
      %get3A_49 = arith.constant 0 : index
      %get3A_50 = vector.load %arg6[%get3A_48, %get3A_49] : memref<64x256xf32, #tpu.memory_space<vmem>>, vector<1x256xf32>
      %max3A = arith.maximumf %get3A_50, %broadcast_in_dim3A_47 : vector<1x256xf32>
      %swap3A = arith.index_cast %while3A_41 : i32 to index
      %swap3A_51 = arith.constant 0 : index
      %swap3A_52 = vector.load %arg6[%swap3A, %swap3A_51] : memref<64x256xf32, #tpu.memory_space<vmem>>, vector<1x256xf32>
      tpu.vector_store %arg6[%swap3A, %swap3A_51], %max3A {strides = array<i32>} : memref<64x256xf32, #tpu.memory_space<vmem>>, vector<1x256xf32>,
    }
    return
  }
  func.func @transform_0(%arg0: i32) -> (i32, i32, i32) {
    %c0_i32 = arith.constant 0 : i32
    %c0_i32_0 = arith.constant 0 : i32
    %c0_i32_1 = arith.constant 0 : i32
    return %arg0, %c0_i32, %c0_i32_0 : i32, i32, i32
  }
  func.func @transform_1(%arg0: i32) -> (i32, i32) {
    %c0_i32 = arith.constant 0 : i32
    %c0_i32_0 = arith.constant 0 : i32
    return %arg0, %c0_i32 : i32, i32
  }
  func.func @transform_2(%arg0: i32) -> (i32, i32) {
    %c0_i32 = arith.constant 0 : i32
    %c0_i32_0 = arith.constant 0 : i32
    return %arg0, %c0_i32 : i32, i32
  }
  func.func @transform_3(%arg0: i32) -> (i32, i32) {
    %c0_i32 = arith.constant 0 : i32
    %c0_i32_0 = arith.constant 0 : i32
    %c0_i32_1 = arith.constant 0 : i32
    return %c0_i32, %c0_i32_0 : i32, i32
  }
  func.func @transform_4(%arg0: i32) -> (i32, i32) {
    %c0_i32 = arith.constant 0 : i32
    %c0_i32_0 = arith.constant 0 : i32
    %c0_i32_1 = arith.constant 0 : i32
    return %c0_i32, %c0_i32_0 : i32, i32
  }
  func.func @transform_5(%arg0: i32) -> (i32, i32) {
    %c0_i32 = arith.constant 0 : i32
    %c0_i32_0 = arith.constant 0 : i32
    %c0_i32_1 = arith.constant 0 : i32
    return %c0_i32, %c0_i32_0 : i32, i32
  }
}

module attributes {stable_mosaic.version = 14 : i64} {
  func.func @_epi_body(%arg0: memref<64x256xf32, #tpu.memory_space<vmem>>, %arg1: memref<32x4x64xf32, #tpu.memory_space<vmem>>, %arg2: memref<3x256xf32, #tpu.memory_space<vmem>>, %arg3: memref<1x256xf32, #tpu.memory_space<vmem>>, %arg4: memref<256x512xf32, #tpu.memory_space<vmem>>, %arg5: memref<1x512xf32, #tpu.memory_space<vmem>>, %arg6: memref<64x256xf32, #tpu.memory_space<vmem>>, %arg7: memref<64x256xf32, #tpu.memory_space<vmem>>, %arg8: memref<64x256xf32, #tpu.memory_space<vmem>>, %arg9: memref<64x256xf32, #tpu.memory_space<vmem>>) attributes {dimension_semantics = [], scalar_prefetch = 0 : i64, scratch_operands = 0 : i64, tpu.core_type = #tpu.core_type<tc>} {
    %get3A = arith.constant 0 : index
    %get3A_0 = arith.constant 0 : index
    %get3A_1 = arith.constant 0 : index
    %get3A_2 = vector.load %arg1[%get3A, %get3A_0, %get3A_1] : memref<32x4x64xf32, #tpu.memory_space<vmem>>, vector<32x4x64xf32>
    %reduce_sum3A = arith.constant dense<0.000000e+00> : vector<4x64xf32>
    %reduce_sum3A_3 = vector.multi_reduction <add>, %get3A_2, %reduce_sum3A [0] : vector<32x4x64xf32> to vector<4x64xf32>
    %slice3A = vector.extract_strided_slice %reduce_sum3A_3 {offsets = [3, 0], sizes = [1, 64], strides = [1, 1]} : vector<4x64xf32> to vector<1x64xf32>
    %max3A = arith.constant 1.000000e+00 : f32
    %max3A_4 = vector.broadcast %max3A : f32 to vector<1x64xf32>
    %max3A_5 = arith.maximumf %slice3A, %max3A_4 : vector<1x64xf32>
    %slice3A_6 = vector.extract_strided_slice %reduce_sum3A_3 {offsets = [0, 0], sizes = [3, 64], strides = [1, 1]} : vector<4x64xf32> to vector<3x64xf32>
    %div3A = vector.broadcast %max3A_5 : vector<1x64xf32> to vector<3x64xf32>
    %div3A_7 = arith.divf %slice3A_6, %div3A : vector<3x64xf32>
    %get3A_8 = arith.constant 0 : index
    %get3A_9 = arith.constant 0 : index
    %get3A_10 = vector.load %arg3[%get3A_8, %get3A_9] : memref<1x256xf32, #tpu.memory_space<vmem>>, vector<1x256xf32>
    %get3A_11 = arith.constant 0 : index
    %get3A_12 = arith.constant 0 : index
    %get3A_13 = vector.load %arg2[%get3A_11, %get3A_12] : memref<3x256xf32, #tpu.memory_space<vmem>>, vector<3x256xf32>
    %dot_general3A = arith.constant dense<0.000000e+00> : vector<64x256xf32>
    %dot_general3A_14 = tpu.matmul %div3A_7, %get3A_13, %dot_general3A {dimension_numbers = #tpu.dot_dimension_numbers<[0], [0], [1], [1], [0, 1, 1, 1], [], []>, transpose_lhs_hint = false} : vector<3x64xf32>, vector<3x256xf32>, vector<64x256xf32> -> vector<64x256xf32>
    %sub3A = vector.broadcast %get3A_10 : vector<1x256xf32> to vector<64x256xf32>
    %sub3A_15 = arith.subf %sub3A, %dot_general3A_14 : vector<64x256xf32>
    %get3A_16 = arith.constant 0 : index
    %get3A_17 = arith.constant 0 : index
    %get3A_18 = vector.load %arg0[%get3A_16, %get3A_17] : memref<64x256xf32, #tpu.memory_space<vmem>>, vector<64x256xf32>
    %add3A = arith.addf %get3A_18, %sub3A_15 : vector<64x256xf32>
    %max3A_19 = arith.constant 0.000000e+00 : f32
    %max3A_20 = vector.broadcast %max3A_19 : f32 to vector<64x256xf32>
    %max3A_21 = arith.maximumf %add3A, %max3A_20 : vector<64x256xf32>
    %get3A_22 = arith.constant 0 : index
    %get3A_23 = arith.constant 0 : index
    %get3A_24 = vector.load %arg4[%get3A_22, %get3A_23] : memref<256x512xf32, #tpu.memory_space<vmem>>, vector<256x512xf32>
    %dot_general3A_25 = arith.constant dense<0.000000e+00> : vector<64x512xf32>
    %dot_general3A_26 = tpu.matmul %max3A_21, %get3A_24, %dot_general3A_25 {dimension_numbers = #tpu.dot_dimension_numbers<[1], [0], [0], [1], [0, 0, 1, 1], [], []>, transpose_lhs_hint = false} : vector<64x256xf32>, vector<256x512xf32>, vector<64x512xf32> -> vector<64x512xf32>
    %get3A_27 = arith.constant 0 : index
    %get3A_28 = arith.constant 0 : index
    %get3A_29 = vector.load %arg5[%get3A_27, %get3A_28] : memref<1x512xf32, #tpu.memory_space<vmem>>, vector<1x512xf32>
    %add3A_30 = vector.broadcast %get3A_29 : vector<1x512xf32> to vector<64x512xf32>
    %add3A_31 = arith.addf %dot_general3A_26, %add3A_30 : vector<64x512xf32>
    %slice3A_32 = vector.extract_strided_slice %add3A_31 {offsets = [0, 0], sizes = [64, 256], strides = [1, 1]} : vector<64x512xf32> to vector<64x256xf32>
    %slice3A_33 = vector.extract_strided_slice %add3A_31 {offsets = [0, 256], sizes = [64, 256], strides = [1, 1]} : vector<64x512xf32> to vector<64x256xf32>
    %max3A_34 = arith.constant 0.000000e+00 : f32
    %max3A_35 = vector.broadcast %max3A_34 : f32 to vector<64x256xf32>
    %max3A_36 = arith.maximumf %slice3A_33, %max3A_35 : vector<64x256xf32>
    %abs3A = math.absf %slice3A_33 : vector<64x256xf32>
    %neg3A = arith.constant 0.000000e+00 : f32
    %neg3A_37 = vector.broadcast %neg3A : f32 to vector<64x256xf32>
    %neg3A_38 = arith.subf %neg3A_37, %abs3A : vector<64x256xf32>
    %exp3A = math.exp %neg3A_38 : vector<64x256xf32>
    %log1p3A = math.log1p %exp3A : vector<64x256xf32>
    %add3A_39 = arith.addf %max3A_36, %log1p3A : vector<64x256xf32>
    %swap3A = arith.constant 0 : index
    %swap3A_40 = arith.constant 0 : index
    %swap3A_41 = vector.load %arg8[%swap3A, %swap3A_40] : memref<64x256xf32, #tpu.memory_space<vmem>>, vector<64x256xf32>
    tpu.vector_store %arg8[%swap3A, %swap3A_40], %slice3A_32 {strides = array<i32>} : memref<64x256xf32, #tpu.memory_space<vmem>>, vector<64x256xf32>,
    %swap3A_42 = arith.constant 0 : index
    %swap3A_43 = arith.constant 0 : index
    %swap3A_44 = vector.load %arg9[%swap3A_42, %swap3A_43] : memref<64x256xf32, #tpu.memory_space<vmem>>, vector<64x256xf32>
    tpu.vector_store %arg9[%swap3A_42, %swap3A_43], %add3A_39 {strides = array<i32>} : memref<64x256xf32, #tpu.memory_space<vmem>>, vector<64x256xf32>,
    %get3A_45 = arith.constant 0 : index
    %get3A_46 = arith.constant 0 : index
    %get3A_47 = vector.load %arg6[%get3A_45, %get3A_46] : memref<64x256xf32, #tpu.memory_space<vmem>>, vector<64x256xf32>
    %mul3A = arith.mulf %add3A_39, %get3A_47 : vector<64x256xf32>
    %add3A_48 = arith.addf %slice3A_32, %mul3A : vector<64x256xf32>
    %swap3A_49 = arith.constant 0 : index
    %swap3A_50 = arith.constant 0 : index
    %swap3A_51 = vector.load %arg7[%swap3A_49, %swap3A_50] : memref<64x256xf32, #tpu.memory_space<vmem>>, vector<64x256xf32>
    tpu.vector_store %arg7[%swap3A_49, %swap3A_50], %add3A_48 {strides = array<i32>} : memref<64x256xf32, #tpu.memory_space<vmem>>, vector<64x256xf32>,
    return
  }
}

</mosaic_0001>

<sc_bundles>
// kernel: _run.5.cloned.1.call-start
scs
__scs_entry_jumppad:
0x0: {  	(pc) =	sbr.rel $0x88, $3  }
0x1: {  	(tag) =	ssettag $0x0;
	lr =	simm.s32 $0x1  }
0x2: {  	[smem:$0x3F96] =	sst lr;
	_ =	strace $0xD0000000  }
0x3: {  	_ = 	snop  }
0x4: {  	_ = 	snop  }
0x5: {  	_ = 	snop  }
0x6: {  	_ = 	snop  }
0x7: {  	_ = 	snop  }
__scs_overlays_trampoline_lowered:
0x8: {  	[smem:$0x3FA5] =	sst s0  }
0x9: {  	[smem:$0x3FA6] =	sst s1  }
0xa: {  	[smem:$0x3FA7] =	sst s2  }
0xb: {  	[smem:$0x3FA8] =	sst s3  }
0xc: {  	[smem:$0x3FA9] =	sst s4  }
0xd: {  	[smem:$0x3FAA] =	sst s5  }
0xe: {  	[smem:$0x3FAB] =	sst s6  }
0xf: {  	[smem:$0x3FAC] =	sst s7  }
0x10: {  	[smem:$0x3FAD] =	sst s8  }
0x11: {  	[smem:$0x3FAE] =	sst s9;
	s0 =	simm.s32 @!p0 $0x0  }
0x12: {  	s1 =	sld [smem:$0x3F94];
	s0 =	simm.s32 @p0 $0x1  }
0x13: {  	[smem:$0x3FAF] =	sst s0;
	s0 =	simm.s32 @!p1 $0x0  }
0x14: {  	s2 =	sld [smem:$0x3F93];
	s0 =	simm.s32 @p1 $0x1  }
0x15: {  	[smem:$0x3FB0] =	sst s0;
	s0 =	simm.s32 @!p2 $0x0  }
0x16: {  	s3 =	sld [smem:$0x3FDB];
	s0 =	simm.s32 @p2 $0x1  }
0x17: {  	s4 =	simm.s32 $0x1BF5;
	[smem:$0x3FB2] =	sst s0  }
0x18: {  	s0 =	sld [smem:$0x3F95];
	_ =	swait.ge [sflag:s4], $0x0  }
0x19: {  	s7 =	sld [smem:$0x3F96]  }
0x1a: {  	s8 =	sadd.s32 $0xFFFFE003, lr  }
0x1b: {  	s9 =	sadd.s32 $0xFFFFFEF7, lr;
	s5 =	simm.s32 $0xFFFFFFFF;
	p2 =	slt.u32 s8, $0xFFFFF086  }
0x1c: {  	p1 =	slt.u32 s9, $0xF7A;
	s5 =	simm.s32 @!p2 $0x0  }
0x1d: {  	s5 =	simm.s32 @p1 $0x1;
	p0 =	seq.s32 s7, s2  }
0x1e: {  	s7 =	smul.u32 @!p0 $0xF7A, s2;
	p2 =	seq.s32 @!p0 s5, $0x0  }
0x1f: {  	s9 =	smul.u32 $0xF7A, s1;
	s8 =	simm.s32 @!p0 $0x1BF5;
	p2 =	por !p2, p0  }
0x20: {  	[sflag:s8] =	ssyncset.s32 @!p0 $0xFFFFF086;
	s6 =	sadd.s32 @!p0 s3, s7;
	s7 =	simm.s32 @!p0 $0x108  }
0x21: {  	s3 =	sadd.s32 s3, s9;
	s6 =	sadd.s32 @!p0 $0x88, s6;
	s7 =	simm.s32 @p2 $0x1082  }
0x22: {  	[simem:s7], [sflag:s8] =	dma.local @!p0 [hbm:s6], $0xF7A  }
0x23: {  	s9 =	sor.u32 $0xD0000000, s2;
	s6 =	simm.s32 $0x108;
	_ =	swait.ge @!p0 [sflag:s8], $0x0  }
0x24: {  	s3 =	sadd.s32 $0x88, s3;
	s6 =	simm.s32 @!p1 $0x1082;
	[sflag:s4] =	ssyncset.s32 $0xFFFFF086  }
0x25: {  	[simem:s6], [sflag:s4] =	dma.local [hbm:s3], $0xF7A  }
0x26: {  	[smem:$0x3F96] =	sst s1;
	(tag) =	ssettag s2;
	_ =	strace s9  }
0x27: {  	s1 =	sld [smem:$0x3FA6]  }
0x28: {  	s2 =	sld [smem:$0x3FA7]  }
0x29: {  	s4 =	sld [smem:$0x3FA9]  }
0x2a: {  	p0 =	seq.s32 s5, $0x0;
	s5 =	sld [smem:$0x3FAA]  }
0x2b: {  	s6 =	sld [smem:$0x3FAB]  }
0x2c: {  	s7 =	sld [smem:$0x3FAC]  }
0x2d: {  	s3 =	simm.s32 $0x108;
	s8 =	sld [smem:$0x3FAD]  }
0x2e: {  	s3 =	simm.s32 @!p0 $0x1082;
	s9 =	sld [smem:$0x3FAE]  }
0x2f: {  	lr =	sadd.s32 s0, s3;
	s0 =	sld [smem:$0x3FA5]  }
0x30: {  	s3 =	sld [smem:$0x3FA8]  }
0x31: {  	[smem:$0x3FB1] =	sst s10  }
0x32: {  	s10 =	sld [smem:$0x3FAF];
	_ =	sdelay $0x3  }
0x33: {  	p0 =	seq.s32 s10, $0x1;
	s10 =	sld [smem:$0x3FB1];
	_ =	sdelay $0x3  }
0x34: {  	[smem:$0x3FB1] =	sst s10  }
0x35: {  	s10 =	sld [smem:$0x3FB0];
	_ =	sdelay $0x3  }
0x36: {  	p1 =	seq.s32 s10, $0x1;
	s10 =	sld [smem:$0x3FB1];
	_ =	sdelay $0x3  }
0x37: {  	[smem:$0x3FB1] =	sst s10  }
0x38: {  	s10 =	sld [smem:$0x3FB2]  }
0x39: {  	_ = 	snop;
	(pc) =	sbr.ind lr, $3  }
0x3a: {  	_ = 	snop  }
0x3b: {  	_ = 	snop  }
0x3c: {  	p2 =	seq.s32 s10, $0x1;
	s10 =	sld [smem:$0x3FB1]  }
0x3d: {  	_ =	shalt  }
0x3e: {  	_ =	shalt  }
0x3f: {  	_ =	shalt  }
0x40: {  	_ =	shalt  }
0x41: {  	_ =	shalt  }
0x42: {  	_ =	shalt  }
0x43: {  	_ =	shalt  }
0x44: {  	_ =	shalt  }
0x45: {  	_ =	shalt  }
0x46: {  	_ =	shalt  }
0x47: {  	_ =	shalt  }
0x48: {  	_ =	shalt  }
0x49: {  	_ =	shalt  }
0x4a: {  	_ =	shalt  }
0x4b: {  	_ =	shalt  }
0x4c: {  	_ =	shalt  }
0x4d: {  	_ =	shalt  }
0x4e: {  	_ =	shalt  }
0x4f: {  	_ =	shalt  }
0x50: {  	_ =	shalt  }
0x51: {  	_ =	shalt  }
0x52: {  	_ =	shalt  }
0x53: {  	_ =	shalt  }
0x54: {  	_ =	shalt  }
0x55: {  	_ =	shalt  }
0x56: {  	_ =	shalt  }
0x57: {  	_ =	shalt  }
0x58: {  	_ =	shalt  }
0x59: {  	_ =	shalt  }
0x5a: {  	_ =	shalt  }
0x5b: {  	_ =	shalt  }
0x5c: {  	_ =	shalt  }
0x5d: {  	_ =	shalt  }
0x5e: {  	_ =	shalt  }
0x5f: {  	_ =	shalt  }
0x60: {  	_ =	shalt  }
0x61: {  	_ =	shalt  }
0x62: {  	_ =	shalt  }
0x63: {  	_ =	shalt  }
0x64: {  	_ =	shalt  }
0x65: {  	_ =	shalt  }
0x66: {  	_ =	shalt  }
0x67: {  	_ =	shalt  }
0x68: {  	_ =	shalt  }
0x69: {  	_ =	shalt  }
0x6a: {  	_ =	shalt  }
0x6b: {  	_ =	shalt  }
0x6c: {  	_ =	shalt  }
0x6d: {  	_ =	shalt  }
0x6e: {  	_ =	shalt  }
0x6f: {  	_ =	shalt  }
0x70: {  	_ =	shalt  }
0x71: {  	_ =	shalt  }
0x72: {  	_ =	shalt  }
0x73: {  	_ =	shalt  }
0x74: {  	_ =	shalt  }
0x75: {  	_ =	shalt  }
0x76: {  	_ =	shalt  }
0x77: {  	_ =	shalt  }
0x78: {  	_ =	shalt  }
0x79: {  	_ =	shalt  }
0x7a: {  	_ =	shalt  }
0x7b: {  	_ =	shalt  }
0x7c: {  	_ =	shalt  }
0x7d: {  	_ =	shalt  }
0x7e: {  	_ =	shalt  }
0x7f: {  	_ =	shalt  }
0x80: {  	_ =	shalt  }
0x81: {  	_ =	shalt  }
0x82: {  	_ =	shalt  }
0x83: {  	_ =	shalt  }
0x84: {  	_ =	shalt  }
0x85: {  	_ =	shalt  }
0x86: {  	_ =	shalt  }
0x87: {  	_ =	shalt  }
.Lfunc_end0:
.L_simem_size_0:
called_computation_lowered:
.L_overlay_start_0:
0x88: {  	s2 =	sld [smem:$0x3FD9]  }
0x89: {  	s3 =	sld [smem:$0x3FFE];
	_ =	sdelay $0x1  }
0x8a: {  	s1 =	srdreg.scid  }
0x8b: {  	s0 =	sand.u32 $0x1, s1  }
0x8c: {  	s15 =	sshll.u32 s0, $0xA;
	s2 =	sadd.s32 s3, s2  }
0x8d: {  	s2 =	sadd.s32 s2, s15  }
0x8e: {  	[smem:$0x3FBD] =	sst s2  }
0x8f: {  	_ = 	snop  }
0x90: {  	s2 =	sld [smem:$0x3FD0];
	_ =	sdelay $0x1  }
0x91: {  	s16 =	sld [smem:$0x3FC6]  }
0x92: {  	s5 =	simm.s32 $0xA;
	s6 =	simm.s32 $0x10;
	s4 =	sld [smem:$0x3FC5]  }
0x93: {  	[smem:s6], [sflag:s5] =	dma.local [hbm:s2], $0x1  }
0x94: {  	_ =	swait.eq [sflag:s5], $0x1  }
0x95: {  	[sflag:s5] =	ssyncset.done $0x0  }
0x96: {  	[sflag:s5] =	ssyncadd.s32 $0xFFFFFFFF  }
0x97: {  	s17 =	sld [smem:$0x12];
	(tm) =	ssettm $0x1  }
0x98: {  	s18 =	sld [smem:$0x3FFB];
	_ =	sdelay $0x3  }
0x99: {  	_ =	strace s18  }
0x9a: {  	s5 =	sld [smem:$0x3FFC];
	_ =	sdelay $0x3  }
0x9b: {  	_ =	strace s5  }
0x9c: {  	s5 =	sld [smem:$0x3FFD];
	_ =	sdelay $0x3  }
0x9d: {  	_ =	strace s5  }
0x9e: {  	_ =	strace $0x8FFFFFFF  }
0x9f: {  	s19 =	sld [smem:$0x3FDB];
	_ =	sdelay $0x1  }
0xa0: {  	s20 =	simm.s32 $_scs_section_size  }
0xa1: {  	s7 =	simm.s32 $_size__tile_overlayer_lowered;
	s8 =	simm.s32 $_tile_overlayer_lowered  }
0xa2: {  	s23 =	simm.s32 $0x1BFF;
	s22 =	sshll.u32 s8, $0x1;
	s5 =	sadd.s32 s20, s19  }
0xa3: {  	s9 =	simm.s32 $0x0;
	s21 =	sshll.u32 s7, $0x1;
	s7 =	sadd.s32 s22, s5  }
0xa4: {  	[timem:s9], [sflag:s23] =	dma.local [hbm:s7], s21  }
0xa5: {  	_ =	swait.ge [sflag:s23], s21  }
0xa6: {  	s6 =	ssub.s32 $0x0, s21;
	[sflag:s23] =	ssyncset.done $0x0  }
0xa7: {  	[sflag:s23] =	ssyncadd.s32 s6;
	_ =	sdelay $0x1  }
0xa8: {  	s24 =	simm.s32 $0x1B8B  }
0xa9: {  	_ =	swait.ge [sflag:s24], $0x1  }
0xaa: {  	[sflag:s24] =	ssyncset.done $0x0  }
0xab: {  	s25 =	simm.s32 $0x1B8E;
	[sflag:s24] =	ssyncadd.s32 $0xFFFFFFFF  }
0xac: {  	s26 =	simm.s32 $execute0_lowered;
	[smem:$0x3FD2] =	sst s25  }
0xad: {  	s6 =	sshll.u32 s26, $0x1;
	_ =	strace $0x80000046;
	[dreg:$0x1] =	wrdreg $0xFFFFFFFF  }
0xae: {  	s28 =	simm.s32 $_size_execute0_lowered;
	s5 =	sadd.s32 s5, s6;
	[dreg:$0x0] =	wrdreg $0x0  }
0xaf: {  	s6 =	sshll.u32 s28, $0x1;
	[dreg:$0x2] =	wrdreg s5  }
0xb0: {  	[dreg:$0x3] =	wrdreg s6  }
0xb1: {  	[dreg:$0x4] =	wrdreg $0xC0  }
0xb2: {  	_ =	task [dreg:s9], $0x5FFFF  }
0xb3: {  	[dreg:$0x1] =	wrdreg $0xFFFFFFFF  }
0xb4: {  	[dreg:$0x0] =	wrdreg $0x60  }
0xb5: {  	[dreg:$0x2] =	wrdreg s16  }
0xb6: {  	[dreg:$0x3] =	wrdreg s4  }
0xb7: {  	[dreg:$0x4] =	wrdreg s17  }
0xb8: {  	[dreg:$0x5] =	wrdreg $0x9  }
0xb9: {  	_ =	task.clear_ibuf [dreg:s9], $0x6FFFF;
	_ =	strace $0x90000046  }
0xba: {  	s29 =	simm.s32 $0x9;
	_ =	strace $0x80000048  }
0xbb: {  	_ =	swait.ge [sflag:s29], $0x1  }
0xbc: {  	[sflag:s29] =	ssyncadd.s32 $0xFFFFFFFF  }
0xbd: {  	_ =	strace $0x90000048  }
0xbe: {  	_ =	sfence  }
0xbf: {  	s30 =	sld [smem:$0x0];
	_ =	sdelay $0x2  }
0xc0: {  	s31 =	sshll.u32 s1, $0xD;
	s1 =	sshrl.u32 s1, $0x2  }
0xc1: {  	s3 =	sand.u32 $0x4000, s31;
	s1 =	sadd.s32 s1, s30  }
0xc2: {  	s0 =	sor.u32 s3, s0;
	s1 =	sshll.u32 s1, $0x11  }
0xc3: {  	s0 =	sor.u32 s1, s0  }
0xc4: {  	s0 =	sadd.s32 $0x8F2B, s0  }
0xc5: {  	[sflag:s0] =	ssyncadd.remote.s32 $0x1  }
0xc6: {  	_ =	sfence.sel $0xFFFF  }
0xc7: {  	[dreg:$0x0] =	wrdreg $0xFFFFFFFF;
	(pc) =	sbr.abs _section_cstart, $3  }
0xc8: {  	[dreg:$0x1] =	wrdreg $0xFFFFFFFF  }
0xc9: {  	_ =	task.clear_ibuf [dreg:s9], $0x2FFFF;
	_ =	strace $0x9FFFFFFF  }
0xca: {  	(tm) =	ssettm $0x7FFFFFFF  }
0xcb: {  	_ =	shalt  }
tec
execute0_lowered:
.L_overlay_start_1:
0x0: {  	(tag) =	ssettag $0x1  }
0x1: {  	s3 =	rddreg [dreg:$0x0];
	v0 =	vlaneseq.u32  }
0x2: {  	s7 =	rddreg [dreg:$0x1];
	v0 =	vmul.u32 $0x400, v0  }
0x3: {  	s1 =	srdreg.scid;
	s9 =	rddreg [dreg:$0x2];
	s2 =	simm.s32 $0x0  }
0x4: {  	s0 =	stileid.u32;
	[smem:$0x7FF] =	sst s2;
	v2 =	vor.u32 $0x40, v0  }
0x5: {  	s4 =	sand.u32 $0x1, s1;
	s1 =	rddreg [dreg:$0x3];
	_ =	strace $0x80000047;
	v3 =	vor.u32 $0x80, v0;
	[tilespmem:$0x1FF70] =	vst v2  }
0x6: {  	s12 =	simm.s32 $0x24C0;
	s13 =	simm.s32 $0x3100;
	s14 =	simm.s32 $0x1;
	v4 =	vor.u32 $0xC0, v0;
	[tilespmem:$0x1FF80] =	vst v3  }
0x7: {  	s15 =	simm.s32 $0x3D80;
	s16 =	simm.s32 $0x7D80;
	s30 =	sshll.u32 s0, $0x1;
	v5 =	vor.u32 $0x100, v0;
	[tilespmem:$0x1FF90] =	vst v4  }
0x8: {  	s17 =	simm.s32 $0x2;
	s8 =	sor.u32 s4, s30;
	s4 =	ssub.s32 $0x2, s4;
	v6 =	vor.u32 $0x140, v0;
	[tilespmem:$0x1FFA0] =	vst v5  }
0x9: {  	s5 =	smul.u32 $0xC40, s8;
	s31 =	sshrl.u32 s4, $0x1;
	s8 =	sshll.u32 s8, $0x5;
	v7 =	vor.u32 $0x180, v0;
	[tilespmem:$0x1FFB0] =	vst v6  }
0xa: {  	s18 =	simm.s32 $0x0;
	v8 =	vor.u32 $0x1C0, v0;
	s11 =	ssub.s32 s4, s31;
	s8 =	sadd.s32 s9, s8;
	[tilespmem:$0x1FFC0] =	vst v7  }
0xb: {  	v9 =	vor.u32 $0x200, v0;
	v10 =	vor.u32 $0x240, v0;
	v11 =	vor.u32 $0x280, v0;
	[tilespmem:$0x1FFD0] =	vst v8;
	s10 =	sshrl.u32 s5, $0x3;
	s9 =	smax.u32 s11, $0x1;
	s11 =	simm.s32 $0x1880  }
0xc: {  	v12 =	vor.u32 $0x2C0, v0;
	v13 =	vor.u32 $0x300, v0;
	v14 =	vor.u32 $0x340, v0;
	[tilespmem:$0x1FFE0] =	vst v9;
	s3 =	sadd.s32 s3, s10;
	s7 =	sadd.s32 s7, s10;
	s10 =	simm.s32 $0xC40  }
0xd: {  	v1 =	vimm.f32 $0.0e+00;
	v15 =	vor.u32 $0x380, v0;
	v16 =	vor.u32 $0x3C0, v0;
	[tilespmem:$0x1FFF0] =	vst v10;
	s4 =	sadd.s32 $0x3100, s3;
	s5 =	sadd.s32 $0x6200, s3;
	s6 =	sadd.s32 $0x9300, s3  }
.LBB2_1:
0xe: {  	[tilespmem:s2], [sflag:$0x1] =	stream.linear.gather [hbm4b:s3+s2], $0xC40, $0x38;
	[tilespmem:$0x7E80] =	vst v63  }
0xf: {  	_ = 	snop  }
0x10: {  	[tilespmem:s10], [sflag:$0x1] =	stream.linear.gather [hbm4b:s4+s2], $0xC40, $0x38;
	[tilespmem:$0x7E80] =	vst v63  }
0x11: {  	_ = 	snop  }
0x12: {  	[tilespmem:s11], [sflag:$0x1] =	stream.linear.gather [hbm4b:s5+s2], $0xC40, $0x38;
	[tilespmem:$0x7E80] =	vst v63  }
0x13: {  	_ = 	snop  }
0x14: {  	[tilespmem:s12], [sflag:$0x1] =	stream.linear.gather [hbm4b:s6+s2], $0xC40, $0x38;
	[tilespmem:$0x7E80] =	vst v63  }
0x15: {  	_ = 	snop  }
0x16: {  	[tilespmem:s13], [sflag:$0x1] =	stream.linear.gather [hbm4b:s7+s2], $0xC40, $0x38;
	[tilespmem:$0x7E80] =	vst v63  }
0x17: {  	_ =	swait.ge [sflag:s14], $0xC40  }
0x18: {  	[sflag:s14] =	ssyncset.done $0x0  }
0x19: {  	[sflag:s14] =	ssyncadd.s32 $0xFFFFF3C0  }
0x1a: {  	_ =	swait.ge [sflag:s14], $0xC40  }
0x1b: {  	[sflag:s14] =	ssyncset.done $0x0  }
0x1c: {  	[sflag:s14] =	ssyncadd.s32 $0xFFFFF3C0  }
0x1d: {  	_ =	swait.ge [sflag:s14], $0xC40  }
0x1e: {  	[sflag:s14] =	ssyncset.done $0x0  }
0x1f: {  	[sflag:s14] =	ssyncadd.s32 $0xFFFFF3C0  }
0x20: {  	_ =	swait.ge [sflag:s14], $0xC40  }
0x21: {  	[sflag:s14] =	ssyncset.done $0x0  }
0x22: {  	[sflag:s14] =	ssyncadd.s32 $0xFFFFF3C0  }
0x23: {  	_ =	swait.ge [sflag:s14], $0xC40  }
0x24: {  	[sflag:s14] =	ssyncset.done $0x0  }
0x25: {  	s19 =	simm.s32 $0x0;
	[sflag:s14] =	ssyncadd.s32 $0xFFFFF3C0  }
.LBB2_2:
0x26: {  	p0 =	sne.s32 s19, $0xFFC0  }
.Ltmp0:
0x27: {  	_ = 	snop;
	(pc) =	sbr.rel @p0 .LBB2_2-.Ltmp0, $3  }
0x28: {  	_ =	sdelay $0x1  }
0x29: {  	s20 =	sshra.s32 s19, $0x2  }
0x2a: {  	s19 =	sadd.s32 $0x40, s19;
	[tilespmem:s20+$0x3D80] =	vst v1  }
0x2b: {  	s19 =	simm.s32 $0x0;
	s20 =	simm.s32 $0x24F0;
	s21 =	simm.s32 $0x3120  }
.LBB2_4:
0x2c: {  	v1 =	vld [tilespmem:s21+$0xFFFFFFE0];
	_ =	sdelay $0x4  }
0x2d: {  	v17 =	vadd.s32 v0, v1;
	_ =	sdelay $0x3  }
0x2e: {  	v19 =	vld [tilespmem:s20+$0xFFFFDB10]  }
0x2f: {  	v18 =	vld.idx.msk [tilespmem:v17+s15+$0x0], $0xffff;
	_ =	sdelay $0x2  }
0x30: {  	v20 =	vadd.s32 v2, v1;
	_ =	sdelay $0x1  }
0x31: {  	v18 =	vadd.f32 v19, v18;
	_ =	sdelay $0x1  }
0x32: {  	[tilespmem:v17+s15+$0x0] =	vst.idx.msk $0xffff, v18  }
0x33: {  	v17 =	vld.idx.msk [tilespmem:v20+s15+$0x0], $0xffff  }
0x34: {  	v18 =	vld [tilespmem:s20+$0xFFFFE750];
	_ =	sdelay $0x2  }
0x35: {  	v19 =	vadd.s32 v3, v1;
	_ =	sdelay $0x1  }
0x36: {  	v17 =	vadd.f32 v18, v17;
	_ =	sdelay $0x1  }
0x37: {  	[tilespmem:v20+s15+$0x0] =	vst.idx.msk $0xffff, v17  }
0x38: {  	s22 =	sand.u32 $0xFC0, s19;
	v17 =	vld.idx.msk [tilespmem:v19+s15+$0x0], $0xffff  }
0x39: {  	v18 =	vld [tilespmem:s22+$0x1880];
	_ =	sdelay $0x2  }
0x3a: {  	v1 =	vadd.s32 v4, v1;
	_ =	sdelay $0x1  }
0x3b: {  	v17 =	vadd.f32 v18, v17;
	_ =	sdelay $0x1  }
0x3c: {  	[tilespmem:v19+s15+$0x0] =	vst.idx.msk $0xffff, v17  }
0x3d: {  	v17 =	vld.idx.msk [tilespmem:v1+s15+$0x0], $0xffff  }
0x3e: {  	v18 =	vld [tilespmem:s20+$0xFFFFFFD0];
	_ =	sdelay $0x4  }
0x3f: {  	v17 =	vadd.f32 v18, v17;
	_ =	sdelay $0x1  }
0x40: {  	[tilespmem:v1+s15+$0x0] =	vst.idx.msk $0xffff, v17  }
0x41: {  	v1 =	vld [tilespmem:s21+$0xFFFFFFF0];
	_ =	sdelay $0x4  }
0x42: {  	v17 =	vadd.s32 v5, v1;
	_ =	sdelay $0x3  }
0x43: {  	v19 =	vld [tilespmem:s20+$0xFFFFDB20]  }
0x44: {  	v18 =	vld.idx.msk [tilespmem:v17+s15+$0x0], $0xffff;
	_ =	sdelay $0x2  }
0x45: {  	v61 =	vadd.s32 v6, v1;
	_ =	sdelay $0x1  }
0x46: {  	v18 =	vadd.f32 v19, v18;
	_ =	sdelay $0x1  }
0x47: {  	[tilespmem:v17+s15+$0x0] =	vst.idx.msk $0xffff, v18  }
0x48: {  	v17 =	vld.idx.msk [tilespmem:v61+s15+$0x0], $0xffff  }
0x49: {  	v18 =	vld [tilespmem:s20+$0xFFFFE760];
	_ =	sdelay $0x2  }
0x4a: {  	v19 =	vadd.s32 v7, v1;
	_ =	sdelay $0x1  }
0x4b: {  	v17 =	vadd.f32 v18, v17;
	_ =	sdelay $0x1  }
0x4c: {  	[tilespmem:v61+s15+$0x0] =	vst.idx.msk $0xffff, v17  }
0x4d: {  	v17 =	vld.idx.msk [tilespmem:v19+s15+$0x0], $0xffff  }
0x4e: {  	v18 =	vld [tilespmem:s20+$0xFFFFF3A0];
	_ =	sdelay $0x2  }
0x4f: {  	v1 =	vadd.s32 v8, v1;
	_ =	sdelay $0x1  }
0x50: {  	v17 =	vadd.f32 v18, v17;
	_ =	sdelay $0x1  }
0x51: {  	[tilespmem:v19+s15+$0x0] =	vst.idx.msk $0xffff, v17  }
0x52: {  	v17 =	vld.idx.msk [tilespmem:v1+s15+$0x0], $0xffff  }
0x53: {  	v18 =	vld [tilespmem:s20+$0xFFFFFFE0];
	_ =	sdelay $0x4  }
0x54: {  	v17 =	vadd.f32 v18, v17;
	_ =	sdelay $0x1  }
0x55: {  	[tilespmem:v1+s15+$0x0] =	vst.idx.msk $0xffff, v17  }
0x56: {  	v1 =	vld [tilespmem:s21+$0x0];
	_ =	sdelay $0x4  }
0x57: {  	v17 =	vadd.s32 v9, v1;
	_ =	sdelay $0x3  }
0x58: {  	v19 =	vld [tilespmem:s20+$0xFFFFDB30]  }
0x59: {  	v18 =	vld.idx.msk [tilespmem:v17+s15+$0x0], $0xffff;
	_ =	sdelay $0x2  }
0x5a: {  	v62 =	vadd.s32 v10, v1;
	_ =	sdelay $0x1  }
0x5b: {  	v18 =	vadd.f32 v19, v18;
	_ =	sdelay $0x1  }
0x5c: {  	[tilespmem:v17+s15+$0x0] =	vst.idx.msk $0xffff, v18  }
0x5d: {  	v17 =	vld.idx.msk [tilespmem:v62+s15+$0x0], $0xffff  }
0x5e: {  	v18 =	vld [tilespmem:s20+$0xFFFFE770];
	_ =	sdelay $0x2  }
0x5f: {  	v19 =	vadd.s32 v11, v1;
	_ =	sdelay $0x1  }
0x60: {  	v17 =	vadd.f32 v18, v17;
	_ =	sdelay $0x1  }
0x61: {  	[tilespmem:v62+s15+$0x0] =	vst.idx.msk $0xffff, v17  }
0x62: {  	v17 =	vld.idx.msk [tilespmem:v19+s15+$0x0], $0xffff  }
0x63: {  	v18 =	vld [tilespmem:s20+$0xFFFFF3B0];
	_ =	sdelay $0x2  }
0x64: {  	v1 =	vadd.s32 v12, v1;
	_ =	sdelay $0x1  }
0x65: {  	v17 =	vadd.f32 v18, v17;
	_ =	sdelay $0x1  }
0x66: {  	[tilespmem:v19+s15+$0x0] =	vst.idx.msk $0xffff, v17  }
0x67: {  	v17 =	vld.idx.msk [tilespmem:v1+s15+$0x0], $0xffff  }
0x68: {  	v18 =	vld [tilespmem:s20+$0xFFFFFFF0];
	_ =	sdelay $0x4  }
0x69: {  	v17 =	vadd.f32 v18, v17;
	_ =	sdelay $0x1  }
0x6a: {  	[tilespmem:v1+s15+$0x0] =	vst.idx.msk $0xffff, v17  }
0x6b: {  	v1 =	vld [tilespmem:s21+$0x10];
	_ =	sdelay $0x4  }
0x6c: {  	v17 =	vadd.s32 v13, v1;
	_ =	sdelay $0x3  }
0x6d: {  	v19 =	vld [tilespmem:s20+$0xFFFFDB40]  }
0x6e: {  	v18 =	vld.idx.msk [tilespmem:v17+s15+$0x0], $0xffff;
	_ =	sdelay $0x2  }
0x6f: {  	v63 =	vadd.s32 v14, v1;
	_ =	sdelay $0x1  }
0x70: {  	v18 =	vadd.f32 v19, v18;
	_ =	sdelay $0x1  }
0x71: {  	[tilespmem:v17+s15+$0x0] =	vst.idx.msk $0xffff, v18  }
0x72: {  	v17 =	vld.idx.msk [tilespmem:v63+s15+$0x0], $0xffff  }
0x73: {  	v18 =	vld [tilespmem:s20+$0xFFFFE780];
	_ =	sdelay $0x2  }
0x74: {  	v19 =	vadd.s32 v15, v1;
	_ =	sdelay $0x1  }
0x75: {  	v17 =	vadd.f32 v18, v17;
	_ =	sdelay $0x1  }
0x76: {  	[tilespmem:v63+s15+$0x0] =	vst.idx.msk $0xffff, v17  }
0x77: {  	v17 =	vld.idx.msk [tilespmem:v19+s15+$0x0], $0xffff  }
0x78: {  	v18 =	vld [tilespmem:s20+$0xFFFFF3C0];
	_ =	sdelay $0x2  }
0x79: {  	v1 =	vadd.s32 v16, v1;
	_ =	sdelay $0x1  }
0x7a: {  	v17 =	vadd.f32 v18, v17;
	_ =	sdelay $0x1  }
0x7b: {  	[tilespmem:v19+s15+$0x0] =	vst.idx.msk $0xffff, v17  }
0x7c: {  	v17 =	vld.idx.msk [tilespmem:v1+s15+$0x0], $0xffff  }
0x7d: {  	v18 =	vld [tilespmem:s20+$0x0];
	_ =	sdelay $0x1  }
0x7e: {  	p0 =	sne.s32 s19, $0xC00  }
.Ltmp1:
0x7f: {  	_ = 	snop;
	(pc) =	sbr.rel @p0 .LBB2_4-.Ltmp1, $3  }
0x80: {  	_ = 	snop  }
0x81: {  	v17 =	vadd.f32 v18, v17;
	_ =	sdelay $0x1  }
0x82: {  	s19 =	sadd.s32 $0x40, s19;
	s21 =	sadd.s32 $0x40, s21;
	s20 =	sadd.s32 $0x40, s20;
	[tilespmem:v1+s15+$0x0] =	vst.idx.msk $0xffff, v17  }
0x83: {  	v1 =	vld [tilespmem:$0x3E80];
	_ =	sdelay $0x4  }
0x84: {  	[tilespmem:$0x1DA00] =	vst v1;
	v1 =	vld [tilespmem:$0x3F80];
	_ =	sdelay $0x4  }
0x85: {  	[tilespmem:$0x1DA10] =	vst v1;
	v1 =	vld [tilespmem:$0x4080];
	_ =	sdelay $0x4  }
0x86: {  	[tilespmem:$0x1DA20] =	vst v1;
	v1 =	vld [tilespmem:$0x4180];
	_ =	sdelay $0x4  }
0x87: {  	[tilespmem:$0x1DA30] =	vst v1;
	v1 =	vld [tilespmem:$0x4280];
	_ =	sdelay $0x4  }
0x88: {  	[tilespmem:$0x1DA50] =	vst v1;
	v1 =	vld [tilespmem:$0x4380];
	_ =	sdelay $0x4  }
0x89: {  	[tilespmem:$0x1DA70] =	vst v1;
	v1 =	vld [tilespmem:$0x4480];
	_ =	sdelay $0x4  }
0x8a: {  	[tilespmem:$0x1DA90] =	vst v1;
	v1 =	vld [tilespmem:$0x4580];
	_ =	sdelay $0x4  }
0x8b: {  	[tilespmem:$0x1DAB0] =	vst v1;
	v1 =	vld [tilespmem:$0x4680];
	_ =	sdelay $0x4  }
0x8c: {  	[tilespmem:$0x1DAD0] =	vst v1;
	v1 =	vld [tilespmem:$0x4780];
	_ =	sdelay $0x4  }
0x8d: {  	[tilespmem:$0x1DAF0] =	vst v1;
	v1 =	vld [tilespmem:$0x4880];
	_ =	sdelay $0x4  }
0x8e: {  	[tilespmem:$0x1DB10] =	vst v1;
	v1 =	vld [tilespmem:$0x4980];
	_ =	sdelay $0x4  }
0x8f: {  	[tilespmem:$0x1DB30] =	vst v1;
	v1 =	vld [tilespmem:$0x4A80];
	_ =	sdelay $0x4  }
0x90: {  	[tilespmem:$0x1DB50] =	vst v1;
	v1 =	vld [tilespmem:$0x4B80];
	_ =	sdelay $0x4  }
0x91: {  	[tilespmem:$0x1DB70] =	vst v1;
	v1 =	vld [tilespmem:$0x4C80];
	_ =	sdelay $0x4  }
0x92: {  	[tilespmem:$0x1DB90] =	vst v1;
	v1 =	vld [tilespmem:$0x4D80];
	_ =	sdelay $0x4  }
0x93: {  	[tilespmem:$0x1DBB0] =	vst v1;
	v1 =	vld [tilespmem:$0x4E80];
	_ =	sdelay $0x4  }
0x94: {  	[tilespmem:$0x1DBE0] =	vst v1;
	v1 =	vld [tilespmem:$0x4F80];
	_ =	sdelay $0x4  }
0x95: {  	[tilespmem:$0x1DC10] =	vst v1;
	v1 =	vld [tilespmem:$0x5080];
	_ =	sdelay $0x4  }
0x96: {  	[tilespmem:$0x1DC40] =	vst v1;
	v1 =	vld [tilespmem:$0x5180];
	_ =	sdelay $0x4  }
0x97: {  	[tilespmem:$0x1DC70] =	vst v1;
	v1 =	vld [tilespmem:$0x5280];
	_ =	sdelay $0x4  }
0x98: {  	[tilespmem:$0x1DCA0] =	vst v1;
	v1 =	vld [tilespmem:$0x5380];
	_ =	sdelay $0x4  }
0x99: {  	[tilespmem:$0x1DCD0] =	vst v1;
	v1 =	vld [tilespmem:$0x5480];
	_ =	sdelay $0x4  }
0x9a: {  	[tilespmem:$0x1DD00] =	vst v1;
	v1 =	vld [tilespmem:$0x5580];
	_ =	sdelay $0x4  }
0x9b: {  	[tilespmem:$0x1DD30] =	vst v1;
	v1 =	vld [tilespmem:$0x5680];
	_ =	sdelay $0x4  }
0x9c: {  	[tilespmem:$0x1DD60] =	vst v1;
	v1 =	vld [tilespmem:$0x5780];
	_ =	sdelay $0x4  }
0x9d: {  	[tilespmem:$0x1DD90] =	vst v1;
	v1 =	vld [tilespmem:$0x5880];
	_ =	sdelay $0x4  }
0x9e: {  	[tilespmem:$0x1DDC0] =	vst v1;
	v1 =	vld [tilespmem:$0x5980];
	_ =	sdelay $0x4  }
0x9f: {  	[tilespmem:$0x1DDF0] =	vst v1;
	v1 =	vld [tilespmem:$0x5A80];
	_ =	sdelay $0x4  }
0xa0: {  	[tilespmem:$0x1DE20] =	vst v1;
	v1 =	vld [tilespmem:$0x5B80];
	_ =	sdelay $0x4  }
0xa1: {  	[tilespmem:$0x1DE60] =	vst v1;
	v1 =	vld [tilespmem:$0x5C80];
	_ =	sdelay $0x4  }
0xa2: {  	[tilespmem:$0x1DEA0] =	vst v1;
	v1 =	vld [tilespmem:$0x5D80];
	_ =	sdelay $0x4  }
0xa3: {  	[tilespmem:$0x1DEE0] =	vst v1;
	v1 =	vld [tilespmem:$0x5E80];
	_ =	sdelay $0x4  }
0xa4: {  	[tilespmem:$0x1DF20] =	vst v1;
	v1 =	vld [tilespmem:$0x5F80];
	_ =	sdelay $0x4  }
0xa5: {  	[tilespmem:$0x1DF60] =	vst v1;
	v1 =	vld [tilespmem:$0x6080];
	_ =	sdelay $0x4  }
0xa6: {  	[tilespmem:$0x1DFA0] =	vst v1;
	v1 =	vld [tilespmem:$0x6180];
	_ =	sdelay $0x4  }
0xa7: {  	[tilespmem:$0x1DFE0] =	vst v1;
	v1 =	vld [tilespmem:$0x6280];
	_ =	sdelay $0x4  }
0xa8: {  	[tilespmem:$0x1E020] =	vst v1;
	v1 =	vld [tilespmem:$0x6380];
	_ =	sdelay $0x4  }
0xa9: {  	[tilespmem:$0x1E060] =	vst v1;
	v1 =	vld [tilespmem:$0x6480];
	_ =	sdelay $0x4  }
0xaa: {  	[tilespmem:$0x1E0A0] =	vst v1;
	v1 =	vld [tilespmem:$0x6580];
	_ =	sdelay $0x4  }
0xab: {  	[tilespmem:$0x1E0E0] =	vst v1;
	v1 =	vld [tilespmem:$0x6680];
	_ =	sdelay $0x4  }
0xac: {  	[tilespmem:$0x1E120] =	vst v1;
	v1 =	vld [tilespmem:$0x6780];
	_ =	sdelay $0x4  }
0xad: {  	[tilespmem:$0x1E160] =	vst v1;
	v1 =	vld [tilespmem:$0x6880];
	_ =	sdelay $0x4  }
0xae: {  	[tilespmem:$0x1E1A0] =	vst v1;
	v1 =	vld [tilespmem:$0x6980];
	_ =	sdelay $0x4  }
0xaf: {  	[tilespmem:$0x1E1E0] =	vst v1;
	v1 =	vld [tilespmem:$0x6A80];
	_ =	sdelay $0x4  }
0xb0: {  	[tilespmem:$0x1E220] =	vst v1;
	v1 =	vld [tilespmem:$0x6B80];
	_ =	sdelay $0x4  }
0xb1: {  	[tilespmem:$0x1E260] =	vst v1;
	v1 =	vld [tilespmem:$0x6C80];
	_ =	sdelay $0x4  }
0xb2: {  	[tilespmem:$0x1E2A0] =	vst v1;
	v1 =	vld [tilespmem:$0x6D80];
	_ =	sdelay $0x4  }
0xb3: {  	[tilespmem:$0x1E2E0] =	vst v1;
	v1 =	vld [tilespmem:$0x6E80];
	_ =	sdelay $0x4  }
0xb4: {  	[tilespmem:$0x1E320] =	vst v1;
	v1 =	vld [tilespmem:$0x6F80];
	_ =	sdelay $0x4  }
0xb5: {  	[tilespmem:$0x1E360] =	vst v1;
	v1 =	vld [tilespmem:$0x7080];
	_ =	sdelay $0x4  }
0xb6: {  	[tilespmem:$0x1E3A0] =	vst v1;
	v1 =	vld [tilespmem:$0x7180];
	_ =	sdelay $0x4  }
0xb7: {  	[tilespmem:$0x1E3E0] =	vst v1;
	v1 =	vld [tilespmem:$0x7280];
	_ =	sdelay $0x4  }
0xb8: {  	[tilespmem:$0x1E420] =	vst v1;
	v1 =	vld [tilespmem:$0x7380];
	_ =	sdelay $0x4  }
0xb9: {  	[tilespmem:$0x1E460] =	vst v1;
	v1 =	vld [tilespmem:$0x7480];
	_ =	sdelay $0x4  }
0xba: {  	[tilespmem:$0x1E4A0] =	vst v1;
	v1 =	vld [tilespmem:$0x7580];
	_ =	sdelay $0x4  }
0xbb: {  	[tilespmem:$0x1E4E0] =	vst v1;
	v1 =	vld [tilespmem:$0x7680];
	_ =	sdelay $0x4  }
0xbc: {  	[tilespmem:$0x1E520] =	vst v1;
	v1 =	vld [tilespmem:$0x7780];
	_ =	sdelay $0x4  }
0xbd: {  	[tilespmem:$0x1E560] =	vst v1;
	v1 =	vld [tilespmem:$0x7880];
	_ =	sdelay $0x4  }
0xbe: {  	[tilespmem:$0x1E5A0] =	vst v1;
	v1 =	vld [tilespmem:$0x7980];
	_ =	sdelay $0x4  }
0xbf: {  	[tilespmem:$0x1E5E0] =	vst v1;
	v1 =	vld [tilespmem:$0x7A80];
	_ =	sdelay $0x4  }
0xc0: {  	[tilespmem:$0x1E620] =	vst v1;
	v1 =	vld [tilespmem:$0x7B80];
	_ =	sdelay $0x4  }
0xc1: {  	[tilespmem:$0x1E660] =	vst v1;
	v1 =	vld [tilespmem:$0x7C80];
	_ =	sdelay $0x4  }
0xc2: {  	[tilespmem:$0x1E6A0] =	vst v1;
	v1 =	vld [tilespmem:$0x4190];
	_ =	sdelay $0x4  }
0xc3: {  	[tilespmem:$0x1DA40] =	vst v1;
	v1 =	vld [tilespmem:$0x4290];
	_ =	sdelay $0x4  }
0xc4: {  	[tilespmem:$0x1DA60] =	vst v1;
	v1 =	vld [tilespmem:$0x4390];
	_ =	sdelay $0x4  }
0xc5: {  	[tilespmem:$0x1DA80] =	vst v1;
	v1 =	vld [tilespmem:$0x4490];
	_ =	sdelay $0x4  }
0xc6: {  	[tilespmem:$0x1DAA0] =	vst v1;
	v1 =	vld [tilespmem:$0x4590];
	_ =	sdelay $0x4  }
0xc7: {  	[tilespmem:$0x1DAC0] =	vst v1;
	v1 =	vld [tilespmem:$0x4690];
	_ =	sdelay $0x4  }
0xc8: {  	[tilespmem:$0x1DAE0] =	vst v1;
	v1 =	vld [tilespmem:$0x4790];
	_ =	sdelay $0x4  }
0xc9: {  	[tilespmem:$0x1DB00] =	vst v1;
	v1 =	vld [tilespmem:$0x4890];
	_ =	sdelay $0x4  }
0xca: {  	[tilespmem:$0x1DB20] =	vst v1;
	v1 =	vld [tilespmem:$0x4990];
	_ =	sdelay $0x4  }
0xcb: {  	[tilespmem:$0x1DB40] =	vst v1;
	v1 =	vld [tilespmem:$0x4A90];
	_ =	sdelay $0x4  }
0xcc: {  	[tilespmem:$0x1DB60] =	vst v1;
	v1 =	vld [tilespmem:$0x4B90];
	_ =	sdelay $0x4  }
0xcd: {  	[tilespmem:$0x1DB80] =	vst v1;
	v1 =	vld [tilespmem:$0x4C90];
	_ =	sdelay $0x4  }
0xce: {  	[tilespmem:$0x1DBA0] =	vst v1;
	v1 =	vld [tilespmem:$0x4D90];
	_ =	sdelay $0x4  }
0xcf: {  	[tilespmem:$0x1DBD0] =	vst v1;
	v1 =	vld [tilespmem:$0x4E90];
	_ =	sdelay $0x4  }
0xd0: {  	[tilespmem:$0x1DC00] =	vst v1;
	v1 =	vld [tilespmem:$0x4F90];
	_ =	sdelay $0x4  }
0xd1: {  	[tilespmem:$0x1DC30] =	vst v1;
	v1 =	vld [tilespmem:$0x5090];
	_ =	sdelay $0x4  }
0xd2: {  	[tilespmem:$0x1DC60] =	vst v1;
	v1 =	vld [tilespmem:$0x5190];
	_ =	sdelay $0x4  }
0xd3: {  	[tilespmem:$0x1DC90] =	vst v1;
	v1 =	vld [tilespmem:$0x5290];
	_ =	sdelay $0x4  }
0xd4: {  	[tilespmem:$0x1DCC0] =	vst v1;
	v1 =	vld [tilespmem:$0x5390];
	_ =	sdelay $0x4  }
0xd5: {  	[tilespmem:$0x1DCF0] =	vst v1;
	v1 =	vld [tilespmem:$0x5490];
	_ =	sdelay $0x4  }
0xd6: {  	[tilespmem:$0x1DD20] =	vst v1;
	v1 =	vld [tilespmem:$0x5590];
	_ =	sdelay $0x4  }
0xd7: {  	[tilespmem:$0x1DD50] =	vst v1;
	v1 =	vld [tilespmem:$0x5690];
	_ =	sdelay $0x4  }
0xd8: {  	[tilespmem:$0x1DD80] =	vst v1;
	v1 =	vld [tilespmem:$0x5790];
	_ =	sdelay $0x4  }
0xd9: {  	[tilespmem:$0x1DDB0] =	vst v1;
	v1 =	vld [tilespmem:$0x5890];
	_ =	sdelay $0x4  }
0xda: {  	[tilespmem:$0x1DDE0] =	vst v1;
	v1 =	vld [tilespmem:$0x5990];
	_ =	sdelay $0x4  }
0xdb: {  	[tilespmem:$0x1DE10] =	vst v1;
	v1 =	vld [tilespmem:$0x5A90];
	_ =	sdelay $0x4  }
0xdc: {  	[tilespmem:$0x1DE40] =	vst v1;
	v1 =	vld [tilespmem:$0x5B90];
	_ =	sdelay $0x4  }
0xdd: {  	[tilespmem:$0x1DE80] =	vst v1;
	v1 =	vld [tilespmem:$0x5C90];
	_ =	sdelay $0x4  }
0xde: {  	[tilespmem:$0x1DEC0] =	vst v1;
	v1 =	vld [tilespmem:$0x5D90];
	_ =	sdelay $0x4  }
0xdf: {  	[tilespmem:$0x1DF00] =	vst v1;
	v1 =	vld [tilespmem:$0x5E90];
	_ =	sdelay $0x4  }
0xe0: {  	[tilespmem:$0x1DF40] =	vst v1;
	v1 =	vld [tilespmem:$0x5F90];
	_ =	sdelay $0x4  }
0xe1: {  	[tilespmem:$0x1DF80] =	vst v1;
	v1 =	vld [tilespmem:$0x6090];
	_ =	sdelay $0x4  }
0xe2: {  	[tilespmem:$0x1DFC0] =	vst v1;
	v1 =	vld [tilespmem:$0x6190];
	_ =	sdelay $0x4  }
0xe3: {  	[tilespmem:$0x1E000] =	vst v1;
	v1 =	vld [tilespmem:$0x6290];
	_ =	sdelay $0x4  }
0xe4: {  	[tilespmem:$0x1E040] =	vst v1;
	v1 =	vld [tilespmem:$0x6390];
	_ =	sdelay $0x4  }
0xe5: {  	[tilespmem:$0x1E080] =	vst v1;
	v1 =	vld [tilespmem:$0x6490];
	_ =	sdelay $0x4  }
0xe6: {  	[tilespmem:$0x1E0C0] =	vst v1;
	v1 =	vld [tilespmem:$0x6590];
	_ =	sdelay $0x4  }
0xe7: {  	[tilespmem:$0x1E100] =	vst v1;
	v1 =	vld [tilespmem:$0x6690];
	_ =	sdelay $0x4  }
0xe8: {  	[tilespmem:$0x1E140] =	vst v1;
	v1 =	vld [tilespmem:$0x6790];
	_ =	sdelay $0x4  }
0xe9: {  	[tilespmem:$0x1E180] =	vst v1;
	v1 =	vld [tilespmem:$0x6890];
	_ =	sdelay $0x4  }
0xea: {  	[tilespmem:$0x1E1C0] =	vst v1;
	v1 =	vld [tilespmem:$0x6990];
	_ =	sdelay $0x4  }
0xeb: {  	[tilespmem:$0x1E200] =	vst v1;
	v1 =	vld [tilespmem:$0x6A90];
	_ =	sdelay $0x4  }
0xec: {  	[tilespmem:$0x1E240] =	vst v1;
	v1 =	vld [tilespmem:$0x6B90];
	_ =	sdelay $0x4  }
0xed: {  	[tilespmem:$0x1E280] =	vst v1;
	v1 =	vld [tilespmem:$0x6C90];
	_ =	sdelay $0x4  }
0xee: {  	[tilespmem:$0x1E2C0] =	vst v1;
	v1 =	vld [tilespmem:$0x6D90];
	_ =	sdelay $0x4  }
0xef: {  	[tilespmem:$0x1E300] =	vst v1;
	v1 =	vld [tilespmem:$0x6E90];
	_ =	sdelay $0x4  }
0xf0: {  	[tilespmem:$0x1E340] =	vst v1;
	v1 =	vld [tilespmem:$0x6F90];
	_ =	sdelay $0x4  }
0xf1: {  	[tilespmem:$0x1E380] =	vst v1;
	v1 =	vld [tilespmem:$0x7090];
	_ =	sdelay $0x4  }
0xf2: {  	[tilespmem:$0x1E3C0] =	vst v1;
	v1 =	vld [tilespmem:$0x7190];
	_ =	sdelay $0x4  }
0xf3: {  	[tilespmem:$0x1E400] =	vst v1;
	v1 =	vld [tilespmem:$0x7290];
	_ =	sdelay $0x4  }
0xf4: {  	[tilespmem:$0x1E440] =	vst v1;
	v1 =	vld [tilespmem:$0x7390];
	_ =	sdelay $0x4  }
0xf5: {  	[tilespmem:$0x1E480] =	vst v1;
	v1 =	vld [tilespmem:$0x7490];
	_ =	sdelay $0x4  }
0xf6: {  	[tilespmem:$0x1E4C0] =	vst v1;
	v1 =	vld [tilespmem:$0x7590];
	_ =	sdelay $0x4  }
0xf7: {  	[tilespmem:$0x1E500] =	vst v1;
	v1 =	vld [tilespmem:$0x7690];
	_ =	sdelay $0x4  }
0xf8: {  	[tilespmem:$0x1E540] =	vst v1;
	v1 =	vld [tilespmem:$0x7790];
	_ =	sdelay $0x4  }
0xf9: {  	[tilespmem:$0x1E580] =	vst v1;
	v1 =	vld [tilespmem:$0x7890];
	_ =	sdelay $0x4  }
0xfa: {  	[tilespmem:$0x1E5C0] =	vst v1;
	v1 =	vld [tilespmem:$0x7990];
	_ =	sdelay $0x4  }
0xfb: {  	[tilespmem:$0x1E600] =	vst v1;
	v1 =	vld [tilespmem:$0x7A90];
	_ =	sdelay $0x4  }
0xfc: {  	[tilespmem:$0x1E640] =	vst v1;
	v1 =	vld [tilespmem:$0x7B90];
	_ =	sdelay $0x4  }
0xfd: {  	[tilespmem:$0x1E680] =	vst v1;
	v1 =	vld [tilespmem:$0x7C90]  }
0xfe: {  	v59 =	vld [tilespmem:$0x3D80]  }
0xff: {  	v49 =	vld [tilespmem:$0x3D90]  }
0x100: {  	v52 =	vld [tilespmem:$0x3E90]  }
0x101: {  	v54 =	vld [tilespmem:$0x3F90]  }
0x102: {  	v57 =	vld [tilespmem:$0x4090];
	[tilespmem:$0x1E6C0] =	vst v1  }
0x103: {  	v25 =	vld [tilespmem:$0x59B0];
	_ =	sdelay $0x4  }
0x104: {  	[tilespmem:$0x1DE50] =	vst v25;
	v25 =	vld [tilespmem:$0x5AB0];
	_ =	sdelay $0x4  }
0x105: {  	[tilespmem:$0x1DE90] =	vst v25;
	v25 =	vld [tilespmem:$0x5BB0];
	_ =	sdelay $0x4  }
0x106: {  	[tilespmem:$0x1DED0] =	vst v25;
	v25 =	vld [tilespmem:$0x5CB0];
	_ =	sdelay $0x4  }
0x107: {  	[tilespmem:$0x1DF10] =	vst v25;
	v25 =	vld [tilespmem:$0x5DB0];
	_ =	sdelay $0x4  }
0x108: {  	[tilespmem:$0x1DF50] =	vst v25;
	v25 =	vld [tilespmem:$0x5EB0];
	_ =	sdelay $0x4  }
0x109: {  	[tilespmem:$0x1DF90] =	vst v25;
	v25 =	vld [tilespmem:$0x5FB0];
	_ =	sdelay $0x4  }
0x10a: {  	[tilespmem:$0x1DFD0] =	vst v25;
	v25 =	vld [tilespmem:$0x60B0];
	_ =	sdelay $0x4  }
0x10b: {  	[tilespmem:$0x1E010] =	vst v25;
	v25 =	vld [tilespmem:$0x61B0];
	_ =	sdelay $0x4  }
0x10c: {  	[tilespmem:$0x1E050] =	vst v25;
	v25 =	vld [tilespmem:$0x62B0];
	_ =	sdelay $0x3  }
0x10d: {  	v1 =	vld [tilespmem:$0x4CA0]  }
0x10e: {  	[tilespmem:$0x1E090] =	vst v25;
	v25 =	vld [tilespmem:$0x63B0];
	_ =	sdelay $0x3  }
0x10f: {  	[tilespmem:$0x1DBC0] =	vst v1;
	v1 =	vld [tilespmem:$0x4DA0]  }
0x110: {  	[tilespmem:$0x1E0D0] =	vst v25;
	v25 =	vld [tilespmem:$0x64B0];
	_ =	sdelay $0x3  }
0x111: {  	[tilespmem:$0x1DBF0] =	vst v1;
	v1 =	vld [tilespmem:$0x4EA0]  }
0x112: {  	[tilespmem:$0x1E110] =	vst v25;
	v25 =	vld [tilespmem:$0x65B0];
	_ =	sdelay $0x3  }
0x113: {  	[tilespmem:$0x1DC20] =	vst v1;
	v1 =	vld [tilespmem:$0x4FA0]  }
0x114: {  	[tilespmem:$0x1E150] =	vst v25;
	v25 =	vld [tilespmem:$0x66B0];
	_ =	sdelay $0x3  }
0x115: {  	[tilespmem:$0x1DC50] =	vst v1;
	v1 =	vld [tilespmem:$0x50A0]  }
0x116: {  	[tilespmem:$0x1E190] =	vst v25;
	v25 =	vld [tilespmem:$0x67B0];
	_ =	sdelay $0x3  }
0x117: {  	[tilespmem:$0x1DC80] =	vst v1;
	v1 =	vld [tilespmem:$0x51A0]  }
0x118: {  	[tilespmem:$0x1E1D0] =	vst v25;
	v25 =	vld [tilespmem:$0x68B0];
	_ =	sdelay $0x3  }
0x119: {  	[tilespmem:$0x1DCB0] =	vst v1;
	v1 =	vld [tilespmem:$0x52A0]  }
0x11a: {  	[tilespmem:$0x1E210] =	vst v25;
	v25 =	vld [tilespmem:$0x69B0];
	_ =	sdelay $0x3  }
0x11b: {  	[tilespmem:$0x1DCE0] =	vst v1;
	v1 =	vld [tilespmem:$0x53A0]  }
0x11c: {  	[tilespmem:$0x1E250] =	vst v25;
	v25 =	vld [tilespmem:$0x6AB0];
	_ =	sdelay $0x3  }
0x11d: {  	[tilespmem:$0x1DD10] =	vst v1;
	v1 =	vld [tilespmem:$0x54A0]  }
0x11e: {  	[tilespmem:$0x1E290] =	vst v25;
	v25 =	vld [tilespmem:$0x6BB0];
	_ =	sdelay $0x3  }
0x11f: {  	[tilespmem:$0x1DD40] =	vst v1;
	v1 =	vld [tilespmem:$0x55A0]  }
0x120: {  	[tilespmem:$0x1E2D0] =	vst v25;
	v25 =	vld [tilespmem:$0x6CB0];
	_ =	sdelay $0x3  }
0x121: {  	[tilespmem:$0x1DD70] =	vst v1;
	v1 =	vld [tilespmem:$0x56A0]  }
0x122: {  	[tilespmem:$0x1E310] =	vst v25;
	v25 =	vld [tilespmem:$0x6DB0];
	_ =	sdelay $0x3  }
0x123: {  	[tilespmem:$0x1DDA0] =	vst v1;
	v1 =	vld [tilespmem:$0x57A0]  }
0x124: {  	[tilespmem:$0x1E350] =	vst v25;
	v25 =	vld [tilespmem:$0x6EB0];
	_ =	sdelay $0x3  }
0x125: {  	[tilespmem:$0x1DDD0] =	vst v1;
	v1 =	vld [tilespmem:$0x58A0]  }
0x126: {  	[tilespmem:$0x1E390] =	vst v25;
	v25 =	vld [tilespmem:$0x6FB0];
	_ =	sdelay $0x3  }
0x127: {  	[tilespmem:$0x1DE00] =	vst v1;
	v1 =	vld [tilespmem:$0x59A0]  }
0x128: {  	[tilespmem:$0x1E3D0] =	vst v25;
	v25 =	vld [tilespmem:$0x70B0];
	_ =	sdelay $0x3  }
0x129: {  	[tilespmem:$0x1DE30] =	vst v1;
	v1 =	vld [tilespmem:$0x5AA0]  }
0x12a: {  	[tilespmem:$0x1E410] =	vst v25;
	v25 =	vld [tilespmem:$0x71B0];
	_ =	sdelay $0x3  }
0x12b: {  	[tilespmem:$0x1DE70] =	vst v1;
	v1 =	vld [tilespmem:$0x5BA0]  }
0x12c: {  	[tilespmem:$0x1E450] =	vst v25;
	v25 =	vld [tilespmem:$0x72B0];
	_ =	sdelay $0x3  }
0x12d: {  	[tilespmem:$0x1DEB0] =	vst v1;
	v1 =	vld [tilespmem:$0x5CA0]  }
0x12e: {  	[tilespmem:$0x1E490] =	vst v25;
	v25 =	vld [tilespmem:$0x73B0];
	_ =	sdelay $0x3  }
0x12f: {  	[tilespmem:$0x1DEF0] =	vst v1;
	v1 =	vld [tilespmem:$0x5DA0]  }
0x130: {  	[tilespmem:$0x1E4D0] =	vst v25;
	v25 =	vld [tilespmem:$0x74B0];
	_ =	sdelay $0x3  }
0x131: {  	[tilespmem:$0x1DF30] =	vst v1;
	v1 =	vld [tilespmem:$0x5EA0]  }
0x132: {  	[tilespmem:$0x1E510] =	vst v25;
	v25 =	vld [tilespmem:$0x75B0];
	_ =	sdelay $0x3  }
0x133: {  	[tilespmem:$0x1DF70] =	vst v1;
	v1 =	vld [tilespmem:$0x5FA0]  }
0x134: {  	[tilespmem:$0x1E550] =	vst v25;
	v25 =	vld [tilespmem:$0x76B0];
	_ =	sdelay $0x3  }
0x135: {  	[tilespmem:$0x1DFB0] =	vst v1;
	v1 =	vld [tilespmem:$0x60A0]  }
0x136: {  	[tilespmem:$0x1E590] =	vst v25;
	v25 =	vld [tilespmem:$0x77B0];
	_ =	sdelay $0x3  }
0x137: {  	[tilespmem:$0x1DFF0] =	vst v1;
	v1 =	vld [tilespmem:$0x61A0]  }
0x138: {  	[tilespmem:$0x1E5D0] =	vst v25;
	v25 =	vld [tilespmem:$0x78B0];
	_ =	sdelay $0x3  }
0x139: {  	[tilespmem:$0x1E030] =	vst v1;
	v1 =	vld [tilespmem:$0x62A0]  }
0x13a: {  	[tilespmem:$0x1E610] =	vst v25;
	v25 =	vld [tilespmem:$0x79B0];
	_ =	sdelay $0x3  }
0x13b: {  	[tilespmem:$0x1E070] =	vst v1;
	v1 =	vld [tilespmem:$0x63A0]  }
0x13c: {  	[tilespmem:$0x1E650] =	vst v25;
	v25 =	vld [tilespmem:$0x7AB0];
	_ =	sdelay $0x3  }
0x13d: {  	[tilespmem:$0x1E0B0] =	vst v1;
	v1 =	vld [tilespmem:$0x64A0]  }
0x13e: {  	[tilespmem:$0x1E690] =	vst v25;
	v25 =	vld [tilespmem:$0x7BB0];
	_ =	sdelay $0x3  }
0x13f: {  	[tilespmem:$0x1E0F0] =	vst v1;
	v1 =	vld [tilespmem:$0x65A0]  }
0x140: {  	[tilespmem:$0x1E6D0] =	vst v25;
	v25 =	vld [tilespmem:$0x7CB0];
	_ =	sdelay $0x3  }
0x141: {  	[tilespmem:$0x1E130] =	vst v1;
	v1 =	vld [tilespmem:$0x66A0]  }
0x142: {  	[tilespmem:$0x1E700] =	vst v25;
	v25 =	vld [tilespmem:$0x3DC0];
	_ =	sdelay $0x3  }
0x143: {  	[tilespmem:$0x1E170] =	vst v1;
	v1 =	vld [tilespmem:$0x67A0]  }
0x144: {  	[tilespmem:$0x1E6F0] =	vst v25;
	v25 =	vld [tilespmem:$0x3EC0];
	_ =	sdelay $0x3  }
0x145: {  	[tilespmem:$0x1E1B0] =	vst v1;
	v1 =	vld [tilespmem:$0x68A0]  }
0x146: {  	[tilespmem:$0x1E710] =	vst v25;
	v25 =	vld [tilespmem:$0x3FC0];
	_ =	sdelay $0x3  }
0x147: {  	[tilespmem:$0x1E1F0] =	vst v1;
	v1 =	vld [tilespmem:$0x69A0]  }
0x148: {  	[tilespmem:$0x1E720] =	vst v25;
	v25 =	vld [tilespmem:$0x40C0];
	_ =	sdelay $0x3  }
0x149: {  	[tilespmem:$0x1E230] =	vst v1;
	v1 =	vld [tilespmem:$0x6AA0]  }
0x14a: {  	[tilespmem:$0x1E730] =	vst v25;
	v25 =	vld [tilespmem:$0x41C0];
	_ =	sdelay $0x3  }
0x14b: {  	[tilespmem:$0x1E270] =	vst v1;
	v1 =	vld [tilespmem:$0x6BA0]  }
0x14c: {  	[tilespmem:$0x1E740] =	vst v25;
	v25 =	vld [tilespmem:$0x42C0];
	_ =	sdelay $0x3  }
0x14d: {  	[tilespmem:$0x1E2B0] =	vst v1;
	v1 =	vld [tilespmem:$0x6CA0]  }
0x14e: {  	[tilespmem:$0x1E750] =	vst v25;
	v25 =	vld [tilespmem:$0x43C0];
	_ =	sdelay $0x3  }
0x14f: {  	[tilespmem:$0x1E2F0] =	vst v1;
	v1 =	vld [tilespmem:$0x6DA0]  }
0x150: {  	[tilespmem:$0x1E760] =	vst v25;
	v25 =	vld [tilespmem:$0x44C0];
	_ =	sdelay $0x3  }
0x151: {  	[tilespmem:$0x1E330] =	vst v1;
	v1 =	vld [tilespmem:$0x6EA0]  }
0x152: {  	[tilespmem:$0x1E770] =	vst v25;
	v25 =	vld [tilespmem:$0x45C0];
	_ =	sdelay $0x3  }
0x153: {  	[tilespmem:$0x1E370] =	vst v1;
	v1 =	vld [tilespmem:$0x6FA0]  }
0x154: {  	[tilespmem:$0x1E780] =	vst v25;
	v25 =	vld [tilespmem:$0x46C0];
	_ =	sdelay $0x3  }
0x155: {  	[tilespmem:$0x1E3B0] =	vst v1;
	v1 =	vld [tilespmem:$0x70A0]  }
0x156: {  	[tilespmem:$0x1E790] =	vst v25;
	v25 =	vld [tilespmem:$0x47C0];
	_ =	sdelay $0x3  }
0x157: {  	[tilespmem:$0x1E3F0] =	vst v1;
	v1 =	vld [tilespmem:$0x71A0]  }
0x158: {  	[tilespmem:$0x1E7A0] =	vst v25;
	v25 =	vld [tilespmem:$0x48C0];
	_ =	sdelay $0x3  }
0x159: {  	[tilespmem:$0x1E430] =	vst v1;
	v1 =	vld [tilespmem:$0x72A0]  }
0x15a: {  	[tilespmem:$0x1E7B0] =	vst v25;
	v25 =	vld [tilespmem:$0x49C0];
	_ =	sdelay $0x3  }
0x15b: {  	[tilespmem:$0x1E470] =	vst v1;
	v1 =	vld [tilespmem:$0x73A0]  }
0x15c: {  	[tilespmem:$0x1E7D0] =	vst v25;
	v25 =	vld [tilespmem:$0x4AC0];
	_ =	sdelay $0x3  }
0x15d: {  	[tilespmem:$0x1E4B0] =	vst v1;
	v1 =	vld [tilespmem:$0x74A0]  }
0x15e: {  	[tilespmem:$0x1E7F0] =	vst v25;
	v25 =	vld [tilespmem:$0x4BC0];
	_ =	sdelay $0x3  }
0x15f: {  	[tilespmem:$0x1E4F0] =	vst v1;
	v1 =	vld [tilespmem:$0x75A0]  }
0x160: {  	[tilespmem:$0x1E810] =	vst v25;
	v25 =	vld [tilespmem:$0x4CC0];
	_ =	sdelay $0x3  }
0x161: {  	[tilespmem:$0x1E530] =	vst v1;
	v1 =	vld [tilespmem:$0x76A0]  }
0x162: {  	[tilespmem:$0x1E830] =	vst v25;
	v25 =	vld [tilespmem:$0x4DC0];
	_ =	sdelay $0x3  }
0x163: {  	[tilespmem:$0x1E570] =	vst v1;
	v1 =	vld [tilespmem:$0x77A0]  }
0x164: {  	[tilespmem:$0x1E850] =	vst v25;
	v25 =	vld [tilespmem:$0x4EC0];
	_ =	sdelay $0x3  }
0x165: {  	[tilespmem:$0x1E5B0] =	vst v1;
	v1 =	vld [tilespmem:$0x78A0]  }
0x166: {  	[tilespmem:$0x1E870] =	vst v25;
	v25 =	vld [tilespmem:$0x4FC0];
	_ =	sdelay $0x1  }
0x167: {  	v24 =	vld [tilespmem:$0x3DA0]  }
0x168: {  	v26 =	vld [tilespmem:$0x3EA0]  }
0x169: {  	[tilespmem:$0x1E5F0] =	vst v1;
	v1 =	vld [tilespmem:$0x79A0]  }
0x16a: {  	[tilespmem:$0x1E880] =	vst v25;
	v25 =	vld [tilespmem:$0x50C0]  }
0x16b: {  	v28 =	vld [tilespmem:$0x3FA0]  }
0x16c: {  	v30 =	vld [tilespmem:$0x40A0]  }
0x16d: {  	v33 =	vld [tilespmem:$0x41A0]  }
0x16e: {  	[tilespmem:$0x1E630] =	vst v1;
	v1 =	vld [tilespmem:$0x7AA0]  }
0x16f: {  	[tilespmem:$0x1E8A0] =	vst v25;
	v25 =	vld [tilespmem:$0x51C0]  }
0x170: {  	v35 =	vld [tilespmem:$0x42A0]  }
0x171: {  	v41 =	vld [tilespmem:$0x43A0]  }
0x172: {  	v2 =	vld [tilespmem:$0x3DB0]  }
0x173: {  	[tilespmem:$0x1E670] =	vst v1;
	v1 =	vld [tilespmem:$0x7BA0]  }
0x174: {  	v49 =	vadd.f32 $0.0e+00, v49;
	[tilespmem:$0x1E8C0] =	vst v25;
	v25 =	vld [tilespmem:$0x1DA00]  }
0x175: {  	v63 =	vld [tilespmem:$0x3EB0]  }
0x176: {  	v49 =	vadd.f32 v52, v49;
	v52 =	vld [tilespmem:$0x1DA10]  }
0x177: {  	v59 =	vadd.f32 $0.0e+00, v59;
	v62 =	vld [tilespmem:$0x3FB0]  }
0x178: {  	v60 =	vld [tilespmem:$0x40B0]  }
0x179: {  	v2 =	vadd.f32 $0.0e+00, v2;
	[tilespmem:$0x1E6B0] =	vst v1;
	v1 =	vld [tilespmem:$0x7CA0];
	v59 =	vadd.f32 v25, v59  }
0x17a: {  	v61 =	vld [tilespmem:$0x41B0]  }
0x17b: {  	v2 =	vadd.f32 v63, v2;
	v52 =	vadd.f32 v52, v59;
	v59 =	vld [tilespmem:$0x54C0]  }
0x17c: {  	v17 =	vld [tilespmem:$0x43B0]  }
0x17d: {  	v18 =	vld [tilespmem:$0x44B0];
	v2 =	vadd.f32 v62, v2  }
0x17e: {  	[tilespmem:$0x1E6E0] =	vst v1;
	v1 =	vld [tilespmem:$0x42B0]  }
0x17f: {  	v19 =	vld [tilespmem:$0x45B0];
	v2 =	vadd.f32 v60, v2  }
0x180: {  	[tilespmem:$0x1E920] =	vst v59;
	v59 =	vadd.f32 v54, v49;
	v54 =	vld [tilespmem:$0x56C0]  }
0x181: {  	v2 =	vadd.f32 v61, v2;
	v49 =	vld [tilespmem:$0x1DA20]  }
0x182: {  	v62 =	vld [tilespmem:$0x1DA30]  }
0x183: {  	v1 =	vadd.f32 v1, v2;
	v2 =	vld [tilespmem:$0x5DC0]  }
0x184: {  	v61 =	vld [tilespmem:$0x1DA70]  }
0x185: {  	v24 =	vadd.f32 $0.0e+00, v24;
	v1 =	vadd.f32 v17, v1;
	[tilespmem:$0x1E960] =	vst v54;
	v54 =	vld [tilespmem:$0x1DA50]  }
0x186: {  	v17 =	vld [tilespmem:$0x5FC0];
	v52 =	vadd.f32 v49, v52  }
0x187: {  	v24 =	vadd.f32 v26, v24;
	v1 =	vadd.f32 v18, v1;
	v18 =	vld [tilespmem:$0x61C0]  }
0x188: {  	[tilespmem:$0x1EA00] =	vst v2;
	v2 =	vld [tilespmem:$0x1DA90];
	v63 =	vadd.f32 v62, v52  }
0x189: {  	v24 =	vadd.f32 v28, v24;
	v1 =	vadd.f32 v19, v1;
	v19 =	vld [tilespmem:$0x63C0]  }
0x18a: {  	v26 =	vadd.f32 v57, v59;
	v59 =	vld [tilespmem:$0x57C0];
	v28 =	vadd.f32 v54, v63  }
0x18b: {  	[tilespmem:$0x1EA40] =	vst v17;
	v17 =	vld [tilespmem:$0x1DAB0]  }
0x18c: {  	[tilespmem:$0x1EA60] =	vst v18;
	v18 =	vld [tilespmem:$0x1DAD0];
	v28 =	vadd.f32 v61, v28  }
0x18d: {  	v49 =	vld [tilespmem:$0x1DA40]  }
0x18e: {  	[tilespmem:$0x1EA90] =	vst v19;
	v19 =	vld [tilespmem:$0x1DAF0];
	v2 =	vadd.f32 v2, v28  }
0x18f: {  	[tilespmem:$0x1E980] =	vst v59;
	v59 =	vld [tilespmem:$0x1DA60]  }
0x190: {  	v38 =	vld [tilespmem:$0x44A0];
	v2 =	vadd.f32 v17, v2  }
0x191: {  	v24 =	vadd.f32 v30, v24;
	v63 =	vld [tilespmem:$0x1DA80]  }
0x192: {  	v26 =	vadd.f32 v49, v26;
	v2 =	vadd.f32 v18, v2;
	v18 =	vld [tilespmem:$0x62C0]  }
0x193: {  	v30 =	vld [tilespmem:$0x1DAA0];
	v24 =	vadd.f32 v33, v24  }
0x194: {  	v26 =	vadd.f32 v59, v26;
	v2 =	vadd.f32 v19, v2;
	v19 =	vld [tilespmem:$0x64C0]  }
0x195: {  	v24 =	vadd.f32 v35, v24;
	v35 =	vld [tilespmem:$0x1DAC0]  }
0x196: {  	v26 =	vadd.f32 v63, v26  }
0x197: {  	[tilespmem:$0x1EA70] =	vst v18;
	v18 =	vld [tilespmem:$0x1DAE0]  }
0x198: {  	v24 =	vadd.f32 v41, v24;
	v26 =	vadd.f32 v30, v26  }
0x199: {  	[tilespmem:$0x1EAB0] =	vst v19;
	v19 =	vld [tilespmem:$0x1DB00]  }
0x19a: {  	v17 =	vadd.f32 v38, v24;
	v24 =	vadd.f32 v35, v26;
	_ =	sdelay $0x1  }
0x19b: {  	v18 =	vadd.f32 v18, v24;
	_ =	sdelay $0x1  }
0x19c: {  	v18 =	vadd.f32 v19, v18;
	v19 =	vld [tilespmem:$0x65C0];
	_ =	sdelay $0x4  }
0x19d: {  	[tilespmem:$0x1EAC0] =	vst v19;
	v19 =	vld [tilespmem:$0x1DB10];
	_ =	sdelay $0x4  }
0x19e: {  	v2 =	vadd.f32 v19, v2;
	v19 =	vld [tilespmem:$0x66C0];
	_ =	sdelay $0x4  }
0x19f: {  	[tilespmem:$0x1EAD0] =	vst v19;
	v19 =	vld [tilespmem:$0x1DB20];
	_ =	sdelay $0x4  }
0x1a0: {  	v18 =	vadd.f32 v19, v18;
	v19 =	vld [tilespmem:$0x67C0];
	_ =	sdelay $0x4  }
0x1a1: {  	[tilespmem:$0x1EAE0] =	vst v19;
	v19 =	vld [tilespmem:$0x1DB30];
	_ =	sdelay $0x4  }
0x1a2: {  	v2 =	vadd.f32 v19, v2;
	v19 =	vld [tilespmem:$0x68C0];
	_ =	sdelay $0x4  }
0x1a3: {  	[tilespmem:$0x1EAF0] =	vst v19;
	v19 =	vld [tilespmem:$0x1DB40];
	_ =	sdelay $0x4  }
0x1a4: {  	v18 =	vadd.f32 v19, v18;
	v19 =	vld [tilespmem:$0x69C0];
	_ =	sdelay $0x4  }
0x1a5: {  	[tilespmem:$0x1EB00] =	vst v19;
	v19 =	vld [tilespmem:$0x1DB50];
	_ =	sdelay $0x4  }
0x1a6: {  	v2 =	vadd.f32 v19, v2;
	v19 =	vld [tilespmem:$0x6AC0];
	_ =	sdelay $0x4  }
0x1a7: {  	[tilespmem:$0x1EB20] =	vst v19;
	v19 =	vld [tilespmem:$0x1DB60];
	_ =	sdelay $0x4  }
0x1a8: {  	v18 =	vadd.f32 v19, v18;
	v19 =	vld [tilespmem:$0x6BC0];
	_ =	sdelay $0x4  }
0x1a9: {  	[tilespmem:$0x1EB40] =	vst v19;
	v19 =	vld [tilespmem:$0x1DB70];
	_ =	sdelay $0x4  }
0x1aa: {  	v2 =	vadd.f32 v19, v2;
	v19 =	vld [tilespmem:$0x6CC0];
	_ =	sdelay $0x4  }
0x1ab: {  	[tilespmem:$0x1EB60] =	vst v19;
	v19 =	vld [tilespmem:$0x1DB80];
	_ =	sdelay $0x4  }
0x1ac: {  	v18 =	vadd.f32 v19, v18;
	v19 =	vld [tilespmem:$0x6DC0];
	_ =	sdelay $0x4  }
0x1ad: {  	[tilespmem:$0x1EB80] =	vst v19;
	v19 =	vld [tilespmem:$0x1DB90];
	_ =	sdelay $0x4  }
0x1ae: {  	v2 =	vadd.f32 v19, v2;
	v19 =	vld [tilespmem:$0x6EC0];
	_ =	sdelay $0x4  }
0x1af: {  	[tilespmem:$0x1EBA0] =	vst v19;
	v19 =	vld [tilespmem:$0x1DBA0]  }
0x1b0: {  	v40 =	vld [tilespmem:$0x45A0];
	_ =	sdelay $0x1  }
0x1b1: {  	v43 =	vld [tilespmem:$0x46A0]  }
0x1b2: {  	v44 =	vld [tilespmem:$0x47A0]  }
0x1b3: {  	v18 =	vadd.f32 v19, v18;
	v19 =	vld [tilespmem:$0x6FC0]  }
0x1b4: {  	v17 =	vadd.f32 v40, v17  }
0x1b5: {  	v45 =	vld [tilespmem:$0x48A0]  }
0x1b6: {  	v17 =	vadd.f32 v43, v17  }
0x1b7: {  	v51 =	vld [tilespmem:$0x49A0]  }
0x1b8: {  	v17 =	vadd.f32 v44, v17;
	[tilespmem:$0x1EBC0] =	vst v19;
	v19 =	vld [tilespmem:$0x1DBB0]  }
0x1b9: {  	v55 =	vld [tilespmem:$0x4AA0]  }
0x1ba: {  	v17 =	vadd.f32 v45, v17  }
0x1bb: {  	v58 =	vld [tilespmem:$0x4BA0]  }
0x1bc: {  	v17 =	vadd.f32 v51, v17  }
0x1bd: {  	v2 =	vadd.f32 v19, v2;
	v19 =	vld [tilespmem:$0x1DBC0]  }
0x1be: {  	v17 =	vadd.f32 v55, v17;
	_ =	sdelay $0x1  }
0x1bf: {  	v17 =	vadd.f32 v58, v17;
	_ =	sdelay $0x1  }
0x1c0: {  	v17 =	vadd.f32 v19, v17;
	v19 =	vld [tilespmem:$0x70C0];
	_ =	sdelay $0x4  }
0x1c1: {  	[tilespmem:$0x1EBE0] =	vst v19;
	v19 =	vld [tilespmem:$0x1DBD0];
	_ =	sdelay $0x4  }
0x1c2: {  	v18 =	vadd.f32 v19, v18;
	v19 =	vld [tilespmem:$0x71C0];
	_ =	sdelay $0x4  }
0x1c3: {  	[tilespmem:$0x1EC00] =	vst v19;
	v19 =	vld [tilespmem:$0x1DBE0];
	_ =	sdelay $0x4  }
0x1c4: {  	v2 =	vadd.f32 v19, v2;
	v19 =	vld [tilespmem:$0x1DBF0];
	_ =	sdelay $0x4  }
0x1c5: {  	v17 =	vadd.f32 v19, v17;
	v19 =	vld [tilespmem:$0x72C0];
	_ =	sdelay $0x4  }
0x1c6: {  	[tilespmem:$0x1EC20] =	vst v19;
	v19 =	vld [tilespmem:$0x1DC00];
	_ =	sdelay $0x4  }
0x1c7: {  	v18 =	vadd.f32 v19, v18;
	v19 =	vld [tilespmem:$0x73C0];
	_ =	sdelay $0x4  }
0x1c8: {  	[tilespmem:$0x1EC40] =	vst v19;
	v19 =	vld [tilespmem:$0x1DC10];
	_ =	sdelay $0x4  }
0x1c9: {  	v2 =	vadd.f32 v19, v2;
	v19 =	vld [tilespmem:$0x1DC20];
	_ =	sdelay $0x4  }
0x1ca: {  	v17 =	vadd.f32 v19, v17;
	v19 =	vld [tilespmem:$0x74C0];
	_ =	sdelay $0x4  }
0x1cb: {  	[tilespmem:$0x1EC60] =	vst v19;
	v19 =	vld [tilespmem:$0x1DC30];
	_ =	sdelay $0x4  }
0x1cc: {  	v18 =	vadd.f32 v19, v18;
	v19 =	vld [tilespmem:$0x75C0];
	_ =	sdelay $0x3  }
0x1cd: {  	v20 =	vld [tilespmem:$0x46B0]  }
0x1ce: {  	[tilespmem:$0x1EC80] =	vst v19;
	v19 =	vld [tilespmem:$0x1DC40]  }
0x1cf: {  	v21 =	vld [tilespmem:$0x47B0]  }
0x1d0: {  	v22 =	vld [tilespmem:$0x48B0]  }
0x1d1: {  	v23 =	vld [tilespmem:$0x49B0]  }
0x1d2: {  	v27 =	vld [tilespmem:$0x4AB0]  }
0x1d3: {  	v2 =	vadd.f32 v19, v2;
	v19 =	vld [tilespmem:$0x1DC50]  }
0x1d4: {  	v29 =	vld [tilespmem:$0x4BB0]  }
0x1d5: {  	v31 =	vld [tilespmem:$0x4CB0]  }
0x1d6: {  	v32 =	vld [tilespmem:$0x4DB0]  }
0x1d7: {  	v34 =	vld [tilespmem:$0x4EB0]  }
0x1d8: {  	v17 =	vadd.f32 v19, v17;
	v19 =	vld [tilespmem:$0x76C0]  }
0x1d9: {  	v36 =	vld [tilespmem:$0x4FB0]  }
0x1da: {  	v37 =	vld [tilespmem:$0x50B0]  }
0x1db: {  	v39 =	vld [tilespmem:$0x51B0]  }
0x1dc: {  	v42 =	vld [tilespmem:$0x52B0]  }
0x1dd: {  	[tilespmem:$0x1ECA0] =	vst v19;
	v19 =	vld [tilespmem:$0x1DC60]  }
0x1de: {  	v46 =	vld [tilespmem:$0x53B0]  }
0x1df: {  	v48 =	vld [tilespmem:$0x54B0]  }
0x1e0: {  	v47 =	vld [tilespmem:$0x55B0];
	v1 =	vadd.f32 v20, v1  }
0x1e1: {  	v50 =	vld [tilespmem:$0x56B0]  }
0x1e2: {  	v1 =	vadd.f32 v21, v1;
	v18 =	vadd.f32 v19, v18;
	v19 =	vld [tilespmem:$0x77C0]  }
0x1e3: {  	v60 =	vld [tilespmem:$0x5BC0]  }
0x1e4: {  	v53 =	vld [tilespmem:$0x57B0];
	v1 =	vadd.f32 v22, v1  }
0x1e5: {  	v33 =	vld [tilespmem:$0x60C0]  }
0x1e6: {  	v56 =	vld [tilespmem:$0x58B0];
	v1 =	vadd.f32 v23, v1  }
0x1e7: {  	[tilespmem:$0x1ECC0] =	vst v19;
	v19 =	vld [tilespmem:$0x1DC70]  }
0x1e8: {  	[tilespmem:$0x1E9E0] =	vst v60;
	v60 =	vld [tilespmem:$0x46D0];
	v1 =	vadd.f32 v27, v1  }
0x1e9: {  	v41 =	vld [tilespmem:$0x1DD50]  }
0x1ea: {  	[tilespmem:$0x1EA50] =	vst v33;
	v33 =	vld [tilespmem:$0x1DE70];
	v1 =	vadd.f32 v29, v1  }
0x1eb: {  	v27 =	vld [tilespmem:$0x4AD0]  }
0x1ec: {  	v1 =	vadd.f32 v31, v1;
	v2 =	vadd.f32 v19, v2;
	v19 =	vld [tilespmem:$0x1DC80]  }
0x1ed: {  	v21 =	vld [tilespmem:$0x3DD0]  }
0x1ee: {  	v29 =	vld [tilespmem:$0x1DE40];
	v1 =	vadd.f32 v32, v1  }
0x1ef: {  	v31 =	vld [tilespmem:$0x4BD0]  }
0x1f0: {  	[tilespmem:$0x1E800] =	vst v27;
	v27 =	vld [tilespmem:$0x55D0];
	v1 =	vadd.f32 v34, v1  }
0x1f1: {  	v17 =	vadd.f32 v19, v17;
	v19 =	vld [tilespmem:$0x78C0]  }
0x1f2: {  	v32 =	vld [tilespmem:$0x1DE60];
	v1 =	vadd.f32 v36, v1  }
0x1f3: {  	v34 =	vld [tilespmem:$0x4CD0]  }
0x1f4: {  	[tilespmem:$0x1E820] =	vst v31;
	v31 =	vld [tilespmem:$0x56D0];
	v1 =	vadd.f32 v37, v1  }
0x1f5: {  	v36 =	vld [tilespmem:$0x1DE90]  }
0x1f6: {  	v1 =	vadd.f32 v39, v1;
	[tilespmem:$0x1ECE0] =	vst v19;
	v19 =	vld [tilespmem:$0x1DC90]  }
0x1f7: {  	v37 =	vld [tilespmem:$0x4DD0]  }
0x1f8: {  	[tilespmem:$0x1E840] =	vst v34;
	v34 =	vld [tilespmem:$0x1DFE0];
	v1 =	vadd.f32 v42, v1  }
0x1f9: {  	v39 =	vld [tilespmem:$0x1DD30]  }
0x1fa: {  	v42 =	vld [tilespmem:$0x1DD60];
	v1 =	vadd.f32 v46, v1  }
0x1fb: {  	v18 =	vadd.f32 v19, v18;
	v19 =	vld [tilespmem:$0x79C0]  }
0x1fc: {  	[tilespmem:$0x1E860] =	vst v37;
	v37 =	vld [tilespmem:$0x1E000];
	v1 =	vadd.f32 v48, v1  }
0x1fd: {  	v46 =	vld [tilespmem:$0x1DDA0]  }
0x1fe: {  	v48 =	vld [tilespmem:$0x1DDC0];
	v1 =	vadd.f32 v47, v1  }
0x1ff: {  	v25 =	vld [tilespmem:$0x52C0]  }
0x200: {  	v1 =	vadd.f32 v50, v1;
	[tilespmem:$0x1ED00] =	vst v19;
	v19 =	vld [tilespmem:$0x1DCA0]  }
0x201: {  	v47 =	vld [tilespmem:$0x1DDB0]  }
0x202: {  	v1 =	vadd.f32 v53, v1;
	v53 =	vld [tilespmem:$0x52D0]  }
0x203: {  	v50 =	vld [tilespmem:$0x1DDD0]  }
0x204: {  	[tilespmem:$0x1E8E0] =	vst v25;
	v25 =	vld [tilespmem:$0x53C0]  }
0x205: {  	v2 =	vadd.f32 v19, v2;
	v19 =	vld [tilespmem:$0x1DCB0]  }
0x206: {  	v1 =	vadd.f32 v56, v1;
	v56 =	vld [tilespmem:$0x53D0]  }
0x207: {  	[tilespmem:$0x1E8F0] =	vst v53;
	v53 =	vld [tilespmem:$0x1E0A0]  }
0x208: {  	v57 =	vld [tilespmem:$0x5AC0]  }
0x209: {  	[tilespmem:$0x1E900] =	vst v25;
	v25 =	vld [tilespmem:$0x55C0]  }
0x20a: {  	v17 =	vadd.f32 v19, v17;
	v19 =	vld [tilespmem:$0x7AC0]  }
0x20b: {  	v52 =	vld [tilespmem:$0x59C0]  }
0x20c: {  	v62 =	vld [tilespmem:$0x5CC0]  }
0x20d: {  	[tilespmem:$0x1E9D0] =	vst v57;
	v57 =	vld [tilespmem:$0x48D0]  }
0x20e: {  	[tilespmem:$0x1E940] =	vst v25;
	v25 =	vld [tilespmem:$0x58C0]  }
0x20f: {  	[tilespmem:$0x1ED20] =	vst v19;
	v19 =	vld [tilespmem:$0x1DCC0]  }
0x210: {  	v49 =	vld [tilespmem:$0x40D0]  }
0x211: {  	v54 =	vld [tilespmem:$0x1DDF0]  }
0x212: {  	v61 =	vld [tilespmem:$0x41D0]  }
0x213: {  	[tilespmem:$0x1E9F0] =	vst v62;
	v62 =	vld [tilespmem:$0x44D0]  }
0x214: {  	v18 =	vadd.f32 v19, v18;
	v19 =	vld [tilespmem:$0x7BC0]  }
0x215: {  	[tilespmem:$0x1E9B0] =	vst v52;
	v52 =	vld [tilespmem:$0x45D0]  }
0x216: {  	v59 =	vld [tilespmem:$0x49D0]  }
0x217: {  	[tilespmem:$0x1E7C0] =	vst v57;
	v57 =	vld [tilespmem:$0x1DF60]  }
0x218: {  	[tilespmem:$0x1E990] =	vst v25;
	v25 =	vld [tilespmem:$0x5EC0]  }
0x219: {  	[tilespmem:$0x1ED40] =	vst v19;
	v19 =	vld [tilespmem:$0x1DCD0]  }
0x21a: {  	v28 =	vld [tilespmem:$0x43D0]  }
0x21b: {  	v63 =	vld [tilespmem:$0x42D0]  }
0x21c: {  	v38 =	vld [tilespmem:$0x1DD20]  }
0x21d: {  	v30 =	vld [tilespmem:$0x1DE50]  }
0x21e: {  	v2 =	vadd.f32 v19, v2;
	v19 =	vld [tilespmem:$0x1DCE0]  }
0x21f: {  	[tilespmem:$0x1E7E0] =	vst v59;
	v59 =	vld [tilespmem:$0x54D0]  }
0x220: {  	v40 =	vld [tilespmem:$0x1DD40]  }
0x221: {  	[tilespmem:$0x1EA20] =	vst v25;
	v25 =	vld [tilespmem:$0x1DE20]  }
0x222: {  	v26 =	vld [tilespmem:$0x1DE30]  }
0x223: {  	v17 =	vadd.f32 v19, v17;
	v19 =	vld [tilespmem:$0x7CC0]  }
0x224: {  	v35 =	vld [tilespmem:$0x1DE80]  }
0x225: {  	v43 =	vld [tilespmem:$0x1DD70]  }
0x226: {  	v44 =	vld [tilespmem:$0x1DD80]  }
0x227: {  	v1 =	vadd.f32 v30, v1;
	v30 =	vld [tilespmem:$0x1DFB0]  }
0x228: {  	[tilespmem:$0x1ED80] =	vst v19;
	v19 =	vld [tilespmem:$0x1DCF0]  }
0x229: {  	v45 =	vld [tilespmem:$0x1DD90]  }
0x22a: {  	v1 =	vadd.f32 v36, v1;
	v36 =	vld [tilespmem:$0x58D0]  }
0x22b: {  	v51 =	vld [tilespmem:$0x1DDE0]  }
0x22c: {  	v24 =	vld [tilespmem:$0x3FD0]  }
0x22d: {  	v18 =	vadd.f32 v19, v18;
	v19 =	vld [tilespmem:$0x1DD00]  }
0x22e: {  	v55 =	vld [tilespmem:$0x1DE00]  }
0x22f: {  	v58 =	vld [tilespmem:$0x1DE10];
	v18 =	vadd.f32 v38, v18  }
0x230: {  	v38 =	vld [tilespmem:$0x1DEA0]  }
0x231: {  	v18 =	vadd.f32 v41, v18;
	v41 =	vld [tilespmem:$0x1DED0]  }
0x232: {  	v19 =	vadd.f32 v19, v2;
	v2 =	vld [tilespmem:$0x1DD10]  }
0x233: {  	v18 =	vadd.f32 v44, v18;
	v44 =	vld [tilespmem:$0x1DEF0]  }
0x234: {  	v19 =	vadd.f32 v39, v19;
	v39 =	vld [tilespmem:$0x1DEB0]  }
0x235: {  	v18 =	vadd.f32 v47, v18;
	v47 =	vld [tilespmem:$0x1DF10]  }
0x236: {  	v19 =	vadd.f32 v42, v19;
	v42 =	vld [tilespmem:$0x4FD0]  }
0x237: {  	v17 =	vadd.f32 v2, v17;
	v2 =	vld [tilespmem:$0x3ED0]  }
0x238: {  	v20 =	vadd.f32 v51, v18;
	v18 =	vld [tilespmem:$0x47D0]  }
0x239: {  	v51 =	vld [tilespmem:$0x1DF30]  }
0x23a: {  	v19 =	vadd.f32 v45, v19;
	v45 =	vld [tilespmem:$0x50D0]  }
0x23b: {  	v17 =	vadd.f32 v40, v17;
	v40 =	vld [tilespmem:$0x1DEC0]  }
0x23c: {  	v1 =	vadd.f32 v41, v1;
	v20 =	vadd.f32 v58, v20;
	v58 =	vld [tilespmem:$0x1DF70]  }
0x23d: {  	v19 =	vadd.f32 v48, v19;
	v48 =	vld [tilespmem:$0x51D0]  }
0x23e: {  	v1 =	vadd.f32 v47, v1;
	v47 =	vld [tilespmem:$0x1E070]  }
0x23f: {  	v17 =	vadd.f32 v43, v17;
	v43 =	vld [tilespmem:$0x1DEE0]  }
0x240: {  	v20 =	vadd.f32 v29, v20;
	v29 =	vld [tilespmem:$0x1DFA0]  }
0x241: {  	[tilespmem:$0x1E890] =	vst v42;
	v42 =	vld [tilespmem:$0x1E040]  }
0x242: {  	v19 =	vadd.f32 v54, v19;
	v54 =	vld [tilespmem:$0x1DF40]  }
0x243: {  	v17 =	vadd.f32 v46, v17;
	v46 =	vld [tilespmem:$0x1DF00]  }
0x244: {  	v20 =	vadd.f32 v35, v20;
	v35 =	vld [tilespmem:$0x1DFF0];
	v19 =	vadd.f32 v25, v19  }
0x245: {  	[tilespmem:$0x1E8B0] =	vst v45;
	v45 =	vld [tilespmem:$0x1E060];
	v17 =	vadd.f32 v50, v17  }
0x246: {  	v25 =	vld [tilespmem:$0x1DF80];
	v19 =	vadd.f32 v32, v19  }
0x247: {  	v50 =	vld [tilespmem:$0x1DF20];
	v17 =	vadd.f32 v55, v17  }
0x248: {  	v20 =	vadd.f32 v40, v20;
	v40 =	vld [tilespmem:$0x1E020];
	v19 =	vadd.f32 v38, v19  }
0x249: {  	[tilespmem:$0x1E8D0] =	vst v48;
	v48 =	vld [tilespmem:$0x1E080];
	v17 =	vadd.f32 v26, v17  }
0x24a: {  	v32 =	vld [tilespmem:$0x1DFC0];
	v19 =	vadd.f32 v43, v19  }
0x24b: {  	v55 =	vld [tilespmem:$0x1DF50];
	v17 =	vadd.f32 v33, v17  }
0x24c: {  	v38 =	vld [tilespmem:$0x1E010];
	v19 =	vadd.f32 v50, v19  }
0x24d: {  	v20 =	vadd.f32 v46, v20;
	v26 =	vld [tilespmem:$0x1DF90];
	v22 =	vadd.f32 v39, v17  }
0x24e: {  	v43 =	vld [tilespmem:$0x1E050];
	v19 =	vadd.f32 v57, v19  }
0x24f: {  	v20 =	vadd.f32 v54, v20;
	v33 =	vld [tilespmem:$0x1DFD0];
	v22 =	vadd.f32 v44, v22  }
0x250: {  	v54 =	vld [tilespmem:$0x1E0B0];
	v1 =	vadd.f32 v55, v1;
	v19 =	vadd.f32 v29, v19  }
0x251: {  	v50 =	vld [tilespmem:$0x1E090];
	v22 =	vadd.f32 v51, v22  }
0x252: {  	v39 =	vld [tilespmem:$0x59D0];
	v1 =	vadd.f32 v26, v1;
	v19 =	vadd.f32 v34, v19  }
0x253: {  	[tilespmem:$0x1E950] =	vst v27;
	v51 =	vld [tilespmem:$0x5DD0];
	v22 =	vadd.f32 v58, v22  }
0x254: {  	[tilespmem:$0x1E970] =	vst v31;
	v23 =	vadd.f32 v33, v1;
	v41 =	vadd.f32 v40, v19;
	v19 =	vld [tilespmem:$0x1E030]  }
0x255: {  	[tilespmem:$0x1E910] =	vst v56;
	v17 =	vld [tilespmem:$0x4ED0];
	v22 =	vadd.f32 v30, v22  }
0x256: {  	[tilespmem:$0x1E930] =	vst v59;
	v26 =	vld [tilespmem:$0x5CD0];
	v23 =	vadd.f32 v38, v23  }
0x257: {  	[tilespmem:$0x1E9A0] =	vst v36;
	v1 =	vld [tilespmem:$0x57D0];
	v22 =	vadd.f32 v35, v22  }
0x258: {  	[tilespmem:$0x1E9C0] =	vst v39;
	v44 =	vadd.f32 v43, v23;
	v23 =	vld [tilespmem:$0x5BD0]  }
0x259: {  	[tilespmem:$0x1EA10] =	vst v51;
	v22 =	vadd.f32 v19, v22;
	v19 =	vld [tilespmem:$0x5AD0]  }
0x25a: {  	v55 =	vld [tilespmem:$0x5ED0]  }
0x25b: {  	v20 =	vadd.f32 v25, v20;
	v56 =	vld [tilespmem:$0x1E0C0]  }
0x25c: {  	v58 =	vld [tilespmem:$0x1E0D0]  }
0x25d: {  	v20 =	vadd.f32 v32, v20;
	v32 =	vld [tilespmem:$0x1E0E0]  }
0x25e: {  	v33 =	vld [tilespmem:$0x1E0F0]  }
0x25f: {  	v34 =	vld [tilespmem:$0x1E100]  }
0x260: {  	v20 =	vadd.f32 v37, v20;
	v30 =	vadd.f32 v50, v44;
	v44 =	vld [tilespmem:$0x1E110]  }
0x261: {  	v21 =	vadd.f32 $0.0e+00, v21;
	v46 =	vadd.f32 v45, v41;
	v38 =	vld [tilespmem:$0x61D0]  }
0x262: {  	v20 =	vadd.f32 v42, v20;
	v45 =	vld [tilespmem:$0x1E120]  }
0x263: {  	v2 =	vadd.f32 v2, v21;
	v37 =	vadd.f32 v53, v46;
	v46 =	vld [tilespmem:$0x1E130]  }
0x264: {  	v20 =	vadd.f32 v48, v20;
	v48 =	vld [tilespmem:$0x1E140]  }
0x265: {  	v2 =	vadd.f32 v24, v2;
	v50 =	vld [tilespmem:$0x1E150]  }
0x266: {  	v51 =	vld [tilespmem:$0x63D0]  }
0x267: {  	v2 =	vadd.f32 v49, v2;
	v53 =	vld [tilespmem:$0x1E160]  }
0x268: {  	v31 =	vld [tilespmem:$0x1E1B0]  }
0x269: {  	v2 =	vadd.f32 v61, v2;
	v41 =	vld [tilespmem:$0x1E270]  }
0x26a: {  	v42 =	vld [tilespmem:$0x6CD0]  }
0x26b: {  	v2 =	vadd.f32 v63, v2;
	v43 =	vld [tilespmem:$0x1E280]  }
0x26c: {  	v27 =	vld [tilespmem:$0x3EF0]  }
0x26d: {  	v2 =	vadd.f32 v28, v2;
	v24 =	vld [tilespmem:$0x51E0]  }
0x26e: {  	v61 =	vld [tilespmem:$0x1E750]  }
0x26f: {  	v2 =	vadd.f32 v62, v2;
	v28 =	vld [tilespmem:$0x55E0]  }
0x270: {  	v63 =	vld [tilespmem:$0x45F0]  }
0x271: {  	v2 =	vadd.f32 v52, v2;
	v62 =	vld [tilespmem:$0x1E7A0]  }
0x272: {  	v52 =	vld [tilespmem:$0x49F0]  }
0x273: {  	v2 =	vadd.f32 v60, v2;
	v60 =	vld [tilespmem:$0x1E7E0];
	v22 =	vadd.f32 v47, v22  }
0x274: {  	v47 =	vld [tilespmem:$0x62D0]  }
0x275: {  	v22 =	vadd.f32 v54, v22;
	v54 =	vld [tilespmem:$0x1E170]  }
0x276: {  	v57 =	vadd.f32 v56, v20;
	v20 =	vld [tilespmem:$0x5FD0]  }
0x277: {  	v59 =	vadd.f32 v58, v30;
	v30 =	vld [tilespmem:$0x60D0]  }
0x278: {  	v56 =	vld [tilespmem:$0x1E180]  }
0x279: {  	[tilespmem:$0x1EAA0] =	vst v51;
	v51 =	vld [tilespmem:$0x1E2B0]  }
0x27a: {  	[tilespmem:$0x1EB70] =	vst v42;
	v42 =	vld [tilespmem:$0x72D0]  }
0x27b: {  	v22 =	vadd.f32 v33, v22;
	v33 =	vld [tilespmem:$0x1E1C0]  }
0x27c: {  	v35 =	vadd.f32 v34, v57;
	v57 =	vld [tilespmem:$0x1E190]  }
0x27d: {  	v39 =	vadd.f32 v44, v59;
	v59 =	vld [tilespmem:$0x1E1A0]  }
0x27e: {  	v37 =	vadd.f32 v32, v37;
	v34 =	vld [tilespmem:$0x1E1D0]  }
0x27f: {  	v44 =	vld [tilespmem:$0x67D0]  }
0x280: {  	v37 =	vadd.f32 v45, v37;
	v45 =	vld [tilespmem:$0x1E290]  }
0x281: {  	v22 =	vadd.f32 v46, v22;
	v46 =	vld [tilespmem:$0x6DD0]  }
0x282: {  	v40 =	vadd.f32 v48, v35;
	v35 =	vld [tilespmem:$0x1E1E0]  }
0x283: {  	v39 =	vadd.f32 v50, v39;
	v50 =	vld [tilespmem:$0x68D0]  }
0x284: {  	v48 =	vld [tilespmem:$0x1E2A0]  }
0x285: {  	[tilespmem:$0x1EA30] =	vst v55;
	v55 =	vadd.f32 v54, v22;
	v22 =	vld [tilespmem:$0x64D0]  }
0x286: {  	v54 =	vld [tilespmem:$0x6ED0]  }
0x287: {  	v37 =	vadd.f32 v53, v37;
	[tilespmem:$0x1EC30] =	vst v42;
	v42 =	vld [tilespmem:$0x78D0]  }
0x288: {  	v58 =	vadd.f32 v57, v39;
	v39 =	vld [tilespmem:$0x65D0]  }
0x289: {  	v29 =	vadd.f32 v59, v37;
	v37 =	vld [tilespmem:$0x66D0]  }
0x28a: {  	v32 =	vadd.f32 v31, v55;
	v55 =	vld [tilespmem:$0x1E1F0]  }
0x28b: {  	v57 =	vld [tilespmem:$0x1E200]  }
0x28c: {  	v40 =	vadd.f32 v56, v40;
	v59 =	vld [tilespmem:$0x69D0]  }
0x28d: {  	v31 =	vld [tilespmem:$0x1E230]  }
0x28e: {  	v40 =	vadd.f32 v33, v40;
	v33 =	vld [tilespmem:$0x1E240]  }
0x28f: {  	[tilespmem:$0x1EB90] =	vst v46;
	v46 =	vld [tilespmem:$0x73D0]  }
0x290: {  	[tilespmem:$0x1EA80] =	vst v47;
	v47 =	vadd.f32 v34, v58;
	v58 =	vld [tilespmem:$0x1E210]  }
0x291: {  	v36 =	vadd.f32 v35, v29;
	v29 =	vld [tilespmem:$0x1E220]  }
0x292: {  	v34 =	vld [tilespmem:$0x1E250]  }
0x293: {  	v35 =	vld [tilespmem:$0x6BD0]  }
0x294: {  	[tilespmem:$0x1EBB0] =	vst v54;
	v54 =	vld [tilespmem:$0x74D0]  }
0x295: {  	[tilespmem:$0x1ECF0] =	vst v42;
	v42 =	vld [tilespmem:$0x1E4E0]  }
0x296: {  	v53 =	vadd.f32 v55, v32;
	v32 =	vld [tilespmem:$0x6AD0]  }
0x297: {  	v55 =	vld [tilespmem:$0x1E2C0]  }
0x298: {  	v40 =	vadd.f32 v57, v40;
	v57 =	vld [tilespmem:$0x1E2D0]  }
0x299: {  	[tilespmem:$0x1EB10] =	vst v59;
	v59 =	vld [tilespmem:$0x1E2E0]  }
0x29a: {  	[tilespmem:$0x1EC50] =	vst v46;
	v46 =	vld [tilespmem:$0x79D0]  }
0x29b: {  	v56 =	vadd.f32 v29, v36;
	v36 =	vld [tilespmem:$0x1E260]  }
0x29c: {  	v47 =	vadd.f32 v58, v47;
	v58 =	vld [tilespmem:$0x6FD0]  }
0x29d: {  	v53 =	vadd.f32 v31, v53;
	v31 =	vld [tilespmem:$0x1E2F0]  }
0x29e: {  	v40 =	vadd.f32 v33, v40;
	v33 =	vld [tilespmem:$0x1E300]  }
0x29f: {  	[tilespmem:$0x1EB50] =	vst v35;
	v35 =	vld [tilespmem:$0x71D0]  }
0x2a0: {  	v29 =	vld [tilespmem:$0x1E470]  }
0x2a1: {  	[tilespmem:$0x1EC70] =	vst v54;
	v54 =	vld [tilespmem:$0x7AD0]  }
0x2a2: {  	v47 =	vadd.f32 v34, v47;
	v34 =	vld [tilespmem:$0x1E310]  }
0x2a3: {  	v53 =	vadd.f32 v41, v53;
	v41 =	vld [tilespmem:$0x1E330]  }
0x2a4: {  	v40 =	vadd.f32 v43, v40;
	v43 =	vld [tilespmem:$0x1E340]  }
0x2a5: {  	[tilespmem:$0x1EB30] =	vst v32;
	v32 =	vld [tilespmem:$0x70D0]  }
0x2a6: {  	v47 =	vadd.f32 v45, v47;
	v45 =	vld [tilespmem:$0x1E350]  }
0x2a7: {  	v53 =	vadd.f32 v51, v53;
	v51 =	vld [tilespmem:$0x1E370]  }
0x2a8: {  	v40 =	vadd.f32 v55, v40;
	v55 =	vld [tilespmem:$0x1E380]  }
0x2a9: {  	[tilespmem:$0x1ED10] =	vst v46;
	v46 =	vld [tilespmem:$0x1E510]  }
0x2aa: {  	v56 =	vadd.f32 v36, v56;
	v36 =	vld [tilespmem:$0x1E320]  }
0x2ab: {  	[tilespmem:$0x1EBD0] =	vst v58;
	v58 =	vld [tilespmem:$0x75D0]  }
0x2ac: {  	[tilespmem:$0x1EC10] =	vst v35;
	v35 =	vld [tilespmem:$0x77D0]  }
0x2ad: {  	v47 =	vadd.f32 v57, v47;
	v57 =	vld [tilespmem:$0x1E390]  }
0x2ae: {  	v53 =	vadd.f32 v31, v53;
	v31 =	vld [tilespmem:$0x1E3B0]  }
0x2af: {  	v40 =	vadd.f32 v33, v40;
	v33 =	vld [tilespmem:$0x1E3C0]  }
0x2b0: {  	[tilespmem:$0x1ED30] =	vst v54;
	v54 =	vld [tilespmem:$0x40E0]  }
0x2b1: {  	v56 =	vadd.f32 v48, v56;
	v48 =	vld [tilespmem:$0x1E360]  }
0x2b2: {  	[tilespmem:$0x1EBF0] =	vst v32;
	v32 =	vld [tilespmem:$0x76D0]  }
0x2b3: {  	v47 =	vadd.f32 v34, v47;
	v34 =	vld [tilespmem:$0x1E3D0]  }
0x2b4: {  	v53 =	vadd.f32 v41, v53;
	v41 =	vld [tilespmem:$0x1E3F0]  }
0x2b5: {  	v40 =	vadd.f32 v43, v40;
	v43 =	vld [tilespmem:$0x1E400]  }
0x2b6: {  	v56 =	vadd.f32 v59, v56;
	v59 =	vld [tilespmem:$0x1E3A0]  }
0x2b7: {  	v47 =	vadd.f32 v45, v47;
	v45 =	vld [tilespmem:$0x1E410]  }
0x2b8: {  	v53 =	vadd.f32 v51, v53;
	v51 =	vld [tilespmem:$0x1E430]  }
0x2b9: {  	v40 =	vadd.f32 v55, v40;
	v55 =	vld [tilespmem:$0x1E440]  }
0x2ba: {  	[tilespmem:$0x1EC90] =	vst v58;
	v58 =	vld [tilespmem:$0x7BD0]  }
0x2bb: {  	[tilespmem:$0x1ECD0] =	vst v35;
	v35 =	vld [tilespmem:$0x1E4B0]  }
0x2bc: {  	v56 =	vadd.f32 v36, v56;
	v36 =	vld [tilespmem:$0x1E3E0]  }
0x2bd: {  	v47 =	vadd.f32 v57, v47;
	v57 =	vld [tilespmem:$0x1E450]  }
0x2be: {  	v53 =	vadd.f32 v31, v53;
	v31 =	vld [tilespmem:$0x7CD0]  }
0x2bf: {  	v40 =	vadd.f32 v33, v40;
	v33 =	vld [tilespmem:$0x1E490]  }
0x2c0: {  	v56 =	vadd.f32 v48, v56;
	v48 =	vld [tilespmem:$0x1E420]  }
0x2c1: {  	[tilespmem:$0x1ECB0] =	vst v32;
	v32 =	vld [tilespmem:$0x1E480]  }
0x2c2: {  	v47 =	vadd.f32 v34, v47;
	v34 =	vld [tilespmem:$0x1E4A0]  }
0x2c3: {  	v53 =	vadd.f32 v41, v53;
	v41 =	vld [tilespmem:$0x1E4D0]  }
0x2c4: {  	v40 =	vadd.f32 v43, v40;
	v43 =	vld [tilespmem:$0x1E4F0]  }
0x2c5: {  	v56 =	vadd.f32 v59, v56;
	v59 =	vld [tilespmem:$0x1E460]  }
0x2c6: {  	[tilespmem:$0x1ED60] =	vst v58;
	v58 =	vld [tilespmem:$0x3FE0]  }
0x2c7: {  	v47 =	vadd.f32 v45, v47;
	v56 =	vadd.f32 v36, v56;
	v36 =	vld [tilespmem:$0x1E4C0]  }
0x2c8: {  	v53 =	vadd.f32 v51, v53;
	v40 =	vadd.f32 v55, v40;
	v45 =	vld [tilespmem:$0x1E500]  }
0x2c9: {  	v51 =	vld [tilespmem:$0x1E530];
	v47 =	vadd.f32 v57, v47;
	v56 =	vadd.f32 v48, v56  }
0x2ca: {  	[tilespmem:$0x1EDA0] =	vst v31;
	v31 =	vld [tilespmem:$0x1E550];
	v53 =	vadd.f32 v29, v53;
	v40 =	vadd.f32 v32, v40  }
0x2cb: {  	v29 =	vld [tilespmem:$0x1E540];
	v47 =	vadd.f32 v33, v47;
	v56 =	vadd.f32 v59, v56  }
0x2cc: {  	v48 =	vld [tilespmem:$0x1E520];
	v40 =	vadd.f32 v36, v40  }
0x2cd: {  	v32 =	vld [tilespmem:$0x1E560];
	v47 =	vadd.f32 v41, v47;
	v56 =	vadd.f32 v34, v56  }
0x2ce: {  	v53 =	vadd.f32 v35, v53;
	v35 =	vld [tilespmem:$0x1E590];
	v40 =	vadd.f32 v45, v40  }
0x2cf: {  	v33 =	vld [tilespmem:$0x1E570];
	v47 =	vadd.f32 v46, v47;
	v56 =	vadd.f32 v42, v56  }
0x2d0: {  	v53 =	vadd.f32 v43, v53;
	v40 =	vadd.f32 v29, v40;
	v29 =	vld [tilespmem:$0x1E5D0]  }
0x2d1: {  	v41 =	vld [tilespmem:$0x1E5B0];
	v47 =	vadd.f32 v31, v47;
	v56 =	vadd.f32 v48, v56  }
0x2d2: {  	v34 =	vld [tilespmem:$0x1E580];
	v53 =	vadd.f32 v51, v53  }
0x2d3: {  	v47 =	vadd.f32 v35, v47;
	v56 =	vadd.f32 v32, v56;
	v32 =	vld [tilespmem:$0x1E5F0]  }
0x2d4: {  	v42 =	vld [tilespmem:$0x1E5C0];
	v53 =	vadd.f32 v33, v53  }
0x2d5: {  	v47 =	vadd.f32 v29, v47;
	v29 =	vld [tilespmem:$0x1E630]  }
0x2d6: {  	v36 =	vld [tilespmem:$0x1E5A0];
	v53 =	vadd.f32 v41, v53  }
0x2d7: {  	v33 =	vld [tilespmem:$0x1E600]  }
0x2d8: {  	v31 =	vld [tilespmem:$0x1E5E0];
	v40 =	vadd.f32 v34, v40;
	v53 =	vadd.f32 v32, v53  }
0x2d9: {  	v55 =	vld [tilespmem:$0x41E0]  }
0x2da: {  	v40 =	vadd.f32 v42, v40;
	v53 =	vadd.f32 v29, v53;
	v29 =	vld [tilespmem:$0x1E670]  }
0x2db: {  	v35 =	vld [tilespmem:$0x1E620];
	v56 =	vadd.f32 v36, v56  }
0x2dc: {  	v40 =	vadd.f32 v33, v40;
	v33 =	vld [tilespmem:$0x1E660]  }
0x2dd: {  	v56 =	vadd.f32 v31, v56;
	v31 =	vld [tilespmem:$0x1E640]  }
0x2de: {  	v57 =	vld [tilespmem:$0x3EE0]  }
0x2df: {  	v53 =	vadd.f32 v29, v53;
	v29 =	vld [tilespmem:$0x1E6A0]  }
0x2e0: {  	v59 =	vld [tilespmem:$0x3DE0];
	v56 =	vadd.f32 v35, v56  }
0x2e1: {  	v43 =	vld [tilespmem:$0x46E0]  }
0x2e2: {  	v56 =	vadd.f32 v33, v56;
	v40 =	vadd.f32 v31, v40;
	v31 =	vld [tilespmem:$0x1E680]  }
0x2e3: {  	v34 =	vld [tilespmem:$0x1E610]  }
0x2e4: {  	v56 =	vadd.f32 v29, v56;
	v29 =	vld [tilespmem:$0x1E6C0]  }
0x2e5: {  	v32 =	vld [tilespmem:$0x1E650]  }
0x2e6: {  	v51 =	vld [tilespmem:$0x42E0]  }
0x2e7: {  	v40 =	vadd.f32 v31, v40;
	v31 =	vld [tilespmem:$0x1E6B0]  }
0x2e8: {  	v45 =	vld [tilespmem:$0x44E0];
	v47 =	vadd.f32 v34, v47  }
0x2e9: {  	v25 =	vadd.f32 v29, v40;
	v40 =	vld [tilespmem:$0x1E6E0]  }
0x2ea: {  	v47 =	vadd.f32 v32, v47;
	v32 =	vld [tilespmem:$0x1E690]  }
0x2eb: {  	v46 =	vld [tilespmem:$0x45E0]  }
0x2ec: {  	v53 =	vadd.f32 v31, v53;
	v29 =	vld [tilespmem:$0x1E6D0]  }
0x2ed: {  	v48 =	vld [tilespmem:$0x43E0]  }
0x2ee: {  	v59 =	vadd.f32 $0.0e+00, v59;
	[tilespmem:$0x1ED50] =	vst v25;
	v25 =	vadd.f32 v40, v53;
	v40 =	vld [tilespmem:$0x1E700]  }
0x2ef: {  	v41 =	vld [tilespmem:$0x48E0];
	v47 =	vadd.f32 v32, v47  }
0x2f0: {  	v57 =	vadd.f32 v57, v59;
	v59 =	vld [tilespmem:$0x40F0]  }
0x2f1: {  	v47 =	vadd.f32 v29, v47;
	v53 =	vld [tilespmem:$0x1E6F0]  }
0x2f2: {  	v42 =	vld [tilespmem:$0x47E0]  }
0x2f3: {  	[tilespmem:$0x1ED70] =	vst v25;
	v25 =	vadd.f32 v40, v47;
	v40 =	vld [tilespmem:$0x1E710]  }
0x2f4: {  	v36 =	vld [tilespmem:$0x49E0]  }
0x2f5: {  	v34 =	vld [tilespmem:$0x4BE0]  }
0x2f6: {  	v31 =	vld [tilespmem:$0x3DF0];
	v53 =	vadd.f32 $0.0e+00, v53  }
0x2f7: {  	v35 =	vld [tilespmem:$0x4AE0]  }
0x2f8: {  	v53 =	vadd.f32 v40, v53;
	v40 =	vld [tilespmem:$0x1E720]  }
0x2f9: {  	v33 =	vld [tilespmem:$0x4CE0]  }
0x2fa: {  	[tilespmem:$0x1ED90] =	vst v25;
	v25 =	vld [tilespmem:$0x3FF0]  }
0x2fb: {  	v32 =	vld [tilespmem:$0x4DE0];
	v21 =	vadd.f32 $0.0e+00, v31  }
0x2fc: {  	v31 =	vld [tilespmem:$0x50E0]  }
0x2fd: {  	v21 =	vadd.f32 v27, v21;
	v53 =	vadd.f32 v40, v53;
	v40 =	vld [tilespmem:$0x1E730]  }
0x2fe: {  	v29 =	vld [tilespmem:$0x4EE0]  }
0x2ff: {  	v47 =	vld [tilespmem:$0x4FE0];
	v21 =	vadd.f32 v25, v21  }
0x300: {  	v25 =	vld [tilespmem:$0x52E0]  }
0x301: {  	v21 =	vadd.f32 v59, v21;
	v59 =	vld [tilespmem:$0x44F0]  }
0x302: {  	v27 =	vadd.f32 v40, v53;
	v40 =	vadd.f32 v58, v57;
	v57 =	vld [tilespmem:$0x41F0]  }
0x303: {  	v58 =	vld [tilespmem:$0x1E740]  }
0x304: {  	v53 =	vld [tilespmem:$0x42F0];
	v40 =	vadd.f32 v54, v40  }
0x305: {  	v54 =	vld [tilespmem:$0x53E0]  }
0x306: {  	v49 =	vadd.f32 v55, v40;
	v55 =	vld [tilespmem:$0x43F0]  }
0x307: {  	v40 =	vld [tilespmem:$0x1E760]  }
0x308: {  	v21 =	vadd.f32 v57, v21;
	v57 =	vld [tilespmem:$0x54E0]  }
0x309: {  	v27 =	vadd.f32 v58, v27;
	v58 =	vld [tilespmem:$0x46F0]  }
0x30a: {  	v49 =	vadd.f32 v51, v49;
	v51 =	vld [tilespmem:$0x57E0]  }
0x30b: {  	v27 =	vadd.f32 v61, v27;
	v61 =	vld [tilespmem:$0x1E770]  }
0x30c: {  	v21 =	vadd.f32 v53, v21;
	v53 =	vld [tilespmem:$0x56E0]  }
0x30d: {  	v48 =	vadd.f32 v48, v49;
	v49 =	vld [tilespmem:$0x58E0]  }
0x30e: {  	v27 =	vadd.f32 v40, v27;
	v40 =	vld [tilespmem:$0x1E780]  }
0x30f: {  	v21 =	vadd.f32 v55, v21;
	v55 =	vld [tilespmem:$0x1E7C0]  }
0x310: {  	v45 =	vadd.f32 v45, v48;
	v48 =	vld [tilespmem:$0x4FF0]  }
0x311: {  	v21 =	vadd.f32 v59, v21;
	v59 =	vld [tilespmem:$0x1E790]  }
0x312: {  	v27 =	vadd.f32 v61, v27;
	v61 =	vld [tilespmem:$0x47F0]  }
0x313: {  	v45 =	vadd.f32 v46, v45;
	v46 =	vld [tilespmem:$0x5AE0]  }
0x314: {  	v21 =	vadd.f32 v63, v21;
	v63 =	vld [tilespmem:$0x48F0]  }
0x315: {  	v2 =	vadd.f32 v18, v2;
	v27 =	vadd.f32 v40, v27;
	v40 =	vld [tilespmem:$0x1E7B0]  }
0x316: {  	v43 =	vadd.f32 v43, v45;
	v45 =	vld [tilespmem:$0x5BE0]  }
0x317: {  	v2 =	vadd.f32 v55, v2;
	v55 =	vld [tilespmem:$0x1E820]  }
0x318: {  	v18 =	vadd.f32 v58, v21;
	v21 =	vld [tilespmem:$0x59E0]  }
0x319: {  	v58 =	vld [tilespmem:$0x1E7D0]  }
0x31a: {  	v27 =	vadd.f32 v59, v27;
	v59 =	vld [tilespmem:$0x4AF0]  }
0x31b: {  	v42 =	vadd.f32 v42, v43;
	v43 =	vld [tilespmem:$0x5CE0]  }
0x31c: {  	v2 =	vadd.f32 v60, v2;
	v60 =	vld [tilespmem:$0x1E840]  }
0x31d: {  	v18 =	vadd.f32 v61, v18;
	v61 =	vld [tilespmem:$0x1E7F0]  }
0x31e: {  	v27 =	vadd.f32 v62, v27;
	v62 =	vld [tilespmem:$0x4BF0]  }
0x31f: {  	v41 =	vadd.f32 v41, v42;
	v42 =	vld [tilespmem:$0x5DE0]  }
0x320: {  	v18 =	vadd.f32 v63, v18;
	v63 =	vld [tilespmem:$0x1E800]  }
0x321: {  	v27 =	vadd.f32 v40, v27;
	v40 =	vld [tilespmem:$0x1E810]  }
0x322: {  	v36 =	vadd.f32 v36, v41;
	v41 =	vld [tilespmem:$0x5EE0]  }
0x323: {  	v18 =	vadd.f32 v52, v18;
	v52 =	vld [tilespmem:$0x4CF0]  }
0x324: {  	v27 =	vadd.f32 v58, v27;
	v58 =	vld [tilespmem:$0x1E830]  }
0x325: {  	v35 =	vadd.f32 v35, v36;
	v36 =	vld [tilespmem:$0x5FE0]  }
0x326: {  	v18 =	vadd.f32 v59, v18;
	v59 =	vld [tilespmem:$0x4DF0]  }
0x327: {  	v27 =	vadd.f32 v61, v27;
	v61 =	vld [tilespmem:$0x1E850]  }
0x328: {  	v2 =	vadd.f32 v63, v2;
	v63 =	vld [tilespmem:$0x1E860]  }
0x329: {  	v34 =	vadd.f32 v34, v35;
	v35 =	vld [tilespmem:$0x64E0]  }
0x32a: {  	v18 =	vadd.f32 v62, v18;
	v62 =	vld [tilespmem:$0x4EF0]  }
0x32b: {  	v27 =	vadd.f32 v40, v27;
	v40 =	vld [tilespmem:$0x1E870]  }
0x32c: {  	v2 =	vadd.f32 v55, v2;
	v55 =	vld [tilespmem:$0x50F0]  }
0x32d: {  	v33 =	vadd.f32 v33, v34;
	v34 =	vld [tilespmem:$0x61E0]  }
0x32e: {  	v18 =	vadd.f32 v52, v18;
	v52 =	vld [tilespmem:$0x1E880]  }
0x32f: {  	v27 =	vadd.f32 v58, v27;
	v58 =	vld [tilespmem:$0x1E890]  }
0x330: {  	v2 =	vadd.f32 v60, v2;
	v60 =	vld [tilespmem:$0x51F0]  }
0x331: {  	v32 =	vadd.f32 v32, v33;
	v33 =	vld [tilespmem:$0x62E0]  }
0x332: {  	v27 =	vadd.f32 v61, v27;
	v61 =	vld [tilespmem:$0x1E8B0]  }
0x333: {  	v2 =	vadd.f32 v63, v2;
	v63 =	vld [tilespmem:$0x52F0]  }
0x334: {  	v29 =	vadd.f32 v29, v32;
	v32 =	vld [tilespmem:$0x63E0]  }
0x335: {  	v2 =	vadd.f32 v17, v2;
	v17 =	vadd.f32 v59, v18;
	v18 =	vld [tilespmem:$0x60E0]  }
0x336: {  	v59 =	vld [tilespmem:$0x1E8A0]  }
0x337: {  	v29 =	vadd.f32 v47, v29;
	v47 =	vld [tilespmem:$0x68E0]  }
0x338: {  	v27 =	vadd.f32 v40, v27;
	v40 =	vld [tilespmem:$0x1E9E0]  }
0x339: {  	v17 =	vadd.f32 v62, v17;
	v62 =	vld [tilespmem:$0x1E8C0]  }
0x33a: {  	v27 =	vadd.f32 v52, v27;
	v52 =	vld [tilespmem:$0x1E8E0]  }
0x33b: {  	v2 =	vadd.f32 v58, v2;
	v58 =	vld [tilespmem:$0x1E8F0]  }
0x33c: {  	v29 =	vadd.f32 v31, v29;
	v31 =	vld [tilespmem:$0x65E0]  }
0x33d: {  	v17 =	vadd.f32 v48, v17;
	v48 =	vld [tilespmem:$0x1E8D0]  }
0x33e: {  	v2 =	vadd.f32 v61, v2;
	v61 =	vld [tilespmem:$0x1E910]  }
0x33f: {  	v24 =	vadd.f32 v24, v29;
	v29 =	vld [tilespmem:$0x66E0]  }
0x340: {  	v27 =	vadd.f32 v59, v27;
	v59 =	vld [tilespmem:$0x1E900]  }
0x341: {  	v17 =	vadd.f32 v55, v17;
	v55 =	vld [tilespmem:$0x53F0]  }
0x342: {  	v24 =	vadd.f32 v25, v24;
	v25 =	vld [tilespmem:$0x67E0]  }
0x343: {  	v27 =	vadd.f32 v62, v27;
	v62 =	vld [tilespmem:$0x1E920]  }
0x344: {  	v17 =	vadd.f32 v60, v17;
	v60 =	vld [tilespmem:$0x54F0]  }
0x345: {  	v24 =	vadd.f32 v54, v24;
	v54 =	vld [tilespmem:$0x1E930]  }
0x346: {  	v27 =	vadd.f32 v52, v27;
	v52 =	vld [tilespmem:$0x5CF0]  }
0x347: {  	v2 =	vadd.f32 v48, v2;
	v48 =	vld [tilespmem:$0x1EA60]  }
0x348: {  	v17 =	vadd.f32 v63, v17;
	v63 =	vld [tilespmem:$0x55F0]  }
0x349: {  	v24 =	vadd.f32 v57, v24;
	v57 =	vld [tilespmem:$0x56F0]  }
0x34a: {  	v2 =	vadd.f32 v58, v2;
	v58 =	vld [tilespmem:$0x1E950]  }
0x34b: {  	v27 =	vadd.f32 v59, v27;
	v59 =	vld [tilespmem:$0x1E960]  }
0x34c: {  	v17 =	vadd.f32 v55, v17;
	v55 =	vld [tilespmem:$0x1E940]  }
0x34d: {  	v24 =	vadd.f32 v28, v24;
	v28 =	vld [tilespmem:$0x6AE0]  }
0x34e: {  	v2 =	vadd.f32 v61, v2;
	v61 =	vld [tilespmem:$0x1E970]  }
0x34f: {  	v27 =	vadd.f32 v62, v27;
	v62 =	vld [tilespmem:$0x1E980]  }
0x350: {  	v17 =	vadd.f32 v60, v17;
	v60 =	vld [tilespmem:$0x57F0]  }
0x351: {  	v24 =	vadd.f32 v53, v24;
	v53 =	vld [tilespmem:$0x1E9F0]  }
0x352: {  	v2 =	vadd.f32 v54, v2;
	v54 =	vld [tilespmem:$0x5DF0]  }
0x353: {  	v17 =	vadd.f32 v63, v17;
	v63 =	vld [tilespmem:$0x58F0]  }
0x354: {  	v24 =	vadd.f32 v51, v24;
	v51 =	vld [tilespmem:$0x6BE0]  }
0x355: {  	v27 =	vadd.f32 v55, v27;
	v55 =	vld [tilespmem:$0x1E990]  }
0x356: {  	v2 =	vadd.f32 v58, v2;
	v58 =	vld [tilespmem:$0x1E9A0]  }
0x357: {  	v24 =	vadd.f32 v49, v24;
	v49 =	vld [tilespmem:$0x62F0]  }
0x358: {  	v27 =	vadd.f32 v59, v27;
	v59 =	vld [tilespmem:$0x1E9B0]  }
0x359: {  	v2 =	vadd.f32 v61, v2;
	v61 =	vld [tilespmem:$0x1E9C0]  }
0x35a: {  	v21 =	vadd.f32 v21, v24;
	v24 =	vld [tilespmem:$0x6EE0]  }
0x35b: {  	v1 =	vadd.f32 v1, v2;
	v2 =	vadd.f32 v57, v17;
	v17 =	vld [tilespmem:$0x69E0]  }
0x35c: {  	v57 =	vld [tilespmem:$0x59F0]  }
0x35d: {  	v27 =	vadd.f32 v62, v27;
	v62 =	vld [tilespmem:$0x1E9D0]  }
0x35e: {  	v21 =	vadd.f32 v46, v21;
	v46 =	vld [tilespmem:$0x61F0]  }
0x35f: {  	v2 =	vadd.f32 v60, v2;
	v60 =	vld [tilespmem:$0x5AF0]  }
0x360: {  	v27 =	vadd.f32 v55, v27;
	v55 =	vld [tilespmem:$0x1EA00]  }
0x361: {  	v1 =	vadd.f32 v58, v1;
	v58 =	vld [tilespmem:$0x1EA10]  }
0x362: {  	v21 =	vadd.f32 v45, v21;
	v45 =	vld [tilespmem:$0x70E0]  }
0x363: {  	v2 =	vadd.f32 v63, v2;
	v63 =	vld [tilespmem:$0x5BF0]  }
0x364: {  	v27 =	vadd.f32 v59, v27;
	v59 =	vld [tilespmem:$0x1EA20]  }
0x365: {  	v1 =	vadd.f32 v61, v1;
	v61 =	vld [tilespmem:$0x1EA30]  }
0x366: {  	v21 =	vadd.f32 v43, v21;
	v43 =	vld [tilespmem:$0x6FE0]  }
0x367: {  	v1 =	vadd.f32 v19, v1;
	v19 =	vld [tilespmem:$0x6CE0]  }
0x368: {  	v2 =	vadd.f32 v57, v2;
	v57 =	vld [tilespmem:$0x5EF0]  }
0x369: {  	v27 =	vadd.f32 v62, v27;
	v62 =	vld [tilespmem:$0x1EA40]  }
0x36a: {  	v21 =	vadd.f32 v42, v21;
	v42 =	vld [tilespmem:$0x69F0]  }
0x36b: {  	v1 =	vadd.f32 v23, v1;
	v23 =	vld [tilespmem:$0x6DE0]  }
0x36c: {  	v2 =	vadd.f32 v60, v2;
	v60 =	vld [tilespmem:$0x5FF0]  }
0x36d: {  	v27 =	vadd.f32 v40, v27;
	v40 =	vld [tilespmem:$0x1EA50]  }
0x36e: {  	v21 =	vadd.f32 v41, v21;
	v41 =	vld [tilespmem:$0x1EAF0]  }
0x36f: {  	v2 =	vadd.f32 v63, v2;
	v63 =	vld [tilespmem:$0x60F0]  }
0x370: {  	v27 =	vadd.f32 v53, v27;
	v53 =	vld [tilespmem:$0x63F0]  }
0x371: {  	v21 =	vadd.f32 v36, v21;
	v36 =	vld [tilespmem:$0x73E0]  }
0x372: {  	v2 =	vadd.f32 v52, v2;
	v52 =	vld [tilespmem:$0x1EA70]  }
0x373: {  	v1 =	vadd.f32 v26, v1;
	v26 =	vadd.f32 v55, v27;
	v27 =	vld [tilespmem:$0x74E0]  }
0x374: {  	v55 =	vld [tilespmem:$0x1EA90]  }
0x375: {  	v1 =	vadd.f32 v58, v1;
	v58 =	vld [tilespmem:$0x1EAA0]  }
0x376: {  	v18 =	vadd.f32 v18, v21;
	v21 =	vld [tilespmem:$0x75E0]  }
0x377: {  	v2 =	vadd.f32 v54, v2;
	v54 =	vld [tilespmem:$0x1EA80]  }
0x378: {  	v26 =	vadd.f32 v59, v26;
	v1 =	vadd.f32 v61, v1;
	v59 =	vld [tilespmem:$0x1EAB0]  }
0x379: {  	v61 =	vld [tilespmem:$0x1EAC0];
	v2 =	vadd.f32 v57, v2  }
0x37a: {  	v1 =	vadd.f32 v20, v1;
	v20 =	vld [tilespmem:$0x71E0]  }
0x37b: {  	v57 =	vld [tilespmem:$0x64F0];
	v2 =	vadd.f32 v60, v2  }
0x37c: {  	v26 =	vadd.f32 v62, v26;
	v62 =	vld [tilespmem:$0x66F0]  }
0x37d: {  	v1 =	vadd.f32 v30, v1;
	v30 =	vld [tilespmem:$0x72E0];
	v2 =	vadd.f32 v63, v2  }
0x37e: {  	v18 =	vadd.f32 v34, v18;
	v60 =	vld [tilespmem:$0x65F0]  }
0x37f: {  	v26 =	vadd.f32 v40, v26;
	v40 =	vld [tilespmem:$0x68F0];
	v2 =	vadd.f32 v46, v2  }
0x380: {  	v18 =	vadd.f32 v33, v18;
	v63 =	vld [tilespmem:$0x1EAD0]  }
0x381: {  	v1 =	vadd.f32 v38, v1;
	v38 =	vld [tilespmem:$0x67F0];
	v2 =	vadd.f32 v49, v2  }
0x382: {  	v18 =	vadd.f32 v32, v18;
	v26 =	vadd.f32 v48, v26;
	v48 =	vld [tilespmem:$0x1EB20]  }
0x383: {  	v46 =	vld [tilespmem:$0x6AF0];
	v2 =	vadd.f32 v53, v2  }
0x384: {  	v18 =	vadd.f32 v35, v18;
	v26 =	vadd.f32 v52, v26;
	v52 =	vld [tilespmem:$0x6CF0]  }
0x385: {  	v1 =	vadd.f32 v54, v1;
	v54 =	vld [tilespmem:$0x6DF0];
	v2 =	vadd.f32 v57, v2  }
0x386: {  	v18 =	vadd.f32 v31, v18;
	v26 =	vadd.f32 v55, v26;
	v49 =	vld [tilespmem:$0x1EB30]  }
0x387: {  	v1 =	vadd.f32 v58, v1;
	v55 =	vld [tilespmem:$0x1EB60];
	v2 =	vadd.f32 v60, v2  }
0x388: {  	v58 =	vld [tilespmem:$0x1EB70];
	v18 =	vadd.f32 v29, v18  }
0x389: {  	v1 =	vadd.f32 v22, v1;
	v53 =	vld [tilespmem:$0x1EB50];
	v2 =	vadd.f32 v62, v2  }
0x38a: {  	v26 =	vadd.f32 v59, v26;
	v59 =	vld [tilespmem:$0x1EB80];
	v18 =	vadd.f32 v25, v18  }
0x38b: {  	v1 =	vadd.f32 v39, v1;
	v39 =	vld [tilespmem:$0x1EAE0];
	v2 =	vadd.f32 v38, v2  }
0x38c: {  	v57 =	vld [tilespmem:$0x6EF0];
	v18 =	vadd.f32 v47, v18  }
0x38d: {  	v26 =	vadd.f32 v61, v26;
	v61 =	vld [tilespmem:$0x71F0];
	v2 =	vadd.f32 v40, v2  }
0x38e: {  	v1 =	vadd.f32 v37, v1;
	v17 =	vadd.f32 v17, v18;
	v18 =	vld [tilespmem:$0x6BF0]  }
0x38f: {  	v47 =	vld [tilespmem:$0x1EB10];
	v26 =	vadd.f32 v63, v26;
	v2 =	vadd.f32 v42, v2  }
0x390: {  	v1 =	vadd.f32 v44, v1;
	v44 =	vld [tilespmem:$0x1EB00]  }
0x391: {  	v60 =	vld [tilespmem:$0x1EB90];
	v26 =	vadd.f32 v39, v26;
	v2 =	vadd.f32 v46, v2  }
0x392: {  	v63 =	vld [tilespmem:$0x72F0]  }
0x393: {  	v62 =	vld [tilespmem:$0x1EBA0];
	v26 =	vadd.f32 v41, v26;
	v2 =	vadd.f32 v18, v2  }
0x394: {  	v17 =	vadd.f32 v28, v17;
	v1 =	vadd.f32 v50, v1;
	v50 =	vld [tilespmem:$0x1EB40]  }
0x395: {  	v39 =	vld [tilespmem:$0x78F0];
	v26 =	vadd.f32 v44, v26;
	v2 =	vadd.f32 v52, v2  }
0x396: {  	v17 =	vadd.f32 v51, v17;
	v18 =	vld [tilespmem:$0x6FF0]  }
0x397: {  	v51 =	vld [tilespmem:$0x1EBE0];
	v26 =	vadd.f32 v48, v26;
	v2 =	vadd.f32 v54, v2  }
0x398: {  	v17 =	vadd.f32 v19, v17;
	v19 =	vld [tilespmem:$0x70F0]  }
0x399: {  	v41 =	vld [tilespmem:$0x1EC80];
	v26 =	vadd.f32 v50, v26;
	v2 =	vadd.f32 v57, v2  }
0x39a: {  	v1 =	vadd.f32 v47, v1;
	v47 =	vld [tilespmem:$0x1EBC0]  }
0x39b: {  	v44 =	vld [tilespmem:$0x1EBB0];
	v26 =	vadd.f32 v55, v26;
	v2 =	vadd.f32 v18, v2  }
0x39c: {  	v1 =	vadd.f32 v49, v1;
	v49 =	vld [tilespmem:$0x1EBD0]  }
0x39d: {  	v48 =	vld [tilespmem:$0x74F0];
	v26 =	vadd.f32 v59, v26;
	v2 =	vadd.f32 v19, v2  }
0x39e: {  	v1 =	vadd.f32 v53, v1;
	v46 =	vld [tilespmem:$0x73F0]  }
0x39f: {  	v53 =	vld [tilespmem:$0x1EBF0];
	v26 =	vadd.f32 v62, v26;
	v2 =	vadd.f32 v61, v2  }
0x3a0: {  	v17 =	vadd.f32 v23, v17;
	v54 =	vld [tilespmem:$0x1EC00]  }
0x3a1: {  	v50 =	vld [tilespmem:$0x75F0];
	v26 =	vadd.f32 v47, v26;
	v2 =	vadd.f32 v63, v2  }
0x3a2: {  	v17 =	vadd.f32 v24, v17;
	v57 =	vld [tilespmem:$0x1EC20]  }
0x3a3: {  	v52 =	vld [tilespmem:$0x76F0];
	v26 =	vadd.f32 v51, v26;
	v2 =	vadd.f32 v46, v2  }
0x3a4: {  	v1 =	vadd.f32 v58, v1;
	v17 =	vadd.f32 v43, v17;
	v59 =	vld [tilespmem:$0x1EC40]  }
0x3a5: {  	v62 =	vld [tilespmem:$0x1EC60];
	v26 =	vadd.f32 v54, v26;
	v2 =	vadd.f32 v48, v2  }
0x3a6: {  	v1 =	vadd.f32 v60, v1;
	v17 =	vadd.f32 v45, v17;
	v18 =	vld [tilespmem:$0x77F0]  }
0x3a7: {  	v58 =	vld [tilespmem:$0x1EC30];
	v26 =	vadd.f32 v57, v26;
	v2 =	vadd.f32 v50, v2  }
0x3a8: {  	v55 =	vld [tilespmem:$0x1EC10];
	v1 =	vadd.f32 v44, v1;
	v17 =	vadd.f32 v20, v17  }
0x3a9: {  	v45 =	vld [tilespmem:$0x1ECA0];
	v26 =	vadd.f32 v59, v26;
	v2 =	vadd.f32 v52, v2  }
0x3aa: {  	v1 =	vadd.f32 v49, v1;
	v17 =	vadd.f32 v30, v17;
	v19 =	vld [tilespmem:$0x79F0]  }
0x3ab: {  	v23 =	vadd.f32 v62, v26;
	v2 =	vadd.f32 v18, v2;
	v18 =	vld [tilespmem:$0x4800]  }
0x3ac: {  	v49 =	vld [tilespmem:$0x1ECC0];
	v1 =	vadd.f32 v53, v1;
	v17 =	vadd.f32 v36, v17  }
0x3ad: {  	v60 =	vld [tilespmem:$0x1EC50];
	v23 =	vadd.f32 v41, v23;
	v2 =	vadd.f32 v39, v2  }
0x3ae: {  	v53 =	vld [tilespmem:$0x1ECE0];
	v1 =	vadd.f32 v55, v1;
	v17 =	vadd.f32 v27, v17  }
0x3af: {  	v23 =	vadd.f32 v45, v23;
	v2 =	vadd.f32 v19, v2;
	v19 =	vld [tilespmem:$0x4C00]  }
0x3b0: {  	v1 =	vadd.f32 v58, v1;
	[tilespmem:$0x1EE90] =	vst v18;
	v18 =	vld [tilespmem:$0x1ED00]  }
0x3b1: {  	v17 =	vadd.f32 v21, v17;
	v21 =	vadd.f32 v49, v23  }
0x3b2: {  	v1 =	vadd.f32 v60, v1;
	v60 =	vld [tilespmem:$0x1ED20]  }
0x3b3: {  	v21 =	vadd.f32 v53, v21  }
0x3b4: {  	[tilespmem:$0x1EF10] =	vst v19;
	v19 =	vld [tilespmem:$0x1ED40]  }
0x3b5: {  	v36 =	vld [tilespmem:$0x1EC70];
	v18 =	vadd.f32 v18, v21;
	_ =	sdelay $0x1  }
0x3b6: {  	v43 =	vld [tilespmem:$0x1EC90];
	v18 =	vadd.f32 v60, v18  }
0x3b7: {  	v47 =	vld [tilespmem:$0x1ECB0]  }
0x3b8: {  	v18 =	vadd.f32 v19, v18;
	v19 =	vld [tilespmem:$0x4D00]  }
0x3b9: {  	v1 =	vadd.f32 v36, v1  }
0x3ba: {  	v51 =	vld [tilespmem:$0x1ECD0]  }
0x3bb: {  	v1 =	vadd.f32 v43, v1  }
0x3bc: {  	v55 =	vld [tilespmem:$0x1ECF0]  }
0x3bd: {  	v1 =	vadd.f32 v47, v1;
	[tilespmem:$0x1EF30] =	vst v19;
	v19 =	vld [tilespmem:$0x1ED50]  }
0x3be: {  	v58 =	vld [tilespmem:$0x1ED10]  }
0x3bf: {  	v1 =	vadd.f32 v51, v1  }
0x3c0: {  	v62 =	vld [tilespmem:$0x1ED30]  }
0x3c1: {  	v1 =	vadd.f32 v55, v1  }
0x3c2: {  	[tilespmem:$0x7D90] =	vst v19;
	v19 =	vld [tilespmem:$0x1ED60]  }
0x3c3: {  	v1 =	vadd.f32 v58, v1;
	_ =	sdelay $0x1  }
0x3c4: {  	v1 =	vadd.f32 v62, v1;
	_ =	sdelay $0x1  }
0x3c5: {  	v1 =	vadd.f32 v19, v1;
	v19 =	vld [tilespmem:$0x4E00];
	_ =	sdelay $0x4  }
0x3c6: {  	[tilespmem:$0x1EF50] =	vst v19;
	v19 =	vld [tilespmem:$0x1ED70];
	_ =	sdelay $0x4  }
0x3c7: {  	[tilespmem:$0x7DA0] =	vst v19;
	v19 =	vld [tilespmem:$0x1ED80];
	_ =	sdelay $0x4  }
0x3c8: {  	v18 =	vadd.f32 v19, v18;
	v19 =	vld [tilespmem:$0x4F00];
	_ =	sdelay $0x4  }
0x3c9: {  	[tilespmem:$0x1EF70] =	vst v19;
	v19 =	vld [tilespmem:$0x1ED90];
	_ =	sdelay $0x2  }
0x3ca: {  	v20 =	vld [tilespmem:$0x7AF0]  }
0x3cb: {  	v28 =	vld [tilespmem:$0x7BF0]  }
0x3cc: {  	[tilespmem:$0x7DB0] =	vst v19;
	v19 =	vld [tilespmem:$0x1EDA0];
	_ =	sdelay $0x1  }
0x3cd: {  	v30 =	vld [tilespmem:$0x7CF0]  }
0x3ce: {  	v2 =	vadd.f32 v20, v2;
	_ =	sdelay $0x1  }
0x3cf: {  	v2 =	vadd.f32 v28, v2;
	v1 =	vadd.f32 v19, v1;
	_ =	sdelay $0x1  }
0x3d0: {  	[tilespmem:$0x7DD0] =	vst v1;
	v1 =	vadd.f32 v30, v2;
	_ =	sdelay $0x1  }
0x3d1: {  	[tilespmem:$0x7DF0] =	vst v1;
	v1 =	vld [tilespmem:$0x5400];
	_ =	sdelay $0x4  }
0x3d2: {  	[tilespmem:$0x1F040] =	vst v1;
	v1 =	vld [tilespmem:$0x5500];
	_ =	sdelay $0x4  }
0x3d3: {  	[tilespmem:$0x1F070] =	vst v1;
	v1 =	vld [tilespmem:$0x5600];
	_ =	sdelay $0x4  }
0x3d4: {  	[tilespmem:$0x1F0A0] =	vst v1;
	v1 =	vld [tilespmem:$0x5700];
	_ =	sdelay $0x4  }
0x3d5: {  	[tilespmem:$0x1F0D0] =	vst v1;
	v1 =	vld [tilespmem:$0x5800];
	_ =	sdelay $0x4  }
0x3d6: {  	[tilespmem:$0x1F100] =	vst v1;
	v1 =	vld [tilespmem:$0x5900];
	_ =	sdelay $0x4  }
0x3d7: {  	[tilespmem:$0x1F130] =	vst v1;
	v1 =	vld [tilespmem:$0x5A00];
	_ =	sdelay $0x4  }
0x3d8: {  	[tilespmem:$0x1F160] =	vst v1;
	v1 =	vld [tilespmem:$0x5B00];
	_ =	sdelay $0x4  }
0x3d9: {  	[tilespmem:$0x1F190] =	vst v1;
	v1 =	vld [tilespmem:$0x5C00];
	_ =	sdelay $0x4  }
0x3da: {  	[tilespmem:$0x1F1C0] =	vst v1;
	v1 =	vld [tilespmem:$0x5D00];
	_ =	sdelay $0x4  }
0x3db: {  	[tilespmem:$0x1F1F0] =	vst v1;
	v1 =	vld [tilespmem:$0x5E00];
	_ =	sdelay $0x4  }
0x3dc: {  	[tilespmem:$0x1F220] =	vst v1;
	v1 =	vld [tilespmem:$0x5F00];
	_ =	sdelay $0x4  }
0x3dd: {  	[tilespmem:$0x1F260] =	vst v1;
	v1 =	vld [tilespmem:$0x6000];
	_ =	sdelay $0x4  }
0x3de: {  	[tilespmem:$0x1F2A0] =	vst v1;
	v1 =	vld [tilespmem:$0x6100];
	_ =	sdelay $0x4  }
0x3df: {  	[tilespmem:$0x1F2E0] =	vst v1;
	v1 =	vld [tilespmem:$0x6200];
	_ =	sdelay $0x4  }
0x3e0: {  	[tilespmem:$0x1F320] =	vst v1;
	v1 =	vld [tilespmem:$0x6300];
	_ =	sdelay $0x4  }
0x3e1: {  	[tilespmem:$0x1F360] =	vst v1;
	v1 =	vld [tilespmem:$0x6400];
	_ =	sdelay $0x4  }
0x3e2: {  	[tilespmem:$0x1F3A0] =	vst v1;
	v1 =	vld [tilespmem:$0x6500];
	_ =	sdelay $0x4  }
0x3e3: {  	[tilespmem:$0x1F3E0] =	vst v1;
	v1 =	vld [tilespmem:$0x6600];
	_ =	sdelay $0x4  }
0x3e4: {  	[tilespmem:$0x1F420] =	vst v1;
	v1 =	vld [tilespmem:$0x6700];
	_ =	sdelay $0x4  }
0x3e5: {  	[tilespmem:$0x1F460] =	vst v1;
	v1 =	vld [tilespmem:$0x6800];
	_ =	sdelay $0x3  }
0x3e6: {  	v34 =	vld [tilespmem:$0x79E0]  }
0x3e7: {  	[tilespmem:$0x1F4A0] =	vst v1;
	v1 =	vld [tilespmem:$0x6900]  }
0x3e8: {  	v33 =	vld [tilespmem:$0x77E0]  }
0x3e9: {  	v32 =	vld [tilespmem:$0x78E0]  }
0x3ea: {  	v31 =	vld [tilespmem:$0x7AE0]  }
0x3eb: {  	v29 =	vld [tilespmem:$0x7BE0]  }
0x3ec: {  	[tilespmem:$0x1F4E0] =	vst v1;
	v1 =	vld [tilespmem:$0x6A00]  }
0x3ed: {  	v22 =	vld [tilespmem:$0x76E0]  }
0x3ee: {  	v40 =	vld [tilespmem:$0x4000]  }
0x3ef: {  	v42 =	vld [tilespmem:$0x4100]  }
0x3f0: {  	v44 =	vld [tilespmem:$0x4200]  }
0x3f1: {  	[tilespmem:$0x1F520] =	vst v1;
	v1 =	vld [tilespmem:$0x6B00]  }
0x3f2: {  	[tilespmem:$0x7D80] =	vst v56;
	v54 =	vld [tilespmem:$0x4700]  }
0x3f3: {  	[tilespmem:$0x1EDD0] =	vst v40;
	v61 =	vld [tilespmem:$0x3E00]  }
0x3f4: {  	[tilespmem:$0x1EDE0] =	vst v42;
	v57 =	vld [tilespmem:$0x4900]  }
0x3f5: {  	[tilespmem:$0x1EDF0] =	vst v44;
	v63 =	vld [tilespmem:$0x3F00]  }
0x3f6: {  	[tilespmem:$0x1F560] =	vst v1;
	v1 =	vld [tilespmem:$0x6C00]  }
0x3f7: {  	v59 =	vld [tilespmem:$0x4A00];
	[tilespmem:$0x1EE70] =	vst v54  }
0x3f8: {  	v17 =	vadd.f32 v22, v17;
	v46 =	vld [tilespmem:$0x4300];
	[tilespmem:$0x1EDB0] =	vst v61  }
0x3f9: {  	v61 =	vld [tilespmem:$0x4B00];
	[tilespmem:$0x1EEB0] =	vst v57  }
0x3fa: {  	v17 =	vadd.f32 v33, v17;
	v48 =	vld [tilespmem:$0x4400];
	[tilespmem:$0x1EDC0] =	vst v63  }
0x3fb: {  	[tilespmem:$0x1F5A0] =	vst v1;
	v1 =	vld [tilespmem:$0x6D00]  }
0x3fc: {  	v17 =	vadd.f32 v32, v17;
	v50 =	vld [tilespmem:$0x4500];
	[tilespmem:$0x1EED0] =	vst v59  }
0x3fd: {  	v25 =	vld [tilespmem:$0x7CE0];
	[tilespmem:$0x1EE00] =	vst v46  }
0x3fe: {  	v17 =	vadd.f32 v34, v17;
	v52 =	vld [tilespmem:$0x4600];
	[tilespmem:$0x1EEF0] =	vst v61  }
0x3ff: {  	[tilespmem:$0x1EE10] =	vst v48;
	v2 =	vld [tilespmem:$0x5200]  }
0x400: {  	v17 =	vadd.f32 v31, v17;
	[tilespmem:$0x1F5E0] =	vst v1;
	v1 =	vld [tilespmem:$0x6E00]  }
0x401: {  	[tilespmem:$0x1EE30] =	vst v50  }
0x402: {  	v17 =	vadd.f32 v29, v17;
	[tilespmem:$0x7DC0] =	vst v18;
	v18 =	vld [tilespmem:$0x5100]  }
0x403: {  	[tilespmem:$0x1EE50] =	vst v52;
	v19 =	vld [tilespmem:$0x5000]  }
0x404: {  	v17 =	vadd.f32 v25, v17;
	[tilespmem:$0x1EFE0] =	vst v2;
	v2 =	vld [tilespmem:$0x5300]  }
0x405: {  	[tilespmem:$0x1F620] =	vst v1;
	v1 =	vld [tilespmem:$0x6F00]  }
0x406: {  	[tilespmem:$0x7DE0] =	vst v17  }
0x407: {  	[tilespmem:$0x1EFB0] =	vst v18  }
0x408: {  	[tilespmem:$0x1EF90] =	vst v19  }
0x409: {  	[tilespmem:$0x1F010] =	vst v2  }
0x40a: {  	[tilespmem:$0x1F660] =	vst v1  }
0x40b: {  	v1 =	vld [tilespmem:$0x7000];
	_ =	sdelay $0x4  }
0x40c: {  	[tilespmem:$0x1F6A0] =	vst v1;
	v1 =	vld [tilespmem:$0x7100];
	_ =	sdelay $0x4  }
0x40d: {  	[tilespmem:$0x1F6E0] =	vst v1;
	v1 =	vld [tilespmem:$0x7200];
	_ =	sdelay $0x4  }
0x40e: {  	[tilespmem:$0x1F720] =	vst v1;
	v1 =	vld [tilespmem:$0x7300];
	_ =	sdelay $0x4  }
0x40f: {  	[tilespmem:$0x1F760] =	vst v1;
	v1 =	vld [tilespmem:$0x7400];
	_ =	sdelay $0x4  }
0x410: {  	[tilespmem:$0x1F7A0] =	vst v1;
	v1 =	vld [tilespmem:$0x7500];
	_ =	sdelay $0x4  }
0x411: {  	[tilespmem:$0x1F7E0] =	vst v1;
	v1 =	vld [tilespmem:$0x7600];
	_ =	sdelay $0x4  }
0x412: {  	[tilespmem:$0x1F820] =	vst v1;
	v1 =	vld [tilespmem:$0x7700];
	_ =	sdelay $0x4  }
0x413: {  	[tilespmem:$0x1F860] =	vst v1;
	v1 =	vld [tilespmem:$0x7800];
	_ =	sdelay $0x4  }
0x414: {  	[tilespmem:$0x1F8A0] =	vst v1;
	v1 =	vld [tilespmem:$0x7900];
	_ =	sdelay $0x4  }
0x415: {  	[tilespmem:$0x1F8E0] =	vst v1;
	v1 =	vld [tilespmem:$0x7A00];
	_ =	sdelay $0x4  }
0x416: {  	[tilespmem:$0x1F920] =	vst v1;
	v1 =	vld [tilespmem:$0x7B00];
	_ =	sdelay $0x4  }
0x417: {  	[tilespmem:$0x1F960] =	vst v1;
	v1 =	vld [tilespmem:$0x7C00];
	_ =	sdelay $0x4  }
0x418: {  	[tilespmem:$0x1F9A0] =	vst v1;
	v1 =	vld [tilespmem:$0x7D00];
	_ =	sdelay $0x4  }
0x419: {  	[tilespmem:$0x1F9E0] =	vst v1;
	v1 =	vld [tilespmem:$0x4410];
	_ =	sdelay $0x4  }
0x41a: {  	[tilespmem:$0x1EE20] =	vst v1;
	v1 =	vld [tilespmem:$0x4510];
	_ =	sdelay $0x4  }
0x41b: {  	[tilespmem:$0x1EE40] =	vst v1;
	v1 =	vld [tilespmem:$0x4610];
	_ =	sdelay $0x4  }
0x41c: {  	[tilespmem:$0x1EE60] =	vst v1;
	v1 =	vld [tilespmem:$0x4710];
	_ =	sdelay $0x4  }
0x41d: {  	[tilespmem:$0x1EE80] =	vst v1;
	v1 =	vld [tilespmem:$0x4810];
	_ =	sdelay $0x4  }
0x41e: {  	[tilespmem:$0x1EEA0] =	vst v1;
	v1 =	vld [tilespmem:$0x4910];
	_ =	sdelay $0x4  }
0x41f: {  	[tilespmem:$0x1EEC0] =	vst v1;
	v1 =	vld [tilespmem:$0x4A10];
	_ =	sdelay $0x4  }
0x420: {  	[tilespmem:$0x1EEE0] =	vst v1;
	v1 =	vld [tilespmem:$0x4B10];
	_ =	sdelay $0x4  }
0x421: {  	[tilespmem:$0x1EF00] =	vst v1;
	v1 =	vld [tilespmem:$0x4C10];
	_ =	sdelay $0x4  }
0x422: {  	[tilespmem:$0x1EF20] =	vst v1;
	v1 =	vld [tilespmem:$0x4D10];
	_ =	sdelay $0x4  }
0x423: {  	[tilespmem:$0x1EF40] =	vst v1;
	v1 =	vld [tilespmem:$0x4E10];
	_ =	sdelay $0x4  }
0x424: {  	[tilespmem:$0x1EF60] =	vst v1;
	v1 =	vld [tilespmem:$0x4F10];
	_ =	sdelay $0x4  }
0x425: {  	[tilespmem:$0x1EF80] =	vst v1;
	v1 =	vld [tilespmem:$0x5010];
	_ =	sdelay $0x4  }
0x426: {  	[tilespmem:$0x1EFA0] =	vst v1;
	v1 =	vld [tilespmem:$0x5110];
	_ =	sdelay $0x4  }
0x427: {  	[tilespmem:$0x1EFD0] =	vst v1;
	v1 =	vld [tilespmem:$0x5210];
	_ =	sdelay $0x4  }
0x428: {  	[tilespmem:$0x1F000] =	vst v1;
	v1 =	vld [tilespmem:$0x5310];
	_ =	sdelay $0x4  }
0x429: {  	[tilespmem:$0x1F030] =	vst v1;
	v1 =	vld [tilespmem:$0x5410];
	_ =	sdelay $0x4  }
0x42a: {  	[tilespmem:$0x1F060] =	vst v1;
	v1 =	vld [tilespmem:$0x5510];
	_ =	sdelay $0x4  }
0x42b: {  	[tilespmem:$0x1F090] =	vst v1;
	v1 =	vld [tilespmem:$0x5610];
	_ =	sdelay $0x4  }
0x42c: {  	[tilespmem:$0x1F0C0] =	vst v1;
	v1 =	vld [tilespmem:$0x5710];
	_ =	sdelay $0x4  }
0x42d: {  	[tilespmem:$0x1F0F0] =	vst v1;
	v1 =	vld [tilespmem:$0x5810];
	_ =	sdelay $0x4  }
0x42e: {  	[tilespmem:$0x1F120] =	vst v1;
	v1 =	vld [tilespmem:$0x5910];
	_ =	sdelay $0x4  }
0x42f: {  	[tilespmem:$0x1F150] =	vst v1;
	v1 =	vld [tilespmem:$0x5A10];
	_ =	sdelay $0x4  }
0x430: {  	[tilespmem:$0x1F180] =	vst v1;
	v1 =	vld [tilespmem:$0x5B10];
	_ =	sdelay $0x4  }
0x431: {  	[tilespmem:$0x1F1B0] =	vst v1;
	v1 =	vld [tilespmem:$0x5C10];
	_ =	sdelay $0x4  }
0x432: {  	[tilespmem:$0x1F1E0] =	vst v1;
	v1 =	vld [tilespmem:$0x5D10];
	_ =	sdelay $0x4  }
0x433: {  	[tilespmem:$0x1F210] =	vst v1;
	v1 =	vld [tilespmem:$0x5E10];
	_ =	sdelay $0x4  }
0x434: {  	[tilespmem:$0x1F240] =	vst v1;
	v1 =	vld [tilespmem:$0x5F10];
	_ =	sdelay $0x4  }
0x435: {  	[tilespmem:$0x1F280] =	vst v1;
	v1 =	vld [tilespmem:$0x6010];
	_ =	sdelay $0x4  }
0x436: {  	[tilespmem:$0x1F2C0] =	vst v1;
	v1 =	vld [tilespmem:$0x6110];
	_ =	sdelay $0x4  }
0x437: {  	[tilespmem:$0x1F300] =	vst v1;
	v1 =	vld [tilespmem:$0x6210];
	_ =	sdelay $0x4  }
0x438: {  	[tilespmem:$0x1F340] =	vst v1;
	v1 =	vld [tilespmem:$0x6310];
	_ =	sdelay $0x4  }
0x439: {  	[tilespmem:$0x1F380] =	vst v1;
	v1 =	vld [tilespmem:$0x6410];
	_ =	sdelay $0x4  }
0x43a: {  	[tilespmem:$0x1F3C0] =	vst v1;
	v1 =	vld [tilespmem:$0x6510];
	_ =	sdelay $0x4  }
0x43b: {  	[tilespmem:$0x1F400] =	vst v1;
	v1 =	vld [tilespmem:$0x6610];
	_ =	sdelay $0x4  }
0x43c: {  	[tilespmem:$0x1F440] =	vst v1;
	v1 =	vld [tilespmem:$0x6710];
	_ =	sdelay $0x4  }
0x43d: {  	[tilespmem:$0x1F480] =	vst v1;
	v1 =	vld [tilespmem:$0x6810];
	_ =	sdelay $0x4  }
0x43e: {  	[tilespmem:$0x1F4C0] =	vst v1;
	v1 =	vld [tilespmem:$0x6910];
	_ =	sdelay $0x4  }
0x43f: {  	[tilespmem:$0x1F500] =	vst v1;
	v1 =	vld [tilespmem:$0x6A10];
	_ =	sdelay $0x4  }
0x440: {  	[tilespmem:$0x1F540] =	vst v1;
	v1 =	vld [tilespmem:$0x6B10];
	_ =	sdelay $0x4  }
0x441: {  	[tilespmem:$0x1F580] =	vst v1;
	v1 =	vld [tilespmem:$0x6C10];
	_ =	sdelay $0x4  }
0x442: {  	[tilespmem:$0x1F5C0] =	vst v1;
	v1 =	vld [tilespmem:$0x6D10];
	_ =	sdelay $0x4  }
0x443: {  	[tilespmem:$0x1F600] =	vst v1;
	v1 =	vld [tilespmem:$0x6E10];
	_ =	sdelay $0x4  }
0x444: {  	[tilespmem:$0x1F640] =	vst v1;
	v1 =	vld [tilespmem:$0x6F10];
	_ =	sdelay $0x4  }
0x445: {  	[tilespmem:$0x1F680] =	vst v1;
	v1 =	vld [tilespmem:$0x7010];
	_ =	sdelay $0x4  }
0x446: {  	[tilespmem:$0x1F6C0] =	vst v1;
	v1 =	vld [tilespmem:$0x7110];
	_ =	sdelay $0x4  }
0x447: {  	[tilespmem:$0x1F700] =	vst v1;
	v1 =	vld [tilespmem:$0x7210];
	_ =	sdelay $0x4  }
0x448: {  	[tilespmem:$0x1F740] =	vst v1;
	v1 =	vld [tilespmem:$0x7310];
	_ =	sdelay $0x4  }
0x449: {  	[tilespmem:$0x1F780] =	vst v1;
	v1 =	vld [tilespmem:$0x7410];
	_ =	sdelay $0x4  }
0x44a: {  	[tilespmem:$0x1F7C0] =	vst v1;
	v1 =	vld [tilespmem:$0x7510];
	_ =	sdelay $0x4  }
0x44b: {  	[tilespmem:$0x1F800] =	vst v1;
	v1 =	vld [tilespmem:$0x7610];
	_ =	sdelay $0x4  }
0x44c: {  	[tilespmem:$0x1F840] =	vst v1;
	v1 =	vld [tilespmem:$0x7710];
	_ =	sdelay $0x4  }
0x44d: {  	[tilespmem:$0x1F880] =	vst v1;
	v1 =	vld [tilespmem:$0x7810];
	_ =	sdelay $0x4  }
0x44e: {  	[tilespmem:$0x1F8C0] =	vst v1;
	v1 =	vld [tilespmem:$0x7910];
	_ =	sdelay $0x4  }
0x44f: {  	[tilespmem:$0x1F900] =	vst v1;
	v1 =	vld [tilespmem:$0x7A10];
	_ =	sdelay $0x2  }
0x450: {  	v63 =	vld [tilespmem:$0x5D30];
	_ =	sdelay $0x1  }
0x451: {  	[tilespmem:$0x1F940] =	vst v1;
	v1 =	vld [tilespmem:$0x7B10];
	_ =	sdelay $0x2  }
0x452: {  	[tilespmem:$0x1F250] =	vst v63;
	v63 =	vld [tilespmem:$0x5E30];
	_ =	sdelay $0x1  }
0x453: {  	[tilespmem:$0x1F980] =	vst v1;
	v1 =	vld [tilespmem:$0x7C10];
	_ =	sdelay $0x2  }
0x454: {  	[tilespmem:$0x1F290] =	vst v63;
	v63 =	vld [tilespmem:$0x5F30];
	_ =	sdelay $0x1  }
0x455: {  	[tilespmem:$0x1F9C0] =	vst v1;
	v1 =	vld [tilespmem:$0x7D10];
	_ =	sdelay $0x2  }
0x456: {  	[tilespmem:$0x1F2D0] =	vst v63;
	v63 =	vld [tilespmem:$0x6030];
	_ =	sdelay $0x1  }
0x457: {  	[tilespmem:$0x1FA00] =	vst v1;
	v1 =	vld [tilespmem:$0x5020];
	_ =	sdelay $0x2  }
0x458: {  	[tilespmem:$0x1F310] =	vst v63;
	v63 =	vld [tilespmem:$0x6130];
	_ =	sdelay $0x1  }
0x459: {  	[tilespmem:$0x1EFC0] =	vst v1;
	v1 =	vld [tilespmem:$0x5120];
	_ =	sdelay $0x2  }
0x45a: {  	[tilespmem:$0x1F350] =	vst v63;
	v63 =	vld [tilespmem:$0x6230];
	_ =	sdelay $0x1  }
0x45b: {  	[tilespmem:$0x1EFF0] =	vst v1;
	v1 =	vld [tilespmem:$0x5220];
	_ =	sdelay $0x2  }
0x45c: {  	[tilespmem:$0x1F390] =	vst v63;
	v63 =	vld [tilespmem:$0x6330];
	_ =	sdelay $0x1  }
0x45d: {  	[tilespmem:$0x1F020] =	vst v1;
	v1 =	vld [tilespmem:$0x5320];
	_ =	sdelay $0x2  }
0x45e: {  	[tilespmem:$0x1F3D0] =	vst v63;
	v63 =	vld [tilespmem:$0x6430];
	_ =	sdelay $0x1  }
0x45f: {  	[tilespmem:$0x1F050] =	vst v1;
	v1 =	vld [tilespmem:$0x5420];
	_ =	sdelay $0x2  }
0x460: {  	[tilespmem:$0x1F410] =	vst v63;
	v63 =	vld [tilespmem:$0x6530];
	_ =	sdelay $0x1  }
0x461: {  	[tilespmem:$0x1F080] =	vst v1;
	v1 =	vld [tilespmem:$0x5520];
	_ =	sdelay $0x2  }
0x462: {  	[tilespmem:$0x1F450] =	vst v63;
	v63 =	vld [tilespmem:$0x6630];
	_ =	sdelay $0x1  }
0x463: {  	[tilespmem:$0x1F0B0] =	vst v1;
	v1 =	vld [tilespmem:$0x5620];
	_ =	sdelay $0x2  }
0x464: {  	[tilespmem:$0x1F490] =	vst v63;
	v63 =	vld [tilespmem:$0x6730];
	_ =	sdelay $0x1  }
0x465: {  	[tilespmem:$0x1F0E0] =	vst v1;
	v1 =	vld [tilespmem:$0x5720];
	_ =	sdelay $0x2  }
0x466: {  	[tilespmem:$0x1F4D0] =	vst v63;
	v63 =	vld [tilespmem:$0x6830];
	_ =	sdelay $0x1  }
0x467: {  	[tilespmem:$0x1F110] =	vst v1;
	v1 =	vld [tilespmem:$0x5820];
	_ =	sdelay $0x2  }
0x468: {  	[tilespmem:$0x1F510] =	vst v63;
	v63 =	vld [tilespmem:$0x6930];
	_ =	sdelay $0x1  }
0x469: {  	[tilespmem:$0x1F140] =	vst v1;
	v1 =	vld [tilespmem:$0x5920];
	_ =	sdelay $0x2  }
0x46a: {  	[tilespmem:$0x1F550] =	vst v63;
	v63 =	vld [tilespmem:$0x6A30];
	_ =	sdelay $0x1  }
0x46b: {  	[tilespmem:$0x1F170] =	vst v1;
	v1 =	vld [tilespmem:$0x5A20];
	_ =	sdelay $0x2  }
0x46c: {  	[tilespmem:$0x1F590] =	vst v63;
	v63 =	vld [tilespmem:$0x6B30];
	_ =	sdelay $0x1  }
0x46d: {  	[tilespmem:$0x1F1A0] =	vst v1;
	v1 =	vld [tilespmem:$0x5B20];
	_ =	sdelay $0x2  }
0x46e: {  	[tilespmem:$0x1F5D0] =	vst v63;
	v63 =	vld [tilespmem:$0x6C30];
	_ =	sdelay $0x1  }
0x46f: {  	[tilespmem:$0x1F1D0] =	vst v1;
	v1 =	vld [tilespmem:$0x5C20];
	_ =	sdelay $0x2  }
0x470: {  	[tilespmem:$0x1F610] =	vst v63;
	v63 =	vld [tilespmem:$0x6D30];
	_ =	sdelay $0x1  }
0x471: {  	[tilespmem:$0x1F200] =	vst v1;
	v1 =	vld [tilespmem:$0x5D20];
	_ =	sdelay $0x2  }
0x472: {  	[tilespmem:$0x1F650] =	vst v63;
	v63 =	vld [tilespmem:$0x6E30];
	_ =	sdelay $0x1  }
0x473: {  	[tilespmem:$0x1F230] =	vst v1;
	v1 =	vld [tilespmem:$0x5E20];
	_ =	sdelay $0x2  }
0x474: {  	[tilespmem:$0x1F690] =	vst v63;
	v63 =	vld [tilespmem:$0x6F30];
	_ =	sdelay $0x1  }
0x475: {  	[tilespmem:$0x1F270] =	vst v1;
	v1 =	vld [tilespmem:$0x5F20];
	_ =	sdelay $0x2  }
0x476: {  	[tilespmem:$0x1F6D0] =	vst v63;
	v63 =	vld [tilespmem:$0x7030];
	_ =	sdelay $0x1  }
0x477: {  	[tilespmem:$0x1F2B0] =	vst v1;
	v1 =	vld [tilespmem:$0x6020];
	_ =	sdelay $0x2  }
0x478: {  	[tilespmem:$0x1F710] =	vst v63;
	v63 =	vld [tilespmem:$0x7130];
	_ =	sdelay $0x1  }
0x479: {  	[tilespmem:$0x1F2F0] =	vst v1;
	v1 =	vld [tilespmem:$0x6120];
	_ =	sdelay $0x2  }
0x47a: {  	[tilespmem:$0x1F750] =	vst v63;
	v63 =	vld [tilespmem:$0x7230];
	_ =	sdelay $0x1  }
0x47b: {  	[tilespmem:$0x1F330] =	vst v1;
	v1 =	vld [tilespmem:$0x6220];
	_ =	sdelay $0x2  }
0x47c: {  	[tilespmem:$0x1F790] =	vst v63;
	v63 =	vld [tilespmem:$0x7330];
	_ =	sdelay $0x1  }
0x47d: {  	[tilespmem:$0x1F370] =	vst v1;
	v1 =	vld [tilespmem:$0x6320];
	_ =	sdelay $0x2  }
0x47e: {  	[tilespmem:$0x1F7D0] =	vst v63;
	v63 =	vld [tilespmem:$0x7430];
	_ =	sdelay $0x1  }
0x47f: {  	[tilespmem:$0x1F3B0] =	vst v1;
	v1 =	vld [tilespmem:$0x6420];
	_ =	sdelay $0x2  }
0x480: {  	[tilespmem:$0x1F810] =	vst v63;
	v63 =	vld [tilespmem:$0x7530];
	_ =	sdelay $0x1  }
0x481: {  	[tilespmem:$0x1F3F0] =	vst v1;
	v1 =	vld [tilespmem:$0x6520];
	_ =	sdelay $0x2  }
0x482: {  	[tilespmem:$0x1F850] =	vst v63;
	v63 =	vld [tilespmem:$0x7630];
	_ =	sdelay $0x1  }
0x483: {  	[tilespmem:$0x1F430] =	vst v1;
	v1 =	vld [tilespmem:$0x6620];
	_ =	sdelay $0x2  }
0x484: {  	[tilespmem:$0x1F890] =	vst v63;
	v63 =	vld [tilespmem:$0x7730];
	_ =	sdelay $0x1  }
0x485: {  	[tilespmem:$0x1F470] =	vst v1;
	v1 =	vld [tilespmem:$0x6720];
	_ =	sdelay $0x2  }
0x486: {  	[tilespmem:$0x1F8D0] =	vst v63;
	v63 =	vld [tilespmem:$0x7830];
	_ =	sdelay $0x1  }
0x487: {  	[tilespmem:$0x1F4B0] =	vst v1;
	v1 =	vld [tilespmem:$0x6820];
	_ =	sdelay $0x2  }
0x488: {  	[tilespmem:$0x1F910] =	vst v63;
	v63 =	vld [tilespmem:$0x7930];
	_ =	sdelay $0x1  }
0x489: {  	[tilespmem:$0x1F4F0] =	vst v1;
	v1 =	vld [tilespmem:$0x6920];
	_ =	sdelay $0x2  }
0x48a: {  	[tilespmem:$0x1F950] =	vst v63;
	v63 =	vld [tilespmem:$0x7A30];
	_ =	sdelay $0x1  }
0x48b: {  	[tilespmem:$0x1F530] =	vst v1;
	v1 =	vld [tilespmem:$0x6A20];
	_ =	sdelay $0x2  }
0x48c: {  	[tilespmem:$0x1F990] =	vst v63;
	v63 =	vld [tilespmem:$0x7B30];
	_ =	sdelay $0x1  }
0x48d: {  	[tilespmem:$0x1F570] =	vst v1;
	v1 =	vld [tilespmem:$0x6B20];
	_ =	sdelay $0x2  }
0x48e: {  	[tilespmem:$0x1F9D0] =	vst v63;
	v63 =	vld [tilespmem:$0x7C30];
	_ =	sdelay $0x1  }
0x48f: {  	[tilespmem:$0x1F5B0] =	vst v1;
	v1 =	vld [tilespmem:$0x6C20];
	_ =	sdelay $0x2  }
0x490: {  	[tilespmem:$0x1FA10] =	vst v63;
	v63 =	vld [tilespmem:$0x7D30];
	_ =	sdelay $0x1  }
0x491: {  	[tilespmem:$0x1F5F0] =	vst v1;
	v1 =	vld [tilespmem:$0x6D20];
	_ =	sdelay $0x2  }
0x492: {  	[tilespmem:$0x1FA40] =	vst v63;
	v63 =	vld [tilespmem:$0x3E40];
	_ =	sdelay $0x1  }
0x493: {  	[tilespmem:$0x1F630] =	vst v1;
	v1 =	vld [tilespmem:$0x6E20];
	_ =	sdelay $0x2  }
0x494: {  	[tilespmem:$0x1FA30] =	vst v63;
	v63 =	vld [tilespmem:$0x3F40];
	_ =	sdelay $0x1  }
0x495: {  	[tilespmem:$0x1F670] =	vst v1;
	v1 =	vld [tilespmem:$0x6F20];
	_ =	sdelay $0x2  }
0x496: {  	[tilespmem:$0x1FA50] =	vst v63;
	v63 =	vld [tilespmem:$0x4040]  }
0x497: {  	v46 =	vld [tilespmem:$0x3E10]  }
0x498: {  	[tilespmem:$0x1F6B0] =	vst v1;
	v1 =	vld [tilespmem:$0x7020]  }
0x499: {  	v49 =	vld [tilespmem:$0x3F10]  }
0x49a: {  	v51 =	vld [tilespmem:$0x4010]  }
0x49b: {  	[tilespmem:$0x1FA60] =	vst v63;
	v63 =	vld [tilespmem:$0x4140]  }
0x49c: {  	v54 =	vld [tilespmem:$0x4110]  }
0x49d: {  	[tilespmem:$0x1F6F0] =	vst v1;
	v1 =	vld [tilespmem:$0x7120]  }
0x49e: {  	v58 =	vld [tilespmem:$0x4210]  }
0x49f: {  	v20 =	vld [tilespmem:$0x3E20]  }
0x4a0: {  	[tilespmem:$0x1FA70] =	vst v63;
	v63 =	vld [tilespmem:$0x4240]  }
0x4a1: {  	v22 =	vld [tilespmem:$0x3F20]  }
0x4a2: {  	[tilespmem:$0x1F730] =	vst v1;
	v1 =	vld [tilespmem:$0x7220]  }
0x4a3: {  	v10 =	vld [tilespmem:$0x1EDB0]  }
0x4a4: {  	v24 =	vld [tilespmem:$0x4020]  }
0x4a5: {  	[tilespmem:$0x1FA80] =	vst v63;
	v63 =	vld [tilespmem:$0x1EDC0]  }
0x4a6: {  	v25 =	vld [tilespmem:$0x3E30]  }
0x4a7: {  	[tilespmem:$0x1F770] =	vst v1;
	v1 =	vld [tilespmem:$0x7320]  }
0x4a8: {  	v3 =	vld [tilespmem:$0x3F30];
	v10 =	vadd.f32 $0.0e+00, v10  }
0x4a9: {  	v4 =	vld [tilespmem:$0x4030]  }
0x4aa: {  	v10 =	vadd.f32 v63, v10;
	v63 =	vld [tilespmem:$0x4340]  }
0x4ab: {  	v5 =	vld [tilespmem:$0x4130]  }
0x4ac: {  	[tilespmem:$0x1F7B0] =	vst v1;
	v1 =	vld [tilespmem:$0x7420]  }
0x4ad: {  	v6 =	vld [tilespmem:$0x4230];
	v25 =	vadd.f32 $0.0e+00, v25  }
0x4ae: {  	v7 =	vld [tilespmem:$0x4330];
	v46 =	vadd.f32 $0.0e+00, v46  }
0x4af: {  	v3 =	vadd.f32 v3, v25;
	[tilespmem:$0x1FA90] =	vst v63;
	v63 =	vld [tilespmem:$0x4440]  }
0x4b0: {  	v46 =	vadd.f32 v49, v46;
	v49 =	vld [tilespmem:$0x4540]  }
0x4b1: {  	v3 =	vadd.f32 v4, v3;
	[tilespmem:$0x1F7F0] =	vst v1;
	v1 =	vld [tilespmem:$0x7520]  }
0x4b2: {  	v4 =	vld [tilespmem:$0x4840]  }
0x4b3: {  	v3 =	vadd.f32 v5, v3;
	v5 =	vld [tilespmem:$0x4A40]  }
0x4b4: {  	[tilespmem:$0x1FAA0] =	vst v63;
	v63 =	vld [tilespmem:$0x1EDD0]  }
0x4b5: {  	[tilespmem:$0x1FAB0] =	vst v49;
	v49 =	vld [tilespmem:$0x1EDE0]  }
0x4b6: {  	[tilespmem:$0x1F830] =	vst v1;
	v1 =	vld [tilespmem:$0x7620]  }
0x4b7: {  	v3 =	vadd.f32 v6, v3;
	v6 =	vld [tilespmem:$0x4C40]  }
0x4b8: {  	[tilespmem:$0x1FAE0] =	vst v4;
	v4 =	vld [tilespmem:$0x1EDF0]  }
0x4b9: {  	v3 =	vadd.f32 v7, v3;
	v7 =	vld [tilespmem:$0x4E40];
	v10 =	vadd.f32 v63, v10  }
0x4ba: {  	[tilespmem:$0x1FB00] =	vst v5;
	v5 =	vld [tilespmem:$0x1EE00]  }
0x4bb: {  	v10 =	vadd.f32 v49, v10;
	[tilespmem:$0x1F870] =	vst v1;
	v1 =	vld [tilespmem:$0x7720]  }
0x4bc: {  	v20 =	vadd.f32 $0.0e+00, v20;
	[tilespmem:$0x1FB20] =	vst v6;
	v6 =	vld [tilespmem:$0x1EE10]  }
0x4bd: {  	v27 =	vld [tilespmem:$0x4120];
	v4 =	vadd.f32 v4, v10  }
0x4be: {  	v20 =	vadd.f32 v22, v20;
	[tilespmem:$0x1FB40] =	vst v7;
	v7 =	vld [tilespmem:$0x1EE30]  }
0x4bf: {  	v29 =	vld [tilespmem:$0x4220];
	v4 =	vadd.f32 v5, v4  }
0x4c0: {  	v20 =	vadd.f32 v24, v20;
	[tilespmem:$0x1F8B0] =	vst v1;
	v1 =	vld [tilespmem:$0x7820]  }
0x4c1: {  	v4 =	vadd.f32 v6, v4;
	v6 =	vld [tilespmem:$0x4D40]  }
0x4c2: {  	v60 =	vld [tilespmem:$0x4310];
	v10 =	vadd.f32 v27, v20  }
0x4c3: {  	v63 =	vadd.f32 v51, v46;
	v4 =	vadd.f32 v7, v4;
	v7 =	vld [tilespmem:$0x4F40]  }
0x4c4: {  	v5 =	vadd.f32 v29, v10;
	v10 =	vld [tilespmem:$0x4B40]  }
0x4c5: {  	v22 =	vadd.f32 v54, v63;
	[tilespmem:$0x1F8F0] =	vst v1;
	v1 =	vld [tilespmem:$0x7920]  }
0x4c6: {  	[tilespmem:$0x1FB30] =	vst v6;
	v6 =	vld [tilespmem:$0x1EE20]  }
0x4c7: {  	v63 =	vadd.f32 v58, v22  }
0x4c8: {  	[tilespmem:$0x1FB50] =	vst v7;
	v7 =	vld [tilespmem:$0x1EE40]  }
0x4c9: {  	[tilespmem:$0x1FB10] =	vst v10;
	v10 =	vadd.f32 v60, v63  }
0x4ca: {  	[tilespmem:$0x1F930] =	vst v1;
	v1 =	vld [tilespmem:$0x7A20]  }
0x4cb: {  	v6 =	vadd.f32 v6, v10;
	_ =	sdelay $0x1  }
0x4cc: {  	v6 =	vadd.f32 v7, v6;
	v7 =	vld [tilespmem:$0x5040];
	_ =	sdelay $0x1  }
0x4cd: {  	[tilespmem:$0x1F970] =	vst v1;
	v1 =	vld [tilespmem:$0x7B20];
	_ =	sdelay $0x2  }
0x4ce: {  	[tilespmem:$0x1FB60] =	vst v7;
	v7 =	vld [tilespmem:$0x1EE50];
	_ =	sdelay $0x1  }
0x4cf: {  	[tilespmem:$0x1F9B0] =	vst v1;
	v1 =	vld [tilespmem:$0x7C20];
	_ =	sdelay $0x2  }
0x4d0: {  	v4 =	vadd.f32 v7, v4;
	v7 =	vld [tilespmem:$0x5140];
	_ =	sdelay $0x1  }
0x4d1: {  	[tilespmem:$0x1F9F0] =	vst v1;
	v1 =	vld [tilespmem:$0x7D20]  }
0x4d2: {  	v8 =	vld [tilespmem:$0x4430]  }
0x4d3: {  	v9 =	vld [tilespmem:$0x4530]  }
0x4d4: {  	[tilespmem:$0x1FB70] =	vst v7;
	v7 =	vld [tilespmem:$0x1EE60]  }
0x4d5: {  	v31 =	vld [tilespmem:$0x4320]  }
0x4d6: {  	[tilespmem:$0x1FA20] =	vst v1;
	v1 =	vld [tilespmem:$0x4630]  }
0x4d7: {  	v33 =	vld [tilespmem:$0x4420];
	v3 =	vadd.f32 v8, v3  }
0x4d8: {  	v2 =	vld [tilespmem:$0x4730]  }
0x4d9: {  	v3 =	vadd.f32 v9, v3;
	v6 =	vadd.f32 v7, v6;
	v7 =	vld [tilespmem:$0x5240]  }
0x4da: {  	v35 =	vld [tilespmem:$0x4520]  }
0x4db: {  	v1 =	vadd.f32 v1, v3;
	v3 =	vld [tilespmem:$0x5440]  }
0x4dc: {  	v37 =	vld [tilespmem:$0x4620]  }
0x4dd: {  	v5 =	vadd.f32 v31, v5;
	v1 =	vadd.f32 v2, v1;
	v2 =	vld [tilespmem:$0x5640]  }
0x4de: {  	[tilespmem:$0x1FB80] =	vst v7;
	v7 =	vld [tilespmem:$0x1EE70]  }
0x4df: {  	v41 =	vld [tilespmem:$0x4720];
	v5 =	vadd.f32 v33, v5  }
0x4e0: {  	[tilespmem:$0x1FBA0] =	vst v3;
	v3 =	vld [tilespmem:$0x1EE90]  }
0x4e1: {  	v40 =	vld [tilespmem:$0x4820];
	v5 =	vadd.f32 v35, v5  }
0x4e2: {  	[tilespmem:$0x1FBC0] =	vst v2;
	v2 =	vld [tilespmem:$0x1EEB0]  }
0x4e3: {  	v5 =	vadd.f32 v37, v5;
	v4 =	vadd.f32 v7, v4;
	v7 =	vld [tilespmem:$0x5340];
	_ =	sdelay $0x1  }
0x4e4: {  	v3 =	vadd.f32 v3, v4;
	v4 =	vadd.f32 v41, v5;
	v5 =	vld [tilespmem:$0x5540];
	_ =	sdelay $0x1  }
0x4e5: {  	v2 =	vadd.f32 v2, v3;
	v3 =	vadd.f32 v40, v4;
	v4 =	vld [tilespmem:$0x5740]  }
0x4e6: {  	[tilespmem:$0x1FB90] =	vst v7;
	v7 =	vld [tilespmem:$0x1EE80];
	_ =	sdelay $0x1  }
0x4e7: {  	[tilespmem:$0x1FBB0] =	vst v5;
	v5 =	vld [tilespmem:$0x1EEA0];
	_ =	sdelay $0x1  }
0x4e8: {  	[tilespmem:$0x1FBD0] =	vst v4;
	v4 =	vld [tilespmem:$0x1EEC0]  }
0x4e9: {  	v6 =	vadd.f32 v7, v6;
	_ =	sdelay $0x1  }
0x4ea: {  	v5 =	vadd.f32 v5, v6;
	_ =	sdelay $0x1  }
0x4eb: {  	v4 =	vadd.f32 v4, v5;
	v5 =	vld [tilespmem:$0x5840];
	_ =	sdelay $0x4  }
0x4ec: {  	[tilespmem:$0x1FBE0] =	vst v5;
	v5 =	vld [tilespmem:$0x1EED0];
	_ =	sdelay $0x4  }
0x4ed: {  	v2 =	vadd.f32 v5, v2;
	v5 =	vld [tilespmem:$0x5940];
	_ =	sdelay $0x4  }
0x4ee: {  	[tilespmem:$0x1FBF0] =	vst v5;
	v5 =	vld [tilespmem:$0x1EEE0];
	_ =	sdelay $0x4  }
0x4ef: {  	v4 =	vadd.f32 v5, v4;
	v5 =	vld [tilespmem:$0x5A40];
	_ =	sdelay $0x4  }
0x4f0: {  	[tilespmem:$0x1FC00] =	vst v5;
	v5 =	vld [tilespmem:$0x1EEF0];
	_ =	sdelay $0x4  }
0x4f1: {  	v2 =	vadd.f32 v5, v2;
	v5 =	vld [tilespmem:$0x5B40];
	_ =	sdelay $0x4  }
0x4f2: {  	[tilespmem:$0x1FC10] =	vst v5;
	v5 =	vld [tilespmem:$0x1EF00];
	_ =	sdelay $0x4  }
0x4f3: {  	v4 =	vadd.f32 v5, v4;
	v5 =	vld [tilespmem:$0x5C40];
	_ =	sdelay $0x4  }
0x4f4: {  	[tilespmem:$0x1FC20] =	vst v5;
	v5 =	vld [tilespmem:$0x1EF10];
	_ =	sdelay $0x4  }
0x4f5: {  	v2 =	vadd.f32 v5, v2;
	v5 =	vld [tilespmem:$0x5D40];
	_ =	sdelay $0x4  }
0x4f6: {  	[tilespmem:$0x1FC30] =	vst v5;
	v5 =	vld [tilespmem:$0x1EF20];
	_ =	sdelay $0x4  }
0x4f7: {  	v4 =	vadd.f32 v5, v4;
	v5 =	vld [tilespmem:$0x5E40];
	_ =	sdelay $0x4  }
0x4f8: {  	[tilespmem:$0x1FC40] =	vst v5;
	v5 =	vld [tilespmem:$0x1EF30];
	_ =	sdelay $0x4  }
0x4f9: {  	v2 =	vadd.f32 v5, v2;
	v5 =	vld [tilespmem:$0x5F40];
	_ =	sdelay $0x4  }
0x4fa: {  	[tilespmem:$0x1FC50] =	vst v5;
	v5 =	vld [tilespmem:$0x1EF40];
	_ =	sdelay $0x4  }
0x4fb: {  	v4 =	vadd.f32 v5, v4;
	v5 =	vld [tilespmem:$0x6040];
	_ =	sdelay $0x4  }
0x4fc: {  	[tilespmem:$0x1FC60] =	vst v5;
	v5 =	vld [tilespmem:$0x1EF50];
	_ =	sdelay $0x4  }
0x4fd: {  	v2 =	vadd.f32 v5, v2;
	v5 =	vld [tilespmem:$0x6140];
	_ =	sdelay $0x4  }
0x4fe: {  	[tilespmem:$0x1FC70] =	vst v5;
	v5 =	vld [tilespmem:$0x1EF60];
	_ =	sdelay $0x4  }
0x4ff: {  	v4 =	vadd.f32 v5, v4;
	v5 =	vld [tilespmem:$0x6240];
	_ =	sdelay $0x4  }
0x500: {  	[tilespmem:$0x1FC80] =	vst v5;
	v5 =	vld [tilespmem:$0x1EF70];
	_ =	sdelay $0x4  }
0x501: {  	v2 =	vadd.f32 v5, v2;
	v5 =	vld [tilespmem:$0x6340];
	_ =	sdelay $0x4  }
0x502: {  	[tilespmem:$0x1FC90] =	vst v5;
	v5 =	vld [tilespmem:$0x1EF80];
	_ =	sdelay $0x4  }
0x503: {  	v4 =	vadd.f32 v5, v4;
	v5 =	vld [tilespmem:$0x6440];
	_ =	sdelay $0x4  }
0x504: {  	[tilespmem:$0x1FCA0] =	vst v5;
	v5 =	vld [tilespmem:$0x1EF90];
	_ =	sdelay $0x4  }
0x505: {  	v2 =	vadd.f32 v5, v2;
	v5 =	vld [tilespmem:$0x6540];
	_ =	sdelay $0x4  }
0x506: {  	[tilespmem:$0x1FCB0] =	vst v5;
	v5 =	vld [tilespmem:$0x1EFA0]  }
0x507: {  	v43 =	vld [tilespmem:$0x4920];
	_ =	sdelay $0x1  }
0x508: {  	v45 =	vld [tilespmem:$0x4A20]  }
0x509: {  	v48 =	vld [tilespmem:$0x4B20]  }
0x50a: {  	v4 =	vadd.f32 v5, v4;
	v5 =	vld [tilespmem:$0x6640]  }
0x50b: {  	v3 =	vadd.f32 v43, v3  }
0x50c: {  	v52 =	vld [tilespmem:$0x4C20]  }
0x50d: {  	v3 =	vadd.f32 v45, v3  }
0x50e: {  	v55 =	vld [tilespmem:$0x4D20]  }
0x50f: {  	v3 =	vadd.f32 v48, v3;
	[tilespmem:$0x1FCC0] =	vst v5;
	v5 =	vld [tilespmem:$0x1EFB0]  }
0x510: {  	v57 =	vld [tilespmem:$0x4E20]  }
0x511: {  	v3 =	vadd.f32 v52, v3  }
0x512: {  	v61 =	vld [tilespmem:$0x4F20]  }
0x513: {  	v3 =	vadd.f32 v55, v3  }
0x514: {  	v2 =	vadd.f32 v5, v2;
	v5 =	vld [tilespmem:$0x1EFC0]  }
0x515: {  	v3 =	vadd.f32 v57, v3;
	_ =	sdelay $0x1  }
0x516: {  	v3 =	vadd.f32 v61, v3;
	_ =	sdelay $0x1  }
0x517: {  	v3 =	vadd.f32 v5, v3;
	v5 =	vld [tilespmem:$0x6740];
	_ =	sdelay $0x4  }
0x518: {  	[tilespmem:$0x1FCD0] =	vst v5;
	v5 =	vld [tilespmem:$0x1EFD0];
	_ =	sdelay $0x4  }
0x519: {  	v4 =	vadd.f32 v5, v4;
	v5 =	vld [tilespmem:$0x6840];
	_ =	sdelay $0x4  }
0x51a: {  	[tilespmem:$0x1FCE0] =	vst v5;
	v5 =	vld [tilespmem:$0x1EFE0];
	_ =	sdelay $0x4  }
0x51b: {  	v2 =	vadd.f32 v5, v2;
	v5 =	vld [tilespmem:$0x1EFF0];
	_ =	sdelay $0x4  }
0x51c: {  	v3 =	vadd.f32 v5, v3;
	v5 =	vld [tilespmem:$0x6940];
	_ =	sdelay $0x4  }
0x51d: {  	[tilespmem:$0x1FCF0] =	vst v5;
	v5 =	vld [tilespmem:$0x1F000];
	_ =	sdelay $0x4  }
0x51e: {  	v4 =	vadd.f32 v5, v4;
	v5 =	vld [tilespmem:$0x6A40];
	_ =	sdelay $0x4  }
0x51f: {  	[tilespmem:$0x1FD00] =	vst v5;
	v5 =	vld [tilespmem:$0x1F010];
	_ =	sdelay $0x4  }
0x520: {  	v2 =	vadd.f32 v5, v2;
	v5 =	vld [tilespmem:$0x1F020];
	_ =	sdelay $0x4  }
0x521: {  	v3 =	vadd.f32 v5, v3;
	v5 =	vld [tilespmem:$0x6B40];
	_ =	sdelay $0x4  }
0x522: {  	[tilespmem:$0x1FD10] =	vst v5;
	v5 =	vld [tilespmem:$0x1F030];
	_ =	sdelay $0x4  }
0x523: {  	v4 =	vadd.f32 v5, v4;
	v5 =	vld [tilespmem:$0x6C40];
	_ =	sdelay $0x4  }
0x524: {  	[tilespmem:$0x1FD20] =	vst v5;
	v5 =	vld [tilespmem:$0x1F040]  }
0x525: {  	v17 =	vld [tilespmem:$0x4830]  }
0x526: {  	v18 =	vld [tilespmem:$0x4930]  }
0x527: {  	v19 =	vld [tilespmem:$0x4A30]  }
0x528: {  	v21 =	vld [tilespmem:$0x4B30]  }
0x529: {  	v2 =	vadd.f32 v5, v2;
	v5 =	vld [tilespmem:$0x1F050]  }
0x52a: {  	v23 =	vld [tilespmem:$0x4C30]  }
0x52b: {  	v26 =	vld [tilespmem:$0x4D30]  }
0x52c: {  	v28 =	vld [tilespmem:$0x4E30]  }
0x52d: {  	v30 =	vld [tilespmem:$0x4F30]  }
0x52e: {  	v3 =	vadd.f32 v5, v3;
	v5 =	vld [tilespmem:$0x6D40]  }
0x52f: {  	v32 =	vld [tilespmem:$0x5030]  }
0x530: {  	v34 =	vld [tilespmem:$0x5130]  }
0x531: {  	v36 =	vld [tilespmem:$0x5230]  }
0x532: {  	v38 =	vld [tilespmem:$0x5330]  }
0x533: {  	[tilespmem:$0x1FD30] =	vst v5;
	v5 =	vld [tilespmem:$0x1F060]  }
0x534: {  	v39 =	vld [tilespmem:$0x5430]  }
0x535: {  	v42 =	vld [tilespmem:$0x5530]  }
0x536: {  	v44 =	vld [tilespmem:$0x5630]  }
0x537: {  	v47 =	vld [tilespmem:$0x5730]  }
0x538: {  	v4 =	vadd.f32 v5, v4;
	v5 =	vld [tilespmem:$0x6E40]  }
0x539: {  	v50 =	vld [tilespmem:$0x5830]  }
0x53a: {  	v46 =	vld [tilespmem:$0x4640]  }
0x53b: {  	v51 =	vld [tilespmem:$0x4740]  }
0x53c: {  	v54 =	vld [tilespmem:$0x4940]  }
0x53d: {  	[tilespmem:$0x1FD40] =	vst v5;
	v5 =	vld [tilespmem:$0x1F070]  }
0x53e: {  	v53 =	vld [tilespmem:$0x5930]  }
0x53f: {  	v56 =	vld [tilespmem:$0x5A30];
	[tilespmem:$0x1FAC0] =	vst v46  }
0x540: {  	v59 =	vld [tilespmem:$0x5B30];
	[tilespmem:$0x1FAD0] =	vst v51  }
0x541: {  	v62 =	vld [tilespmem:$0x5C30];
	[tilespmem:$0x1FAF0] =	vst v54  }
0x542: {  	v2 =	vadd.f32 v5, v2;
	v5 =	vld [tilespmem:$0x1F080];
	_ =	sdelay $0x4  }
0x543: {  	v3 =	vadd.f32 v5, v3;
	v5 =	vld [tilespmem:$0x6F40];
	_ =	sdelay $0x4  }
0x544: {  	[tilespmem:$0x1FD60] =	vst v5;
	v5 =	vld [tilespmem:$0x1F090];
	_ =	sdelay $0x4  }
0x545: {  	v4 =	vadd.f32 v5, v4;
	v5 =	vld [tilespmem:$0x7040];
	_ =	sdelay $0x4  }
0x546: {  	[tilespmem:$0x1FD80] =	vst v5;
	v5 =	vld [tilespmem:$0x1F0A0];
	_ =	sdelay $0x4  }
0x547: {  	v2 =	vadd.f32 v5, v2;
	v5 =	vld [tilespmem:$0x1F0B0];
	_ =	sdelay $0x4  }
0x548: {  	v3 =	vadd.f32 v5, v3;
	v5 =	vld [tilespmem:$0x7140];
	_ =	sdelay $0x4  }
0x549: {  	[tilespmem:$0x1FDA0] =	vst v5;
	v5 =	vld [tilespmem:$0x1F0C0];
	_ =	sdelay $0x4  }
0x54a: {  	v4 =	vadd.f32 v5, v4;
	v5 =	vld [tilespmem:$0x7240];
	_ =	sdelay $0x4  }
0x54b: {  	[tilespmem:$0x1FDC0] =	vst v5;
	v5 =	vld [tilespmem:$0x1F0D0];
	_ =	sdelay $0x4  }
0x54c: {  	v2 =	vadd.f32 v5, v2;
	v5 =	vld [tilespmem:$0x1F0E0];
	_ =	sdelay $0x4  }
0x54d: {  	v3 =	vadd.f32 v5, v3;
	v5 =	vld [tilespmem:$0x7340];
	_ =	sdelay $0x4  }
0x54e: {  	[tilespmem:$0x1FDE0] =	vst v5;
	v5 =	vld [tilespmem:$0x1F0F0];
	_ =	sdelay $0x4  }
0x54f: {  	v4 =	vadd.f32 v5, v4;
	v5 =	vld [tilespmem:$0x7440];
	_ =	sdelay $0x4  }
0x550: {  	[tilespmem:$0x1FE00] =	vst v5;
	v5 =	vld [tilespmem:$0x1F100];
	_ =	sdelay $0x4  }
0x551: {  	v2 =	vadd.f32 v5, v2;
	v5 =	vld [tilespmem:$0x1F110];
	_ =	sdelay $0x4  }
0x552: {  	v3 =	vadd.f32 v5, v3;
	v5 =	vld [tilespmem:$0x7540];
	_ =	sdelay $0x4  }
0x553: {  	[tilespmem:$0x1FE20] =	vst v5;
	v5 =	vld [tilespmem:$0x1F120];
	_ =	sdelay $0x4  }
0x554: {  	v4 =	vadd.f32 v5, v4;
	v5 =	vld [tilespmem:$0x7640];
	_ =	sdelay $0x4  }
0x555: {  	[tilespmem:$0x1FE40] =	vst v5;
	v5 =	vld [tilespmem:$0x1F130];
	_ =	sdelay $0x4  }
0x556: {  	v2 =	vadd.f32 v5, v2;
	v5 =	vld [tilespmem:$0x1F140];
	_ =	sdelay $0x4  }
0x557: {  	v3 =	vadd.f32 v5, v3;
	v5 =	vld [tilespmem:$0x7740];
	_ =	sdelay $0x4  }
0x558: {  	[tilespmem:$0x1FE60] =	vst v5;
	v5 =	vld [tilespmem:$0x1F150];
	_ =	sdelay $0x4  }
0x559: {  	v4 =	vadd.f32 v5, v4;
	v5 =	vld [tilespmem:$0x7840];
	_ =	sdelay $0x4  }
0x55a: {  	[tilespmem:$0x1FE80] =	vst v5;
	v5 =	vld [tilespmem:$0x1F160];
	_ =	sdelay $0x4  }
0x55b: {  	v2 =	vadd.f32 v5, v2;
	v5 =	vld [tilespmem:$0x1F170];
	_ =	sdelay $0x4  }
0x55c: {  	v3 =	vadd.f32 v5, v3;
	v5 =	vld [tilespmem:$0x7940];
	_ =	sdelay $0x4  }
0x55d: {  	[tilespmem:$0x1FEA0] =	vst v5;
	v5 =	vld [tilespmem:$0x1F180];
	_ =	sdelay $0x4  }
0x55e: {  	v4 =	vadd.f32 v5, v4;
	v5 =	vld [tilespmem:$0x7A40];
	_ =	sdelay $0x4  }
0x55f: {  	[tilespmem:$0x1FEC0] =	vst v5;
	v5 =	vld [tilespmem:$0x1F190];
	_ =	sdelay $0x4  }
0x560: {  	v2 =	vadd.f32 v5, v2;
	v5 =	vld [tilespmem:$0x1F1A0];
	_ =	sdelay $0x4  }
0x561: {  	v3 =	vadd.f32 v5, v3;
	v5 =	vld [tilespmem:$0x7B40];
	_ =	sdelay $0x4  }
0x562: {  	[tilespmem:$0x1FEE0] =	vst v5;
	v5 =	vld [tilespmem:$0x1F1B0];
	_ =	sdelay $0x4  }
0x563: {  	v1 =	vadd.f32 v17, v1;
	v4 =	vadd.f32 v5, v4;
	v5 =	vld [tilespmem:$0x7C40];
	_ =	sdelay $0x1  }
0x564: {  	v1 =	vadd.f32 v18, v1;
	_ =	sdelay $0x1  }
0x565: {  	v1 =	vadd.f32 v19, v1  }
0x566: {  	[tilespmem:$0x1FF10] =	vst v5;
	v5 =	vld [tilespmem:$0x1F1C0]  }
0x567: {  	v1 =	vadd.f32 v21, v1  }
0x568: {  	v6 =	vld [tilespmem:$0x1F1F0]  }
0x569: {  	v1 =	vadd.f32 v23, v1;
	_ =	sdelay $0x1  }
0x56a: {  	v1 =	vadd.f32 v26, v1;
	v2 =	vadd.f32 v5, v2;
	v5 =	vld [tilespmem:$0x1F1D0];
	_ =	sdelay $0x1  }
0x56b: {  	v1 =	vadd.f32 v28, v1;
	v2 =	vadd.f32 v6, v2;
	v6 =	vld [tilespmem:$0x1F200];
	_ =	sdelay $0x1  }
0x56c: {  	v1 =	vadd.f32 v30, v1  }
0x56d: {  	v3 =	vadd.f32 v5, v3;
	v5 =	vld [tilespmem:$0x1F1E0]  }
0x56e: {  	v1 =	vadd.f32 v32, v1  }
0x56f: {  	v3 =	vadd.f32 v6, v3;
	v6 =	vld [tilespmem:$0x1F210]  }
0x570: {  	v1 =	vadd.f32 v34, v1;
	_ =	sdelay $0x1  }
0x571: {  	v1 =	vadd.f32 v36, v1;
	v4 =	vadd.f32 v5, v4;
	_ =	sdelay $0x1  }
0x572: {  	v1 =	vadd.f32 v38, v1;
	v4 =	vadd.f32 v6, v4;
	v6 =	vld [tilespmem:$0x1F220];
	_ =	sdelay $0x1  }
0x573: {  	v1 =	vadd.f32 v39, v1;
	_ =	sdelay $0x1  }
0x574: {  	v1 =	vadd.f32 v42, v1  }
0x575: {  	v2 =	vadd.f32 v6, v2;
	v6 =	vld [tilespmem:$0x1F230]  }
0x576: {  	v1 =	vadd.f32 v44, v1;
	_ =	sdelay $0x1  }
0x577: {  	v1 =	vadd.f32 v47, v1;
	_ =	sdelay $0x1  }
0x578: {  	v1 =	vadd.f32 v50, v1;
	v3 =	vadd.f32 v6, v3;
	v6 =	vld [tilespmem:$0x1F240];
	_ =	sdelay $0x1  }
0x579: {  	v1 =	vadd.f32 v53, v1;
	_ =	sdelay $0x1  }
0x57a: {  	v1 =	vadd.f32 v56, v1  }
0x57b: {  	v4 =	vadd.f32 v6, v4;
	v6 =	vld [tilespmem:$0x1F250]  }
0x57c: {  	v5 =	vadd.f32 v59, v1;
	_ =	sdelay $0x1  }
0x57d: {  	v5 =	vadd.f32 v62, v5;
	_ =	sdelay $0x1  }
0x57e: {  	v5 =	vadd.f32 v6, v5;
	v6 =	vld [tilespmem:$0x1F260];
	_ =	sdelay $0x4  }
0x57f: {  	v2 =	vadd.f32 v6, v2;
	v6 =	vld [tilespmem:$0x1F270];
	_ =	sdelay $0x4  }
0x580: {  	v3 =	vadd.f32 v6, v3;
	v6 =	vld [tilespmem:$0x1F280];
	_ =	sdelay $0x4  }
0x581: {  	v4 =	vadd.f32 v6, v4;
	v6 =	vld [tilespmem:$0x1F290];
	_ =	sdelay $0x4  }
0x582: {  	v5 =	vadd.f32 v6, v5;
	v6 =	vld [tilespmem:$0x1F2A0];
	_ =	sdelay $0x4  }
0x583: {  	v2 =	vadd.f32 v6, v2;
	v6 =	vld [tilespmem:$0x1F2B0];
	_ =	sdelay $0x4  }
0x584: {  	v3 =	vadd.f32 v6, v3;
	v6 =	vld [tilespmem:$0x1F2C0];
	_ =	sdelay $0x4  }
0x585: {  	v4 =	vadd.f32 v6, v4;
	v6 =	vld [tilespmem:$0x1F2D0];
	_ =	sdelay $0x4  }
0x586: {  	v5 =	vadd.f32 v6, v5;
	v6 =	vld [tilespmem:$0x1F2E0];
	_ =	sdelay $0x4  }
0x587: {  	v2 =	vadd.f32 v6, v2;
	v6 =	vld [tilespmem:$0x1F2F0];
	_ =	sdelay $0x4  }
0x588: {  	v3 =	vadd.f32 v6, v3;
	v6 =	vld [tilespmem:$0x1F300];
	_ =	sdelay $0x4  }
0x589: {  	v4 =	vadd.f32 v6, v4;
	v6 =	vld [tilespmem:$0x1F310];
	_ =	sdelay $0x4  }
0x58a: {  	v5 =	vadd.f32 v6, v5;
	v6 =	vld [tilespmem:$0x1F320];
	_ =	sdelay $0x4  }
0x58b: {  	v2 =	vadd.f32 v6, v2;
	v6 =	vld [tilespmem:$0x1F330];
	_ =	sdelay $0x4  }
0x58c: {  	v3 =	vadd.f32 v6, v3;
	v6 =	vld [tilespmem:$0x1F340];
	_ =	sdelay $0x4  }
0x58d: {  	v4 =	vadd.f32 v6, v4;
	v6 =	vld [tilespmem:$0x1F350];
	_ =	sdelay $0x4  }
0x58e: {  	v5 =	vadd.f32 v6, v5;
	v6 =	vld [tilespmem:$0x1F360];
	_ =	sdelay $0x4  }
0x58f: {  	v2 =	vadd.f32 v6, v2;
	v6 =	vld [tilespmem:$0x1F370];
	_ =	sdelay $0x4  }
0x590: {  	v3 =	vadd.f32 v6, v3;
	v6 =	vld [tilespmem:$0x1F380];
	_ =	sdelay $0x4  }
0x591: {  	v4 =	vadd.f32 v6, v4;
	v6 =	vld [tilespmem:$0x1F390];
	_ =	sdelay $0x4  }
0x592: {  	v5 =	vadd.f32 v6, v5;
	v6 =	vld [tilespmem:$0x1F3A0];
	_ =	sdelay $0x4  }
0x593: {  	v2 =	vadd.f32 v6, v2;
	v6 =	vld [tilespmem:$0x1F3B0];
	_ =	sdelay $0x4  }
0x594: {  	v3 =	vadd.f32 v6, v3;
	v6 =	vld [tilespmem:$0x1F3C0];
	_ =	sdelay $0x4  }
0x595: {  	v4 =	vadd.f32 v6, v4;
	v6 =	vld [tilespmem:$0x1F3D0];
	_ =	sdelay $0x4  }
0x596: {  	v5 =	vadd.f32 v6, v5;
	v6 =	vld [tilespmem:$0x1F3E0];
	_ =	sdelay $0x4  }
0x597: {  	v2 =	vadd.f32 v6, v2;
	v6 =	vld [tilespmem:$0x1F3F0];
	_ =	sdelay $0x4  }
0x598: {  	v3 =	vadd.f32 v6, v3;
	v6 =	vld [tilespmem:$0x1F400];
	_ =	sdelay $0x4  }
0x599: {  	v4 =	vadd.f32 v6, v4;
	v6 =	vld [tilespmem:$0x1F410];
	_ =	sdelay $0x4  }
0x59a: {  	v5 =	vadd.f32 v6, v5;
	v6 =	vld [tilespmem:$0x1F420];
	_ =	sdelay $0x4  }
0x59b: {  	v2 =	vadd.f32 v6, v2;
	v6 =	vld [tilespmem:$0x1F430];
	_ =	sdelay $0x4  }
0x59c: {  	v3 =	vadd.f32 v6, v3;
	v6 =	vld [tilespmem:$0x1F440];
	_ =	sdelay $0x4  }
0x59d: {  	v4 =	vadd.f32 v6, v4;
	v6 =	vld [tilespmem:$0x1F450];
	_ =	sdelay $0x4  }
0x59e: {  	v5 =	vadd.f32 v6, v5;
	v6 =	vld [tilespmem:$0x1F460];
	_ =	sdelay $0x4  }
0x59f: {  	v2 =	vadd.f32 v6, v2;
	v6 =	vld [tilespmem:$0x1F470];
	_ =	sdelay $0x4  }
0x5a0: {  	v3 =	vadd.f32 v6, v3;
	v6 =	vld [tilespmem:$0x1F480];
	_ =	sdelay $0x4  }
0x5a1: {  	v4 =	vadd.f32 v6, v4;
	v6 =	vld [tilespmem:$0x1F490];
	_ =	sdelay $0x4  }
0x5a2: {  	v5 =	vadd.f32 v6, v5;
	v6 =	vld [tilespmem:$0x1F4A0];
	_ =	sdelay $0x4  }
0x5a3: {  	v2 =	vadd.f32 v6, v2;
	v6 =	vld [tilespmem:$0x1F4B0];
	_ =	sdelay $0x4  }
0x5a4: {  	v3 =	vadd.f32 v6, v3;
	v6 =	vld [tilespmem:$0x1F4C0];
	_ =	sdelay $0x4  }
0x5a5: {  	v4 =	vadd.f32 v6, v4;
	v6 =	vld [tilespmem:$0x1F4D0];
	_ =	sdelay $0x4  }
0x5a6: {  	v5 =	vadd.f32 v6, v5;
	v6 =	vld [tilespmem:$0x1F4E0];
	_ =	sdelay $0x4  }
0x5a7: {  	v2 =	vadd.f32 v6, v2;
	v6 =	vld [tilespmem:$0x1F4F0];
	_ =	sdelay $0x4  }
0x5a8: {  	v3 =	vadd.f32 v6, v3;
	v6 =	vld [tilespmem:$0x1F500];
	_ =	sdelay $0x4  }
0x5a9: {  	v4 =	vadd.f32 v6, v4;
	v6 =	vld [tilespmem:$0x1F510];
	_ =	sdelay $0x4  }
0x5aa: {  	v5 =	vadd.f32 v6, v5;
	v6 =	vld [tilespmem:$0x1F520];
	_ =	sdelay $0x4  }
0x5ab: {  	v2 =	vadd.f32 v6, v2;
	v6 =	vld [tilespmem:$0x1F530];
	_ =	sdelay $0x4  }
0x5ac: {  	v3 =	vadd.f32 v6, v3;
	v6 =	vld [tilespmem:$0x1F540];
	_ =	sdelay $0x4  }
0x5ad: {  	v4 =	vadd.f32 v6, v4;
	v6 =	vld [tilespmem:$0x1F550];
	_ =	sdelay $0x4  }
0x5ae: {  	v5 =	vadd.f32 v6, v5;
	v6 =	vld [tilespmem:$0x1F560];
	_ =	sdelay $0x4  }
0x5af: {  	v2 =	vadd.f32 v6, v2;
	v6 =	vld [tilespmem:$0x1F570];
	_ =	sdelay $0x4  }
0x5b0: {  	v3 =	vadd.f32 v6, v3;
	v6 =	vld [tilespmem:$0x1F580];
	_ =	sdelay $0x4  }
0x5b1: {  	v4 =	vadd.f32 v6, v4;
	v6 =	vld [tilespmem:$0x1F590];
	_ =	sdelay $0x4  }
0x5b2: {  	v5 =	vadd.f32 v6, v5;
	v6 =	vld [tilespmem:$0x1F5A0];
	_ =	sdelay $0x4  }
0x5b3: {  	v2 =	vadd.f32 v6, v2;
	v6 =	vld [tilespmem:$0x1F5B0];
	_ =	sdelay $0x4  }
0x5b4: {  	v3 =	vadd.f32 v6, v3;
	v6 =	vld [tilespmem:$0x1F5C0];
	_ =	sdelay $0x4  }
0x5b5: {  	v4 =	vadd.f32 v6, v4;
	v6 =	vld [tilespmem:$0x1F5D0];
	_ =	sdelay $0x4  }
0x5b6: {  	v5 =	vadd.f32 v6, v5;
	v6 =	vld [tilespmem:$0x1F5E0];
	_ =	sdelay $0x1  }
0x5b7: {  	v7 =	vld [tilespmem:$0x1F620];
	_ =	sdelay $0x2  }
0x5b8: {  	v6 =	vadd.f32 v6, v2;
	v2 =	vld [tilespmem:$0x1F5F0];
	_ =	sdelay $0x1  }
0x5b9: {  	v6 =	vadd.f32 v7, v6;
	v7 =	vld [tilespmem:$0x1F630];
	_ =	sdelay $0x2  }
0x5ba: {  	v3 =	vadd.f32 v2, v3;
	v2 =	vld [tilespmem:$0x1F600];
	_ =	sdelay $0x1  }
0x5bb: {  	v3 =	vadd.f32 v7, v3;
	v7 =	vld [tilespmem:$0x1F640];
	_ =	sdelay $0x2  }
0x5bc: {  	v4 =	vadd.f32 v2, v4;
	v2 =	vld [tilespmem:$0x1F610];
	_ =	sdelay $0x1  }
0x5bd: {  	v4 =	vadd.f32 v7, v4;
	v7 =	vld [tilespmem:$0x1F650];
	_ =	sdelay $0x2  }
0x5be: {  	v5 =	vadd.f32 v2, v5;
	_ =	sdelay $0x1  }
0x5bf: {  	v5 =	vadd.f32 v7, v5;
	v7 =	vld [tilespmem:$0x1F660];
	_ =	sdelay $0x4  }
0x5c0: {  	v6 =	vadd.f32 v7, v6;
	v7 =	vld [tilespmem:$0x1F670];
	_ =	sdelay $0x4  }
0x5c1: {  	v3 =	vadd.f32 v7, v3;
	v7 =	vld [tilespmem:$0x1F680];
	_ =	sdelay $0x4  }
0x5c2: {  	v4 =	vadd.f32 v7, v4;
	v7 =	vld [tilespmem:$0x1F690];
	_ =	sdelay $0x4  }
0x5c3: {  	v5 =	vadd.f32 v7, v5;
	v7 =	vld [tilespmem:$0x1F6A0];
	_ =	sdelay $0x4  }
0x5c4: {  	v6 =	vadd.f32 v7, v6;
	v7 =	vld [tilespmem:$0x1F6B0];
	_ =	sdelay $0x4  }
0x5c5: {  	v3 =	vadd.f32 v7, v3;
	v7 =	vld [tilespmem:$0x1F6C0];
	_ =	sdelay $0x4  }
0x5c6: {  	v4 =	vadd.f32 v7, v4;
	v7 =	vld [tilespmem:$0x1F6D0];
	_ =	sdelay $0x4  }
0x5c7: {  	v5 =	vadd.f32 v7, v5;
	v7 =	vld [tilespmem:$0x1F6E0];
	_ =	sdelay $0x4  }
0x5c8: {  	v6 =	vadd.f32 v7, v6;
	v7 =	vld [tilespmem:$0x1F6F0];
	_ =	sdelay $0x4  }
0x5c9: {  	v3 =	vadd.f32 v7, v3;
	v7 =	vld [tilespmem:$0x1F700];
	_ =	sdelay $0x4  }
0x5ca: {  	v4 =	vadd.f32 v7, v4;
	v7 =	vld [tilespmem:$0x1F710];
	_ =	sdelay $0x4  }
0x5cb: {  	v5 =	vadd.f32 v7, v5;
	v7 =	vld [tilespmem:$0x1F720];
	_ =	sdelay $0x4  }
0x5cc: {  	v6 =	vadd.f32 v7, v6;
	v7 =	vld [tilespmem:$0x1F730];
	_ =	sdelay $0x4  }
0x5cd: {  	v3 =	vadd.f32 v7, v3;
	v7 =	vld [tilespmem:$0x1F740];
	_ =	sdelay $0x4  }
0x5ce: {  	v4 =	vadd.f32 v7, v4;
	v7 =	vld [tilespmem:$0x1F750];
	_ =	sdelay $0x4  }
0x5cf: {  	v5 =	vadd.f32 v7, v5;
	v7 =	vld [tilespmem:$0x1F760];
	_ =	sdelay $0x4  }
0x5d0: {  	v6 =	vadd.f32 v7, v6;
	v7 =	vld [tilespmem:$0x1F770];
	_ =	sdelay $0x4  }
0x5d1: {  	v3 =	vadd.f32 v7, v3;
	v7 =	vld [tilespmem:$0x1F780];
	_ =	sdelay $0x4  }
0x5d2: {  	v4 =	vadd.f32 v7, v4;
	v7 =	vld [tilespmem:$0x1F790];
	_ =	sdelay $0x4  }
0x5d3: {  	v5 =	vadd.f32 v7, v5;
	v7 =	vld [tilespmem:$0x1F7A0];
	_ =	sdelay $0x4  }
0x5d4: {  	v6 =	vadd.f32 v7, v6;
	v7 =	vld [tilespmem:$0x1F7B0];
	_ =	sdelay $0x4  }
0x5d5: {  	v3 =	vadd.f32 v7, v3;
	v7 =	vld [tilespmem:$0x1F7C0];
	_ =	sdelay $0x4  }
0x5d6: {  	v4 =	vadd.f32 v7, v4;
	v7 =	vld [tilespmem:$0x1F7D0];
	_ =	sdelay $0x4  }
0x5d7: {  	v5 =	vadd.f32 v7, v5;
	v7 =	vld [tilespmem:$0x6E50];
	_ =	sdelay $0x4  }
0x5d8: {  	[tilespmem:$0x1FD50] =	vst v7;
	v7 =	vld [tilespmem:$0x1F7E0];
	_ =	sdelay $0x4  }
0x5d9: {  	v6 =	vadd.f32 v7, v6;
	v7 =	vld [tilespmem:$0x1F7F0];
	_ =	sdelay $0x4  }
0x5da: {  	v3 =	vadd.f32 v7, v3;
	v7 =	vld [tilespmem:$0x6F50];
	_ =	sdelay $0x4  }
0x5db: {  	[tilespmem:$0x1FD70] =	vst v7;
	v7 =	vld [tilespmem:$0x1F800];
	_ =	sdelay $0x4  }
0x5dc: {  	v4 =	vadd.f32 v7, v4;
	v7 =	vld [tilespmem:$0x1F810];
	_ =	sdelay $0x4  }
0x5dd: {  	v5 =	vadd.f32 v7, v5;
	v7 =	vld [tilespmem:$0x7050];
	_ =	sdelay $0x4  }
0x5de: {  	[tilespmem:$0x1FD90] =	vst v7;
	v7 =	vld [tilespmem:$0x1F820];
	_ =	sdelay $0x4  }
0x5df: {  	v6 =	vadd.f32 v7, v6;
	v7 =	vld [tilespmem:$0x1F830];
	_ =	sdelay $0x4  }
0x5e0: {  	v3 =	vadd.f32 v7, v3;
	v7 =	vld [tilespmem:$0x7150];
	_ =	sdelay $0x4  }
0x5e1: {  	[tilespmem:$0x1FDB0] =	vst v7;
	v7 =	vld [tilespmem:$0x1F840];
	_ =	sdelay $0x4  }
0x5e2: {  	v4 =	vadd.f32 v7, v4;
	v7 =	vld [tilespmem:$0x1F850];
	_ =	sdelay $0x4  }
0x5e3: {  	v5 =	vadd.f32 v7, v5;
	v7 =	vld [tilespmem:$0x7250];
	_ =	sdelay $0x4  }
0x5e4: {  	[tilespmem:$0x1FDD0] =	vst v7;
	v7 =	vld [tilespmem:$0x1F860];
	_ =	sdelay $0x4  }
0x5e5: {  	v6 =	vadd.f32 v7, v6;
	v7 =	vld [tilespmem:$0x1F870];
	_ =	sdelay $0x4  }
0x5e6: {  	v3 =	vadd.f32 v7, v3;
	v7 =	vld [tilespmem:$0x7350];
	_ =	sdelay $0x4  }
0x5e7: {  	[tilespmem:$0x1FDF0] =	vst v7;
	v7 =	vld [tilespmem:$0x1F880];
	_ =	sdelay $0x4  }
0x5e8: {  	v4 =	vadd.f32 v7, v4;
	v7 =	vld [tilespmem:$0x1F890];
	_ =	sdelay $0x4  }
0x5e9: {  	v5 =	vadd.f32 v7, v5;
	v7 =	vld [tilespmem:$0x7450];
	_ =	sdelay $0x4  }
0x5ea: {  	[tilespmem:$0x1FE10] =	vst v7;
	v7 =	vld [tilespmem:$0x1F8A0];
	_ =	sdelay $0x4  }
0x5eb: {  	v6 =	vadd.f32 v7, v6;
	v7 =	vld [tilespmem:$0x1F8B0];
	_ =	sdelay $0x4  }
0x5ec: {  	v3 =	vadd.f32 v7, v3;
	v7 =	vld [tilespmem:$0x7550];
	_ =	sdelay $0x4  }
0x5ed: {  	[tilespmem:$0x1FE30] =	vst v7;
	v7 =	vld [tilespmem:$0x1F8C0];
	_ =	sdelay $0x4  }
0x5ee: {  	v4 =	vadd.f32 v7, v4;
	v7 =	vld [tilespmem:$0x1F8D0];
	_ =	sdelay $0x4  }
0x5ef: {  	v5 =	vadd.f32 v7, v5;
	v7 =	vld [tilespmem:$0x7650];
	_ =	sdelay $0x4  }
0x5f0: {  	[tilespmem:$0x1FE50] =	vst v7;
	v7 =	vld [tilespmem:$0x1F8E0];
	_ =	sdelay $0x4  }
0x5f1: {  	v6 =	vadd.f32 v7, v6;
	v7 =	vld [tilespmem:$0x1F8F0];
	_ =	sdelay $0x4  }
0x5f2: {  	v3 =	vadd.f32 v7, v3;
	v7 =	vld [tilespmem:$0x7750];
	_ =	sdelay $0x4  }
0x5f3: {  	[tilespmem:$0x1FE70] =	vst v7;
	v7 =	vld [tilespmem:$0x1F900];
	_ =	sdelay $0x4  }
0x5f4: {  	v4 =	vadd.f32 v7, v4;
	v7 =	vld [tilespmem:$0x1F910];
	_ =	sdelay $0x4  }
0x5f5: {  	v5 =	vadd.f32 v7, v5;
	v7 =	vld [tilespmem:$0x7850];
	_ =	sdelay $0x4  }
0x5f6: {  	[tilespmem:$0x1FE90] =	vst v7;
	v7 =	vld [tilespmem:$0x1F920];
	_ =	sdelay $0x4  }
0x5f7: {  	v6 =	vadd.f32 v7, v6;
	v7 =	vld [tilespmem:$0x1F930];
	_ =	sdelay $0x4  }
0x5f8: {  	v3 =	vadd.f32 v7, v3;
	v7 =	vld [tilespmem:$0x7950];
	_ =	sdelay $0x4  }
0x5f9: {  	[tilespmem:$0x1FEB0] =	vst v7;
	v7 =	vld [tilespmem:$0x1F940];
	_ =	sdelay $0x4  }
0x5fa: {  	v4 =	vadd.f32 v7, v4;
	v7 =	vld [tilespmem:$0x1F950];
	_ =	sdelay $0x4  }
0x5fb: {  	v5 =	vadd.f32 v7, v5;
	v7 =	vld [tilespmem:$0x7A50];
	_ =	sdelay $0x4  }
0x5fc: {  	[tilespmem:$0x1FED0] =	vst v7;
	v7 =	vld [tilespmem:$0x1F960];
	_ =	sdelay $0x4  }
0x5fd: {  	v6 =	vadd.f32 v7, v6;
	v7 =	vld [tilespmem:$0x1F970];
	_ =	sdelay $0x4  }
0x5fe: {  	v3 =	vadd.f32 v7, v3;
	v7 =	vld [tilespmem:$0x7B50];
	_ =	sdelay $0x4  }
0x5ff: {  	[tilespmem:$0x1FEF0] =	vst v7;
	v7 =	vld [tilespmem:$0x1F980];
	_ =	sdelay $0x4  }
0x600: {  	v4 =	vadd.f32 v7, v4;
	v7 =	vld [tilespmem:$0x1F990];
	_ =	sdelay $0x4  }
0x601: {  	v5 =	vadd.f32 v7, v5;
	v7 =	vld [tilespmem:$0x7C50];
	_ =	sdelay $0x4  }
0x602: {  	[tilespmem:$0x1FF30] =	vst v7;
	v7 =	vld [tilespmem:$0x1F9A0];
	_ =	sdelay $0x4  }
0x603: {  	v6 =	vadd.f32 v7, v6;
	v7 =	vld [tilespmem:$0x1F9B0];
	_ =	sdelay $0x4  }
0x604: {  	v3 =	vadd.f32 v7, v3;
	v7 =	vld [tilespmem:$0x7D50];
	_ =	sdelay $0x1  }
0x605: {  	v8 =	vld [tilespmem:$0x1F9E0];
	_ =	sdelay $0x2  }
0x606: {  	[tilespmem:$0x1FF60] =	vst v7;
	v7 =	vld [tilespmem:$0x1F9C0];
	_ =	sdelay $0x1  }
0x607: {  	v6 =	vadd.f32 v8, v6;
	v8 =	vld [tilespmem:$0x1FA00];
	_ =	sdelay $0x2  }
0x608: {  	[tilespmem:$0x1FF00] =	vst v6;
	v6 =	vld [tilespmem:$0x1F9F0];
	v4 =	vadd.f32 v7, v4  }
0x609: {  	v7 =	vld [tilespmem:$0x1F9D0]  }
0x60a: {  	v4 =	vadd.f32 v8, v4;
	v8 =	vld [tilespmem:$0x1FA20];
	_ =	sdelay $0x1  }
0x60b: {  	[tilespmem:$0x1FF20] =	vst v4;
	v4 =	vld [tilespmem:$0x1FA10]  }
0x60c: {  	v9 =	vld [tilespmem:$0x1FA40];
	v3 =	vadd.f32 v6, v3  }
0x60d: {  	v1 =	vld [tilespmem:$0x3E50]  }
0x60e: {  	v5 =	vadd.f32 v7, v5;
	v3 =	vadd.f32 v8, v3  }
0x60f: {  	v17 =	vld [tilespmem:$0x3F50]  }
0x610: {  	v4 =	vadd.f32 v4, v5;
	[tilespmem:$0x1FF40] =	vst v3;
	v3 =	vld [tilespmem:$0x1FA30];
	_ =	sdelay $0x1  }
0x611: {  	v1 =	vadd.f32 $0.0e+00, v1;
	v4 =	vadd.f32 v9, v4;
	v9 =	vld [tilespmem:$0x1FA50];
	_ =	sdelay $0x1  }
0x612: {  	v1 =	vadd.f32 v17, v1;
	v17 =	vld [tilespmem:$0x1FA60]  }
0x613: {  	v3 =	vadd.f32 $0.0e+00, v3;
	_ =	sdelay $0x1  }
0x614: {  	v3 =	vadd.f32 v9, v3;
	_ =	sdelay $0x1  }
0x615: {  	v3 =	vadd.f32 v17, v3;
	v17 =	vld [tilespmem:$0x1FA70];
	_ =	sdelay $0x4  }
0x616: {  	v3 =	vadd.f32 v17, v3;
	v17 =	vld [tilespmem:$0x1FA80];
	_ =	sdelay $0x4  }
0x617: {  	v3 =	vadd.f32 v17, v3;
	v17 =	vld [tilespmem:$0x1FA90];
	_ =	sdelay $0x4  }
0x618: {  	v3 =	vadd.f32 v17, v3;
	v17 =	vld [tilespmem:$0x1FAA0];
	_ =	sdelay $0x4  }
0x619: {  	v3 =	vadd.f32 v17, v3;
	v17 =	vld [tilespmem:$0x1FAB0];
	_ =	sdelay $0x4  }
0x61a: {  	v3 =	vadd.f32 v17, v3;
	v17 =	vld [tilespmem:$0x1FAC0];
	_ =	sdelay $0x1  }
0x61b: {  	v18 =	vld [tilespmem:$0x4050]  }
0x61c: {  	v19 =	vld [tilespmem:$0x4150]  }
0x61d: {  	v20 =	vld [tilespmem:$0x4250]  }
0x61e: {  	v3 =	vadd.f32 v17, v3;
	v17 =	vld [tilespmem:$0x1FAD0]  }
0x61f: {  	v21 =	vld [tilespmem:$0x4350]  }
0x620: {  	v22 =	vld [tilespmem:$0x4450]  }
0x621: {  	v23 =	vld [tilespmem:$0x4550]  }
0x622: {  	v24 =	vld [tilespmem:$0x4650]  }
0x623: {  	v3 =	vadd.f32 v17, v3;
	v17 =	vld [tilespmem:$0x1FAE0]  }
0x624: {  	v28 =	vld [tilespmem:$0x4750]  }
0x625: {  	v60 =	vld [tilespmem:$0x4850]  }
0x626: {  	v30 =	vld [tilespmem:$0x4A50]  }
0x627: {  	v33 =	vld [tilespmem:$0x4B50]  }
0x628: {  	v3 =	vadd.f32 v17, v3;
	v17 =	vld [tilespmem:$0x1FAF0]  }
0x629: {  	v50 =	vld [tilespmem:$0x4C50]  }
0x62a: {  	v58 =	vld [tilespmem:$0x4D50]  }
0x62b: {  	v56 =	vld [tilespmem:$0x4E50]  }
0x62c: {  	v47 =	vld [tilespmem:$0x4F50]  }
0x62d: {  	v3 =	vadd.f32 v17, v3;
	v17 =	vld [tilespmem:$0x1FB00]  }
0x62e: {  	v27 =	vld [tilespmem:$0x5050]  }
0x62f: {  	v26 =	vld [tilespmem:$0x5150]  }
0x630: {  	v29 =	vld [tilespmem:$0x5350]  }
0x631: {  	v34 =	vld [tilespmem:$0x5450]  }
0x632: {  	v3 =	vadd.f32 v17, v3;
	v17 =	vld [tilespmem:$0x1FB10]  }
0x633: {  	v31 =	vld [tilespmem:$0x5550]  }
0x634: {  	v32 =	vld [tilespmem:$0x5650]  }
0x635: {  	v35 =	vld [tilespmem:$0x5750]  }
0x636: {  	v36 =	vld [tilespmem:$0x5850]  }
0x637: {  	v3 =	vadd.f32 v17, v3;
	v17 =	vld [tilespmem:$0x1FB20]  }
0x638: {  	v48 =	vld [tilespmem:$0x5950]  }
0x639: {  	v41 =	vld [tilespmem:$0x5A50]  }
0x63a: {  	v52 =	vld [tilespmem:$0x5B50]  }
0x63b: {  	v44 =	vld [tilespmem:$0x5C50]  }
0x63c: {  	v3 =	vadd.f32 v17, v3;
	v17 =	vld [tilespmem:$0x1FB30]  }
0x63d: {  	v37 =	vld [tilespmem:$0x5D50]  }
0x63e: {  	v38 =	vld [tilespmem:$0x5E50]  }
0x63f: {  	v39 =	vld [tilespmem:$0x5F50]  }
0x640: {  	v10 =	vld [tilespmem:$0x4160]  }
0x641: {  	v3 =	vadd.f32 v17, v3;
	v17 =	vld [tilespmem:$0x1FB40]  }
0x642: {  	v59 =	vld [tilespmem:$0x5250]  }
0x643: {  	v62 =	vld [tilespmem:$0x4950]  }
0x644: {  	v6 =	vld [tilespmem:$0x3E70]  }
0x645: {  	v7 =	vld [tilespmem:$0x3E60]  }
0x646: {  	v3 =	vadd.f32 v17, v3;
	v17 =	vld [tilespmem:$0x1FB50]  }
0x647: {  	v8 =	vld [tilespmem:$0x3F70]  }
0x648: {  	v5 =	vld [tilespmem:$0x3F60]  }
0x649: {  	v2 =	vld [tilespmem:$0x6050]  }
0x64a: {  	v6 =	vadd.f32 $0.0e+00, v6;
	[tilespmem:$0x1FF50] =	vst v4;
	v4 =	vld [tilespmem:$0x4060]  }
0x64b: {  	v7 =	vadd.f32 $0.0e+00, v7;
	v3 =	vadd.f32 v17, v3;
	v17 =	vld [tilespmem:$0x1FB60]  }
0x64c: {  	v6 =	vadd.f32 v8, v6;
	v8 =	vld [tilespmem:$0x4260]  }
0x64d: {  	v5 =	vadd.f32 v5, v7;
	v9 =	vld [tilespmem:$0x4070]  }
0x64e: {  	v7 =	vld [tilespmem:$0x4170]  }
0x64f: {  	v4 =	vadd.f32 v4, v5;
	v5 =	vld [tilespmem:$0x4270]  }
0x650: {  	v3 =	vadd.f32 v17, v3;
	v17 =	vld [tilespmem:$0x1FB70]  }
0x651: {  	v4 =	vadd.f32 v10, v4;
	v10 =	vld [tilespmem:$0x4370]  }
0x652: {  	v6 =	vadd.f32 v9, v6;
	v9 =	vld [tilespmem:$0x4360]  }
0x653: {  	v4 =	vadd.f32 v8, v4;
	v8 =	vld [tilespmem:$0x4470]  }
0x654: {  	v6 =	vadd.f32 v7, v6;
	v7 =	vld [tilespmem:$0x4460]  }
0x655: {  	v3 =	vadd.f32 v17, v3;
	v17 =	vld [tilespmem:$0x1FB80]  }
0x656: {  	v5 =	vadd.f32 v5, v6;
	v6 =	vld [tilespmem:$0x4560]  }
0x657: {  	v4 =	vadd.f32 v9, v4;
	v9 =	vld [tilespmem:$0x4570]  }
0x658: {  	v5 =	vadd.f32 v10, v5;
	v10 =	vld [tilespmem:$0x4660]  }
0x659: {  	v4 =	vadd.f32 v7, v4;
	v7 =	vld [tilespmem:$0x4670]  }
0x65a: {  	v3 =	vadd.f32 v17, v3;
	v17 =	vld [tilespmem:$0x1FB90]  }
0x65b: {  	v5 =	vadd.f32 v8, v5;
	v8 =	vld [tilespmem:$0x4760]  }
0x65c: {  	v1 =	vadd.f32 v18, v1;
	v4 =	vadd.f32 v6, v4;
	v6 =	vld [tilespmem:$0x4770]  }
0x65d: {  	v5 =	vadd.f32 v9, v5;
	v9 =	vld [tilespmem:$0x4860]  }
0x65e: {  	v1 =	vadd.f32 v19, v1;
	v4 =	vadd.f32 v10, v4;
	v10 =	vld [tilespmem:$0x4870]  }
0x65f: {  	v3 =	vadd.f32 v17, v3;
	v17 =	vld [tilespmem:$0x1FBA0]  }
0x660: {  	v1 =	vadd.f32 v20, v1;
	v5 =	vadd.f32 v7, v5;
	v7 =	vld [tilespmem:$0x4960]  }
0x661: {  	v4 =	vadd.f32 v8, v4;
	v8 =	vld [tilespmem:$0x4970]  }
0x662: {  	v1 =	vadd.f32 v21, v1;
	v5 =	vadd.f32 v6, v5;
	v6 =	vld [tilespmem:$0x4A60]  }
0x663: {  	v4 =	vadd.f32 v9, v4;
	v9 =	vld [tilespmem:$0x4A70]  }
0x664: {  	v1 =	vadd.f32 v22, v1;
	v3 =	vadd.f32 v17, v3;
	v17 =	vld [tilespmem:$0x1FBB0]  }
0x665: {  	v5 =	vadd.f32 v10, v5;
	v10 =	vld [tilespmem:$0x4B60]  }
0x666: {  	v1 =	vadd.f32 v23, v1;
	v4 =	vadd.f32 v7, v4;
	v7 =	vld [tilespmem:$0x4B70]  }
0x667: {  	v5 =	vadd.f32 v8, v5;
	v8 =	vld [tilespmem:$0x4C60]  }
0x668: {  	v1 =	vadd.f32 v24, v1;
	v4 =	vadd.f32 v6, v4;
	v6 =	vld [tilespmem:$0x4C70]  }
0x669: {  	v3 =	vadd.f32 v17, v3;
	v17 =	vld [tilespmem:$0x1FBC0]  }
0x66a: {  	v1 =	vadd.f32 v28, v1;
	v5 =	vadd.f32 v9, v5;
	v9 =	vld [tilespmem:$0x4D60]  }
0x66b: {  	v4 =	vadd.f32 v10, v4;
	v10 =	vld [tilespmem:$0x4D70]  }
0x66c: {  	v1 =	vadd.f32 v60, v1;
	v5 =	vadd.f32 v7, v5;
	v7 =	vld [tilespmem:$0x4E60]  }
0x66d: {  	v4 =	vadd.f32 v8, v4;
	v8 =	vld [tilespmem:$0x4E70]  }
0x66e: {  	v1 =	vadd.f32 v62, v1;
	v3 =	vadd.f32 v17, v3;
	v17 =	vld [tilespmem:$0x1FBD0]  }
0x66f: {  	v5 =	vadd.f32 v6, v5;
	v6 =	vld [tilespmem:$0x4F60]  }
0x670: {  	v1 =	vadd.f32 v30, v1;
	v4 =	vadd.f32 v9, v4;
	v9 =	vld [tilespmem:$0x4F70]  }
0x671: {  	v5 =	vadd.f32 v10, v5;
	v10 =	vld [tilespmem:$0x5060]  }
0x672: {  	v1 =	vadd.f32 v33, v1;
	v4 =	vadd.f32 v7, v4;
	v7 =	vld [tilespmem:$0x5070]  }
0x673: {  	v3 =	vadd.f32 v17, v3;
	v17 =	vld [tilespmem:$0x1FBE0]  }
0x674: {  	v1 =	vadd.f32 v50, v1;
	v5 =	vadd.f32 v8, v5;
	v8 =	vld [tilespmem:$0x5160]  }
0x675: {  	v4 =	vadd.f32 v6, v4;
	v6 =	vld [tilespmem:$0x5170]  }
0x676: {  	v1 =	vadd.f32 v58, v1;
	v5 =	vadd.f32 v9, v5;
	v9 =	vld [tilespmem:$0x5260]  }
0x677: {  	v4 =	vadd.f32 v10, v4;
	v10 =	vld [tilespmem:$0x5270]  }
0x678: {  	v1 =	vadd.f32 v56, v1;
	v3 =	vadd.f32 v17, v3;
	v17 =	vld [tilespmem:$0x1FBF0]  }
0x679: {  	v5 =	vadd.f32 v7, v5;
	v7 =	vld [tilespmem:$0x5360]  }
0x67a: {  	v1 =	vadd.f32 v47, v1;
	v4 =	vadd.f32 v8, v4;
	v8 =	vld [tilespmem:$0x5370]  }
0x67b: {  	v5 =	vadd.f32 v6, v5;
	v6 =	vld [tilespmem:$0x5460]  }
0x67c: {  	v1 =	vadd.f32 v27, v1;
	v4 =	vadd.f32 v9, v4;
	v9 =	vld [tilespmem:$0x5470]  }
0x67d: {  	v3 =	vadd.f32 v17, v3;
	v17 =	vld [tilespmem:$0x1FC00]  }
0x67e: {  	v1 =	vadd.f32 v26, v1;
	v5 =	vadd.f32 v10, v5;
	v10 =	vld [tilespmem:$0x5560]  }
0x67f: {  	v4 =	vadd.f32 v7, v4;
	v7 =	vld [tilespmem:$0x5570]  }
0x680: {  	v1 =	vadd.f32 v59, v1;
	v5 =	vadd.f32 v8, v5;
	v8 =	vld [tilespmem:$0x5660]  }
0x681: {  	v4 =	vadd.f32 v6, v4;
	v6 =	vld [tilespmem:$0x5670]  }
0x682: {  	v1 =	vadd.f32 v29, v1;
	v3 =	vadd.f32 v17, v3;
	v17 =	vld [tilespmem:$0x1FC10]  }
0x683: {  	v5 =	vadd.f32 v9, v5;
	v9 =	vld [tilespmem:$0x5760]  }
0x684: {  	v1 =	vadd.f32 v34, v1;
	v4 =	vadd.f32 v10, v4;
	v10 =	vld [tilespmem:$0x5770]  }
0x685: {  	v5 =	vadd.f32 v7, v5;
	v7 =	vld [tilespmem:$0x5860]  }
0x686: {  	v1 =	vadd.f32 v31, v1;
	v4 =	vadd.f32 v8, v4;
	v8 =	vld [tilespmem:$0x5870]  }
0x687: {  	v3 =	vadd.f32 v17, v3;
	v17 =	vld [tilespmem:$0x1FC20]  }
0x688: {  	v1 =	vadd.f32 v32, v1;
	v5 =	vadd.f32 v6, v5;
	v6 =	vld [tilespmem:$0x5960]  }
0x689: {  	v4 =	vadd.f32 v9, v4;
	v9 =	vld [tilespmem:$0x5970]  }
0x68a: {  	v1 =	vadd.f32 v35, v1;
	v5 =	vadd.f32 v10, v5;
	v10 =	vld [tilespmem:$0x5A60]  }
0x68b: {  	v4 =	vadd.f32 v7, v4;
	v7 =	vld [tilespmem:$0x5A70]  }
0x68c: {  	v1 =	vadd.f32 v36, v1;
	v3 =	vadd.f32 v17, v3;
	v17 =	vld [tilespmem:$0x1FC30]  }
0x68d: {  	v5 =	vadd.f32 v8, v5;
	v8 =	vld [tilespmem:$0x5B60]  }
0x68e: {  	v1 =	vadd.f32 v48, v1;
	v4 =	vadd.f32 v6, v4;
	v6 =	vld [tilespmem:$0x5B70]  }
0x68f: {  	v5 =	vadd.f32 v9, v5;
	v9 =	vld [tilespmem:$0x5C60]  }
0x690: {  	v1 =	vadd.f32 v41, v1;
	v4 =	vadd.f32 v10, v4;
	v10 =	vld [tilespmem:$0x5C70]  }
0x691: {  	v3 =	vadd.f32 v17, v3;
	v17 =	vld [tilespmem:$0x1FC40]  }
0x692: {  	v1 =	vadd.f32 v52, v1;
	v5 =	vadd.f32 v7, v5;
	v7 =	vld [tilespmem:$0x5D60]  }
0x693: {  	v4 =	vadd.f32 v8, v4;
	v8 =	vld [tilespmem:$0x5D70]  }
0x694: {  	v1 =	vadd.f32 v44, v1;
	v5 =	vadd.f32 v6, v5;
	v6 =	vld [tilespmem:$0x5E60]  }
0x695: {  	v4 =	vadd.f32 v9, v4;
	v9 =	vld [tilespmem:$0x5E70]  }
0x696: {  	v1 =	vadd.f32 v37, v1;
	v3 =	vadd.f32 v17, v3;
	v17 =	vld [tilespmem:$0x1FC50]  }
0x697: {  	v5 =	vadd.f32 v10, v5;
	v10 =	vld [tilespmem:$0x5F60]  }
0x698: {  	v1 =	vadd.f32 v38, v1;
	v4 =	vadd.f32 v7, v4;
	v7 =	vld [tilespmem:$0x5F70]  }
0x699: {  	v5 =	vadd.f32 v8, v5  }
0x69a: {  	v1 =	vadd.f32 v39, v1;
	v8 =	vld [tilespmem:$0x6060];
	v4 =	vadd.f32 v6, v4  }
0x69b: {  	v5 =	vadd.f32 v9, v5;
	v3 =	vadd.f32 v17, v3;
	v17 =	vld [tilespmem:$0x1FC60]  }
0x69c: {  	v1 =	vadd.f32 v2, v1  }
0x69d: {  	v4 =	vadd.f32 v10, v4;
	v2 =	vadd.f32 v7, v5;
	v7 =	vld [tilespmem:$0x1FC70];
	_ =	sdelay $0x1  }
0x69e: {  	v4 =	vadd.f32 v8, v4;
	v8 =	vld [tilespmem:$0x1FC80]  }
0x69f: {  	v3 =	vadd.f32 v17, v3  }
0x6a0: {  	v17 =	vld [tilespmem:$0x1FC90]  }
0x6a1: {  	v3 =	vadd.f32 v7, v3;
	_ =	sdelay $0x1  }
0x6a2: {  	v3 =	vadd.f32 v8, v3;
	_ =	sdelay $0x1  }
0x6a3: {  	v3 =	vadd.f32 v17, v3;
	v17 =	vld [tilespmem:$0x1FCA0];
	_ =	sdelay $0x4  }
0x6a4: {  	v3 =	vadd.f32 v17, v3;
	v17 =	vld [tilespmem:$0x1FCB0];
	_ =	sdelay $0x4  }
0x6a5: {  	v3 =	vadd.f32 v17, v3;
	v17 =	vld [tilespmem:$0x1FCC0];
	_ =	sdelay $0x4  }
0x6a6: {  	v3 =	vadd.f32 v17, v3;
	v17 =	vld [tilespmem:$0x1FCD0];
	_ =	sdelay $0x4  }
0x6a7: {  	v3 =	vadd.f32 v17, v3;
	v17 =	vld [tilespmem:$0x1FCE0];
	_ =	sdelay $0x4  }
0x6a8: {  	v3 =	vadd.f32 v17, v3;
	v17 =	vld [tilespmem:$0x1FCF0];
	_ =	sdelay $0x3  }
0x6a9: {  	v40 =	vld [tilespmem:$0x6150]  }
0x6aa: {  	v3 =	vadd.f32 v17, v3;
	v17 =	vld [tilespmem:$0x1FD00]  }
0x6ab: {  	v46 =	vld [tilespmem:$0x6250];
	_ =	sdelay $0x1  }
0x6ac: {  	v57 =	vld [tilespmem:$0x6350]  }
0x6ad: {  	v51 =	vld [tilespmem:$0x6450];
	v1 =	vadd.f32 v40, v1  }
0x6ae: {  	v3 =	vadd.f32 v17, v3;
	v17 =	vld [tilespmem:$0x1FD10]  }
0x6af: {  	v1 =	vadd.f32 v46, v1  }
0x6b0: {  	v49 =	vld [tilespmem:$0x6550]  }
0x6b1: {  	v1 =	vadd.f32 v57, v1  }
0x6b2: {  	v42 =	vld [tilespmem:$0x6650]  }
0x6b3: {  	v1 =	vadd.f32 v51, v1;
	v3 =	vadd.f32 v17, v3;
	v17 =	vld [tilespmem:$0x1FD20]  }
0x6b4: {  	v43 =	vld [tilespmem:$0x6750]  }
0x6b5: {  	v1 =	vadd.f32 v49, v1  }
0x6b6: {  	v45 =	vld [tilespmem:$0x6850]  }
0x6b7: {  	v53 =	vld [tilespmem:$0x6950];
	v1 =	vadd.f32 v42, v1  }
0x6b8: {  	v3 =	vadd.f32 v17, v3;
	v17 =	vld [tilespmem:$0x1FD30]  }
0x6b9: {  	v1 =	vadd.f32 v43, v1  }
0x6ba: {  	v55 =	vld [tilespmem:$0x6A50]  }
0x6bb: {  	v1 =	vadd.f32 v45, v1  }
0x6bc: {  	v54 =	vld [tilespmem:$0x6B50]  }
0x6bd: {  	v1 =	vadd.f32 v53, v1;
	v3 =	vadd.f32 v17, v3;
	v17 =	vld [tilespmem:$0x1FD40]  }
0x6be: {  	v61 =	vld [tilespmem:$0x6C50]  }
0x6bf: {  	v1 =	vadd.f32 v55, v1  }
0x6c0: {  	v63 =	vld [tilespmem:$0x6D50]  }
0x6c1: {  	v1 =	vadd.f32 v54, v1  }
0x6c2: {  	v3 =	vadd.f32 v17, v3;
	v17 =	vld [tilespmem:$0x1FD50]  }
0x6c3: {  	v1 =	vadd.f32 v61, v1;
	_ =	sdelay $0x1  }
0x6c4: {  	v1 =	vadd.f32 v63, v1;
	_ =	sdelay $0x1  }
0x6c5: {  	v1 =	vadd.f32 v17, v1;
	v17 =	vld [tilespmem:$0x1FD60];
	_ =	sdelay $0x4  }
0x6c6: {  	v3 =	vadd.f32 v17, v3;
	v17 =	vld [tilespmem:$0x1FD70];
	_ =	sdelay $0x4  }
0x6c7: {  	v1 =	vadd.f32 v17, v1;
	v17 =	vld [tilespmem:$0x1FD80];
	_ =	sdelay $0x4  }
0x6c8: {  	v3 =	vadd.f32 v17, v3;
	v17 =	vld [tilespmem:$0x1FD90];
	_ =	sdelay $0x4  }
0x6c9: {  	v1 =	vadd.f32 v17, v1;
	v17 =	vld [tilespmem:$0x1FDA0];
	_ =	sdelay $0x4  }
0x6ca: {  	v3 =	vadd.f32 v17, v3;
	v17 =	vld [tilespmem:$0x1FDB0];
	_ =	sdelay $0x4  }
0x6cb: {  	v1 =	vadd.f32 v17, v1;
	v17 =	vld [tilespmem:$0x1FDC0];
	_ =	sdelay $0x4  }
0x6cc: {  	v3 =	vadd.f32 v17, v3;
	v17 =	vld [tilespmem:$0x1FDD0];
	_ =	sdelay $0x4  }
0x6cd: {  	v1 =	vadd.f32 v17, v1;
	v17 =	vld [tilespmem:$0x1FDE0];
	_ =	sdelay $0x4  }
0x6ce: {  	v3 =	vadd.f32 v17, v3;
	v17 =	vld [tilespmem:$0x1FDF0];
	_ =	sdelay $0x4  }
0x6cf: {  	v1 =	vadd.f32 v17, v1;
	v17 =	vld [tilespmem:$0x1FE00];
	_ =	sdelay $0x4  }
0x6d0: {  	v3 =	vadd.f32 v17, v3;
	v17 =	vld [tilespmem:$0x1FE10];
	_ =	sdelay $0x4  }
0x6d1: {  	v1 =	vadd.f32 v17, v1;
	v17 =	vld [tilespmem:$0x1FE20];
	_ =	sdelay $0x4  }
0x6d2: {  	v3 =	vadd.f32 v17, v3;
	v17 =	vld [tilespmem:$0x1FE30];
	_ =	sdelay $0x4  }
0x6d3: {  	v1 =	vadd.f32 v17, v1;
	v17 =	vld [tilespmem:$0x1FE40];
	_ =	sdelay $0x4  }
0x6d4: {  	v3 =	vadd.f32 v17, v3;
	v17 =	vld [tilespmem:$0x1FE50];
	_ =	sdelay $0x4  }
0x6d5: {  	v1 =	vadd.f32 v17, v1;
	v17 =	vld [tilespmem:$0x1FE60];
	_ =	sdelay $0x4  }
0x6d6: {  	v3 =	vadd.f32 v17, v3;
	v17 =	vld [tilespmem:$0x1FE70];
	_ =	sdelay $0x2  }
0x6d7: {  	v25 =	vld [tilespmem:$0x7D40]  }
0x6d8: {  	v6 =	vld [tilespmem:$0x6070]  }
0x6d9: {  	v1 =	vadd.f32 v17, v1;
	v17 =	vld [tilespmem:$0x1FE80]  }
0x6da: {  	v9 =	vld [tilespmem:$0x6160]  }
0x6db: {  	v10 =	vld [tilespmem:$0x6170]  }
0x6dc: {  	v5 =	vld [tilespmem:$0x6260]  }
0x6dd: {  	v2 =	vadd.f32 v6, v2;
	v6 =	vld [tilespmem:$0x6360]  }
0x6de: {  	v3 =	vadd.f32 v17, v3;
	v17 =	vld [tilespmem:$0x1FE90]  }
0x6df: {  	v4 =	vadd.f32 v9, v4;
	v9 =	vld [tilespmem:$0x6460]  }
0x6e0: {  	v7 =	vld [tilespmem:$0x6270]  }
0x6e1: {  	v4 =	vadd.f32 v5, v4;
	v5 =	vld [tilespmem:$0x6470]  }
0x6e2: {  	v8 =	vld [tilespmem:$0x6370]  }
0x6e3: {  	v2 =	vadd.f32 v10, v2;
	v1 =	vadd.f32 v17, v1;
	v17 =	vld [tilespmem:$0x1FEA0]  }
0x6e4: {  	v4 =	vadd.f32 v6, v4;
	v6 =	vld [tilespmem:$0x6570]  }
0x6e5: {  	v2 =	vadd.f32 v7, v2;
	v7 =	vld [tilespmem:$0x6560]  }
0x6e6: {  	v4 =	vadd.f32 v9, v4;
	v9 =	vld [tilespmem:$0x6670]  }
0x6e7: {  	v2 =	vadd.f32 v8, v2;
	v8 =	vld [tilespmem:$0x6660]  }
0x6e8: {  	v3 =	vadd.f32 v17, v3;
	v17 =	vld [tilespmem:$0x1FEB0]  }
0x6e9: {  	v2 =	vadd.f32 v5, v2;
	v5 =	vld [tilespmem:$0x6760]  }
0x6ea: {  	v4 =	vadd.f32 v7, v4;
	v7 =	vld [tilespmem:$0x6770]  }
0x6eb: {  	v2 =	vadd.f32 v6, v2;
	v6 =	vld [tilespmem:$0x6860]  }
0x6ec: {  	v4 =	vadd.f32 v8, v4;
	v8 =	vld [tilespmem:$0x6870]  }
0x6ed: {  	v1 =	vadd.f32 v17, v1;
	v17 =	vld [tilespmem:$0x1FEC0]  }
0x6ee: {  	v2 =	vadd.f32 v9, v2;
	v9 =	vld [tilespmem:$0x6960]  }
0x6ef: {  	v4 =	vadd.f32 v5, v4;
	v5 =	vld [tilespmem:$0x6970]  }
0x6f0: {  	v2 =	vadd.f32 v7, v2;
	v7 =	vld [tilespmem:$0x6A60]  }
0x6f1: {  	v4 =	vadd.f32 v6, v4;
	v6 =	vld [tilespmem:$0x6A70]  }
0x6f2: {  	v3 =	vadd.f32 v17, v3;
	v17 =	vld [tilespmem:$0x1FED0]  }
0x6f3: {  	v2 =	vadd.f32 v8, v2;
	v8 =	vld [tilespmem:$0x6B60]  }
0x6f4: {  	v4 =	vadd.f32 v9, v4;
	v9 =	vld [tilespmem:$0x6B70]  }
0x6f5: {  	v2 =	vadd.f32 v5, v2;
	v5 =	vld [tilespmem:$0x6C60]  }
0x6f6: {  	v4 =	vadd.f32 v7, v4;
	v7 =	vld [tilespmem:$0x6C70]  }
0x6f7: {  	v1 =	vadd.f32 v17, v1;
	v17 =	vld [tilespmem:$0x1FEE0]  }
0x6f8: {  	v2 =	vadd.f32 v6, v2;
	v6 =	vld [tilespmem:$0x6D60]  }
0x6f9: {  	v4 =	vadd.f32 v8, v4;
	v8 =	vld [tilespmem:$0x6D70]  }
0x6fa: {  	v2 =	vadd.f32 v9, v2;
	v9 =	vld [tilespmem:$0x6E60]  }
0x6fb: {  	v4 =	vadd.f32 v5, v4;
	v5 =	vld [tilespmem:$0x6E70]  }
0x6fc: {  	v3 =	vadd.f32 v17, v3;
	v17 =	vld [tilespmem:$0x1FEF0]  }
0x6fd: {  	v2 =	vadd.f32 v7, v2;
	v7 =	vld [tilespmem:$0x6F60]  }
0x6fe: {  	v4 =	vadd.f32 v6, v4;
	v6 =	vld [tilespmem:$0x6F70]  }
0x6ff: {  	v2 =	vadd.f32 v8, v2;
	v8 =	vld [tilespmem:$0x7060]  }
0x700: {  	v4 =	vadd.f32 v9, v4;
	v9 =	vld [tilespmem:$0x7070]  }
0x701: {  	v1 =	vadd.f32 v17, v1;
	v17 =	vld [tilespmem:$0x1FF00]  }
0x702: {  	v2 =	vadd.f32 v5, v2;
	v5 =	vld [tilespmem:$0x7160]  }
0x703: {  	v4 =	vadd.f32 v7, v4;
	v7 =	vld [tilespmem:$0x7170]  }
0x704: {  	v2 =	vadd.f32 v6, v2;
	v6 =	vld [tilespmem:$0x7260]  }
0x705: {  	v4 =	vadd.f32 v8, v4;
	v8 =	vld [tilespmem:$0x7270]  }
0x706: {  	[tilespmem:$0x7E00] =	vst v17;
	v17 =	vld [tilespmem:$0x1FF10]  }
0x707: {  	v2 =	vadd.f32 v9, v2;
	v9 =	vld [tilespmem:$0x7360]  }
0x708: {  	v4 =	vadd.f32 v5, v4;
	v5 =	vld [tilespmem:$0x7370]  }
0x709: {  	v2 =	vadd.f32 v7, v2;
	v7 =	vld [tilespmem:$0x7460]  }
0x70a: {  	v4 =	vadd.f32 v6, v4;
	v6 =	vld [tilespmem:$0x7470]  }
0x70b: {  	v3 =	vadd.f32 v17, v3;
	v17 =	vld [tilespmem:$0x1FF20]  }
0x70c: {  	v2 =	vadd.f32 v8, v2;
	v8 =	vld [tilespmem:$0x7560]  }
0x70d: {  	v4 =	vadd.f32 v9, v4;
	v9 =	vld [tilespmem:$0x7570]  }
0x70e: {  	v2 =	vadd.f32 v5, v2;
	v5 =	vld [tilespmem:$0x7660]  }
0x70f: {  	v4 =	vadd.f32 v7, v4;
	v7 =	vld [tilespmem:$0x7670]  }
0x710: {  	[tilespmem:$0x7E10] =	vst v17;
	v17 =	vld [tilespmem:$0x1FF30]  }
0x711: {  	v2 =	vadd.f32 v6, v2;
	v6 =	vld [tilespmem:$0x7760]  }
0x712: {  	v4 =	vadd.f32 v8, v4;
	v8 =	vld [tilespmem:$0x7770]  }
0x713: {  	v2 =	vadd.f32 v9, v2;
	v9 =	vld [tilespmem:$0x7860]  }
0x714: {  	v4 =	vadd.f32 v5, v4;
	v5 =	vld [tilespmem:$0x7870]  }
0x715: {  	v1 =	vadd.f32 v17, v1;
	v17 =	vld [tilespmem:$0x1FF40]  }
0x716: {  	v2 =	vadd.f32 v7, v2;
	v7 =	vld [tilespmem:$0x7960]  }
0x717: {  	v4 =	vadd.f32 v6, v4;
	v6 =	vld [tilespmem:$0x7970]  }
0x718: {  	v2 =	vadd.f32 v8, v2;
	v8 =	vld [tilespmem:$0x7A60]  }
0x719: {  	v4 =	vadd.f32 v9, v4;
	v9 =	vld [tilespmem:$0x7A70]  }
0x71a: {  	[tilespmem:$0x7E20] =	vst v17;
	v17 =	vld [tilespmem:$0x1FF50]  }
0x71b: {  	v2 =	vadd.f32 v5, v2;
	v5 =	vld [tilespmem:$0x7B60]  }
0x71c: {  	v4 =	vadd.f32 v7, v4;
	v7 =	vld [tilespmem:$0x7B70]  }
0x71d: {  	v2 =	vadd.f32 v6, v2;
	v6 =	vld [tilespmem:$0x7C60]  }
0x71e: {  	v4 =	vadd.f32 v8, v4;
	v8 =	vld [tilespmem:$0x7C70]  }
0x71f: {  	[tilespmem:$0x7E30] =	vst v17;
	v17 =	vld [tilespmem:$0x1FF60]  }
0x720: {  	v2 =	vadd.f32 v9, v2;
	v9 =	vld [tilespmem:$0x7D60]  }
0x721: {  	v4 =	vadd.f32 v5, v4;
	v5 =	vld [tilespmem:$0x7D70]  }
0x722: {  	v10 =	vld [tilespmem:$0x1FFF0];
	v2 =	vadd.f32 v7, v2  }
0x723: {  	v7 =	vld [tilespmem:$0x1FFC0];
	v4 =	vadd.f32 v6, v4;
	v3 =	vadd.f32 v25, v3  }
0x724: {  	v6 =	vld [tilespmem:$0x1FFB0];
	v2 =	vadd.f32 v8, v2;
	v1 =	vadd.f32 v17, v1  }
0x725: {  	v8 =	vld [tilespmem:$0x1FFD0];
	[tilespmem:$0x7E40] =	vst v3;
	v3 =	vadd.f32 v9, v4  }
0x726: {  	s18 =	sadd.s32 $0x1, s18;
	v9 =	vld [tilespmem:$0x1FFE0];
	[tilespmem:$0x7E50] =	vst v1;
	v1 =	vadd.f32 v5, v2  }
0x727: {  	p0 =	sne.s32 s18, s9;
	v4 =	vld [tilespmem:$0x1FF90];
	[tilespmem:$0x7E60] =	vst v3  }
.Ltmp2:
0x728: {  	v3 =	vld [tilespmem:$0x1FF80];
	[tilespmem:$0x7E70] =	vst v1;
	(pc) =	sbr.rel @p0 .LBB2_1-.Ltmp2, $4  }
0x729: {  	v5 =	vld [tilespmem:$0x1FFA0];
	[hbm4b:s8+s2] =	stream.linear.scatter [tilespmem:s16], [sflag:$0x2], $0x100, $0x38  }
0x72a: {  	v2 =	vld [tilespmem:$0x1FF70];
	_ =	swait.ge [sflag:s17], $0x100  }
0x72b: {  	[sflag:s17] =	ssyncset.done $0x0  }
0x72c: {  	v1 =	vimm.f32 $0.0e+00;
	[sflag:s17] =	ssyncadd.s32 $0xFFFFFF00  }
0x72d: {  	_ =	sfence.sel $0x180000  }
0x72e: {  	[bflag:$0x0] =	sbarrier.arrive $0xFFFF  }
0x72f: {  	p0 =	sne.s32 s0, $0x0;
	_ =	strace $0x90000047  }
0x730: {  	s0 =	sadd.s32 @!p0 $0x100000, s1;
	[bflag:$0x2] =	sbarrier.arrive $0xFFFF  }
0x731: {  	[sflag:s0] =	ssyncadd.tile.s32 @!p0 $0x1;
	_ =	shalt  }
.Lfunc_end2:
_tile_overlayer_lowered:
.L_overlay_start_2:
0x732: {  	(tag) =	ssettag $0x2  }
0x733: {  	s0 =	rddreg [dreg:$0x0];
	s2 =	stileid.u32  }
0x734: {  	s1 =	rddreg [dreg:$0x1];
	p0 =	sne.s32 s2, $0x0  }
0x735: {  	s3 =	rddreg [dreg:$0x2];
	[bflag:$0x3] =	sbarrier.arrive $0xFFFF;
	s2 =	simm.s32 @!p0 $0x1C02  }
0x736: {  	[timem:s3], [sflag:s2] =	dma.local @!p0 [hbm:s0], s1  }
0x737: {  	s0 =	simm.s32 @!p0 $0x2  }
0x738: {  	_ =	swait.ge @!p0 [sflag:s0], s1  }
0x739: {  	s1 =	ssub.s32 @!p0 $0x0, s1;
	[sflag:s0] =	ssyncset.done @!p0 $0x0  }
0x73a: {  	[sflag:s0] =	ssyncadd.s32 @!p0 s1  }
0x73b: {  	[bflag:$0x3] =	sbarrier.arrive $0xFFFF  }
0x73c: {  	_ =	shalt  }

</sc_bundles>
